<compile_context>
chip_gen: v7x
topology: tpu7x:2x2x1
jax: 0.10.2.dev20260603
libtpu: 0.0.44.dev20260713+nightly
codegen_flags: <defaults>
</compile_context>

<pallas_src>
import functools

import jax
import jax.numpy as jnp
from jax import lax
from jax.experimental import pallas as pl
from jax.experimental.pallas import tpu as pltpu
from jax.experimental.pallas import tpu_sc as plsc

_NUM_CLASSES = 1000
_D = 128
_N = 100000

_NC = 2
_NS = 16
_NW = _NC * _NS
_L = 16

_STEP = 128
_C = 3200
_NSTEPS = _C // _STEP
_NBUF = 5
_NGROUP = _NSTEPS // _NBUF
_LAST = _NW - 1
_TAIL = _N - _LAST * _C
_TFULL = _TAIL // _STEP
_TREM = _TAIL - _TFULL * _STEP
_NZ = 16


@functools.partial(
    pl.kernel,
    out_type=jax.ShapeDtypeStruct((_N, _D), jnp.float32),
    mesh=plsc.VectorSubcoreMesh(core_axis_name="c", subcore_axis_name="s"),
    scratch_types=[
        pltpu.VMEM((_C,), jnp.int32),
        pltpu.VMEM((_C,), jnp.int32),
        pltpu.VMEM((_C,), jnp.int32),
        pltpu.VMEM((_NBUF, _STEP, _D), jnp.float32),
        pltpu.VMEM_SHARED((_NUM_CLASSES + _NZ, _D), jnp.float32),
        pltpu.SemaphoreType.DMA((_NBUF,)),
        pltpu.SemaphoreType.DMA((_NBUF,)),
        pltpu.SemaphoreType.DMA,
    ],
)
def _masked_gather(y_hbm, m_hbm, tab_hbm, out_hbm, y_v, m_v, idx_v, rows_v,
                   tab_sp, sem_g, sem_s, sem_t):
    wid = lax.axis_index("s") * _NC + lax.axis_index("c")
    base = wid * _C

    @pl.when(lax.axis_index("s") == 0)
    def _():
        pltpu.async_copy(tab_hbm, tab_sp.at[pl.ds(0, _NUM_CLASSES)], sem_t)

    @pl.when(wid < _LAST)
    def _():
        pltpu.sync_copy(y_hbm.at[pl.ds(base, _C)], y_v)
        pltpu.sync_copy(m_hbm.at[pl.ds(base, _C)], m_v)

    @pl.when(wid == _LAST)
    def _():
        pltpu.sync_copy(y_hbm.at[pl.ds(base, _TAIL)], y_v.at[pl.ds(0, _TAIL)])
        pltpu.sync_copy(m_hbm.at[pl.ds(base, _TAIL)], m_v.at[pl.ds(0, _TAIL)])

    zrow = _NUM_CLASSES + lax.iota(jnp.int32, _L)

    def sel(i, carry):
        yv = y_v[pl.ds(i * _L, _L)]
        mv = m_v[pl.ds(i * _L, _L)]
        idx_v[pl.ds(i * _L, _L)] = jnp.where(mv != 0, yv, zrow)
        return carry

    _PRE = _NBUF * _STEP // _L
    npre = jnp.where(wid < _LAST, _PRE, _TAIL // _L)
    lax.fori_loop(0, npre, sel, 0)

    @pl.when(lax.axis_index("s") == 0)
    def _():
        for r in range(_NZ):
            for j in range(_D // _L):
                rows_v[0, r, pl.ds(j * _L, _L)] = jnp.zeros((_L,), jnp.float32)
        pltpu.sync_copy(rows_v.at[0, pl.ds(0, _NZ)],
                        tab_sp.at[pl.ds(_NUM_CLASSES, _NZ)])
        pltpu.make_async_copy(tab_hbm, tab_sp.at[pl.ds(0, _NUM_CLASSES)],
                              sem_t).wait()

    plsc.subcore_barrier()

    def start_gather(s, b):
        pltpu.async_copy(
            tab_sp.at[idx_v.at[pl.ds(s * _STEP, _STEP)]], rows_v.at[b],
            sem_g.at[b])

    def wait_gather(b):
        pltpu.make_async_copy(
            tab_sp.at[pl.ds(0, _STEP)], rows_v.at[b], sem_g.at[b]).wait()

    def start_scatter(s, b):
        pltpu.async_copy(
            rows_v.at[b], out_hbm.at[pl.ds(base + s * _STEP, _STEP)],
            sem_s.at[b])

    def wait_scatter(b):
        pltpu.make_async_copy(
            rows_v.at[b], out_hbm.at[pl.ds(base, _STEP)], sem_s.at[b]).wait()

    @pl.when(wid < _LAST)
    def _():
        for b in range(_NBUF):
            start_gather(b, b)
        lax.fori_loop(_PRE, _C // _L, sel, 0)
        for s in range(2):
            wait_gather(s)
            start_scatter(s, s)

        def round_(r, carry):
            for b in range(_NBUF):
                s = r * _NBUF + b + 2
                wait_scatter(b)
                start_gather(s + _NBUF - 2, b)
                wait_gather((b + 2) % _NBUF)
                start_scatter(s, (b + 2) % _NBUF)
            return carry

        lax.fori_loop(0, (_NSTEPS - _NBUF) // _NBUF, round_, 0)

        for s in range(_NSTEPS - 3, _NSTEPS):
            wait_gather(s % _NBUF)
            start_scatter(s, s % _NBUF)
        for b in range(_NBUF):
            wait_scatter(b)

    @pl.when(wid == _LAST)
    def _():
        for s in range(_TFULL):
            b = s % _NBUF
            start_gather(s, b)
            wait_gather(b)
            start_scatter(s, b)
            wait_scatter(b)
        pltpu.async_copy(
            tab_sp.at[idx_v.at[pl.ds(_TFULL * _STEP, _TREM)]],
            rows_v.at[0, pl.ds(0, _TREM)], sem_g.at[0])
        pltpu.make_async_copy(
            tab_sp.at[pl.ds(0, _TREM)], rows_v.at[0, pl.ds(0, _TREM)],
            sem_g.at[0]).wait()
        pltpu.async_copy(
            rows_v.at[0, pl.ds(0, _TREM)],
            out_hbm.at[pl.ds(base + _TFULL * _STEP, _TREM)], sem_s.at[0])
        pltpu.make_async_copy(
            rows_v.at[0, pl.ds(0, _TREM)],
            out_hbm.at[pl.ds(base, _TREM)], sem_s.at[0]).wait()


def kernel(y, mask, emb_weight):
    return _masked_gather(y, mask.astype(jnp.int32), emb_weight)

# --- scband reference (transcript-rebuilt; emitter-appended) ---
"""Pipeline reference for scband-mask-label-33981781246132 (READ-ONLY COPY).

The authoritative reference and input builder live on the scoring server;
editing this copy changes nothing except your own understanding.
"""

import jax, jax.numpy as jnp
import numpy as np

NUM_CLASSES = 1000
OUT_CHANNELS = 128
N = 100000


def setup_inputs(seed: int = 0) -> dict:
    key = jax.random.key(seed)
    y = jax.random.randint(jax.random.fold_in(key, 0), (N,), 0, NUM_CLASSES, dtype=jnp.int64 if jax.config.jax_enable_x64 else jnp.int32).astype(jnp.int32)
    mask = jax.random.randint(jax.random.fold_in(key, 1), (N,), 0, 2).astype(bool)
    emb_weight = jax.random.normal(jax.random.fold_in(key, 2), (NUM_CLASSES, OUT_CHANNELS), dtype=jnp.float32)
    return {"y": y, "mask": mask, "emb_weight": emb_weight}


def reference(y, mask, emb_weight):
    # out = zeros(N, out_channels); out[mask] = emb(y[mask])
    # Equivalent dense form: gather rows for all y, zero out where mask is False.
    gathered = jnp.take(emb_weight, y, axis=0)  # [N, out_channels]
    out = jnp.where(mask[:, None], gathered, jnp.zeros_like(gathered))
    return out

if __name__ == "__main__":
    import jax
    _d = setup_inputs()
    print(jax.jit(kernel)(*tuple(_d.values())))

</pallas_src>

<mosaic_0001>
#map = affine_map<(d0, d1) -> (0)>
#map1 = affine_map<(d0, d1) -> (0, 0)>
module attributes {stable_mosaic.version = 14 : i64} {
  func.func @_masked_gather(%arg0: i32, %arg1: i32, %arg2: memref<100000xi32, #tpu.memory_space<hbm>>, %arg3: memref<100000xi32, #tpu.memory_space<hbm>>, %arg4: memref<1000x128xf32, #tpu.memory_space<hbm>>, %arg5: memref<100000x128xf32, #tpu.memory_space<hbm>>, %arg6: memref<3200xi32, #tpu.memory_space<vmem>>, %arg7: memref<3200xi32, #tpu.memory_space<vmem>>, %arg8: memref<3200xi32, #tpu.memory_space<vmem>>, %arg9: memref<5x128x128xf32, #tpu.memory_space<vmem>>, %arg10: memref<1016x128xf32, #tpu.memory_space<vmem_shared>>, %arg11: memref<5x!tpu.dma_semaphore, #tpu.memory_space<semaphore_mem>>, %arg12: memref<5x!tpu.dma_semaphore, #tpu.memory_space<semaphore_mem>>, %arg13: memref<!tpu.dma_semaphore, #tpu.memory_space<semaphore_mem>>) attributes {dimension_semantics = [#tpu.dimension_semantics<core_parallel>, #tpu.dimension_semantics<subcore_parallel>], iteration_bounds = array<i64: 2, 16>, scalar_prefetch = 0 : i64, scratch_operands = 8 : i64, tpu.core_type = #tpu.core_type<sc_vector_subcore>, window_params = [{transform_indices = #map}, {transform_indices = #map}, {transform_indices = #map1}, {transform_indices = #map1}]} {
    %mul3A = arith.constant 2 : i32
    %mul3A_0 = arith.muli %arg1, %mul3A : i32
    %add3A = arith.addi %mul3A_0, %arg0 : i32
    %mul3A_1 = arith.constant 3200 : i32
    %mul3A_2 = arith.muli %add3A, %mul3A_1 : i32
    %eq3A = arith.constant 0 : i32
    %eq3A_3 = arith.cmpi eq, %arg1, %eq3A : i32
    %convert_element_type3A = arith.extui %eq3A_3 : i1 to i32
    %cond3A = arith.constant 0 : i32
    %cond3A_4 = arith.cmpi ne, %convert_element_type3A, %cond3A : i32
    scf.if %cond3A_4 {
      %dma_start3A = arith.constant 0 : i32
      %dma_start3A_44 = arith.constant 0 : i32
      %dma_start3A_45 = tpu.memref_slice %arg10[%dma_start3A, %dma_start3A_44] : memref<1016x128xf32, #tpu.memory_space<vmem_shared>> -> memref<1000x128xf32, #tpu.memory_space<vmem_shared>>
      tpu.enqueue_dma source(%arg4 : memref<1000x128xf32, #tpu.memory_space<hbm>>) target(%dma_start3A_45 : memref<1000x128xf32, #tpu.memory_space<vmem_shared>>) target_semaphore(%arg13 : memref<!tpu.dma_semaphore, #tpu.memory_space<semaphore_mem>>)
    } else {
    }
    %lt3A = arith.constant 31 : i32
    %lt3A_5 = arith.cmpi slt, %add3A, %lt3A : i32
    %convert_element_type3A_6 = arith.extui %lt3A_5 : i1 to i32
    %cond3A_7 = arith.constant 0 : i32
    %cond3A_8 = arith.cmpi ne, %convert_element_type3A_6, %cond3A_7 : i32
    scf.if %cond3A_8 {
      "tpu.region"() ({
        %run_scoped3A = tpu.sem_alloc : memref<!tpu.dma_semaphore, #tpu.memory_space<semaphore_mem>>
        %dma_start3A = tpu.memref_slice %arg2[%mul3A_2] : memref<100000xi32, #tpu.memory_space<hbm>> -> memref<3200xi32, #tpu.memory_space<hbm>>
        %dma_start3A_44 = tpu.memref_slice %arg2[%mul3A_2] : memref<100000xi32, #tpu.memory_space<hbm>> -> memref<3200xi32, #tpu.memory_space<hbm>>
        tpu.enqueue_dma source(%dma_start3A_44 : memref<3200xi32, #tpu.memory_space<hbm>>) target(%arg6 : memref<3200xi32, #tpu.memory_space<vmem>>) target_semaphore(%run_scoped3A : memref<!tpu.dma_semaphore, #tpu.memory_space<semaphore_mem>>)
        %dma_wait3A = tpu.memref_slice %arg2[%mul3A_2] : memref<100000xi32, #tpu.memory_space<hbm>> -> memref<3200xi32, #tpu.memory_space<hbm>>
        %dma_wait3A_45 = tpu.memref_slice %arg2[%mul3A_2] : memref<100000xi32, #tpu.memory_space<hbm>> -> memref<3200xi32, #tpu.memory_space<hbm>>
        tpu.wait_dma2 semaphore(%run_scoped3A : memref<!tpu.dma_semaphore, #tpu.memory_space<semaphore_mem>>) src(%dma_wait3A_45 : memref<3200xi32, #tpu.memory_space<hbm>>) dst(%arg6 : memref<3200xi32, #tpu.memory_space<vmem>>)
        tpu.yield
      }) : () -> ()
      "tpu.region"() ({
        %run_scoped3A = tpu.sem_alloc : memref<!tpu.dma_semaphore, #tpu.memory_space<semaphore_mem>>
        %dma_start3A = tpu.memref_slice %arg3[%mul3A_2] : memref<100000xi32, #tpu.memory_space<hbm>> -> memref<3200xi32, #tpu.memory_space<hbm>>
        %dma_start3A_44 = tpu.memref_slice %arg3[%mul3A_2] : memref<100000xi32, #tpu.memory_space<hbm>> -> memref<3200xi32, #tpu.memory_space<hbm>>
        tpu.enqueue_dma source(%dma_start3A_44 : memref<3200xi32, #tpu.memory_space<hbm>>) target(%arg7 : memref<3200xi32, #tpu.memory_space<vmem>>) target_semaphore(%run_scoped3A : memref<!tpu.dma_semaphore, #tpu.memory_space<semaphore_mem>>)
        %dma_wait3A = tpu.memref_slice %arg3[%mul3A_2] : memref<100000xi32, #tpu.memory_space<hbm>> -> memref<3200xi32, #tpu.memory_space<hbm>>
        %dma_wait3A_45 = tpu.memref_slice %arg3[%mul3A_2] : memref<100000xi32, #tpu.memory_space<hbm>> -> memref<3200xi32, #tpu.memory_space<hbm>>
        tpu.wait_dma2 semaphore(%run_scoped3A : memref<!tpu.dma_semaphore, #tpu.memory_space<semaphore_mem>>) src(%dma_wait3A_45 : memref<3200xi32, #tpu.memory_space<hbm>>) dst(%arg7 : memref<3200xi32, #tpu.memory_space<vmem>>)
        tpu.yield
      }) : () -> ()
    } else {
    }
    %eq3A_9 = arith.constant 31 : i32
    %eq3A_10 = arith.cmpi eq, %add3A, %eq3A_9 : i32
    %convert_element_type3A_11 = arith.extui %eq3A_10 : i1 to i32
    %cond3A_12 = arith.constant 0 : i32
    %cond3A_13 = arith.cmpi ne, %convert_element_type3A_11, %cond3A_12 : i32
    scf.if %cond3A_13 {
      "tpu.region"() ({
        %run_scoped3A = tpu.sem_alloc : memref<!tpu.dma_semaphore, #tpu.memory_space<semaphore_mem>>
        %dma_start3A = arith.constant 0 : i32
        %dma_start3A_44 = tpu.memref_slice %arg6[%dma_start3A] : memref<3200xi32, #tpu.memory_space<vmem>> -> memref<800xi32, #tpu.memory_space<vmem>>
        %dma_start3A_45 = tpu.memref_slice %arg2[%mul3A_2] : memref<100000xi32, #tpu.memory_space<hbm>> -> memref<800xi32, #tpu.memory_space<hbm>>
        %dma_start3A_46 = arith.constant 0 : i32
        %dma_start3A_47 = tpu.memref_slice %arg6[%dma_start3A_46] : memref<3200xi32, #tpu.memory_space<vmem>> -> memref<800xi32, #tpu.memory_space<vmem>>
        %dma_start3A_48 = tpu.memref_slice %arg2[%mul3A_2] : memref<100000xi32, #tpu.memory_space<hbm>> -> memref<800xi32, #tpu.memory_space<hbm>>
        tpu.enqueue_dma source(%dma_start3A_48 : memref<800xi32, #tpu.memory_space<hbm>>) target(%dma_start3A_47 : memref<800xi32, #tpu.memory_space<vmem>>) target_semaphore(%run_scoped3A : memref<!tpu.dma_semaphore, #tpu.memory_space<semaphore_mem>>)
        %dma_wait3A = arith.constant 0 : i32
        %dma_wait3A_49 = tpu.memref_slice %arg6[%dma_wait3A] : memref<3200xi32, #tpu.memory_space<vmem>> -> memref<800xi32, #tpu.memory_space<vmem>>
        %dma_wait3A_50 = tpu.memref_slice %arg2[%mul3A_2] : memref<100000xi32, #tpu.memory_space<hbm>> -> memref<800xi32, #tpu.memory_space<hbm>>
        %dma_wait3A_51 = arith.constant 0 : i32
        %dma_wait3A_52 = tpu.memref_slice %arg6[%dma_wait3A_51] : memref<3200xi32, #tpu.memory_space<vmem>> -> memref<800xi32, #tpu.memory_space<vmem>>
        %dma_wait3A_53 = tpu.memref_slice %arg2[%mul3A_2] : memref<100000xi32, #tpu.memory_space<hbm>> -> memref<800xi32, #tpu.memory_space<hbm>>
        tpu.wait_dma2 semaphore(%run_scoped3A : memref<!tpu.dma_semaphore, #tpu.memory_space<semaphore_mem>>) src(%dma_wait3A_53 : memref<800xi32, #tpu.memory_space<hbm>>) dst(%dma_wait3A_52 : memref<800xi32, #tpu.memory_space<vmem>>)
        tpu.yield
      }) : () -> ()
      "tpu.region"() ({
        %run_scoped3A = tpu.sem_alloc : memref<!tpu.dma_semaphore, #tpu.memory_space<semaphore_mem>>
        %dma_start3A = arith.constant 0 : i32
        %dma_start3A_44 = tpu.memref_slice %arg7[%dma_start3A] : memref<3200xi32, #tpu.memory_space<vmem>> -> memref<800xi32, #tpu.memory_space<vmem>>
        %dma_start3A_45 = tpu.memref_slice %arg3[%mul3A_2] : memref<100000xi32, #tpu.memory_space<hbm>> -> memref<800xi32, #tpu.memory_space<hbm>>
        %dma_start3A_46 = arith.constant 0 : i32
        %dma_start3A_47 = tpu.memref_slice %arg7[%dma_start3A_46] : memref<3200xi32, #tpu.memory_space<vmem>> -> memref<800xi32, #tpu.memory_space<vmem>>
        %dma_start3A_48 = tpu.memref_slice %arg3[%mul3A_2] : memref<100000xi32, #tpu.memory_space<hbm>> -> memref<800xi32, #tpu.memory_space<hbm>>
        tpu.enqueue_dma source(%dma_start3A_48 : memref<800xi32, #tpu.memory_space<hbm>>) target(%dma_start3A_47 : memref<800xi32, #tpu.memory_space<vmem>>) target_semaphore(%run_scoped3A : memref<!tpu.dma_semaphore, #tpu.memory_space<semaphore_mem>>)
        %dma_wait3A = arith.constant 0 : i32
        %dma_wait3A_49 = tpu.memref_slice %arg7[%dma_wait3A] : memref<3200xi32, #tpu.memory_space<vmem>> -> memref<800xi32, #tpu.memory_space<vmem>>
        %dma_wait3A_50 = tpu.memref_slice %arg3[%mul3A_2] : memref<100000xi32, #tpu.memory_space<hbm>> -> memref<800xi32, #tpu.memory_space<hbm>>
        %dma_wait3A_51 = arith.constant 0 : i32
        %dma_wait3A_52 = tpu.memref_slice %arg7[%dma_wait3A_51] : memref<3200xi32, #tpu.memory_space<vmem>> -> memref<800xi32, #tpu.memory_space<vmem>>
        %dma_wait3A_53 = tpu.memref_slice %arg3[%mul3A_2] : memref<100000xi32, #tpu.memory_space<hbm>> -> memref<800xi32, #tpu.memory_space<hbm>>
        tpu.wait_dma2 semaphore(%run_scoped3A : memref<!tpu.dma_semaphore, #tpu.memory_space<semaphore_mem>>) src(%dma_wait3A_53 : memref<800xi32, #tpu.memory_space<hbm>>) dst(%dma_wait3A_52 : memref<800xi32, #tpu.memory_space<vmem>>)
        tpu.yield
      }) : () -> ()
    } else {
    }
    %iota3A = tpu.iota {dimensions = array<i32: 0>} : vector<16xi32>
    %add3A_14 = arith.constant 1000 : i32
    %add3A_15 = vector.broadcast %add3A_14 : i32 to vector<16xi32>
    %add3A_16 = arith.addi %add3A_15, %iota3A : vector<16xi32>
    %lt3A_17 = arith.constant 31 : i32
    %lt3A_18 = arith.cmpi slt, %add3A, %lt3A_17 : i32
    %jit3A = arith.constant 40 : i32
    %jit3A_19 = arith.constant 50 : i32
    %select_n3A = arith.select %lt3A_18, %jit3A, %jit3A_19 : i32
    %while3A = arith.constant 0 : i32
    %while3A_20 = arith.constant 0 : i32
    %while3A_21 = arith.subi %select_n3A, %while3A_20 : i32
    %while3A_22 = arith.addi %while3A_20, %while3A_21 : i32
    %while3A_23 = arith.constant 1 : i32
    %while3A_24 = arith.divsi %while3A_21, %while3A_23 : i32
    %while3A_25 = arith.muli %while3A_24, %while3A_23 : i32
    %while3A_26 = arith.addi %while3A_20, %while3A_25 : i32
    %while3A_27 = arith.constant 1 : i32
    scf.for %while3A_44 = %while3A_20 to %while3A_26 step %while3A_27  : i32 {
      %mul3A_45 = arith.constant 16 : i32
      %mul3A_46 = arith.muli %while3A_44, %mul3A_45 : i32
      %get3A = arith.index_cast %mul3A_46 : i32 to index
      %get3A_47 = tpu.vector_load %arg6[%get3A] {strides = array<i32>} : memref<3200xi32, #tpu.memory_space<vmem>>, vector<16xi32>,
      %get3A_48 = vector.shape_cast %get3A_47 : vector<16xi32> to vector<16xi32>
      %mul3A_49 = arith.constant 16 : i32
      %mul3A_50 = arith.muli %while3A_44, %mul3A_49 : i32
      %get3A_51 = arith.index_cast %mul3A_50 : i32 to index
      %get3A_52 = tpu.vector_load %arg7[%get3A_51] {strides = array<i32>} : memref<3200xi32, #tpu.memory_space<vmem>>, vector<16xi32>,
      %get3A_53 = vector.shape_cast %get3A_52 : vector<16xi32> to vector<16xi32>
      %ne3A = arith.constant 0 : i32
      %ne3A_54 = vector.broadcast %ne3A : i32 to vector<16xi32>
      %ne3A_55 = arith.cmpi ne, %get3A_53, %ne3A_54 : vector<16xi32>
      %select_n3A_56 = arith.select %ne3A_55, %get3A_48, %add3A_16 : vector<16xi1>, vector<16xi32>
      %mul3A_57 = arith.constant 16 : i32
      %mul3A_58 = arith.muli %while3A_44, %mul3A_57 : i32
      %swap3A = arith.index_cast %mul3A_58 : i32 to index
      %swap3A_59 = tpu.vector_load %arg8[%swap3A] {strides = array<i32>} : memref<3200xi32, #tpu.memory_space<vmem>>, vector<16xi32>,
      %swap3A_60 = vector.shape_cast %swap3A_59 : vector<16xi32> to vector<16xi32>
      %swap3A_61 = vector.shape_cast %select_n3A_56 : vector<16xi32> to vector<16xi32>
      tpu.vector_store %arg8[%swap3A], %swap3A_61 {strides = array<i32>} : memref<3200xi32, #tpu.memory_space<vmem>>, vector<16xi32>,
    }
    %while3A_28 = arith.constant 1 : i32
    scf.for %while3A_44 = %while3A_26 to %while3A_22 step %while3A_28  : i32 {
      %mul3A_45 = arith.constant 16 : i32
      %mul3A_46 = arith.muli %while3A_44, %mul3A_45 : i32
      %get3A = arith.index_cast %mul3A_46 : i32 to index
      %get3A_47 = tpu.vector_load %arg6[%get3A] {strides = array<i32>} : memref<3200xi32, #tpu.memory_space<vmem>>, vector<16xi32>,
      %get3A_48 = vector.shape_cast %get3A_47 : vector<16xi32> to vector<16xi32>
      %mul3A_49 = arith.constant 16 : i32
      %mul3A_50 = arith.muli %while3A_44, %mul3A_49 : i32
      %get3A_51 = arith.index_cast %mul3A_50 : i32 to index
      %get3A_52 = tpu.vector_load %arg7[%get3A_51] {strides = array<i32>} : memref<3200xi32, #tpu.memory_space<vmem>>, vector<16xi32>,
      %get3A_53 = vector.shape_cast %get3A_52 : vector<16xi32> to vector<16xi32>
      %ne3A = arith.constant 0 : i32
      %ne3A_54 = vector.broadcast %ne3A : i32 to vector<16xi32>
      %ne3A_55 = arith.cmpi ne, %get3A_53, %ne3A_54 : vector<16xi32>
      %select_n3A_56 = arith.select %ne3A_55, %get3A_48, %add3A_16 : vector<16xi1>, vector<16xi32>
      %mul3A_57 = arith.constant 16 : i32
      %mul3A_58 = arith.muli %while3A_44, %mul3A_57 : i32
      %swap3A = arith.index_cast %mul3A_58 : i32 to index
      %swap3A_59 = tpu.vector_load %arg8[%swap3A] {strides = array<i32>} : memref<3200xi32, #tpu.memory_space<vmem>>, vector<16xi32>,
      %swap3A_60 = vector.shape_cast %swap3A_59 : vector<16xi32> to vector<16xi32>
      %swap3A_61 = vector.shape_cast %select_n3A_56 : vector<16xi32> to vector<16xi32>
      tpu.vector_store %arg8[%swap3A], %swap3A_61 {strides = array<i32>} : memref<3200xi32, #tpu.memory_space<vmem>>, vector<16xi32>,
    }
    %eq3A_29 = arith.constant 0 : i32
    %eq3A_30 = arith.cmpi eq, %arg1, %eq3A_29 : i32
    %convert_element_type3A_31 = arith.extui %eq3A_30 : i1 to i32
    %cond3A_32 = arith.constant 0 : i32
    %cond3A_33 = arith.cmpi ne, %convert_element_type3A_31, %cond3A_32 : i32
    scf.if %cond3A_33 {
      %broadcast_in_dim3A = arith.constant 0.000000e+00 : f32
      %broadcast_in_dim3A_44 = vector.broadcast %broadcast_in_dim3A : f32 to vector<16xf32>
      %swap3A = arith.constant 0 : i32
      %swap3A_45 = arith.constant 0 : i32
      %swap3A_46 = arith.index_cast %swap3A : i32 to index
      %swap3A_47 = arith.index_cast %swap3A_45 : i32 to index
      %swap3A_48 = arith.constant 0 : index
      %swap3A_49 = tpu.vector_load %arg9[%swap3A_46, %swap3A_47, %swap3A_48] {strides = array<i32>} : memref<5x128x128xf32, #tpu.memory_space<vmem>>, vector<1x1x16xf32>,
      %swap3A_50 = vector.shape_cast %swap3A_49 : vector<1x1x16xf32> to vector<16xf32>
      %swap3A_51 = vector.shape_cast %broadcast_in_dim3A_44 : vector<16xf32> to vector<1x1x16xf32>
      tpu.vector_store %arg9[%swap3A_46, %swap3A_47, %swap3A_48], %swap3A_51 {strides = array<i32>} : memref<5x128x128xf32, #tpu.memory_space<vmem>>, vector<1x1x16xf32>,
      %broadcast_in_dim3A_52 = arith.constant 0.000000e+00 : f32
      %broadcast_in_dim3A_53 = vector.broadcast %broadcast_in_dim3A_52 : f32 to vector<16xf32>
      %swap3A_54 = arith.constant 0 : i32
      %swap3A_55 = arith.constant 0 : i32
      %swap3A_56 = arith.index_cast %swap3A_54 : i32 to index
      %swap3A_57 = arith.index_cast %swap3A_55 : i32 to index
      %swap3A_58 = arith.constant 16 : index
      %swap3A_59 = tpu.vector_load %arg9[%swap3A_56, %swap3A_57, %swap3A_58] {strides = array<i32>} : memref<5x128x128xf32, #tpu.memory_space<vmem>>, vector<1x1x16xf32>,
      %swap3A_60 = vector.shape_cast %swap3A_59 : vector<1x1x16xf32> to vector<16xf32>
      %swap3A_61 = vector.shape_cast %broadcast_in_dim3A_53 : vector<16xf32> to vector<1x1x16xf32>
      tpu.vector_store %arg9[%swap3A_56, %swap3A_57, %swap3A_58], %swap3A_61 {strides = array<i32>} : memref<5x128x128xf32, #tpu.memory_space<vmem>>, vector<1x1x16xf32>,
      %broadcast_in_dim3A_62 = arith.constant 0.000000e+00 : f32
      %broadcast_in_dim3A_63 = vector.broadcast %broadcast_in_dim3A_62 : f32 to vector<16xf32>
      %swap3A_64 = arith.constant 0 : i32
      %swap3A_65 = arith.constant 0 : i32
      %swap3A_66 = arith.index_cast %swap3A_64 : i32 to index
      %swap3A_67 = arith.index_cast %swap3A_65 : i32 to index
      %swap3A_68 = arith.constant 32 : index
      %swap3A_69 = tpu.vector_load %arg9[%swap3A_66, %swap3A_67, %swap3A_68] {strides = array<i32>} : memref<5x128x128xf32, #tpu.memory_space<vmem>>, vector<1x1x16xf32>,
      %swap3A_70 = vector.shape_cast %swap3A_69 : vector<1x1x16xf32> to vector<16xf32>
      %swap3A_71 = vector.shape_cast %broadcast_in_dim3A_63 : vector<16xf32> to vector<1x1x16xf32>
      tpu.vector_store %arg9[%swap3A_66, %swap3A_67, %swap3A_68], %swap3A_71 {strides = array<i32>} : memref<5x128x128xf32, #tpu.memory_space<vmem>>, vector<1x1x16xf32>,
      %broadcast_in_dim3A_72 = arith.constant 0.000000e+00 : f32
      %broadcast_in_dim3A_73 = vector.broadcast %broadcast_in_dim3A_72 : f32 to vector<16xf32>
      %swap3A_74 = arith.constant 0 : i32
      %swap3A_75 = arith.constant 0 : i32
      %swap3A_76 = arith.index_cast %swap3A_74 : i32 to index
      %swap3A_77 = arith.index_cast %swap3A_75 : i32 to index
      %swap3A_78 = arith.constant 48 : index
      %swap3A_79 = tpu.vector_load %arg9[%swap3A_76, %swap3A_77, %swap3A_78] {strides = array<i32>} : memref<5x128x128xf32, #tpu.memory_space<vmem>>, vector<1x1x16xf32>,
      %swap3A_80 = vector.shape_cast %swap3A_79 : vector<1x1x16xf32> to vector<16xf32>
      %swap3A_81 = vector.shape_cast %broadcast_in_dim3A_73 : vector<16xf32> to vector<1x1x16xf32>
      tpu.vector_store %arg9[%swap3A_76, %swap3A_77, %swap3A_78], %swap3A_81 {strides = array<i32>} : memref<5x128x128xf32, #tpu.memory_space<vmem>>, vector<1x1x16xf32>,
      %broadcast_in_dim3A_82 = arith.constant 0.000000e+00 : f32
      %broadcast_in_dim3A_83 = vector.broadcast %broadcast_in_dim3A_82 : f32 to vector<16xf32>
      %swap3A_84 = arith.constant 0 : i32
      %swap3A_85 = arith.constant 0 : i32
      %swap3A_86 = arith.index_cast %swap3A_84 : i32 to index
      %swap3A_87 = arith.index_cast %swap3A_85 : i32 to index
      %swap3A_88 = arith.constant 64 : index
      %swap3A_89 = tpu.vector_load %arg9[%swap3A_86, %swap3A_87, %swap3A_88] {strides = array<i32>} : memref<5x128x128xf32, #tpu.memory_space<vmem>>, vector<1x1x16xf32>,
      %swap3A_90 = vector.shape_cast %swap3A_89 : vector<1x1x16xf32> to vector<16xf32>
      %swap3A_91 = vector.shape_cast %broadcast_in_dim3A_83 : vector<16xf32> to vector<1x1x16xf32>
      tpu.vector_store %arg9[%swap3A_86, %swap3A_87, %swap3A_88], %swap3A_91 {strides = array<i32>} : memref<5x128x128xf32, #tpu.memory_space<vmem>>, vector<1x1x16xf32>,
      %broadcast_in_dim3A_92 = arith.constant 0.000000e+00 : f32
      %broadcast_in_dim3A_93 = vector.broadcast %broadcast_in_dim3A_92 : f32 to vector<16xf32>
      %swap3A_94 = arith.constant 0 : i32
      %swap3A_95 = arith.constant 0 : i32
      %swap3A_96 = arith.index_cast %swap3A_94 : i32 to index
      %swap3A_97 = arith.index_cast %swap3A_95 : i32 to index
      %swap3A_98 = arith.constant 80 : index
      %swap3A_99 = tpu.vector_load %arg9[%swap3A_96, %swap3A_97, %swap3A_98] {strides = array<i32>} : memref<5x128x128xf32, #tpu.memory_space<vmem>>, vector<1x1x16xf32>,
      %swap3A_100 = vector.shape_cast %swap3A_99 : vector<1x1x16xf32> to vector<16xf32>
      %swap3A_101 = vector.shape_cast %broadcast_in_dim3A_93 : vector<16xf32> to vector<1x1x16xf32>
      tpu.vector_store %arg9[%swap3A_96, %swap3A_97, %swap3A_98], %swap3A_101 {strides = array<i32>} : memref<5x128x128xf32, #tpu.memory_space<vmem>>, vector<1x1x16xf32>,
      %broadcast_in_dim3A_102 = arith.constant 0.000000e+00 : f32
      %broadcast_in_dim3A_103 = vector.broadcast %broadcast_in_dim3A_102 : f32 to vector<16xf32>
      %swap3A_104 = arith.constant 0 : i32
      %swap3A_105 = arith.constant 0 : i32
      %swap3A_106 = arith.index_cast %swap3A_104 : i32 to index
      %swap3A_107 = arith.index_cast %swap3A_105 : i32 to index
      %swap3A_108 = arith.constant 96 : index
      %swap3A_109 = tpu.vector_load %arg9[%swap3A_106, %swap3A_107, %swap3A_108] {strides = array<i32>} : memref<5x128x128xf32, #tpu.memory_space<vmem>>, vector<1x1x16xf32>,
      %swap3A_110 = vector.shape_cast %swap3A_109 : vector<1x1x16xf32> to vector<16xf32>
      %swap3A_111 = vector.shape_cast %broadcast_in_dim3A_103 : vector<16xf32> to vector<1x1x16xf32>
      tpu.vector_store %arg9[%swap3A_106, %swap3A_107, %swap3A_108], %swap3A_111 {strides = array<i32>} : memref<5x128x128xf32, #tpu.memory_space<vmem>>, vector<1x1x16xf32>,
      %broadcast_in_dim3A_112 = arith.constant 0.000000e+00 : f32
      %broadcast_in_dim3A_113 = vector.broadcast %broadcast_in_dim3A_112 : f32 to vector<16xf32>
      %swap3A_114 = arith.constant 0 : i32
      %swap3A_115 = arith.constant 0 : i32
      %swap3A_116 = arith.index_cast %swap3A_114 : i32 to index
      %swap3A_117 = arith.index_cast %swap3A_115 : i32 to index
      %swap3A_118 = arith.constant 112 : index
      %swap3A_119 = tpu.vector_load %arg9[%swap3A_116, %swap3A_117, %swap3A_118] {strides = array<i32>} : memref<5x128x128xf32, #tpu.memory_space<vmem>>, vector<1x1x16xf32>,
      %swap3A_120 = vector.shape_cast %swap3A_119 : vector<1x1x16xf32> to vector<16xf32>
      %swap3A_121 = vector.shape_cast %broadcast_in_dim3A_113 : vector<16xf32> to vector<1x1x16xf32>
      tpu.vector_store %arg9[%swap3A_116, %swap3A_117, %swap3A_118], %swap3A_121 {strides = array<i32>} : memref<5x128x128xf32, #tpu.memory_space<vmem>>, vector<1x1x16xf32>,
      %broadcast_in_dim3A_122 = arith.constant 0.000000e+00 : f32
      %broadcast_in_dim3A_123 = vector.broadcast %broadcast_in_dim3A_122 : f32 to vector<16xf32>
      %swap3A_124 = arith.constant 0 : i32
      %swap3A_125 = arith.constant 1 : i32
      %swap3A_126 = arith.index_cast %swap3A_124 : i32 to index
      %swap3A_127 = arith.index_cast %swap3A_125 : i32 to index
      %swap3A_128 = arith.constant 0 : index
      %swap3A_129 = tpu.vector_load %arg9[%swap3A_126, %swap3A_127, %swap3A_128] {strides = array<i32>} : memref<5x128x128xf32, #tpu.memory_space<vmem>>, vector<1x1x16xf32>,
      %swap3A_130 = vector.shape_cast %swap3A_129 : vector<1x1x16xf32> to vector<16xf32>
      %swap3A_131 = vector.shape_cast %broadcast_in_dim3A_123 : vector<16xf32> to vector<1x1x16xf32>
      tpu.vector_store %arg9[%swap3A_126, %swap3A_127, %swap3A_128], %swap3A_131 {strides = array<i32>} : memref<5x128x128xf32, #tpu.memory_space<vmem>>, vector<1x1x16xf32>,
      %broadcast_in_dim3A_132 = arith.constant 0.000000e+00 : f32
      %broadcast_in_dim3A_133 = vector.broadcast %broadcast_in_dim3A_132 : f32 to vector<16xf32>
      %swap3A_134 = arith.constant 0 : i32
      %swap3A_135 = arith.constant 1 : i32
      %swap3A_136 = arith.index_cast %swap3A_134 : i32 to index
      %swap3A_137 = arith.index_cast %swap3A_135 : i32 to index
      %swap3A_138 = arith.constant 16 : index
      %swap3A_139 = tpu.vector_load %arg9[%swap3A_136, %swap3A_137, %swap3A_138] {strides = array<i32>} : memref<5x128x128xf32, #tpu.memory_space<vmem>>, vector<1x1x16xf32>,
      %swap3A_140 = vector.shape_cast %swap3A_139 : vector<1x1x16xf32> to vector<16xf32>
      %swap3A_141 = vector.shape_cast %broadcast_in_dim3A_133 : vector<16xf32> to vector<1x1x16xf32>
      tpu.vector_store %arg9[%swap3A_136, %swap3A_137, %swap3A_138], %swap3A_141 {strides = array<i32>} : memref<5x128x128xf32, #tpu.memory_space<vmem>>, vector<1x1x16xf32>,
      %broadcast_in_dim3A_142 = arith.constant 0.000000e+00 : f32
      %broadcast_in_dim3A_143 = vector.broadcast %broadcast_in_dim3A_142 : f32 to vector<16xf32>
      %swap3A_144 = arith.constant 0 : i32
      %swap3A_145 = arith.constant 1 : i32
      %swap3A_146 = arith.index_cast %swap3A_144 : i32 to index
      %swap3A_147 = arith.index_cast %swap3A_145 : i32 to index
      %swap3A_148 = arith.constant 32 : index
      %swap3A_149 = tpu.vector_load %arg9[%swap3A_146, %swap3A_147, %swap3A_148] {strides = array<i32>} : memref<5x128x128xf32, #tpu.memory_space<vmem>>, vector<1x1x16xf32>,
      %swap3A_150 = vector.shape_cast %swap3A_149 : vector<1x1x16xf32> to vector<16xf32>
      %swap3A_151 = vector.shape_cast %broadcast_in_dim3A_143 : vector<16xf32> to vector<1x1x16xf32>
      tpu.vector_store %arg9[%swap3A_146, %swap3A_147, %swap3A_148], %swap3A_151 {strides = array<i32>} : memref<5x128x128xf32, #tpu.memory_space<vmem>>, vector<1x1x16xf32>,
      %broadcast_in_dim3A_152 = arith.constant 0.000000e+00 : f32
      %broadcast_in_dim3A_153 = vector.broadcast %broadcast_in_dim3A_152 : f32 to vector<16xf32>
      %swap3A_154 = arith.constant 0 : i32
      %swap3A_155 = arith.constant 1 : i32
      %swap3A_156 = arith.index_cast %swap3A_154 : i32 to index
      %swap3A_157 = arith.index_cast %swap3A_155 : i32 to index
      %swap3A_158 = arith.constant 48 : index
      %swap3A_159 = tpu.vector_load %arg9[%swap3A_156, %swap3A_157, %swap3A_158] {strides = array<i32>} : memref<5x128x128xf32, #tpu.memory_space<vmem>>, vector<1x1x16xf32>,
      %swap3A_160 = vector.shape_cast %swap3A_159 : vector<1x1x16xf32> to vector<16xf32>
      %swap3A_161 = vector.shape_cast %broadcast_in_dim3A_153 : vector<16xf32> to vector<1x1x16xf32>
      tpu.vector_store %arg9[%swap3A_156, %swap3A_157, %swap3A_158], %swap3A_161 {strides = array<i32>} : memref<5x128x128xf32, #tpu.memory_space<vmem>>, vector<1x1x16xf32>,
      %broadcast_in_dim3A_162 = arith.constant 0.000000e+00 : f32
      %broadcast_in_dim3A_163 = vector.broadcast %broadcast_in_dim3A_162 : f32 to vector<16xf32>
      %swap3A_164 = arith.constant 0 : i32
      %swap3A_165 = arith.constant 1 : i32
      %swap3A_166 = arith.index_cast %swap3A_164 : i32 to index
      %swap3A_167 = arith.index_cast %swap3A_165 : i32 to index
      %swap3A_168 = arith.constant 64 : index
      %swap3A_169 = tpu.vector_load %arg9[%swap3A_166, %swap3A_167, %swap3A_168] {strides = array<i32>} : memref<5x128x128xf32, #tpu.memory_space<vmem>>, vector<1x1x16xf32>,
      %swap3A_170 = vector.shape_cast %swap3A_169 : vector<1x1x16xf32> to vector<16xf32>
      %swap3A_171 = vector.shape_cast %broadcast_in_dim3A_163 : vector<16xf32> to vector<1x1x16xf32>
      tpu.vector_store %arg9[%swap3A_166, %swap3A_167, %swap3A_168], %swap3A_171 {strides = array<i32>} : memref<5x128x128xf32, #tpu.memory_space<vmem>>, vector<1x1x16xf32>,
      %broadcast_in_dim3A_172 = arith.constant 0.000000e+00 : f32
      %broadcast_in_dim3A_173 = vector.broadcast %broadcast_in_dim3A_172 : f32 to vector<16xf32>
      %swap3A_174 = arith.constant 0 : i32
      %swap3A_175 = arith.constant 1 : i32
      %swap3A_176 = arith.index_cast %swap3A_174 : i32 to index
      %swap3A_177 = arith.index_cast %swap3A_175 : i32 to index
      %swap3A_178 = arith.constant 80 : index
      %swap3A_179 = tpu.vector_load %arg9[%swap3A_176, %swap3A_177, %swap3A_178] {strides = array<i32>} : memref<5x128x128xf32, #tpu.memory_space<vmem>>, vector<1x1x16xf32>,
      %swap3A_180 = vector.shape_cast %swap3A_179 : vector<1x1x16xf32> to vector<16xf32>
      %swap3A_181 = vector.shape_cast %broadcast_in_dim3A_173 : vector<16xf32> to vector<1x1x16xf32>
      tpu.vector_store %arg9[%swap3A_176, %swap3A_177, %swap3A_178], %swap3A_181 {strides = array<i32>} : memref<5x128x128xf32, #tpu.memory_space<vmem>>, vector<1x1x16xf32>,
      %broadcast_in_dim3A_182 = arith.constant 0.000000e+00 : f32
      %broadcast_in_dim3A_183 = vector.broadcast %broadcast_in_dim3A_182 : f32 to vector<16xf32>
      %swap3A_184 = arith.constant 0 : i32
      %swap3A_185 = arith.constant 1 : i32
      %swap3A_186 = arith.index_cast %swap3A_184 : i32 to index
      %swap3A_187 = arith.index_cast %swap3A_185 : i32 to index
      %swap3A_188 = arith.constant 96 : index
      %swap3A_189 = tpu.vector_load %arg9[%swap3A_186, %swap3A_187, %swap3A_188] {strides = array<i32>} : memref<5x128x128xf32, #tpu.memory_space<vmem>>, vector<1x1x16xf32>,
      %swap3A_190 = vector.shape_cast %swap3A_189 : vector<1x1x16xf32> to vector<16xf32>
      %swap3A_191 = vector.shape_cast %broadcast_in_dim3A_183 : vector<16xf32> to vector<1x1x16xf32>
      tpu.vector_store %arg9[%swap3A_186, %swap3A_187, %swap3A_188], %swap3A_191 {strides = array<i32>} : memref<5x128x128xf32, #tpu.memory_space<vmem>>, vector<1x1x16xf32>,
      %broadcast_in_dim3A_192 = arith.constant 0.000000e+00 : f32
      %broadcast_in_dim3A_193 = vector.broadcast %broadcast_in_dim3A_192 : f32 to vector<16xf32>
      %swap3A_194 = arith.constant 0 : i32
      %swap3A_195 = arith.constant 1 : i32
      %swap3A_196 = arith.index_cast %swap3A_194 : i32 to index
      %swap3A_197 = arith.index_cast %swap3A_195 : i32 to index
      %swap3A_198 = arith.constant 112 : index
      %swap3A_199 = tpu.vector_load %arg9[%swap3A_196, %swap3A_197, %swap3A_198] {strides = array<i32>} : memref<5x128x128xf32, #tpu.memory_space<vmem>>, vector<1x1x16xf32>,
      %swap3A_200 = vector.shape_cast %swap3A_199 : vector<1x1x16xf32> to vector<16xf32>
      %swap3A_201 = vector.shape_cast %broadcast_in_dim3A_193 : vector<16xf32> to vector<1x1x16xf32>
      tpu.vector_store %arg9[%swap3A_196, %swap3A_197, %swap3A_198], %swap3A_201 {strides = array<i32>} : memref<5x128x128xf32, #tpu.memory_space<vmem>>, vector<1x1x16xf32>,
      %broadcast_in_dim3A_202 = arith.constant 0.000000e+00 : f32
      %broadcast_in_dim3A_203 = vector.broadcast %broadcast_in_dim3A_202 : f32 to vector<16xf32>
      %swap3A_204 = arith.constant 0 : i32
      %swap3A_205 = arith.constant 2 : i32
      %swap3A_206 = arith.index_cast %swap3A_204 : i32 to index
      %swap3A_207 = arith.index_cast %swap3A_205 : i32 to index
      %swap3A_208 = arith.constant 0 : index
      %swap3A_209 = tpu.vector_load %arg9[%swap3A_206, %swap3A_207, %swap3A_208] {strides = array<i32>} : memref<5x128x128xf32, #tpu.memory_space<vmem>>, vector<1x1x16xf32>,
      %swap3A_210 = vector.shape_cast %swap3A_209 : vector<1x1x16xf32> to vector<16xf32>
      %swap3A_211 = vector.shape_cast %broadcast_in_dim3A_203 : vector<16xf32> to vector<1x1x16xf32>
      tpu.vector_store %arg9[%swap3A_206, %swap3A_207, %swap3A_208], %swap3A_211 {strides = array<i32>} : memref<5x128x128xf32, #tpu.memory_space<vmem>>, vector<1x1x16xf32>,
      %broadcast_in_dim3A_212 = arith.constant 0.000000e+00 : f32
      %broadcast_in_dim3A_213 = vector.broadcast %broadcast_in_dim3A_212 : f32 to vector<16xf32>
      %swap3A_214 = arith.constant 0 : i32
      %swap3A_215 = arith.constant 2 : i32
      %swap3A_216 = arith.index_cast %swap3A_214 : i32 to index
      %swap3A_217 = arith.index_cast %swap3A_215 : i32 to index
      %swap3A_218 = arith.constant 16 : index
      %swap3A_219 = tpu.vector_load %arg9[%swap3A_216, %swap3A_217, %swap3A_218] {strides = array<i32>} : memref<5x128x128xf32, #tpu.memory_space<vmem>>, vector<1x1x16xf32>,
      %swap3A_220 = vector.shape_cast %swap3A_219 : vector<1x1x16xf32> to vector<16xf32>
      %swap3A_221 = vector.shape_cast %broadcast_in_dim3A_213 : vector<16xf32> to vector<1x1x16xf32>
      tpu.vector_store %arg9[%swap3A_216, %swap3A_217, %swap3A_218], %swap3A_221 {strides = array<i32>} : memref<5x128x128xf32, #tpu.memory_space<vmem>>, vector<1x1x16xf32>,
      %broadcast_in_dim3A_222 = arith.constant 0.000000e+00 : f32
      %broadcast_in_dim3A_223 = vector.broadcast %broadcast_in_dim3A_222 : f32 to vector<16xf32>
      %swap3A_224 = arith.constant 0 : i32
      %swap3A_225 = arith.constant 2 : i32
      %swap3A_226 = arith.index_cast %swap3A_224 : i32 to index
      %swap3A_227 = arith.index_cast %swap3A_225 : i32 to index
      %swap3A_228 = arith.constant 32 : index
      %swap3A_229 = tpu.vector_load %arg9[%swap3A_226, %swap3A_227, %swap3A_228] {strides = array<i32>} : memref<5x128x128xf32, #tpu.memory_space<vmem>>, vector<1x1x16xf32>,
      %swap3A_230 = vector.shape_cast %swap3A_229 : vector<1x1x16xf32> to vector<16xf32>
      %swap3A_231 = vector.shape_cast %broadcast_in_dim3A_223 : vector<16xf32> to vector<1x1x16xf32>
      tpu.vector_store %arg9[%swap3A_226, %swap3A_227, %swap3A_228], %swap3A_231 {strides = array<i32>} : memref<5x128x128xf32, #tpu.memory_space<vmem>>, vector<1x1x16xf32>,
      %broadcast_in_dim3A_232 = arith.constant 0.000000e+00 : f32
      %broadcast_in_dim3A_233 = vector.broadcast %broadcast_in_dim3A_232 : f32 to vector<16xf32>
      %swap3A_234 = arith.constant 0 : i32
      %swap3A_235 = arith.constant 2 : i32
      %swap3A_236 = arith.index_cast %swap3A_234 : i32 to index
      %swap3A_237 = arith.index_cast %swap3A_235 : i32 to index
      %swap3A_238 = arith.constant 48 : index
      %swap3A_239 = tpu.vector_load %arg9[%swap3A_236, %swap3A_237, %swap3A_238] {strides = array<i32>} : memref<5x128x128xf32, #tpu.memory_space<vmem>>, vector<1x1x16xf32>,
      %swap3A_240 = vector.shape_cast %swap3A_239 : vector<1x1x16xf32> to vector<16xf32>
      %swap3A_241 = vector.shape_cast %broadcast_in_dim3A_233 : vector<16xf32> to vector<1x1x16xf32>
      tpu.vector_store %arg9[%swap3A_236, %swap3A_237, %swap3A_238], %swap3A_241 {strides = array<i32>} : memref<5x128x128xf32, #tpu.memory_space<vmem>>, vector<1x1x16xf32>,
      %broadcast_in_dim3A_242 = arith.constant 0.000000e+00 : f32
      %broadcast_in_dim3A_243 = vector.broadcast %broadcast_in_dim3A_242 : f32 to vector<16xf32>
      %swap3A_244 = arith.constant 0 : i32
      %swap3A_245 = arith.constant 2 : i32
      %swap3A_246 = arith.index_cast %swap3A_244 : i32 to index
      %swap3A_247 = arith.index_cast %swap3A_245 : i32 to index
      %swap3A_248 = arith.constant 64 : index
      %swap3A_249 = tpu.vector_load %arg9[%swap3A_246, %swap3A_247, %swap3A_248] {strides = array<i32>} : memref<5x128x128xf32, #tpu.memory_space<vmem>>, vector<1x1x16xf32>,
      %swap3A_250 = vector.shape_cast %swap3A_249 : vector<1x1x16xf32> to vector<16xf32>
      %swap3A_251 = vector.shape_cast %broadcast_in_dim3A_243 : vector<16xf32> to vector<1x1x16xf32>
      tpu.vector_store %arg9[%swap3A_246, %swap3A_247, %swap3A_248], %swap3A_251 {strides = array<i32>} : memref<5x128x128xf32, #tpu.memory_space<vmem>>, vector<1x1x16xf32>,
      %broadcast_in_dim3A_252 = arith.constant 0.000000e+00 : f32
      %broadcast_in_dim3A_253 = vector.broadcast %broadcast_in_dim3A_252 : f32 to vector<16xf32>
      %swap3A_254 = arith.constant 0 : i32
      %swap3A_255 = arith.constant 2 : i32
      %swap3A_256 = arith.index_cast %swap3A_254 : i32 to index
      %swap3A_257 = arith.index_cast %swap3A_255 : i32 to index
      %swap3A_258 = arith.constant 80 : index
      %swap3A_259 = tpu.vector_load %arg9[%swap3A_256, %swap3A_257, %swap3A_258] {strides = array<i32>} : memref<5x128x128xf32, #tpu.memory_space<vmem>>, vector<1x1x16xf32>,
      %swap3A_260 = vector.shape_cast %swap3A_259 : vector<1x1x16xf32> to vector<16xf32>
      %swap3A_261 = vector.shape_cast %broadcast_in_dim3A_253 : vector<16xf32> to vector<1x1x16xf32>
      tpu.vector_store %arg9[%swap3A_256, %swap3A_257, %swap3A_258], %swap3A_261 {strides = array<i32>} : memref<5x128x128xf32, #tpu.memory_space<vmem>>, vector<1x1x16xf32>,
      %broadcast_in_dim3A_262 = arith.constant 0.000000e+00 : f32
      %broadcast_in_dim3A_263 = vector.broadcast %broadcast_in_dim3A_262 : f32 to vector<16xf32>
      %swap3A_264 = arith.constant 0 : i32
      %swap3A_265 = arith.constant 2 : i32
      %swap3A_266 = arith.index_cast %swap3A_264 : i32 to index
      %swap3A_267 = arith.index_cast %swap3A_265 : i32 to index
      %swap3A_268 = arith.constant 96 : index
      %swap3A_269 = tpu.vector_load %arg9[%swap3A_266, %swap3A_267, %swap3A_268] {strides = array<i32>} : memref<5x128x128xf32, #tpu.memory_space<vmem>>, vector<1x1x16xf32>,
      %swap3A_270 = vector.shape_cast %swap3A_269 : vector<1x1x16xf32> to vector<16xf32>
      %swap3A_271 = vector.shape_cast %broadcast_in_dim3A_263 : vector<16xf32> to vector<1x1x16xf32>
      tpu.vector_store %arg9[%swap3A_266, %swap3A_267, %swap3A_268], %swap3A_271 {strides = array<i32>} : memref<5x128x128xf32, #tpu.memory_space<vmem>>, vector<1x1x16xf32>,
      %broadcast_in_dim3A_272 = arith.constant 0.000000e+00 : f32
      %broadcast_in_dim3A_273 = vector.broadcast %broadcast_in_dim3A_272 : f32 to vector<16xf32>
      %swap3A_274 = arith.constant 0 : i32
      %swap3A_275 = arith.constant 2 : i32
      %swap3A_276 = arith.index_cast %swap3A_274 : i32 to index
      %swap3A_277 = arith.index_cast %swap3A_275 : i32 to index
      %swap3A_278 = arith.constant 112 : index
      %swap3A_279 = tpu.vector_load %arg9[%swap3A_276, %swap3A_277, %swap3A_278] {strides = array<i32>} : memref<5x128x128xf32, #tpu.memory_space<vmem>>, vector<1x1x16xf32>,
      %swap3A_280 = vector.shape_cast %swap3A_279 : vector<1x1x16xf32> to vector<16xf32>
      %swap3A_281 = vector.shape_cast %broadcast_in_dim3A_273 : vector<16xf32> to vector<1x1x16xf32>
      tpu.vector_store %arg9[%swap3A_276, %swap3A_277, %swap3A_278], %swap3A_281 {strides = array<i32>} : memref<5x128x128xf32, #tpu.memory_space<vmem>>, vector<1x1x16xf32>,
      %broadcast_in_dim3A_282 = arith.constant 0.000000e+00 : f32
      %broadcast_in_dim3A_283 = vector.broadcast %broadcast_in_dim3A_282 : f32 to vector<16xf32>
      %swap3A_284 = arith.constant 0 : i32
      %swap3A_285 = arith.constant 3 : i32
      %swap3A_286 = arith.index_cast %swap3A_284 : i32 to index
      %swap3A_287 = arith.index_cast %swap3A_285 : i32 to index
      %swap3A_288 = arith.constant 0 : index
      %swap3A_289 = tpu.vector_load %arg9[%swap3A_286, %swap3A_287, %swap3A_288] {strides = array<i32>} : memref<5x128x128xf32, #tpu.memory_space<vmem>>, vector<1x1x16xf32>,
      %swap3A_290 = vector.shape_cast %swap3A_289 : vector<1x1x16xf32> to vector<16xf32>
      %swap3A_291 = vector.shape_cast %broadcast_in_dim3A_283 : vector<16xf32> to vector<1x1x16xf32>
      tpu.vector_store %arg9[%swap3A_286, %swap3A_287, %swap3A_288], %swap3A_291 {strides = array<i32>} : memref<5x128x128xf32, #tpu.memory_space<vmem>>, vector<1x1x16xf32>,
      %broadcast_in_dim3A_292 = arith.constant 0.000000e+00 : f32
      %broadcast_in_dim3A_293 = vector.broadcast %broadcast_in_dim3A_292 : f32 to vector<16xf32>
      %swap3A_294 = arith.constant 0 : i32
      %swap3A_295 = arith.constant 3 : i32
      %swap3A_296 = arith.index_cast %swap3A_294 : i32 to index
      %swap3A_297 = arith.index_cast %swap3A_295 : i32 to index
      %swap3A_298 = arith.constant 16 : index
      %swap3A_299 = tpu.vector_load %arg9[%swap3A_296, %swap3A_297, %swap3A_298] {strides = array<i32>} : memref<5x128x128xf32, #tpu.memory_space<vmem>>, vector<1x1x16xf32>,
      %swap3A_300 = vector.shape_cast %swap3A_299 : vector<1x1x16xf32> to vector<16xf32>
      %swap3A_301 = vector.shape_cast %broadcast_in_dim3A_293 : vector<16xf32> to vector<1x1x16xf32>
      tpu.vector_store %arg9[%swap3A_296, %swap3A_297, %swap3A_298], %swap3A_301 {strides = array<i32>} : memref<5x128x128xf32, #tpu.memory_space<vmem>>, vector<1x1x16xf32>,
      %broadcast_in_dim3A_302 = arith.constant 0.000000e+00 : f32
      %broadcast_in_dim3A_303 = vector.broadcast %broadcast_in_dim3A_302 : f32 to vector<16xf32>
      %swap3A_304 = arith.constant 0 : i32
      %swap3A_305 = arith.constant 3 : i32
      %swap3A_306 = arith.index_cast %swap3A_304 : i32 to index
      %swap3A_307 = arith.index_cast %swap3A_305 : i32 to index
      %swap3A_308 = arith.constant 32 : index
      %swap3A_309 = tpu.vector_load %arg9[%swap3A_306, %swap3A_307, %swap3A_308] {strides = array<i32>} : memref<5x128x128xf32, #tpu.memory_space<vmem>>, vector<1x1x16xf32>,
      %swap3A_310 = vector.shape_cast %swap3A_309 : vector<1x1x16xf32> to vector<16xf32>
      %swap3A_311 = vector.shape_cast %broadcast_in_dim3A_303 : vector<16xf32> to vector<1x1x16xf32>
      tpu.vector_store %arg9[%swap3A_306, %swap3A_307, %swap3A_308], %swap3A_311 {strides = array<i32>} : memref<5x128x128xf32, #tpu.memory_space<vmem>>, vector<1x1x16xf32>,
      %broadcast_in_dim3A_312 = arith.constant 0.000000e+00 : f32
      %broadcast_in_dim3A_313 = vector.broadcast %broadcast_in_dim3A_312 : f32 to vector<16xf32>
      %swap3A_314 = arith.constant 0 : i32
      %swap3A_315 = arith.constant 3 : i32
      %swap3A_316 = arith.index_cast %swap3A_314 : i32 to index
      %swap3A_317 = arith.index_cast %swap3A_315 : i32 to index
      %swap3A_318 = arith.constant 48 : index
      %swap3A_319 = tpu.vector_load %arg9[%swap3A_316, %swap3A_317, %swap3A_318] {strides = array<i32>} : memref<5x128x128xf32, #tpu.memory_space<vmem>>, vector<1x1x16xf32>,
      %swap3A_320 = vector.shape_cast %swap3A_319 : vector<1x1x16xf32> to vector<16xf32>
      %swap3A_321 = vector.shape_cast %broadcast_in_dim3A_313 : vector<16xf32> to vector<1x1x16xf32>
      tpu.vector_store %arg9[%swap3A_316, %swap3A_317, %swap3A_318], %swap3A_321 {strides = array<i32>} : memref<5x128x128xf32, #tpu.memory_space<vmem>>, vector<1x1x16xf32>,
      %broadcast_in_dim3A_322 = arith.constant 0.000000e+00 : f32
      %broadcast_in_dim3A_323 = vector.broadcast %broadcast_in_dim3A_322 : f32 to vector<16xf32>
      %swap3A_324 = arith.constant 0 : i32
      %swap3A_325 = arith.constant 3 : i32
      %swap3A_326 = arith.index_cast %swap3A_324 : i32 to index
      %swap3A_327 = arith.index_cast %swap3A_325 : i32 to index
      %swap3A_328 = arith.constant 64 : index
      %swap3A_329 = tpu.vector_load %arg9[%swap3A_326, %swap3A_327, %swap3A_328] {strides = array<i32>} : memref<5x128x128xf32, #tpu.memory_space<vmem>>, vector<1x1x16xf32>,
      %swap3A_330 = vector.shape_cast %swap3A_329 : vector<1x1x16xf32> to vector<16xf32>
      %swap3A_331 = vector.shape_cast %broadcast_in_dim3A_323 : vector<16xf32> to vector<1x1x16xf32>
      tpu.vector_store %arg9[%swap3A_326, %swap3A_327, %swap3A_328], %swap3A_331 {strides = array<i32>} : memref<5x128x128xf32, #tpu.memory_space<vmem>>, vector<1x1x16xf32>,
      %broadcast_in_dim3A_332 = arith.constant 0.000000e+00 : f32
      %broadcast_in_dim3A_333 = vector.broadcast %broadcast_in_dim3A_332 : f32 to vector<16xf32>
      %swap3A_334 = arith.constant 0 : i32
      %swap3A_335 = arith.constant 3 : i32
      %swap3A_336 = arith.index_cast %swap3A_334 : i32 to index
      %swap3A_337 = arith.index_cast %swap3A_335 : i32 to index
      %swap3A_338 = arith.constant 80 : index
      %swap3A_339 = tpu.vector_load %arg9[%swap3A_336, %swap3A_337, %swap3A_338] {strides = array<i32>} : memref<5x128x128xf32, #tpu.memory_space<vmem>>, vector<1x1x16xf32>,
      %swap3A_340 = vector.shape_cast %swap3A_339 : vector<1x1x16xf32> to vector<16xf32>
      %swap3A_341 = vector.shape_cast %broadcast_in_dim3A_333 : vector<16xf32> to vector<1x1x16xf32>
      tpu.vector_store %arg9[%swap3A_336, %swap3A_337, %swap3A_338], %swap3A_341 {strides = array<i32>} : memref<5x128x128xf32, #tpu.memory_space<vmem>>, vector<1x1x16xf32>,
      %broadcast_in_dim3A_342 = arith.constant 0.000000e+00 : f32
      %broadcast_in_dim3A_343 = vector.broadcast %broadcast_in_dim3A_342 : f32 to vector<16xf32>
      %swap3A_344 = arith.constant 0 : i32
      %swap3A_345 = arith.constant 3 : i32
      %swap3A_346 = arith.index_cast %swap3A_344 : i32 to index
      %swap3A_347 = arith.index_cast %swap3A_345 : i32 to index
      %swap3A_348 = arith.constant 96 : index
      %swap3A_349 = tpu.vector_load %arg9[%swap3A_346, %swap3A_347, %swap3A_348] {strides = array<i32>} : memref<5x128x128xf32, #tpu.memory_space<vmem>>, vector<1x1x16xf32>,
      %swap3A_350 = vector.shape_cast %swap3A_349 : vector<1x1x16xf32> to vector<16xf32>
      %swap3A_351 = vector.shape_cast %broadcast_in_dim3A_343 : vector<16xf32> to vector<1x1x16xf32>
      tpu.vector_store %arg9[%swap3A_346, %swap3A_347, %swap3A_348], %swap3A_351 {strides = array<i32>} : memref<5x128x128xf32, #tpu.memory_space<vmem>>, vector<1x1x16xf32>,
      %broadcast_in_dim3A_352 = arith.constant 0.000000e+00 : f32
      %broadcast_in_dim3A_353 = vector.broadcast %broadcast_in_dim3A_352 : f32 to vector<16xf32>
      %swap3A_354 = arith.constant 0 : i32
      %swap3A_355 = arith.constant 3 : i32
      %swap3A_356 = arith.index_cast %swap3A_354 : i32 to index
      %swap3A_357 = arith.index_cast %swap3A_355 : i32 to index
      %swap3A_358 = arith.constant 112 : index
      %swap3A_359 = tpu.vector_load %arg9[%swap3A_356, %swap3A_357, %swap3A_358] {strides = array<i32>} : memref<5x128x128xf32, #tpu.memory_space<vmem>>, vector<1x1x16xf32>,
      %swap3A_360 = vector.shape_cast %swap3A_359 : vector<1x1x16xf32> to vector<16xf32>
      %swap3A_361 = vector.shape_cast %broadcast_in_dim3A_353 : vector<16xf32> to vector<1x1x16xf32>
      tpu.vector_store %arg9[%swap3A_356, %swap3A_357, %swap3A_358], %swap3A_361 {strides = array<i32>} : memref<5x128x128xf32, #tpu.memory_space<vmem>>, vector<1x1x16xf32>,
      %broadcast_in_dim3A_362 = arith.constant 0.000000e+00 : f32
      %broadcast_in_dim3A_363 = vector.broadcast %broadcast_in_dim3A_362 : f32 to vector<16xf32>
      %swap3A_364 = arith.constant 0 : i32
      %swap3A_365 = arith.constant 4 : i32
      %swap3A_366 = arith.index_cast %swap3A_364 : i32 to index
      %swap3A_367 = arith.index_cast %swap3A_365 : i32 to index
      %swap3A_368 = arith.constant 0 : index
      %swap3A_369 = tpu.vector_load %arg9[%swap3A_366, %swap3A_367, %swap3A_368] {strides = array<i32>} : memref<5x128x128xf32, #tpu.memory_space<vmem>>, vector<1x1x16xf32>,
      %swap3A_370 = vector.shape_cast %swap3A_369 : vector<1x1x16xf32> to vector<16xf32>
      %swap3A_371 = vector.shape_cast %broadcast_in_dim3A_363 : vector<16xf32> to vector<1x1x16xf32>
      tpu.vector_store %arg9[%swap3A_366, %swap3A_367, %swap3A_368], %swap3A_371 {strides = array<i32>} : memref<5x128x128xf32, #tpu.memory_space<vmem>>, vector<1x1x16xf32>,
      %broadcast_in_dim3A_372 = arith.constant 0.000000e+00 : f32
      %broadcast_in_dim3A_373 = vector.broadcast %broadcast_in_dim3A_372 : f32 to vector<16xf32>
      %swap3A_374 = arith.constant 0 : i32
      %swap3A_375 = arith.constant 4 : i32
      %swap3A_376 = arith.index_cast %swap3A_374 : i32 to index
      %swap3A_377 = arith.index_cast %swap3A_375 : i32 to index
      %swap3A_378 = arith.constant 16 : index
      %swap3A_379 = tpu.vector_load %arg9[%swap3A_376, %swap3A_377, %swap3A_378] {strides = array<i32>} : memref<5x128x128xf32, #tpu.memory_space<vmem>>, vector<1x1x16xf32>,
      %swap3A_380 = vector.shape_cast %swap3A_379 : vector<1x1x16xf32> to vector<16xf32>
      %swap3A_381 = vector.shape_cast %broadcast_in_dim3A_373 : vector<16xf32> to vector<1x1x16xf32>
      tpu.vector_store %arg9[%swap3A_376, %swap3A_377, %swap3A_378], %swap3A_381 {strides = array<i32>} : memref<5x128x128xf32, #tpu.memory_space<vmem>>, vector<1x1x16xf32>,
      %broadcast_in_dim3A_382 = arith.constant 0.000000e+00 : f32
      %broadcast_in_dim3A_383 = vector.broadcast %broadcast_in_dim3A_382 : f32 to vector<16xf32>
      %swap3A_384 = arith.constant 0 : i32
      %swap3A_385 = arith.constant 4 : i32
      %swap3A_386 = arith.index_cast %swap3A_384 : i32 to index
      %swap3A_387 = arith.index_cast %swap3A_385 : i32 to index
      %swap3A_388 = arith.constant 32 : index
      %swap3A_389 = tpu.vector_load %arg9[%swap3A_386, %swap3A_387, %swap3A_388] {strides = array<i32>} : memref<5x128x128xf32, #tpu.memory_space<vmem>>, vector<1x1x16xf32>,
      %swap3A_390 = vector.shape_cast %swap3A_389 : vector<1x1x16xf32> to vector<16xf32>
      %swap3A_391 = vector.shape_cast %broadcast_in_dim3A_383 : vector<16xf32> to vector<1x1x16xf32>
      tpu.vector_store %arg9[%swap3A_386, %swap3A_387, %swap3A_388], %swap3A_391 {strides = array<i32>} : memref<5x128x128xf32, #tpu.memory_space<vmem>>, vector<1x1x16xf32>,
      %broadcast_in_dim3A_392 = arith.constant 0.000000e+00 : f32
      %broadcast_in_dim3A_393 = vector.broadcast %broadcast_in_dim3A_392 : f32 to vector<16xf32>
      %swap3A_394 = arith.constant 0 : i32
      %swap3A_395 = arith.constant 4 : i32
      %swap3A_396 = arith.index_cast %swap3A_394 : i32 to index
      %swap3A_397 = arith.index_cast %swap3A_395 : i32 to index
      %swap3A_398 = arith.constant 48 : index
      %swap3A_399 = tpu.vector_load %arg9[%swap3A_396, %swap3A_397, %swap3A_398] {strides = array<i32>} : memref<5x128x128xf32, #tpu.memory_space<vmem>>, vector<1x1x16xf32>,
      %swap3A_400 = vector.shape_cast %swap3A_399 : vector<1x1x16xf32> to vector<16xf32>
      %swap3A_401 = vector.shape_cast %broadcast_in_dim3A_393 : vector<16xf32> to vector<1x1x16xf32>
      tpu.vector_store %arg9[%swap3A_396, %swap3A_397, %swap3A_398], %swap3A_401 {strides = array<i32>} : memref<5x128x128xf32, #tpu.memory_space<vmem>>, vector<1x1x16xf32>,
      %broadcast_in_dim3A_402 = arith.constant 0.000000e+00 : f32
      %broadcast_in_dim3A_403 = vector.broadcast %broadcast_in_dim3A_402 : f32 to vector<16xf32>
      %swap3A_404 = arith.constant 0 : i32
      %swap3A_405 = arith.constant 4 : i32
      %swap3A_406 = arith.index_cast %swap3A_404 : i32 to index
      %swap3A_407 = arith.index_cast %swap3A_405 : i32 to index
      %swap3A_408 = arith.constant 64 : index
      %swap3A_409 = tpu.vector_load %arg9[%swap3A_406, %swap3A_407, %swap3A_408] {strides = array<i32>} : memref<5x128x128xf32, #tpu.memory_space<vmem>>, vector<1x1x16xf32>,
      %swap3A_410 = vector.shape_cast %swap3A_409 : vector<1x1x16xf32> to vector<16xf32>
      %swap3A_411 = vector.shape_cast %broadcast_in_dim3A_403 : vector<16xf32> to vector<1x1x16xf32>
      tpu.vector_store %arg9[%swap3A_406, %swap3A_407, %swap3A_408], %swap3A_411 {strides = array<i32>} : memref<5x128x128xf32, #tpu.memory_space<vmem>>, vector<1x1x16xf32>,
      %broadcast_in_dim3A_412 = arith.constant 0.000000e+00 : f32
      %broadcast_in_dim3A_413 = vector.broadcast %broadcast_in_dim3A_412 : f32 to vector<16xf32>
      %swap3A_414 = arith.constant 0 : i32
      %swap3A_415 = arith.constant 4 : i32
      %swap3A_416 = arith.index_cast %swap3A_414 : i32 to index
      %swap3A_417 = arith.index_cast %swap3A_415 : i32 to index
      %swap3A_418 = arith.constant 80 : index
      %swap3A_419 = tpu.vector_load %arg9[%swap3A_416, %swap3A_417, %swap3A_418] {strides = array<i32>} : memref<5x128x128xf32, #tpu.memory_space<vmem>>, vector<1x1x16xf32>,
      %swap3A_420 = vector.shape_cast %swap3A_419 : vector<1x1x16xf32> to vector<16xf32>
      %swap3A_421 = vector.shape_cast %broadcast_in_dim3A_413 : vector<16xf32> to vector<1x1x16xf32>
      tpu.vector_store %arg9[%swap3A_416, %swap3A_417, %swap3A_418], %swap3A_421 {strides = array<i32>} : memref<5x128x128xf32, #tpu.memory_space<vmem>>, vector<1x1x16xf32>,
      %broadcast_in_dim3A_422 = arith.constant 0.000000e+00 : f32
      %broadcast_in_dim3A_423 = vector.broadcast %broadcast_in_dim3A_422 : f32 to vector<16xf32>
      %swap3A_424 = arith.constant 0 : i32
      %swap3A_425 = arith.constant 4 : i32
      %swap3A_426 = arith.index_cast %swap3A_424 : i32 to index
      %swap3A_427 = arith.index_cast %swap3A_425 : i32 to index
      %swap3A_428 = arith.constant 96 : index
      %swap3A_429 = tpu.vector_load %arg9[%swap3A_426, %swap3A_427, %swap3A_428] {strides = array<i32>} : memref<5x128x128xf32, #tpu.memory_space<vmem>>, vector<1x1x16xf32>,
      %swap3A_430 = vector.shape_cast %swap3A_429 : vector<1x1x16xf32> to vector<16xf32>
      %swap3A_431 = vector.shape_cast %broadcast_in_dim3A_423 : vector<16xf32> to vector<1x1x16xf32>
      tpu.vector_store %arg9[%swap3A_426, %swap3A_427, %swap3A_428], %swap3A_431 {strides = array<i32>} : memref<5x128x128xf32, #tpu.memory_space<vmem>>, vector<1x1x16xf32>,
      %broadcast_in_dim3A_432 = arith.constant 0.000000e+00 : f32
      %broadcast_in_dim3A_433 = vector.broadcast %broadcast_in_dim3A_432 : f32 to vector<16xf32>
      %swap3A_434 = arith.constant 0 : i32
      %swap3A_435 = arith.constant 4 : i32
      %swap3A_436 = arith.index_cast %swap3A_434 : i32 to index
      %swap3A_437 = arith.index_cast %swap3A_435 : i32 to index
      %swap3A_438 = arith.constant 112 : index
      %swap3A_439 = tpu.vector_load %arg9[%swap3A_436, %swap3A_437, %swap3A_438] {strides = array<i32>} : memref<5x128x128xf32, #tpu.memory_space<vmem>>, vector<1x1x16xf32>,
      %swap3A_440 = vector.shape_cast %swap3A_439 : vector<1x1x16xf32> to vector<16xf32>
      %swap3A_441 = vector.shape_cast %broadcast_in_dim3A_433 : vector<16xf32> to vector<1x1x16xf32>
      tpu.vector_store %arg9[%swap3A_436, %swap3A_437, %swap3A_438], %swap3A_441 {strides = array<i32>} : memref<5x128x128xf32, #tpu.memory_space<vmem>>, vector<1x1x16xf32>,
      %broadcast_in_dim3A_442 = arith.constant 0.000000e+00 : f32
      %broadcast_in_dim3A_443 = vector.broadcast %broadcast_in_dim3A_442 : f32 to vector<16xf32>
      %swap3A_444 = arith.constant 0 : i32
      %swap3A_445 = arith.constant 5 : i32
      %swap3A_446 = arith.index_cast %swap3A_444 : i32 to index
      %swap3A_447 = arith.index_cast %swap3A_445 : i32 to index
      %swap3A_448 = arith.constant 0 : index
      %swap3A_449 = tpu.vector_load %arg9[%swap3A_446, %swap3A_447, %swap3A_448] {strides = array<i32>} : memref<5x128x128xf32, #tpu.memory_space<vmem>>, vector<1x1x16xf32>,
      %swap3A_450 = vector.shape_cast %swap3A_449 : vector<1x1x16xf32> to vector<16xf32>
      %swap3A_451 = vector.shape_cast %broadcast_in_dim3A_443 : vector<16xf32> to vector<1x1x16xf32>
      tpu.vector_store %arg9[%swap3A_446, %swap3A_447, %swap3A_448], %swap3A_451 {strides = array<i32>} : memref<5x128x128xf32, #tpu.memory_space<vmem>>, vector<1x1x16xf32>,
      %broadcast_in_dim3A_452 = arith.constant 0.000000e+00 : f32
      %broadcast_in_dim3A_453 = vector.broadcast %broadcast_in_dim3A_452 : f32 to vector<16xf32>
      %swap3A_454 = arith.constant 0 : i32
      %swap3A_455 = arith.constant 5 : i32
      %swap3A_456 = arith.index_cast %swap3A_454 : i32 to index
      %swap3A_457 = arith.index_cast %swap3A_455 : i32 to index
      %swap3A_458 = arith.constant 16 : index
      %swap3A_459 = tpu.vector_load %arg9[%swap3A_456, %swap3A_457, %swap3A_458] {strides = array<i32>} : memref<5x128x128xf32, #tpu.memory_space<vmem>>, vector<1x1x16xf32>,
      %swap3A_460 = vector.shape_cast %swap3A_459 : vector<1x1x16xf32> to vector<16xf32>
      %swap3A_461 = vector.shape_cast %broadcast_in_dim3A_453 : vector<16xf32> to vector<1x1x16xf32>
      tpu.vector_store %arg9[%swap3A_456, %swap3A_457, %swap3A_458], %swap3A_461 {strides = array<i32>} : memref<5x128x128xf32, #tpu.memory_space<vmem>>, vector<1x1x16xf32>,
      %broadcast_in_dim3A_462 = arith.constant 0.000000e+00 : f32
      %broadcast_in_dim3A_463 = vector.broadcast %broadcast_in_dim3A_462 : f32 to vector<16xf32>
      %swap3A_464 = arith.constant 0 : i32
      %swap3A_465 = arith.constant 5 : i32
      %swap3A_466 = arith.index_cast %swap3A_464 : i32 to index
      %swap3A_467 = arith.index_cast %swap3A_465 : i32 to index
      %swap3A_468 = arith.constant 32 : index
      %swap3A_469 = tpu.vector_load %arg9[%swap3A_466, %swap3A_467, %swap3A_468] {strides = array<i32>} : memref<5x128x128xf32, #tpu.memory_space<vmem>>, vector<1x1x16xf32>,
      %swap3A_470 = vector.shape_cast %swap3A_469 : vector<1x1x16xf32> to vector<16xf32>
      %swap3A_471 = vector.shape_cast %broadcast_in_dim3A_463 : vector<16xf32> to vector<1x1x16xf32>
      tpu.vector_store %arg9[%swap3A_466, %swap3A_467, %swap3A_468], %swap3A_471 {strides = array<i32>} : memref<5x128x128xf32, #tpu.memory_space<vmem>>, vector<1x1x16xf32>,
      %broadcast_in_dim3A_472 = arith.constant 0.000000e+00 : f32
      %broadcast_in_dim3A_473 = vector.broadcast %broadcast_in_dim3A_472 : f32 to vector<16xf32>
      %swap3A_474 = arith.constant 0 : i32
      %swap3A_475 = arith.constant 5 : i32
      %swap3A_476 = arith.index_cast %swap3A_474 : i32 to index
      %swap3A_477 = arith.index_cast %swap3A_475 : i32 to index
      %swap3A_478 = arith.constant 48 : index
      %swap3A_479 = tpu.vector_load %arg9[%swap3A_476, %swap3A_477, %swap3A_478] {strides = array<i32>} : memref<5x128x128xf32, #tpu.memory_space<vmem>>, vector<1x1x16xf32>,
      %swap3A_480 = vector.shape_cast %swap3A_479 : vector<1x1x16xf32> to vector<16xf32>
      %swap3A_481 = vector.shape_cast %broadcast_in_dim3A_473 : vector<16xf32> to vector<1x1x16xf32>
      tpu.vector_store %arg9[%swap3A_476, %swap3A_477, %swap3A_478], %swap3A_481 {strides = array<i32>} : memref<5x128x128xf32, #tpu.memory_space<vmem>>, vector<1x1x16xf32>,
      %broadcast_in_dim3A_482 = arith.constant 0.000000e+00 : f32
      %broadcast_in_dim3A_483 = vector.broadcast %broadcast_in_dim3A_482 : f32 to vector<16xf32>
      %swap3A_484 = arith.constant 0 : i32
      %swap3A_485 = arith.constant 5 : i32
      %swap3A_486 = arith.index_cast %swap3A_484 : i32 to index
      %swap3A_487 = arith.index_cast %swap3A_485 : i32 to index
      %swap3A_488 = arith.constant 64 : index
      %swap3A_489 = tpu.vector_load %arg9[%swap3A_486, %swap3A_487, %swap3A_488] {strides = array<i32>} : memref<5x128x128xf32, #tpu.memory_space<vmem>>, vector<1x1x16xf32>,
      %swap3A_490 = vector.shape_cast %swap3A_489 : vector<1x1x16xf32> to vector<16xf32>
      %swap3A_491 = vector.shape_cast %broadcast_in_dim3A_483 : vector<16xf32> to vector<1x1x16xf32>
      tpu.vector_store %arg9[%swap3A_486, %swap3A_487, %swap3A_488], %swap3A_491 {strides = array<i32>} : memref<5x128x128xf32, #tpu.memory_space<vmem>>, vector<1x1x16xf32>,
      %broadcast_in_dim3A_492 = arith.constant 0.000000e+00 : f32
      %broadcast_in_dim3A_493 = vector.broadcast %broadcast_in_dim3A_492 : f32 to vector<16xf32>
      %swap3A_494 = arith.constant 0 : i32
      %swap3A_495 = arith.constant 5 : i32
      %swap3A_496 = arith.index_cast %swap3A_494 : i32 to index
      %swap3A_497 = arith.index_cast %swap3A_495 : i32 to index
      %swap3A_498 = arith.constant 80 : index
      %swap3A_499 = tpu.vector_load %arg9[%swap3A_496, %swap3A_497, %swap3A_498] {strides = array<i32>} : memref<5x128x128xf32, #tpu.memory_space<vmem>>, vector<1x1x16xf32>,
      %swap3A_500 = vector.shape_cast %swap3A_499 : vector<1x1x16xf32> to vector<16xf32>
      %swap3A_501 = vector.shape_cast %broadcast_in_dim3A_493 : vector<16xf32> to vector<1x1x16xf32>
      tpu.vector_store %arg9[%swap3A_496, %swap3A_497, %swap3A_498], %swap3A_501 {strides = array<i32>} : memref<5x128x128xf32, #tpu.memory_space<vmem>>, vector<1x1x16xf32>,
      %broadcast_in_dim3A_502 = arith.constant 0.000000e+00 : f32
      %broadcast_in_dim3A_503 = vector.broadcast %broadcast_in_dim3A_502 : f32 to vector<16xf32>
      %swap3A_504 = arith.constant 0 : i32
      %swap3A_505 = arith.constant 5 : i32
      %swap3A_506 = arith.index_cast %swap3A_504 : i32 to index
      %swap3A_507 = arith.index_cast %swap3A_505 : i32 to index
      %swap3A_508 = arith.constant 96 : index
      %swap3A_509 = tpu.vector_load %arg9[%swap3A_506, %swap3A_507, %swap3A_508] {strides = array<i32>} : memref<5x128x128xf32, #tpu.memory_space<vmem>>, vector<1x1x16xf32>,
      %swap3A_510 = vector.shape_cast %swap3A_509 : vector<1x1x16xf32> to vector<16xf32>
      %swap3A_511 = vector.shape_cast %broadcast_in_dim3A_503 : vector<16xf32> to vector<1x1x16xf32>
      tpu.vector_store %arg9[%swap3A_506, %swap3A_507, %swap3A_508], %swap3A_511 {strides = array<i32>} : memref<5x128x128xf32, #tpu.memory_space<vmem>>, vector<1x1x16xf32>,
      %broadcast_in_dim3A_512 = arith.constant 0.000000e+00 : f32
      %broadcast_in_dim3A_513 = vector.broadcast %broadcast_in_dim3A_512 : f32 to vector<16xf32>
      %swap3A_514 = arith.constant 0 : i32
      %swap3A_515 = arith.constant 5 : i32
      %swap3A_516 = arith.index_cast %swap3A_514 : i32 to index
      %swap3A_517 = arith.index_cast %swap3A_515 : i32 to index
      %swap3A_518 = arith.constant 112 : index
      %swap3A_519 = tpu.vector_load %arg9[%swap3A_516, %swap3A_517, %swap3A_518] {strides = array<i32>} : memref<5x128x128xf32, #tpu.memory_space<vmem>>, vector<1x1x16xf32>,
      %swap3A_520 = vector.shape_cast %swap3A_519 : vector<1x1x16xf32> to vector<16xf32>
      %swap3A_521 = vector.shape_cast %broadcast_in_dim3A_513 : vector<16xf32> to vector<1x1x16xf32>
      tpu.vector_store %arg9[%swap3A_516, %swap3A_517, %swap3A_518], %swap3A_521 {strides = array<i32>} : memref<5x128x128xf32, #tpu.memory_space<vmem>>, vector<1x1x16xf32>,
      %broadcast_in_dim3A_522 = arith.constant 0.000000e+00 : f32
      %broadcast_in_dim3A_523 = vector.broadcast %broadcast_in_dim3A_522 : f32 to vector<16xf32>
      %swap3A_524 = arith.constant 0 : i32
      %swap3A_525 = arith.constant 6 : i32
      %swap3A_526 = arith.index_cast %swap3A_524 : i32 to index
      %swap3A_527 = arith.index_cast %swap3A_525 : i32 to index
      %swap3A_528 = arith.constant 0 : index
      %swap3A_529 = tpu.vector_load %arg9[%swap3A_526, %swap3A_527, %swap3A_528] {strides = array<i32>} : memref<5x128x128xf32, #tpu.memory_space<vmem>>, vector<1x1x16xf32>,
      %swap3A_530 = vector.shape_cast %swap3A_529 : vector<1x1x16xf32> to vector<16xf32>
      %swap3A_531 = vector.shape_cast %broadcast_in_dim3A_523 : vector<16xf32> to vector<1x1x16xf32>
      tpu.vector_store %arg9[%swap3A_526, %swap3A_527, %swap3A_528], %swap3A_531 {strides = array<i32>} : memref<5x128x128xf32, #tpu.memory_space<vmem>>, vector<1x1x16xf32>,
      %broadcast_in_dim3A_532 = arith.constant 0.000000e+00 : f32
      %broadcast_in_dim3A_533 = vector.broadcast %broadcast_in_dim3A_532 : f32 to vector<16xf32>
      %swap3A_534 = arith.constant 0 : i32
      %swap3A_535 = arith.constant 6 : i32
      %swap3A_536 = arith.index_cast %swap3A_534 : i32 to index
      %swap3A_537 = arith.index_cast %swap3A_535 : i32 to index
      %swap3A_538 = arith.constant 16 : index
      %swap3A_539 = tpu.vector_load %arg9[%swap3A_536, %swap3A_537, %swap3A_538] {strides = array<i32>} : memref<5x128x128xf32, #tpu.memory_space<vmem>>, vector<1x1x16xf32>,
      %swap3A_540 = vector.shape_cast %swap3A_539 : vector<1x1x16xf32> to vector<16xf32>
      %swap3A_541 = vector.shape_cast %broadcast_in_dim3A_533 : vector<16xf32> to vector<1x1x16xf32>
      tpu.vector_store %arg9[%swap3A_536, %swap3A_537, %swap3A_538], %swap3A_541 {strides = array<i32>} : memref<5x128x128xf32, #tpu.memory_space<vmem>>, vector<1x1x16xf32>,
      %broadcast_in_dim3A_542 = arith.constant 0.000000e+00 : f32
      %broadcast_in_dim3A_543 = vector.broadcast %broadcast_in_dim3A_542 : f32 to vector<16xf32>
      %swap3A_544 = arith.constant 0 : i32
      %swap3A_545 = arith.constant 6 : i32
      %swap3A_546 = arith.index_cast %swap3A_544 : i32 to index
      %swap3A_547 = arith.index_cast %swap3A_545 : i32 to index
      %swap3A_548 = arith.constant 32 : index
      %swap3A_549 = tpu.vector_load %arg9[%swap3A_546, %swap3A_547, %swap3A_548] {strides = array<i32>} : memref<5x128x128xf32, #tpu.memory_space<vmem>>, vector<1x1x16xf32>,
      %swap3A_550 = vector.shape_cast %swap3A_549 : vector<1x1x16xf32> to vector<16xf32>
      %swap3A_551 = vector.shape_cast %broadcast_in_dim3A_543 : vector<16xf32> to vector<1x1x16xf32>
      tpu.vector_store %arg9[%swap3A_546, %swap3A_547, %swap3A_548], %swap3A_551 {strides = array<i32>} : memref<5x128x128xf32, #tpu.memory_space<vmem>>, vector<1x1x16xf32>,
      %broadcast_in_dim3A_552 = arith.constant 0.000000e+00 : f32
      %broadcast_in_dim3A_553 = vector.broadcast %broadcast_in_dim3A_552 : f32 to vector<16xf32>
      %swap3A_554 = arith.constant 0 : i32
      %swap3A_555 = arith.constant 6 : i32
      %swap3A_556 = arith.index_cast %swap3A_554 : i32 to index
      %swap3A_557 = arith.index_cast %swap3A_555 : i32 to index
      %swap3A_558 = arith.constant 48 : index
      %swap3A_559 = tpu.vector_load %arg9[%swap3A_556, %swap3A_557, %swap3A_558] {strides = array<i32>} : memref<5x128x128xf32, #tpu.memory_space<vmem>>, vector<1x1x16xf32>,
      %swap3A_560 = vector.shape_cast %swap3A_559 : vector<1x1x16xf32> to vector<16xf32>
      %swap3A_561 = vector.shape_cast %broadcast_in_dim3A_553 : vector<16xf32> to vector<1x1x16xf32>
      tpu.vector_store %arg9[%swap3A_556, %swap3A_557, %swap3A_558], %swap3A_561 {strides = array<i32>} : memref<5x128x128xf32, #tpu.memory_space<vmem>>, vector<1x1x16xf32>,
      %broadcast_in_dim3A_562 = arith.constant 0.000000e+00 : f32
      %broadcast_in_dim3A_563 = vector.broadcast %broadcast_in_dim3A_562 : f32 to vector<16xf32>
      %swap3A_564 = arith.constant 0 : i32
      %swap3A_565 = arith.constant 6 : i32
      %swap3A_566 = arith.index_cast %swap3A_564 : i32 to index
      %swap3A_567 = arith.index_cast %swap3A_565 : i32 to index
      %swap3A_568 = arith.constant 64 : index
      %swap3A_569 = tpu.vector_load %arg9[%swap3A_566, %swap3A_567, %swap3A_568] {strides = array<i32>} : memref<5x128x128xf32, #tpu.memory_space<vmem>>, vector<1x1x16xf32>,
      %swap3A_570 = vector.shape_cast %swap3A_569 : vector<1x1x16xf32> to vector<16xf32>
      %swap3A_571 = vector.shape_cast %broadcast_in_dim3A_563 : vector<16xf32> to vector<1x1x16xf32>
      tpu.vector_store %arg9[%swap3A_566, %swap3A_567, %swap3A_568], %swap3A_571 {strides = array<i32>} : memref<5x128x128xf32, #tpu.memory_space<vmem>>, vector<1x1x16xf32>,
      %broadcast_in_dim3A_572 = arith.constant 0.000000e+00 : f32
      %broadcast_in_dim3A_573 = vector.broadcast %broadcast_in_dim3A_572 : f32 to vector<16xf32>
      %swap3A_574 = arith.constant 0 : i32
      %swap3A_575 = arith.constant 6 : i32
      %swap3A_576 = arith.index_cast %swap3A_574 : i32 to index
      %swap3A_577 = arith.index_cast %swap3A_575 : i32 to index
      %swap3A_578 = arith.constant 80 : index
      %swap3A_579 = tpu.vector_load %arg9[%swap3A_576, %swap3A_577, %swap3A_578] {strides = array<i32>} : memref<5x128x128xf32, #tpu.memory_space<vmem>>, vector<1x1x16xf32>,
      %swap3A_580 = vector.shape_cast %swap3A_579 : vector<1x1x16xf32> to vector<16xf32>
      %swap3A_581 = vector.shape_cast %broadcast_in_dim3A_573 : vector<16xf32> to vector<1x1x16xf32>
      tpu.vector_store %arg9[%swap3A_576, %swap3A_577, %swap3A_578], %swap3A_581 {strides = array<i32>} : memref<5x128x128xf32, #tpu.memory_space<vmem>>, vector<1x1x16xf32>,
      %broadcast_in_dim3A_582 = arith.constant 0.000000e+00 : f32
      %broadcast_in_dim3A_583 = vector.broadcast %broadcast_in_dim3A_582 : f32 to vector<16xf32>
      %swap3A_584 = arith.constant 0 : i32
      %swap3A_585 = arith.constant 6 : i32
      %swap3A_586 = arith.index_cast %swap3A_584 : i32 to index
      %swap3A_587 = arith.index_cast %swap3A_585 : i32 to index
      %swap3A_588 = arith.constant 96 : index
      %swap3A_589 = tpu.vector_load %arg9[%swap3A_586, %swap3A_587, %swap3A_588] {strides = array<i32>} : memref<5x128x128xf32, #tpu.memory_space<vmem>>, vector<1x1x16xf32>,
      %swap3A_590 = vector.shape_cast %swap3A_589 : vector<1x1x16xf32> to vector<16xf32>
      %swap3A_591 = vector.shape_cast %broadcast_in_dim3A_583 : vector<16xf32> to vector<1x1x16xf32>
      tpu.vector_store %arg9[%swap3A_586, %swap3A_587, %swap3A_588], %swap3A_591 {strides = array<i32>} : memref<5x128x128xf32, #tpu.memory_space<vmem>>, vector<1x1x16xf32>,
      %broadcast_in_dim3A_592 = arith.constant 0.000000e+00 : f32
      %broadcast_in_dim3A_593 = vector.broadcast %broadcast_in_dim3A_592 : f32 to vector<16xf32>
      %swap3A_594 = arith.constant 0 : i32
      %swap3A_595 = arith.constant 6 : i32
      %swap3A_596 = arith.index_cast %swap3A_594 : i32 to index
      %swap3A_597 = arith.index_cast %swap3A_595 : i32 to index
      %swap3A_598 = arith.constant 112 : index
      %swap3A_599 = tpu.vector_load %arg9[%swap3A_596, %swap3A_597, %swap3A_598] {strides = array<i32>} : memref<5x128x128xf32, #tpu.memory_space<vmem>>, vector<1x1x16xf32>,
      %swap3A_600 = vector.shape_cast %swap3A_599 : vector<1x1x16xf32> to vector<16xf32>
      %swap3A_601 = vector.shape_cast %broadcast_in_dim3A_593 : vector<16xf32> to vector<1x1x16xf32>
      tpu.vector_store %arg9[%swap3A_596, %swap3A_597, %swap3A_598], %swap3A_601 {strides = array<i32>} : memref<5x128x128xf32, #tpu.memory_space<vmem>>, vector<1x1x16xf32>,
      %broadcast_in_dim3A_602 = arith.constant 0.000000e+00 : f32
      %broadcast_in_dim3A_603 = vector.broadcast %broadcast_in_dim3A_602 : f32 to vector<16xf32>
      %swap3A_604 = arith.constant 0 : i32
      %swap3A_605 = arith.constant 7 : i32
      %swap3A_606 = arith.index_cast %swap3A_604 : i32 to index
      %swap3A_607 = arith.index_cast %swap3A_605 : i32 to index
      %swap3A_608 = arith.constant 0 : index
      %swap3A_609 = tpu.vector_load %arg9[%swap3A_606, %swap3A_607, %swap3A_608] {strides = array<i32>} : memref<5x128x128xf32, #tpu.memory_space<vmem>>, vector<1x1x16xf32>,
      %swap3A_610 = vector.shape_cast %swap3A_609 : vector<1x1x16xf32> to vector<16xf32>
      %swap3A_611 = vector.shape_cast %broadcast_in_dim3A_603 : vector<16xf32> to vector<1x1x16xf32>
      tpu.vector_store %arg9[%swap3A_606, %swap3A_607, %swap3A_608], %swap3A_611 {strides = array<i32>} : memref<5x128x128xf32, #tpu.memory_space<vmem>>, vector<1x1x16xf32>,
      %broadcast_in_dim3A_612 = arith.constant 0.000000e+00 : f32
      %broadcast_in_dim3A_613 = vector.broadcast %broadcast_in_dim3A_612 : f32 to vector<16xf32>
      %swap3A_614 = arith.constant 0 : i32
      %swap3A_615 = arith.constant 7 : i32
      %swap3A_616 = arith.index_cast %swap3A_614 : i32 to index
      %swap3A_617 = arith.index_cast %swap3A_615 : i32 to index
      %swap3A_618 = arith.constant 16 : index
      %swap3A_619 = tpu.vector_load %arg9[%swap3A_616, %swap3A_617, %swap3A_618] {strides = array<i32>} : memref<5x128x128xf32, #tpu.memory_space<vmem>>, vector<1x1x16xf32>,
      %swap3A_620 = vector.shape_cast %swap3A_619 : vector<1x1x16xf32> to vector<16xf32>
      %swap3A_621 = vector.shape_cast %broadcast_in_dim3A_613 : vector<16xf32> to vector<1x1x16xf32>
      tpu.vector_store %arg9[%swap3A_616, %swap3A_617, %swap3A_618], %swap3A_621 {strides = array<i32>} : memref<5x128x128xf32, #tpu.memory_space<vmem>>, vector<1x1x16xf32>,
      %broadcast_in_dim3A_622 = arith.constant 0.000000e+00 : f32
      %broadcast_in_dim3A_623 = vector.broadcast %broadcast_in_dim3A_622 : f32 to vector<16xf32>
      %swap3A_624 = arith.constant 0 : i32
      %swap3A_625 = arith.constant 7 : i32
      %swap3A_626 = arith.index_cast %swap3A_624 : i32 to index
      %swap3A_627 = arith.index_cast %swap3A_625 : i32 to index
      %swap3A_628 = arith.constant 32 : index
      %swap3A_629 = tpu.vector_load %arg9[%swap3A_626, %swap3A_627, %swap3A_628] {strides = array<i32>} : memref<5x128x128xf32, #tpu.memory_space<vmem>>, vector<1x1x16xf32>,
      %swap3A_630 = vector.shape_cast %swap3A_629 : vector<1x1x16xf32> to vector<16xf32>
      %swap3A_631 = vector.shape_cast %broadcast_in_dim3A_623 : vector<16xf32> to vector<1x1x16xf32>
      tpu.vector_store %arg9[%swap3A_626, %swap3A_627, %swap3A_628], %swap3A_631 {strides = array<i32>} : memref<5x128x128xf32, #tpu.memory_space<vmem>>, vector<1x1x16xf32>,
      %broadcast_in_dim3A_632 = arith.constant 0.000000e+00 : f32
      %broadcast_in_dim3A_633 = vector.broadcast %broadcast_in_dim3A_632 : f32 to vector<16xf32>
      %swap3A_634 = arith.constant 0 : i32
      %swap3A_635 = arith.constant 7 : i32
      %swap3A_636 = arith.index_cast %swap3A_634 : i32 to index
      %swap3A_637 = arith.index_cast %swap3A_635 : i32 to index
      %swap3A_638 = arith.constant 48 : index
      %swap3A_639 = tpu.vector_load %arg9[%swap3A_636, %swap3A_637, %swap3A_638] {strides = array<i32>} : memref<5x128x128xf32, #tpu.memory_space<vmem>>, vector<1x1x16xf32>,
      %swap3A_640 = vector.shape_cast %swap3A_639 : vector<1x1x16xf32> to vector<16xf32>
      %swap3A_641 = vector.shape_cast %broadcast_in_dim3A_633 : vector<16xf32> to vector<1x1x16xf32>
      tpu.vector_store %arg9[%swap3A_636, %swap3A_637, %swap3A_638], %swap3A_641 {strides = array<i32>} : memref<5x128x128xf32, #tpu.memory_space<vmem>>, vector<1x1x16xf32>,
      %broadcast_in_dim3A_642 = arith.constant 0.000000e+00 : f32
      %broadcast_in_dim3A_643 = vector.broadcast %broadcast_in_dim3A_642 : f32 to vector<16xf32>
      %swap3A_644 = arith.constant 0 : i32
      %swap3A_645 = arith.constant 7 : i32
      %swap3A_646 = arith.index_cast %swap3A_644 : i32 to index
      %swap3A_647 = arith.index_cast %swap3A_645 : i32 to index
      %swap3A_648 = arith.constant 64 : index
      %swap3A_649 = tpu.vector_load %arg9[%swap3A_646, %swap3A_647, %swap3A_648] {strides = array<i32>} : memref<5x128x128xf32, #tpu.memory_space<vmem>>, vector<1x1x16xf32>,
      %swap3A_650 = vector.shape_cast %swap3A_649 : vector<1x1x16xf32> to vector<16xf32>
      %swap3A_651 = vector.shape_cast %broadcast_in_dim3A_643 : vector<16xf32> to vector<1x1x16xf32>
      tpu.vector_store %arg9[%swap3A_646, %swap3A_647, %swap3A_648], %swap3A_651 {strides = array<i32>} : memref<5x128x128xf32, #tpu.memory_space<vmem>>, vector<1x1x16xf32>,
      %broadcast_in_dim3A_652 = arith.constant 0.000000e+00 : f32
      %broadcast_in_dim3A_653 = vector.broadcast %broadcast_in_dim3A_652 : f32 to vector<16xf32>
      %swap3A_654 = arith.constant 0 : i32
      %swap3A_655 = arith.constant 7 : i32
      %swap3A_656 = arith.index_cast %swap3A_654 : i32 to index
      %swap3A_657 = arith.index_cast %swap3A_655 : i32 to index
      %swap3A_658 = arith.constant 80 : index
      %swap3A_659 = tpu.vector_load %arg9[%swap3A_656, %swap3A_657, %swap3A_658] {strides = array<i32>} : memref<5x128x128xf32, #tpu.memory_space<vmem>>, vector<1x1x16xf32>,
      %swap3A_660 = vector.shape_cast %swap3A_659 : vector<1x1x16xf32> to vector<16xf32>
      %swap3A_661 = vector.shape_cast %broadcast_in_dim3A_653 : vector<16xf32> to vector<1x1x16xf32>
      tpu.vector_store %arg9[%swap3A_656, %swap3A_657, %swap3A_658], %swap3A_661 {strides = array<i32>} : memref<5x128x128xf32, #tpu.memory_space<vmem>>, vector<1x1x16xf32>,
      %broadcast_in_dim3A_662 = arith.constant 0.000000e+00 : f32
      %broadcast_in_dim3A_663 = vector.broadcast %broadcast_in_dim3A_662 : f32 to vector<16xf32>
      %swap3A_664 = arith.constant 0 : i32
      %swap3A_665 = arith.constant 7 : i32
      %swap3A_666 = arith.index_cast %swap3A_664 : i32 to index
      %swap3A_667 = arith.index_cast %swap3A_665 : i32 to index
      %swap3A_668 = arith.constant 96 : index
      %swap3A_669 = tpu.vector_load %arg9[%swap3A_666, %swap3A_667, %swap3A_668] {strides = array<i32>} : memref<5x128x128xf32, #tpu.memory_space<vmem>>, vector<1x1x16xf32>,
      %swap3A_670 = vector.shape_cast %swap3A_669 : vector<1x1x16xf32> to vector<16xf32>
      %swap3A_671 = vector.shape_cast %broadcast_in_dim3A_663 : vector<16xf32> to vector<1x1x16xf32>
      tpu.vector_store %arg9[%swap3A_666, %swap3A_667, %swap3A_668], %swap3A_671 {strides = array<i32>} : memref<5x128x128xf32, #tpu.memory_space<vmem>>, vector<1x1x16xf32>,
      %broadcast_in_dim3A_672 = arith.constant 0.000000e+00 : f32
      %broadcast_in_dim3A_673 = vector.broadcast %broadcast_in_dim3A_672 : f32 to vector<16xf32>
      %swap3A_674 = arith.constant 0 : i32
      %swap3A_675 = arith.constant 7 : i32
      %swap3A_676 = arith.index_cast %swap3A_674 : i32 to index
      %swap3A_677 = arith.index_cast %swap3A_675 : i32 to index
      %swap3A_678 = arith.constant 112 : index
      %swap3A_679 = tpu.vector_load %arg9[%swap3A_676, %swap3A_677, %swap3A_678] {strides = array<i32>} : memref<5x128x128xf32, #tpu.memory_space<vmem>>, vector<1x1x16xf32>,
      %swap3A_680 = vector.shape_cast %swap3A_679 : vector<1x1x16xf32> to vector<16xf32>
      %swap3A_681 = vector.shape_cast %broadcast_in_dim3A_673 : vector<16xf32> to vector<1x1x16xf32>
      tpu.vector_store %arg9[%swap3A_676, %swap3A_677, %swap3A_678], %swap3A_681 {strides = array<i32>} : memref<5x128x128xf32, #tpu.memory_space<vmem>>, vector<1x1x16xf32>,
      %broadcast_in_dim3A_682 = arith.constant 0.000000e+00 : f32
      %broadcast_in_dim3A_683 = vector.broadcast %broadcast_in_dim3A_682 : f32 to vector<16xf32>
      %swap3A_684 = arith.constant 0 : i32
      %swap3A_685 = arith.constant 8 : i32
      %swap3A_686 = arith.index_cast %swap3A_684 : i32 to index
      %swap3A_687 = arith.index_cast %swap3A_685 : i32 to index
      %swap3A_688 = arith.constant 0 : index
      %swap3A_689 = tpu.vector_load %arg9[%swap3A_686, %swap3A_687, %swap3A_688] {strides = array<i32>} : memref<5x128x128xf32, #tpu.memory_space<vmem>>, vector<1x1x16xf32>,
      %swap3A_690 = vector.shape_cast %swap3A_689 : vector<1x1x16xf32> to vector<16xf32>
      %swap3A_691 = vector.shape_cast %broadcast_in_dim3A_683 : vector<16xf32> to vector<1x1x16xf32>
      tpu.vector_store %arg9[%swap3A_686, %swap3A_687, %swap3A_688], %swap3A_691 {strides = array<i32>} : memref<5x128x128xf32, #tpu.memory_space<vmem>>, vector<1x1x16xf32>,
      %broadcast_in_dim3A_692 = arith.constant 0.000000e+00 : f32
      %broadcast_in_dim3A_693 = vector.broadcast %broadcast_in_dim3A_692 : f32 to vector<16xf32>
      %swap3A_694 = arith.constant 0 : i32
      %swap3A_695 = arith.constant 8 : i32
      %swap3A_696 = arith.index_cast %swap3A_694 : i32 to index
      %swap3A_697 = arith.index_cast %swap3A_695 : i32 to index
      %swap3A_698 = arith.constant 16 : index
      %swap3A_699 = tpu.vector_load %arg9[%swap3A_696, %swap3A_697, %swap3A_698] {strides = array<i32>} : memref<5x128x128xf32, #tpu.memory_space<vmem>>, vector<1x1x16xf32>,
      %swap3A_700 = vector.shape_cast %swap3A_699 : vector<1x1x16xf32> to vector<16xf32>
      %swap3A_701 = vector.shape_cast %broadcast_in_dim3A_693 : vector<16xf32> to vector<1x1x16xf32>
      tpu.vector_store %arg9[%swap3A_696, %swap3A_697, %swap3A_698], %swap3A_701 {strides = array<i32>} : memref<5x128x128xf32, #tpu.memory_space<vmem>>, vector<1x1x16xf32>,
      %broadcast_in_dim3A_702 = arith.constant 0.000000e+00 : f32
      %broadcast_in_dim3A_703 = vector.broadcast %broadcast_in_dim3A_702 : f32 to vector<16xf32>
      %swap3A_704 = arith.constant 0 : i32
      %swap3A_705 = arith.constant 8 : i32
      %swap3A_706 = arith.index_cast %swap3A_704 : i32 to index
      %swap3A_707 = arith.index_cast %swap3A_705 : i32 to index
      %swap3A_708 = arith.constant 32 : index
      %swap3A_709 = tpu.vector_load %arg9[%swap3A_706, %swap3A_707, %swap3A_708] {strides = array<i32>} : memref<5x128x128xf32, #tpu.memory_space<vmem>>, vector<1x1x16xf32>,
      %swap3A_710 = vector.shape_cast %swap3A_709 : vector<1x1x16xf32> to vector<16xf32>
      %swap3A_711 = vector.shape_cast %broadcast_in_dim3A_703 : vector<16xf32> to vector<1x1x16xf32>
      tpu.vector_store %arg9[%swap3A_706, %swap3A_707, %swap3A_708], %swap3A_711 {strides = array<i32>} : memref<5x128x128xf32, #tpu.memory_space<vmem>>, vector<1x1x16xf32>,
      %broadcast_in_dim3A_712 = arith.constant 0.000000e+00 : f32
      %broadcast_in_dim3A_713 = vector.broadcast %broadcast_in_dim3A_712 : f32 to vector<16xf32>
      %swap3A_714 = arith.constant 0 : i32
      %swap3A_715 = arith.constant 8 : i32
      %swap3A_716 = arith.index_cast %swap3A_714 : i32 to index
      %swap3A_717 = arith.index_cast %swap3A_715 : i32 to index
      %swap3A_718 = arith.constant 48 : index
      %swap3A_719 = tpu.vector_load %arg9[%swap3A_716, %swap3A_717, %swap3A_718] {strides = array<i32>} : memref<5x128x128xf32, #tpu.memory_space<vmem>>, vector<1x1x16xf32>,
      %swap3A_720 = vector.shape_cast %swap3A_719 : vector<1x1x16xf32> to vector<16xf32>
      %swap3A_721 = vector.shape_cast %broadcast_in_dim3A_713 : vector<16xf32> to vector<1x1x16xf32>
      tpu.vector_store %arg9[%swap3A_716, %swap3A_717, %swap3A_718], %swap3A_721 {strides = array<i32>} : memref<5x128x128xf32, #tpu.memory_space<vmem>>, vector<1x1x16xf32>,
      %broadcast_in_dim3A_722 = arith.constant 0.000000e+00 : f32
      %broadcast_in_dim3A_723 = vector.broadcast %broadcast_in_dim3A_722 : f32 to vector<16xf32>
      %swap3A_724 = arith.constant 0 : i32
      %swap3A_725 = arith.constant 8 : i32
      %swap3A_726 = arith.index_cast %swap3A_724 : i32 to index
      %swap3A_727 = arith.index_cast %swap3A_725 : i32 to index
      %swap3A_728 = arith.constant 64 : index
      %swap3A_729 = tpu.vector_load %arg9[%swap3A_726, %swap3A_727, %swap3A_728] {strides = array<i32>} : memref<5x128x128xf32, #tpu.memory_space<vmem>>, vector<1x1x16xf32>,
      %swap3A_730 = vector.shape_cast %swap3A_729 : vector<1x1x16xf32> to vector<16xf32>
      %swap3A_731 = vector.shape_cast %broadcast_in_dim3A_723 : vector<16xf32> to vector<1x1x16xf32>
      tpu.vector_store %arg9[%swap3A_726, %swap3A_727, %swap3A_728], %swap3A_731 {strides = array<i32>} : memref<5x128x128xf32, #tpu.memory_space<vmem>>, vector<1x1x16xf32>,
      %broadcast_in_dim3A_732 = arith.constant 0.000000e+00 : f32
      %broadcast_in_dim3A_733 = vector.broadcast %broadcast_in_dim3A_732 : f32 to vector<16xf32>
      %swap3A_734 = arith.constant 0 : i32
      %swap3A_735 = arith.constant 8 : i32
      %swap3A_736 = arith.index_cast %swap3A_734 : i32 to index
      %swap3A_737 = arith.index_cast %swap3A_735 : i32 to index
      %swap3A_738 = arith.constant 80 : index
      %swap3A_739 = tpu.vector_load %arg9[%swap3A_736, %swap3A_737, %swap3A_738] {strides = array<i32>} : memref<5x128x128xf32, #tpu.memory_space<vmem>>, vector<1x1x16xf32>,
      %swap3A_740 = vector.shape_cast %swap3A_739 : vector<1x1x16xf32> to vector<16xf32>
      %swap3A_741 = vector.shape_cast %broadcast_in_dim3A_733 : vector<16xf32> to vector<1x1x16xf32>
      tpu.vector_store %arg9[%swap3A_736, %swap3A_737, %swap3A_738], %swap3A_741 {strides = array<i32>} : memref<5x128x128xf32, #tpu.memory_space<vmem>>, vector<1x1x16xf32>,
      %broadcast_in_dim3A_742 = arith.constant 0.000000e+00 : f32
      %broadcast_in_dim3A_743 = vector.broadcast %broadcast_in_dim3A_742 : f32 to vector<16xf32>
      %swap3A_744 = arith.constant 0 : i32
      %swap3A_745 = arith.constant 8 : i32
      %swap3A_746 = arith.index_cast %swap3A_744 : i32 to index
      %swap3A_747 = arith.index_cast %swap3A_745 : i32 to index
      %swap3A_748 = arith.constant 96 : index
      %swap3A_749 = tpu.vector_load %arg9[%swap3A_746, %swap3A_747, %swap3A_748] {strides = array<i32>} : memref<5x128x128xf32, #tpu.memory_space<vmem>>, vector<1x1x16xf32>,
      %swap3A_750 = vector.shape_cast %swap3A_749 : vector<1x1x16xf32> to vector<16xf32>
      %swap3A_751 = vector.shape_cast %broadcast_in_dim3A_743 : vector<16xf32> to vector<1x1x16xf32>
      tpu.vector_store %arg9[%swap3A_746, %swap3A_747, %swap3A_748], %swap3A_751 {strides = array<i32>} : memref<5x128x128xf32, #tpu.memory_space<vmem>>, vector<1x1x16xf32>,
      %broadcast_in_dim3A_752 = arith.constant 0.000000e+00 : f32
      %broadcast_in_dim3A_753 = vector.broadcast %broadcast_in_dim3A_752 : f32 to vector<16xf32>
      %swap3A_754 = arith.constant 0 : i32
      %swap3A_755 = arith.constant 8 : i32
      %swap3A_756 = arith.index_cast %swap3A_754 : i32 to index
      %swap3A_757 = arith.index_cast %swap3A_755 : i32 to index
      %swap3A_758 = arith.constant 112 : index
      %swap3A_759 = tpu.vector_load %arg9[%swap3A_756, %swap3A_757, %swap3A_758] {strides = array<i32>} : memref<5x128x128xf32, #tpu.memory_space<vmem>>, vector<1x1x16xf32>,
      %swap3A_760 = vector.shape_cast %swap3A_759 : vector<1x1x16xf32> to vector<16xf32>
      %swap3A_761 = vector.shape_cast %broadcast_in_dim3A_753 : vector<16xf32> to vector<1x1x16xf32>
      tpu.vector_store %arg9[%swap3A_756, %swap3A_757, %swap3A_758], %swap3A_761 {strides = array<i32>} : memref<5x128x128xf32, #tpu.memory_space<vmem>>, vector<1x1x16xf32>,
      %broadcast_in_dim3A_762 = arith.constant 0.000000e+00 : f32
      %broadcast_in_dim3A_763 = vector.broadcast %broadcast_in_dim3A_762 : f32 to vector<16xf32>
      %swap3A_764 = arith.constant 0 : i32
      %swap3A_765 = arith.constant 9 : i32
      %swap3A_766 = arith.index_cast %swap3A_764 : i32 to index
      %swap3A_767 = arith.index_cast %swap3A_765 : i32 to index
      %swap3A_768 = arith.constant 0 : index
      %swap3A_769 = tpu.vector_load %arg9[%swap3A_766, %swap3A_767, %swap3A_768] {strides = array<i32>} : memref<5x128x128xf32, #tpu.memory_space<vmem>>, vector<1x1x16xf32>,
      %swap3A_770 = vector.shape_cast %swap3A_769 : vector<1x1x16xf32> to vector<16xf32>
      %swap3A_771 = vector.shape_cast %broadcast_in_dim3A_763 : vector<16xf32> to vector<1x1x16xf32>
      tpu.vector_store %arg9[%swap3A_766, %swap3A_767, %swap3A_768], %swap3A_771 {strides = array<i32>} : memref<5x128x128xf32, #tpu.memory_space<vmem>>, vector<1x1x16xf32>,
      %broadcast_in_dim3A_772 = arith.constant 0.000000e+00 : f32
      %broadcast_in_dim3A_773 = vector.broadcast %broadcast_in_dim3A_772 : f32 to vector<16xf32>
      %swap3A_774 = arith.constant 0 : i32
      %swap3A_775 = arith.constant 9 : i32
      %swap3A_776 = arith.index_cast %swap3A_774 : i32 to index
      %swap3A_777 = arith.index_cast %swap3A_775 : i32 to index
      %swap3A_778 = arith.constant 16 : index
      %swap3A_779 = tpu.vector_load %arg9[%swap3A_776, %swap3A_777, %swap3A_778] {strides = array<i32>} : memref<5x128x128xf32, #tpu.memory_space<vmem>>, vector<1x1x16xf32>,
      %swap3A_780 = vector.shape_cast %swap3A_779 : vector<1x1x16xf32> to vector<16xf32>
      %swap3A_781 = vector.shape_cast %broadcast_in_dim3A_773 : vector<16xf32> to vector<1x1x16xf32>
      tpu.vector_store %arg9[%swap3A_776, %swap3A_777, %swap3A_778], %swap3A_781 {strides = array<i32>} : memref<5x128x128xf32, #tpu.memory_space<vmem>>, vector<1x1x16xf32>,
      %broadcast_in_dim3A_782 = arith.constant 0.000000e+00 : f32
      %broadcast_in_dim3A_783 = vector.broadcast %broadcast_in_dim3A_782 : f32 to vector<16xf32>
      %swap3A_784 = arith.constant 0 : i32
      %swap3A_785 = arith.constant 9 : i32
      %swap3A_786 = arith.index_cast %swap3A_784 : i32 to index
      %swap3A_787 = arith.index_cast %swap3A_785 : i32 to index
      %swap3A_788 = arith.constant 32 : index
      %swap3A_789 = tpu.vector_load %arg9[%swap3A_786, %swap3A_787, %swap3A_788] {strides = array<i32>} : memref<5x128x128xf32, #tpu.memory_space<vmem>>, vector<1x1x16xf32>,
      %swap3A_790 = vector.shape_cast %swap3A_789 : vector<1x1x16xf32> to vector<16xf32>
      %swap3A_791 = vector.shape_cast %broadcast_in_dim3A_783 : vector<16xf32> to vector<1x1x16xf32>
      tpu.vector_store %arg9[%swap3A_786, %swap3A_787, %swap3A_788], %swap3A_791 {strides = array<i32>} : memref<5x128x128xf32, #tpu.memory_space<vmem>>, vector<1x1x16xf32>,
      %broadcast_in_dim3A_792 = arith.constant 0.000000e+00 : f32
      %broadcast_in_dim3A_793 = vector.broadcast %broadcast_in_dim3A_792 : f32 to vector<16xf32>
      %swap3A_794 = arith.constant 0 : i32
      %swap3A_795 = arith.constant 9 : i32
      %swap3A_796 = arith.index_cast %swap3A_794 : i32 to index
      %swap3A_797 = arith.index_cast %swap3A_795 : i32 to index
      %swap3A_798 = arith.constant 48 : index
      %swap3A_799 = tpu.vector_load %arg9[%swap3A_796, %swap3A_797, %swap3A_798] {strides = array<i32>} : memref<5x128x128xf32, #tpu.memory_space<vmem>>, vector<1x1x16xf32>,
      %swap3A_800 = vector.shape_cast %swap3A_799 : vector<1x1x16xf32> to vector<16xf32>
      %swap3A_801 = vector.shape_cast %broadcast_in_dim3A_793 : vector<16xf32> to vector<1x1x16xf32>
      tpu.vector_store %arg9[%swap3A_796, %swap3A_797, %swap3A_798], %swap3A_801 {strides = array<i32>} : memref<5x128x128xf32, #tpu.memory_space<vmem>>, vector<1x1x16xf32>,
      %broadcast_in_dim3A_802 = arith.constant 0.000000e+00 : f32
      %broadcast_in_dim3A_803 = vector.broadcast %broadcast_in_dim3A_802 : f32 to vector<16xf32>
      %swap3A_804 = arith.constant 0 : i32
      %swap3A_805 = arith.constant 9 : i32
      %swap3A_806 = arith.index_cast %swap3A_804 : i32 to index
      %swap3A_807 = arith.index_cast %swap3A_805 : i32 to index
      %swap3A_808 = arith.constant 64 : index
      %swap3A_809 = tpu.vector_load %arg9[%swap3A_806, %swap3A_807, %swap3A_808] {strides = array<i32>} : memref<5x128x128xf32, #tpu.memory_space<vmem>>, vector<1x1x16xf32>,
      %swap3A_810 = vector.shape_cast %swap3A_809 : vector<1x1x16xf32> to vector<16xf32>
      %swap3A_811 = vector.shape_cast %broadcast_in_dim3A_803 : vector<16xf32> to vector<1x1x16xf32>
      tpu.vector_store %arg9[%swap3A_806, %swap3A_807, %swap3A_808], %swap3A_811 {strides = array<i32>} : memref<5x128x128xf32, #tpu.memory_space<vmem>>, vector<1x1x16xf32>,
      %broadcast_in_dim3A_812 = arith.constant 0.000000e+00 : f32
      %broadcast_in_dim3A_813 = vector.broadcast %broadcast_in_dim3A_812 : f32 to vector<16xf32>
      %swap3A_814 = arith.constant 0 : i32
      %swap3A_815 = arith.constant 9 : i32
      %swap3A_816 = arith.index_cast %swap3A_814 : i32 to index
      %swap3A_817 = arith.index_cast %swap3A_815 : i32 to index
      %swap3A_818 = arith.constant 80 : index
      %swap3A_819 = tpu.vector_load %arg9[%swap3A_816, %swap3A_817, %swap3A_818] {strides = array<i32>} : memref<5x128x128xf32, #tpu.memory_space<vmem>>, vector<1x1x16xf32>,
      %swap3A_820 = vector.shape_cast %swap3A_819 : vector<1x1x16xf32> to vector<16xf32>
      %swap3A_821 = vector.shape_cast %broadcast_in_dim3A_813 : vector<16xf32> to vector<1x1x16xf32>
      tpu.vector_store %arg9[%swap3A_816, %swap3A_817, %swap3A_818], %swap3A_821 {strides = array<i32>} : memref<5x128x128xf32, #tpu.memory_space<vmem>>, vector<1x1x16xf32>,
      %broadcast_in_dim3A_822 = arith.constant 0.000000e+00 : f32
      %broadcast_in_dim3A_823 = vector.broadcast %broadcast_in_dim3A_822 : f32 to vector<16xf32>
      %swap3A_824 = arith.constant 0 : i32
      %swap3A_825 = arith.constant 9 : i32
      %swap3A_826 = arith.index_cast %swap3A_824 : i32 to index
      %swap3A_827 = arith.index_cast %swap3A_825 : i32 to index
      %swap3A_828 = arith.constant 96 : index
      %swap3A_829 = tpu.vector_load %arg9[%swap3A_826, %swap3A_827, %swap3A_828] {strides = array<i32>} : memref<5x128x128xf32, #tpu.memory_space<vmem>>, vector<1x1x16xf32>,
      %swap3A_830 = vector.shape_cast %swap3A_829 : vector<1x1x16xf32> to vector<16xf32>
      %swap3A_831 = vector.shape_cast %broadcast_in_dim3A_823 : vector<16xf32> to vector<1x1x16xf32>
      tpu.vector_store %arg9[%swap3A_826, %swap3A_827, %swap3A_828], %swap3A_831 {strides = array<i32>} : memref<5x128x128xf32, #tpu.memory_space<vmem>>, vector<1x1x16xf32>,
      %broadcast_in_dim3A_832 = arith.constant 0.000000e+00 : f32
      %broadcast_in_dim3A_833 = vector.broadcast %broadcast_in_dim3A_832 : f32 to vector<16xf32>
      %swap3A_834 = arith.constant 0 : i32
      %swap3A_835 = arith.constant 9 : i32
      %swap3A_836 = arith.index_cast %swap3A_834 : i32 to index
      %swap3A_837 = arith.index_cast %swap3A_835 : i32 to index
      %swap3A_838 = arith.constant 112 : index
      %swap3A_839 = tpu.vector_load %arg9[%swap3A_836, %swap3A_837, %swap3A_838] {strides = array<i32>} : memref<5x128x128xf32, #tpu.memory_space<vmem>>, vector<1x1x16xf32>,
      %swap3A_840 = vector.shape_cast %swap3A_839 : vector<1x1x16xf32> to vector<16xf32>
      %swap3A_841 = vector.shape_cast %broadcast_in_dim3A_833 : vector<16xf32> to vector<1x1x16xf32>
      tpu.vector_store %arg9[%swap3A_836, %swap3A_837, %swap3A_838], %swap3A_841 {strides = array<i32>} : memref<5x128x128xf32, #tpu.memory_space<vmem>>, vector<1x1x16xf32>,
      %broadcast_in_dim3A_842 = arith.constant 0.000000e+00 : f32
      %broadcast_in_dim3A_843 = vector.broadcast %broadcast_in_dim3A_842 : f32 to vector<16xf32>
      %swap3A_844 = arith.constant 0 : i32
      %swap3A_845 = arith.constant 10 : i32
      %swap3A_846 = arith.index_cast %swap3A_844 : i32 to index
      %swap3A_847 = arith.index_cast %swap3A_845 : i32 to index
      %swap3A_848 = arith.constant 0 : index
      %swap3A_849 = tpu.vector_load %arg9[%swap3A_846, %swap3A_847, %swap3A_848] {strides = array<i32>} : memref<5x128x128xf32, #tpu.memory_space<vmem>>, vector<1x1x16xf32>,
      %swap3A_850 = vector.shape_cast %swap3A_849 : vector<1x1x16xf32> to vector<16xf32>
      %swap3A_851 = vector.shape_cast %broadcast_in_dim3A_843 : vector<16xf32> to vector<1x1x16xf32>
      tpu.vector_store %arg9[%swap3A_846, %swap3A_847, %swap3A_848], %swap3A_851 {strides = array<i32>} : memref<5x128x128xf32, #tpu.memory_space<vmem>>, vector<1x1x16xf32>,
      %broadcast_in_dim3A_852 = arith.constant 0.000000e+00 : f32
      %broadcast_in_dim3A_853 = vector.broadcast %broadcast_in_dim3A_852 : f32 to vector<16xf32>
      %swap3A_854 = arith.constant 0 : i32
      %swap3A_855 = arith.constant 10 : i32
      %swap3A_856 = arith.index_cast %swap3A_854 : i32 to index
      %swap3A_857 = arith.index_cast %swap3A_855 : i32 to index
      %swap3A_858 = arith.constant 16 : index
      %swap3A_859 = tpu.vector_load %arg9[%swap3A_856, %swap3A_857, %swap3A_858] {strides = array<i32>} : memref<5x128x128xf32, #tpu.memory_space<vmem>>, vector<1x1x16xf32>,
      %swap3A_860 = vector.shape_cast %swap3A_859 : vector<1x1x16xf32> to vector<16xf32>
      %swap3A_861 = vector.shape_cast %broadcast_in_dim3A_853 : vector<16xf32> to vector<1x1x16xf32>
      tpu.vector_store %arg9[%swap3A_856, %swap3A_857, %swap3A_858], %swap3A_861 {strides = array<i32>} : memref<5x128x128xf32, #tpu.memory_space<vmem>>, vector<1x1x16xf32>,
      %broadcast_in_dim3A_862 = arith.constant 0.000000e+00 : f32
      %broadcast_in_dim3A_863 = vector.broadcast %broadcast_in_dim3A_862 : f32 to vector<16xf32>
      %swap3A_864 = arith.constant 0 : i32
      %swap3A_865 = arith.constant 10 : i32
      %swap3A_866 = arith.index_cast %swap3A_864 : i32 to index
      %swap3A_867 = arith.index_cast %swap3A_865 : i32 to index
      %swap3A_868 = arith.constant 32 : index
      %swap3A_869 = tpu.vector_load %arg9[%swap3A_866, %swap3A_867, %swap3A_868] {strides = array<i32>} : memref<5x128x128xf32, #tpu.memory_space<vmem>>, vector<1x1x16xf32>,
      %swap3A_870 = vector.shape_cast %swap3A_869 : vector<1x1x16xf32> to vector<16xf32>
      %swap3A_871 = vector.shape_cast %broadcast_in_dim3A_863 : vector<16xf32> to vector<1x1x16xf32>
      tpu.vector_store %arg9[%swap3A_866, %swap3A_867, %swap3A_868], %swap3A_871 {strides = array<i32>} : memref<5x128x128xf32, #tpu.memory_space<vmem>>, vector<1x1x16xf32>,
      %broadcast_in_dim3A_872 = arith.constant 0.000000e+00 : f32
      %broadcast_in_dim3A_873 = vector.broadcast %broadcast_in_dim3A_872 : f32 to vector<16xf32>
      %swap3A_874 = arith.constant 0 : i32
      %swap3A_875 = arith.constant 10 : i32
      %swap3A_876 = arith.index_cast %swap3A_874 : i32 to index
      %swap3A_877 = arith.index_cast %swap3A_875 : i32 to index
      %swap3A_878 = arith.constant 48 : index
      %swap3A_879 = tpu.vector_load %arg9[%swap3A_876, %swap3A_877, %swap3A_878] {strides = array<i32>} : memref<5x128x128xf32, #tpu.memory_space<vmem>>, vector<1x1x16xf32>,
      %swap3A_880 = vector.shape_cast %swap3A_879 : vector<1x1x16xf32> to vector<16xf32>
      %swap3A_881 = vector.shape_cast %broadcast_in_dim3A_873 : vector<16xf32> to vector<1x1x16xf32>
      tpu.vector_store %arg9[%swap3A_876, %swap3A_877, %swap3A_878], %swap3A_881 {strides = array<i32>} : memref<5x128x128xf32, #tpu.memory_space<vmem>>, vector<1x1x16xf32>,
      %broadcast_in_dim3A_882 = arith.constant 0.000000e+00 : f32
      %broadcast_in_dim3A_883 = vector.broadcast %broadcast_in_dim3A_882 : f32 to vector<16xf32>
      %swap3A_884 = arith.constant 0 : i32
      %swap3A_885 = arith.constant 10 : i32
      %swap3A_886 = arith.index_cast %swap3A_884 : i32 to index
      %swap3A_887 = arith.index_cast %swap3A_885 : i32 to index
      %swap3A_888 = arith.constant 64 : index
      %swap3A_889 = tpu.vector_load %arg9[%swap3A_886, %swap3A_887, %swap3A_888] {strides = array<i32>} : memref<5x128x128xf32, #tpu.memory_space<vmem>>, vector<1x1x16xf32>,
      %swap3A_890 = vector.shape_cast %swap3A_889 : vector<1x1x16xf32> to vector<16xf32>
      %swap3A_891 = vector.shape_cast %broadcast_in_dim3A_883 : vector<16xf32> to vector<1x1x16xf32>
      tpu.vector_store %arg9[%swap3A_886, %swap3A_887, %swap3A_888], %swap3A_891 {strides = array<i32>} : memref<5x128x128xf32, #tpu.memory_space<vmem>>, vector<1x1x16xf32>,
      %broadcast_in_dim3A_892 = arith.constant 0.000000e+00 : f32
      %broadcast_in_dim3A_893 = vector.broadcast %broadcast_in_dim3A_892 : f32 to vector<16xf32>
      %swap3A_894 = arith.constant 0 : i32
      %swap3A_895 = arith.constant 10 : i32
      %swap3A_896 = arith.index_cast %swap3A_894 : i32 to index
      %swap3A_897 = arith.index_cast %swap3A_895 : i32 to index
      %swap3A_898 = arith.constant 80 : index
      %swap3A_899 = tpu.vector_load %arg9[%swap3A_896, %swap3A_897, %swap3A_898] {strides = array<i32>} : memref<5x128x128xf32, #tpu.memory_space<vmem>>, vector<1x1x16xf32>,
      %swap3A_900 = vector.shape_cast %swap3A_899 : vector<1x1x16xf32> to vector<16xf32>
      %swap3A_901 = vector.shape_cast %broadcast_in_dim3A_893 : vector<16xf32> to vector<1x1x16xf32>
      tpu.vector_store %arg9[%swap3A_896, %swap3A_897, %swap3A_898], %swap3A_901 {strides = array<i32>} : memref<5x128x128xf32, #tpu.memory_space<vmem>>, vector<1x1x16xf32>,
      %broadcast_in_dim3A_902 = arith.constant 0.000000e+00 : f32
      %broadcast_in_dim3A_903 = vector.broadcast %broadcast_in_dim3A_902 : f32 to vector<16xf32>
      %swap3A_904 = arith.constant 0 : i32
      %swap3A_905 = arith.constant 10 : i32
      %swap3A_906 = arith.index_cast %swap3A_904 : i32 to index
      %swap3A_907 = arith.index_cast %swap3A_905 : i32 to index
      %swap3A_908 = arith.constant 96 : index
      %swap3A_909 = tpu.vector_load %arg9[%swap3A_906, %swap3A_907, %swap3A_908] {strides = array<i32>} : memref<5x128x128xf32, #tpu.memory_space<vmem>>, vector<1x1x16xf32>,
      %swap3A_910 = vector.shape_cast %swap3A_909 : vector<1x1x16xf32> to vector<16xf32>
      %swap3A_911 = vector.shape_cast %broadcast_in_dim3A_903 : vector<16xf32> to vector<1x1x16xf32>
      tpu.vector_store %arg9[%swap3A_906, %swap3A_907, %swap3A_908], %swap3A_911 {strides = array<i32>} : memref<5x128x128xf32, #tpu.memory_space<vmem>>, vector<1x1x16xf32>,
      %broadcast_in_dim3A_912 = arith.constant 0.000000e+00 : f32
      %broadcast_in_dim3A_913 = vector.broadcast %broadcast_in_dim3A_912 : f32 to vector<16xf32>
      %swap3A_914 = arith.constant 0 : i32
      %swap3A_915 = arith.constant 10 : i32
      %swap3A_916 = arith.index_cast %swap3A_914 : i32 to index
      %swap3A_917 = arith.index_cast %swap3A_915 : i32 to index
      %swap3A_918 = arith.constant 112 : index
      %swap3A_919 = tpu.vector_load %arg9[%swap3A_916, %swap3A_917, %swap3A_918] {strides = array<i32>} : memref<5x128x128xf32, #tpu.memory_space<vmem>>, vector<1x1x16xf32>,
      %swap3A_920 = vector.shape_cast %swap3A_919 : vector<1x1x16xf32> to vector<16xf32>
      %swap3A_921 = vector.shape_cast %broadcast_in_dim3A_913 : vector<16xf32> to vector<1x1x16xf32>
      tpu.vector_store %arg9[%swap3A_916, %swap3A_917, %swap3A_918], %swap3A_921 {strides = array<i32>} : memref<5x128x128xf32, #tpu.memory_space<vmem>>, vector<1x1x16xf32>,
      %broadcast_in_dim3A_922 = arith.constant 0.000000e+00 : f32
      %broadcast_in_dim3A_923 = vector.broadcast %broadcast_in_dim3A_922 : f32 to vector<16xf32>
      %swap3A_924 = arith.constant 0 : i32
      %swap3A_925 = arith.constant 11 : i32
      %swap3A_926 = arith.index_cast %swap3A_924 : i32 to index
      %swap3A_927 = arith.index_cast %swap3A_925 : i32 to index
      %swap3A_928 = arith.constant 0 : index
      %swap3A_929 = tpu.vector_load %arg9[%swap3A_926, %swap3A_927, %swap3A_928] {strides = array<i32>} : memref<5x128x128xf32, #tpu.memory_space<vmem>>, vector<1x1x16xf32>,
      %swap3A_930 = vector.shape_cast %swap3A_929 : vector<1x1x16xf32> to vector<16xf32>
      %swap3A_931 = vector.shape_cast %broadcast_in_dim3A_923 : vector<16xf32> to vector<1x1x16xf32>
      tpu.vector_store %arg9[%swap3A_926, %swap3A_927, %swap3A_928], %swap3A_931 {strides = array<i32>} : memref<5x128x128xf32, #tpu.memory_space<vmem>>, vector<1x1x16xf32>,
      %broadcast_in_dim3A_932 = arith.constant 0.000000e+00 : f32
      %broadcast_in_dim3A_933 = vector.broadcast %broadcast_in_dim3A_932 : f32 to vector<16xf32>
      %swap3A_934 = arith.constant 0 : i32
      %swap3A_935 = arith.constant 11 : i32
      %swap3A_936 = arith.index_cast %swap3A_934 : i32 to index
      %swap3A_937 = arith.index_cast %swap3A_935 : i32 to index
      %swap3A_938 = arith.constant 16 : index
      %swap3A_939 = tpu.vector_load %arg9[%swap3A_936, %swap3A_937, %swap3A_938] {strides = array<i32>} : memref<5x128x128xf32, #tpu.memory_space<vmem>>, vector<1x1x16xf32>,
      %swap3A_940 = vector.shape_cast %swap3A_939 : vector<1x1x16xf32> to vector<16xf32>
      %swap3A_941 = vector.shape_cast %broadcast_in_dim3A_933 : vector<16xf32> to vector<1x1x16xf32>
      tpu.vector_store %arg9[%swap3A_936, %swap3A_937, %swap3A_938], %swap3A_941 {strides = array<i32>} : memref<5x128x128xf32, #tpu.memory_space<vmem>>, vector<1x1x16xf32>,
      %broadcast_in_dim3A_942 = arith.constant 0.000000e+00 : f32
      %broadcast_in_dim3A_943 = vector.broadcast %broadcast_in_dim3A_942 : f32 to vector<16xf32>
      %swap3A_944 = arith.constant 0 : i32
      %swap3A_945 = arith.constant 11 : i32
      %swap3A_946 = arith.index_cast %swap3A_944 : i32 to index
      %swap3A_947 = arith.index_cast %swap3A_945 : i32 to index
      %swap3A_948 = arith.constant 32 : index
      %swap3A_949 = tpu.vector_load %arg9[%swap3A_946, %swap3A_947, %swap3A_948] {strides = array<i32>} : memref<5x128x128xf32, #tpu.memory_space<vmem>>, vector<1x1x16xf32>,
      %swap3A_950 = vector.shape_cast %swap3A_949 : vector<1x1x16xf32> to vector<16xf32>
      %swap3A_951 = vector.shape_cast %broadcast_in_dim3A_943 : vector<16xf32> to vector<1x1x16xf32>
      tpu.vector_store %arg9[%swap3A_946, %swap3A_947, %swap3A_948], %swap3A_951 {strides = array<i32>} : memref<5x128x128xf32, #tpu.memory_space<vmem>>, vector<1x1x16xf32>,
      %broadcast_in_dim3A_952 = arith.constant 0.000000e+00 : f32
      %broadcast_in_dim3A_953 = vector.broadcast %broadcast_in_dim3A_952 : f32 to vector<16xf32>
      %swap3A_954 = arith.constant 0 : i32
      %swap3A_955 = arith.constant 11 : i32
      %swap3A_956 = arith.index_cast %swap3A_954 : i32 to index
      %swap3A_957 = arith.index_cast %swap3A_955 : i32 to index
      %swap3A_958 = arith.constant 48 : index
      %swap3A_959 = tpu.vector_load %arg9[%swap3A_956, %swap3A_957, %swap3A_958] {strides = array<i32>} : memref<5x128x128xf32, #tpu.memory_space<vmem>>, vector<1x1x16xf32>,
      %swap3A_960 = vector.shape_cast %swap3A_959 : vector<1x1x16xf32> to vector<16xf32>
      %swap3A_961 = vector.shape_cast %broadcast_in_dim3A_953 : vector<16xf32> to vector<1x1x16xf32>
      tpu.vector_store %arg9[%swap3A_956, %swap3A_957, %swap3A_958], %swap3A_961 {strides = array<i32>} : memref<5x128x128xf32, #tpu.memory_space<vmem>>, vector<1x1x16xf32>,
      %broadcast_in_dim3A_962 = arith.constant 0.000000e+00 : f32
      %broadcast_in_dim3A_963 = vector.broadcast %broadcast_in_dim3A_962 : f32 to vector<16xf32>
      %swap3A_964 = arith.constant 0 : i32
      %swap3A_965 = arith.constant 11 : i32
      %swap3A_966 = arith.index_cast %swap3A_964 : i32 to index
      %swap3A_967 = arith.index_cast %swap3A_965 : i32 to index
      %swap3A_968 = arith.constant 64 : index
      %swap3A_969 = tpu.vector_load %arg9[%swap3A_966, %swap3A_967, %swap3A_968] {strides = array<i32>} : memref<5x128x128xf32, #tpu.memory_space<vmem>>, vector<1x1x16xf32>,
      %swap3A_970 = vector.shape_cast %swap3A_969 : vector<1x1x16xf32> to vector<16xf32>
      %swap3A_971 = vector.shape_cast %broadcast_in_dim3A_963 : vector<16xf32> to vector<1x1x16xf32>
      tpu.vector_store %arg9[%swap3A_966, %swap3A_967, %swap3A_968], %swap3A_971 {strides = array<i32>} : memref<5x128x128xf32, #tpu.memory_space<vmem>>, vector<1x1x16xf32>,
      %broadcast_in_dim3A_972 = arith.constant 0.000000e+00 : f32
      %broadcast_in_dim3A_973 = vector.broadcast %broadcast_in_dim3A_972 : f32 to vector<16xf32>
      %swap3A_974 = arith.constant 0 : i32
      %swap3A_975 = arith.constant 11 : i32
      %swap3A_976 = arith.index_cast %swap3A_974 : i32 to index
      %swap3A_977 = arith.index_cast %swap3A_975 : i32 to index
      %swap3A_978 = arith.constant 80 : index
      %swap3A_979 = tpu.vector_load %arg9[%swap3A_976, %swap3A_977, %swap3A_978] {strides = array<i32>} : memref<5x128x128xf32, #tpu.memory_space<vmem>>, vector<1x1x16xf32>,
      %swap3A_980 = vector.shape_cast %swap3A_979 : vector<1x1x16xf32> to vector<16xf32>
      %swap3A_981 = vector.shape_cast %broadcast_in_dim3A_973 : vector<16xf32> to vector<1x1x16xf32>
      tpu.vector_store %arg9[%swap3A_976, %swap3A_977, %swap3A_978], %swap3A_981 {strides = array<i32>} : memref<5x128x128xf32, #tpu.memory_space<vmem>>, vector<1x1x16xf32>,
      %broadcast_in_dim3A_982 = arith.constant 0.000000e+00 : f32
      %broadcast_in_dim3A_983 = vector.broadcast %broadcast_in_dim3A_982 : f32 to vector<16xf32>
      %swap3A_984 = arith.constant 0 : i32
      %swap3A_985 = arith.constant 11 : i32
      %swap3A_986 = arith.index_cast %swap3A_984 : i32 to index
      %swap3A_987 = arith.index_cast %swap3A_985 : i32 to index
      %swap3A_988 = arith.constant 96 : index
      %swap3A_989 = tpu.vector_load %arg9[%swap3A_986, %swap3A_987, %swap3A_988] {strides = array<i32>} : memref<5x128x128xf32, #tpu.memory_space<vmem>>, vector<1x1x16xf32>,
      %swap3A_990 = vector.shape_cast %swap3A_989 : vector<1x1x16xf32> to vector<16xf32>
      %swap3A_991 = vector.shape_cast %broadcast_in_dim3A_983 : vector<16xf32> to vector<1x1x16xf32>
      tpu.vector_store %arg9[%swap3A_986, %swap3A_987, %swap3A_988], %swap3A_991 {strides = array<i32>} : memref<5x128x128xf32, #tpu.memory_space<vmem>>, vector<1x1x16xf32>,
      %broadcast_in_dim3A_992 = arith.constant 0.000000e+00 : f32
      %broadcast_in_dim3A_993 = vector.broadcast %broadcast_in_dim3A_992 : f32 to vector<16xf32>
      %swap3A_994 = arith.constant 0 : i32
      %swap3A_995 = arith.constant 11 : i32
      %swap3A_996 = arith.index_cast %swap3A_994 : i32 to index
      %swap3A_997 = arith.index_cast %swap3A_995 : i32 to index
      %swap3A_998 = arith.constant 112 : index
      %swap3A_999 = tpu.vector_load %arg9[%swap3A_996, %swap3A_997, %swap3A_998] {strides = array<i32>} : memref<5x128x128xf32, #tpu.memory_space<vmem>>, vector<1x1x16xf32>,
      %swap3A_1000 = vector.shape_cast %swap3A_999 : vector<1x1x16xf32> to vector<16xf32>
      %swap3A_1001 = vector.shape_cast %broadcast_in_dim3A_993 : vector<16xf32> to vector<1x1x16xf32>
      tpu.vector_store %arg9[%swap3A_996, %swap3A_997, %swap3A_998], %swap3A_1001 {strides = array<i32>} : memref<5x128x128xf32, #tpu.memory_space<vmem>>, vector<1x1x16xf32>,
      %broadcast_in_dim3A_1002 = arith.constant 0.000000e+00 : f32
      %broadcast_in_dim3A_1003 = vector.broadcast %broadcast_in_dim3A_1002 : f32 to vector<16xf32>
      %swap3A_1004 = arith.constant 0 : i32
      %swap3A_1005 = arith.constant 12 : i32
      %swap3A_1006 = arith.index_cast %swap3A_1004 : i32 to index
      %swap3A_1007 = arith.index_cast %swap3A_1005 : i32 to index
      %swap3A_1008 = arith.constant 0 : index
      %swap3A_1009 = tpu.vector_load %arg9[%swap3A_1006, %swap3A_1007, %swap3A_1008] {strides = array<i32>} : memref<5x128x128xf32, #tpu.memory_space<vmem>>, vector<1x1x16xf32>,
      %swap3A_1010 = vector.shape_cast %swap3A_1009 : vector<1x1x16xf32> to vector<16xf32>
      %swap3A_1011 = vector.shape_cast %broadcast_in_dim3A_1003 : vector<16xf32> to vector<1x1x16xf32>
      tpu.vector_store %arg9[%swap3A_1006, %swap3A_1007, %swap3A_1008], %swap3A_1011 {strides = array<i32>} : memref<5x128x128xf32, #tpu.memory_space<vmem>>, vector<1x1x16xf32>,
      %broadcast_in_dim3A_1012 = arith.constant 0.000000e+00 : f32
      %broadcast_in_dim3A_1013 = vector.broadcast %broadcast_in_dim3A_1012 : f32 to vector<16xf32>
      %swap3A_1014 = arith.constant 0 : i32
      %swap3A_1015 = arith.constant 12 : i32
      %swap3A_1016 = arith.index_cast %swap3A_1014 : i32 to index
      %swap3A_1017 = arith.index_cast %swap3A_1015 : i32 to index
      %swap3A_1018 = arith.constant 16 : index
      %swap3A_1019 = tpu.vector_load %arg9[%swap3A_1016, %swap3A_1017, %swap3A_1018] {strides = array<i32>} : memref<5x128x128xf32, #tpu.memory_space<vmem>>, vector<1x1x16xf32>,
      %swap3A_1020 = vector.shape_cast %swap3A_1019 : vector<1x1x16xf32> to vector<16xf32>
      %swap3A_1021 = vector.shape_cast %broadcast_in_dim3A_1013 : vector<16xf32> to vector<1x1x16xf32>
      tpu.vector_store %arg9[%swap3A_1016, %swap3A_1017, %swap3A_1018], %swap3A_1021 {strides = array<i32>} : memref<5x128x128xf32, #tpu.memory_space<vmem>>, vector<1x1x16xf32>,
      %broadcast_in_dim3A_1022 = arith.constant 0.000000e+00 : f32
      %broadcast_in_dim3A_1023 = vector.broadcast %broadcast_in_dim3A_1022 : f32 to vector<16xf32>
      %swap3A_1024 = arith.constant 0 : i32
      %swap3A_1025 = arith.constant 12 : i32
      %swap3A_1026 = arith.index_cast %swap3A_1024 : i32 to index
      %swap3A_1027 = arith.index_cast %swap3A_1025 : i32 to index
      %swap3A_1028 = arith.constant 32 : index
      %swap3A_1029 = tpu.vector_load %arg9[%swap3A_1026, %swap3A_1027, %swap3A_1028] {strides = array<i32>} : memref<5x128x128xf32, #tpu.memory_space<vmem>>, vector<1x1x16xf32>,
      %swap3A_1030 = vector.shape_cast %swap3A_1029 : vector<1x1x16xf32> to vector<16xf32>
      %swap3A_1031 = vector.shape_cast %broadcast_in_dim3A_1023 : vector<16xf32> to vector<1x1x16xf32>
      tpu.vector_store %arg9[%swap3A_1026, %swap3A_1027, %swap3A_1028], %swap3A_1031 {strides = array<i32>} : memref<5x128x128xf32, #tpu.memory_space<vmem>>, vector<1x1x16xf32>,
      %broadcast_in_dim3A_1032 = arith.constant 0.000000e+00 : f32
      %broadcast_in_dim3A_1033 = vector.broadcast %broadcast_in_dim3A_1032 : f32 to vector<16xf32>
      %swap3A_1034 = arith.constant 0 : i32
      %swap3A_1035 = arith.constant 12 : i32
      %swap3A_1036 = arith.index_cast %swap3A_1034 : i32 to index
      %swap3A_1037 = arith.index_cast %swap3A_1035 : i32 to index
      %swap3A_1038 = arith.constant 48 : index
      %swap3A_1039 = tpu.vector_load %arg9[%swap3A_1036, %swap3A_1037, %swap3A_1038] {strides = array<i32>} : memref<5x128x128xf32, #tpu.memory_space<vmem>>, vector<1x1x16xf32>,
      %swap3A_1040 = vector.shape_cast %swap3A_1039 : vector<1x1x16xf32> to vector<16xf32>
      %swap3A_1041 = vector.shape_cast %broadcast_in_dim3A_1033 : vector<16xf32> to vector<1x1x16xf32>
      tpu.vector_store %arg9[%swap3A_1036, %swap3A_1037, %swap3A_1038], %swap3A_1041 {strides = array<i32>} : memref<5x128x128xf32, #tpu.memory_space<vmem>>, vector<1x1x16xf32>,
      %broadcast_in_dim3A_1042 = arith.constant 0.000000e+00 : f32
      %broadcast_in_dim3A_1043 = vector.broadcast %broadcast_in_dim3A_1042 : f32 to vector<16xf32>
      %swap3A_1044 = arith.constant 0 : i32
      %swap3A_1045 = arith.constant 12 : i32
      %swap3A_1046 = arith.index_cast %swap3A_1044 : i32 to index
      %swap3A_1047 = arith.index_cast %swap3A_1045 : i32 to index
      %swap3A_1048 = arith.constant 64 : index
      %swap3A_1049 = tpu.vector_load %arg9[%swap3A_1046, %swap3A_1047, %swap3A_1048] {strides = array<i32>} : memref<5x128x128xf32, #tpu.memory_space<vmem>>, vector<1x1x16xf32>,
      %swap3A_1050 = vector.shape_cast %swap3A_1049 : vector<1x1x16xf32> to vector<16xf32>
      %swap3A_1051 = vector.shape_cast %broadcast_in_dim3A_1043 : vector<16xf32> to vector<1x1x16xf32>
      tpu.vector_store %arg9[%swap3A_1046, %swap3A_1047, %swap3A_1048], %swap3A_1051 {strides = array<i32>} : memref<5x128x128xf32, #tpu.memory_space<vmem>>, vector<1x1x16xf32>,
      %broadcast_in_dim3A_1052 = arith.constant 0.000000e+00 : f32
      %broadcast_in_dim3A_1053 = vector.broadcast %broadcast_in_dim3A_1052 : f32 to vector<16xf32>
      %swap3A_1054 = arith.constant 0 : i32
      %swap3A_1055 = arith.constant 12 : i32
      %swap3A_1056 = arith.index_cast %swap3A_1054 : i32 to index
      %swap3A_1057 = arith.index_cast %swap3A_1055 : i32 to index
      %swap3A_1058 = arith.constant 80 : index
      %swap3A_1059 = tpu.vector_load %arg9[%swap3A_1056, %swap3A_1057, %swap3A_1058] {strides = array<i32>} : memref<5x128x128xf32, #tpu.memory_space<vmem>>, vector<1x1x16xf32>,
      %swap3A_1060 = vector.shape_cast %swap3A_1059 : vector<1x1x16xf32> to vector<16xf32>
      %swap3A_1061 = vector.shape_cast %broadcast_in_dim3A_1053 : vector<16xf32> to vector<1x1x16xf32>
      tpu.vector_store %arg9[%swap3A_1056, %swap3A_1057, %swap3A_1058], %swap3A_1061 {strides = array<i32>} : memref<5x128x128xf32, #tpu.memory_space<vmem>>, vector<1x1x16xf32>,
      %broadcast_in_dim3A_1062 = arith.constant 0.000000e+00 : f32
      %broadcast_in_dim3A_1063 = vector.broadcast %broadcast_in_dim3A_1062 : f32 to vector<16xf32>
      %swap3A_1064 = arith.constant 0 : i32
      %swap3A_1065 = arith.constant 12 : i32
      %swap3A_1066 = arith.index_cast %swap3A_1064 : i32 to index
      %swap3A_1067 = arith.index_cast %swap3A_1065 : i32 to index
      %swap3A_1068 = arith.constant 96 : index
      %swap3A_1069 = tpu.vector_load %arg9[%swap3A_1066, %swap3A_1067, %swap3A_1068] {strides = array<i32>} : memref<5x128x128xf32, #tpu.memory_space<vmem>>, vector<1x1x16xf32>,
      %swap3A_1070 = vector.shape_cast %swap3A_1069 : vector<1x1x16xf32> to vector<16xf32>
      %swap3A_1071 = vector.shape_cast %broadcast_in_dim3A_1063 : vector<16xf32> to vector<1x1x16xf32>
      tpu.vector_store %arg9[%swap3A_1066, %swap3A_1067, %swap3A_1068], %swap3A_1071 {strides = array<i32>} : memref<5x128x128xf32, #tpu.memory_space<vmem>>, vector<1x1x16xf32>,
      %broadcast_in_dim3A_1072 = arith.constant 0.000000e+00 : f32
      %broadcast_in_dim3A_1073 = vector.broadcast %broadcast_in_dim3A_1072 : f32 to vector<16xf32>
      %swap3A_1074 = arith.constant 0 : i32
      %swap3A_1075 = arith.constant 12 : i32
      %swap3A_1076 = arith.index_cast %swap3A_1074 : i32 to index
      %swap3A_1077 = arith.index_cast %swap3A_1075 : i32 to index
      %swap3A_1078 = arith.constant 112 : index
      %swap3A_1079 = tpu.vector_load %arg9[%swap3A_1076, %swap3A_1077, %swap3A_1078] {strides = array<i32>} : memref<5x128x128xf32, #tpu.memory_space<vmem>>, vector<1x1x16xf32>,
      %swap3A_1080 = vector.shape_cast %swap3A_1079 : vector<1x1x16xf32> to vector<16xf32>
      %swap3A_1081 = vector.shape_cast %broadcast_in_dim3A_1073 : vector<16xf32> to vector<1x1x16xf32>
      tpu.vector_store %arg9[%swap3A_1076, %swap3A_1077, %swap3A_1078], %swap3A_1081 {strides = array<i32>} : memref<5x128x128xf32, #tpu.memory_space<vmem>>, vector<1x1x16xf32>,
      %broadcast_in_dim3A_1082 = arith.constant 0.000000e+00 : f32
      %broadcast_in_dim3A_1083 = vector.broadcast %broadcast_in_dim3A_1082 : f32 to vector<16xf32>
      %swap3A_1084 = arith.constant 0 : i32
      %swap3A_1085 = arith.constant 13 : i32
      %swap3A_1086 = arith.index_cast %swap3A_1084 : i32 to index
      %swap3A_1087 = arith.index_cast %swap3A_1085 : i32 to index
      %swap3A_1088 = arith.constant 0 : index
      %swap3A_1089 = tpu.vector_load %arg9[%swap3A_1086, %swap3A_1087, %swap3A_1088] {strides = array<i32>} : memref<5x128x128xf32, #tpu.memory_space<vmem>>, vector<1x1x16xf32>,
      %swap3A_1090 = vector.shape_cast %swap3A_1089 : vector<1x1x16xf32> to vector<16xf32>
      %swap3A_1091 = vector.shape_cast %broadcast_in_dim3A_1083 : vector<16xf32> to vector<1x1x16xf32>
      tpu.vector_store %arg9[%swap3A_1086, %swap3A_1087, %swap3A_1088], %swap3A_1091 {strides = array<i32>} : memref<5x128x128xf32, #tpu.memory_space<vmem>>, vector<1x1x16xf32>,
      %broadcast_in_dim3A_1092 = arith.constant 0.000000e+00 : f32
      %broadcast_in_dim3A_1093 = vector.broadcast %broadcast_in_dim3A_1092 : f32 to vector<16xf32>
      %swap3A_1094 = arith.constant 0 : i32
      %swap3A_1095 = arith.constant 13 : i32
      %swap3A_1096 = arith.index_cast %swap3A_1094 : i32 to index
      %swap3A_1097 = arith.index_cast %swap3A_1095 : i32 to index
      %swap3A_1098 = arith.constant 16 : index
      %swap3A_1099 = tpu.vector_load %arg9[%swap3A_1096, %swap3A_1097, %swap3A_1098] {strides = array<i32>} : memref<5x128x128xf32, #tpu.memory_space<vmem>>, vector<1x1x16xf32>,
      %swap3A_1100 = vector.shape_cast %swap3A_1099 : vector<1x1x16xf32> to vector<16xf32>
      %swap3A_1101 = vector.shape_cast %broadcast_in_dim3A_1093 : vector<16xf32> to vector<1x1x16xf32>
      tpu.vector_store %arg9[%swap3A_1096, %swap3A_1097, %swap3A_1098], %swap3A_1101 {strides = array<i32>} : memref<5x128x128xf32, #tpu.memory_space<vmem>>, vector<1x1x16xf32>,
      %broadcast_in_dim3A_1102 = arith.constant 0.000000e+00 : f32
      %broadcast_in_dim3A_1103 = vector.broadcast %broadcast_in_dim3A_1102 : f32 to vector<16xf32>
      %swap3A_1104 = arith.constant 0 : i32
      %swap3A_1105 = arith.constant 13 : i32
      %swap3A_1106 = arith.index_cast %swap3A_1104 : i32 to index
      %swap3A_1107 = arith.index_cast %swap3A_1105 : i32 to index
      %swap3A_1108 = arith.constant 32 : index
      %swap3A_1109 = tpu.vector_load %arg9[%swap3A_1106, %swap3A_1107, %swap3A_1108] {strides = array<i32>} : memref<5x128x128xf32, #tpu.memory_space<vmem>>, vector<1x1x16xf32>,
      %swap3A_1110 = vector.shape_cast %swap3A_1109 : vector<1x1x16xf32> to vector<16xf32>
      %swap3A_1111 = vector.shape_cast %broadcast_in_dim3A_1103 : vector<16xf32> to vector<1x1x16xf32>
      tpu.vector_store %arg9[%swap3A_1106, %swap3A_1107, %swap3A_1108], %swap3A_1111 {strides = array<i32>} : memref<5x128x128xf32, #tpu.memory_space<vmem>>, vector<1x1x16xf32>,
      %broadcast_in_dim3A_1112 = arith.constant 0.000000e+00 : f32
      %broadcast_in_dim3A_1113 = vector.broadcast %broadcast_in_dim3A_1112 : f32 to vector<16xf32>
      %swap3A_1114 = arith.constant 0 : i32
      %swap3A_1115 = arith.constant 13 : i32
      %swap3A_1116 = arith.index_cast %swap3A_1114 : i32 to index
      %swap3A_1117 = arith.index_cast %swap3A_1115 : i32 to index
      %swap3A_1118 = arith.constant 48 : index
      %swap3A_1119 = tpu.vector_load %arg9[%swap3A_1116, %swap3A_1117, %swap3A_1118] {strides = array<i32>} : memref<5x128x128xf32, #tpu.memory_space<vmem>>, vector<1x1x16xf32>,
      %swap3A_1120 = vector.shape_cast %swap3A_1119 : vector<1x1x16xf32> to vector<16xf32>
      %swap3A_1121 = vector.shape_cast %broadcast_in_dim3A_1113 : vector<16xf32> to vector<1x1x16xf32>
      tpu.vector_store %arg9[%swap3A_1116, %swap3A_1117, %swap3A_1118], %swap3A_1121 {strides = array<i32>} : memref<5x128x128xf32, #tpu.memory_space<vmem>>, vector<1x1x16xf32>,
      %broadcast_in_dim3A_1122 = arith.constant 0.000000e+00 : f32
      %broadcast_in_dim3A_1123 = vector.broadcast %broadcast_in_dim3A_1122 : f32 to vector<16xf32>
      %swap3A_1124 = arith.constant 0 : i32
      %swap3A_1125 = arith.constant 13 : i32
      %swap3A_1126 = arith.index_cast %swap3A_1124 : i32 to index
      %swap3A_1127 = arith.index_cast %swap3A_1125 : i32 to index
      %swap3A_1128 = arith.constant 64 : index
      %swap3A_1129 = tpu.vector_load %arg9[%swap3A_1126, %swap3A_1127, %swap3A_1128] {strides = array<i32>} : memref<5x128x128xf32, #tpu.memory_space<vmem>>, vector<1x1x16xf32>,
      %swap3A_1130 = vector.shape_cast %swap3A_1129 : vector<1x1x16xf32> to vector<16xf32>
      %swap3A_1131 = vector.shape_cast %broadcast_in_dim3A_1123 : vector<16xf32> to vector<1x1x16xf32>
      tpu.vector_store %arg9[%swap3A_1126, %swap3A_1127, %swap3A_1128], %swap3A_1131 {strides = array<i32>} : memref<5x128x128xf32, #tpu.memory_space<vmem>>, vector<1x1x16xf32>,
      %broadcast_in_dim3A_1132 = arith.constant 0.000000e+00 : f32
      %broadcast_in_dim3A_1133 = vector.broadcast %broadcast_in_dim3A_1132 : f32 to vector<16xf32>
      %swap3A_1134 = arith.constant 0 : i32
      %swap3A_1135 = arith.constant 13 : i32
      %swap3A_1136 = arith.index_cast %swap3A_1134 : i32 to index
      %swap3A_1137 = arith.index_cast %swap3A_1135 : i32 to index
      %swap3A_1138 = arith.constant 80 : index
      %swap3A_1139 = tpu.vector_load %arg9[%swap3A_1136, %swap3A_1137, %swap3A_1138] {strides = array<i32>} : memref<5x128x128xf32, #tpu.memory_space<vmem>>, vector<1x1x16xf32>,
      %swap3A_1140 = vector.shape_cast %swap3A_1139 : vector<1x1x16xf32> to vector<16xf32>
      %swap3A_1141 = vector.shape_cast %broadcast_in_dim3A_1133 : vector<16xf32> to vector<1x1x16xf32>
      tpu.vector_store %arg9[%swap3A_1136, %swap3A_1137, %swap3A_1138], %swap3A_1141 {strides = array<i32>} : memref<5x128x128xf32, #tpu.memory_space<vmem>>, vector<1x1x16xf32>,
      %broadcast_in_dim3A_1142 = arith.constant 0.000000e+00 : f32
      %broadcast_in_dim3A_1143 = vector.broadcast %broadcast_in_dim3A_1142 : f32 to vector<16xf32>
      %swap3A_1144 = arith.constant 0 : i32
      %swap3A_1145 = arith.constant 13 : i32
      %swap3A_1146 = arith.index_cast %swap3A_1144 : i32 to index
      %swap3A_1147 = arith.index_cast %swap3A_1145 : i32 to index
      %swap3A_1148 = arith.constant 96 : index
      %swap3A_1149 = tpu.vector_load %arg9[%swap3A_1146, %swap3A_1147, %swap3A_1148] {strides = array<i32>} : memref<5x128x128xf32, #tpu.memory_space<vmem>>, vector<1x1x16xf32>,
      %swap3A_1150 = vector.shape_cast %swap3A_1149 : vector<1x1x16xf32> to vector<16xf32>
      %swap3A_1151 = vector.shape_cast %broadcast_in_dim3A_1143 : vector<16xf32> to vector<1x1x16xf32>
      tpu.vector_store %arg9[%swap3A_1146, %swap3A_1147, %swap3A_1148], %swap3A_1151 {strides = array<i32>} : memref<5x128x128xf32, #tpu.memory_space<vmem>>, vector<1x1x16xf32>,
      %broadcast_in_dim3A_1152 = arith.constant 0.000000e+00 : f32
      %broadcast_in_dim3A_1153 = vector.broadcast %broadcast_in_dim3A_1152 : f32 to vector<16xf32>
      %swap3A_1154 = arith.constant 0 : i32
      %swap3A_1155 = arith.constant 13 : i32
      %swap3A_1156 = arith.index_cast %swap3A_1154 : i32 to index
      %swap3A_1157 = arith.index_cast %swap3A_1155 : i32 to index
      %swap3A_1158 = arith.constant 112 : index
      %swap3A_1159 = tpu.vector_load %arg9[%swap3A_1156, %swap3A_1157, %swap3A_1158] {strides = array<i32>} : memref<5x128x128xf32, #tpu.memory_space<vmem>>, vector<1x1x16xf32>,
      %swap3A_1160 = vector.shape_cast %swap3A_1159 : vector<1x1x16xf32> to vector<16xf32>
      %swap3A_1161 = vector.shape_cast %broadcast_in_dim3A_1153 : vector<16xf32> to vector<1x1x16xf32>
      tpu.vector_store %arg9[%swap3A_1156, %swap3A_1157, %swap3A_1158], %swap3A_1161 {strides = array<i32>} : memref<5x128x128xf32, #tpu.memory_space<vmem>>, vector<1x1x16xf32>,
      %broadcast_in_dim3A_1162 = arith.constant 0.000000e+00 : f32
      %broadcast_in_dim3A_1163 = vector.broadcast %broadcast_in_dim3A_1162 : f32 to vector<16xf32>
      %swap3A_1164 = arith.constant 0 : i32
      %swap3A_1165 = arith.constant 14 : i32
      %swap3A_1166 = arith.index_cast %swap3A_1164 : i32 to index
      %swap3A_1167 = arith.index_cast %swap3A_1165 : i32 to index
      %swap3A_1168 = arith.constant 0 : index
      %swap3A_1169 = tpu.vector_load %arg9[%swap3A_1166, %swap3A_1167, %swap3A_1168] {strides = array<i32>} : memref<5x128x128xf32, #tpu.memory_space<vmem>>, vector<1x1x16xf32>,
      %swap3A_1170 = vector.shape_cast %swap3A_1169 : vector<1x1x16xf32> to vector<16xf32>
      %swap3A_1171 = vector.shape_cast %broadcast_in_dim3A_1163 : vector<16xf32> to vector<1x1x16xf32>
      tpu.vector_store %arg9[%swap3A_1166, %swap3A_1167, %swap3A_1168], %swap3A_1171 {strides = array<i32>} : memref<5x128x128xf32, #tpu.memory_space<vmem>>, vector<1x1x16xf32>,
      %broadcast_in_dim3A_1172 = arith.constant 0.000000e+00 : f32
      %broadcast_in_dim3A_1173 = vector.broadcast %broadcast_in_dim3A_1172 : f32 to vector<16xf32>
      %swap3A_1174 = arith.constant 0 : i32
      %swap3A_1175 = arith.constant 14 : i32
      %swap3A_1176 = arith.index_cast %swap3A_1174 : i32 to index
      %swap3A_1177 = arith.index_cast %swap3A_1175 : i32 to index
      %swap3A_1178 = arith.constant 16 : index
      %swap3A_1179 = tpu.vector_load %arg9[%swap3A_1176, %swap3A_1177, %swap3A_1178] {strides = array<i32>} : memref<5x128x128xf32, #tpu.memory_space<vmem>>, vector<1x1x16xf32>,
      %swap3A_1180 = vector.shape_cast %swap3A_1179 : vector<1x1x16xf32> to vector<16xf32>
      %swap3A_1181 = vector.shape_cast %broadcast_in_dim3A_1173 : vector<16xf32> to vector<1x1x16xf32>
      tpu.vector_store %arg9[%swap3A_1176, %swap3A_1177, %swap3A_1178], %swap3A_1181 {strides = array<i32>} : memref<5x128x128xf32, #tpu.memory_space<vmem>>, vector<1x1x16xf32>,
      %broadcast_in_dim3A_1182 = arith.constant 0.000000e+00 : f32
      %broadcast_in_dim3A_1183 = vector.broadcast %broadcast_in_dim3A_1182 : f32 to vector<16xf32>
      %swap3A_1184 = arith.constant 0 : i32
      %swap3A_1185 = arith.constant 14 : i32
      %swap3A_1186 = arith.index_cast %swap3A_1184 : i32 to index
      %swap3A_1187 = arith.index_cast %swap3A_1185 : i32 to index
      %swap3A_1188 = arith.constant 32 : index
      %swap3A_1189 = tpu.vector_load %arg9[%swap3A_1186, %swap3A_1187, %swap3A_1188] {strides = array<i32>} : memref<5x128x128xf32, #tpu.memory_space<vmem>>, vector<1x1x16xf32>,
      %swap3A_1190 = vector.shape_cast %swap3A_1189 : vector<1x1x16xf32> to vector<16xf32>
      %swap3A_1191 = vector.shape_cast %broadcast_in_dim3A_1183 : vector<16xf32> to vector<1x1x16xf32>
      tpu.vector_store %arg9[%swap3A_1186, %swap3A_1187, %swap3A_1188], %swap3A_1191 {strides = array<i32>} : memref<5x128x128xf32, #tpu.memory_space<vmem>>, vector<1x1x16xf32>,
      %broadcast_in_dim3A_1192 = arith.constant 0.000000e+00 : f32
      %broadcast_in_dim3A_1193 = vector.broadcast %broadcast_in_dim3A_1192 : f32 to vector<16xf32>
      %swap3A_1194 = arith.constant 0 : i32
      %swap3A_1195 = arith.constant 14 : i32
      %swap3A_1196 = arith.index_cast %swap3A_1194 : i32 to index
      %swap3A_1197 = arith.index_cast %swap3A_1195 : i32 to index
      %swap3A_1198 = arith.constant 48 : index
      %swap3A_1199 = tpu.vector_load %arg9[%swap3A_1196, %swap3A_1197, %swap3A_1198] {strides = array<i32>} : memref<5x128x128xf32, #tpu.memory_space<vmem>>, vector<1x1x16xf32>,
      %swap3A_1200 = vector.shape_cast %swap3A_1199 : vector<1x1x16xf32> to vector<16xf32>
      %swap3A_1201 = vector.shape_cast %broadcast_in_dim3A_1193 : vector<16xf32> to vector<1x1x16xf32>
      tpu.vector_store %arg9[%swap3A_1196, %swap3A_1197, %swap3A_1198], %swap3A_1201 {strides = array<i32>} : memref<5x128x128xf32, #tpu.memory_space<vmem>>, vector<1x1x16xf32>,
      %broadcast_in_dim3A_1202 = arith.constant 0.000000e+00 : f32
      %broadcast_in_dim3A_1203 = vector.broadcast %broadcast_in_dim3A_1202 : f32 to vector<16xf32>
      %swap3A_1204 = arith.constant 0 : i32
      %swap3A_1205 = arith.constant 14 : i32
      %swap3A_1206 = arith.index_cast %swap3A_1204 : i32 to index
      %swap3A_1207 = arith.index_cast %swap3A_1205 : i32 to index
      %swap3A_1208 = arith.constant 64 : index
      %swap3A_1209 = tpu.vector_load %arg9[%swap3A_1206, %swap3A_1207, %swap3A_1208] {strides = array<i32>} : memref<5x128x128xf32, #tpu.memory_space<vmem>>, vector<1x1x16xf32>,
      %swap3A_1210 = vector.shape_cast %swap3A_1209 : vector<1x1x16xf32> to vector<16xf32>
      %swap3A_1211 = vector.shape_cast %broadcast_in_dim3A_1203 : vector<16xf32> to vector<1x1x16xf32>
      tpu.vector_store %arg9[%swap3A_1206, %swap3A_1207, %swap3A_1208], %swap3A_1211 {strides = array<i32>} : memref<5x128x128xf32, #tpu.memory_space<vmem>>, vector<1x1x16xf32>,
      %broadcast_in_dim3A_1212 = arith.constant 0.000000e+00 : f32
      %broadcast_in_dim3A_1213 = vector.broadcast %broadcast_in_dim3A_1212 : f32 to vector<16xf32>
      %swap3A_1214 = arith.constant 0 : i32
      %swap3A_1215 = arith.constant 14 : i32
      %swap3A_1216 = arith.index_cast %swap3A_1214 : i32 to index
      %swap3A_1217 = arith.index_cast %swap3A_1215 : i32 to index
      %swap3A_1218 = arith.constant 80 : index
      %swap3A_1219 = tpu.vector_load %arg9[%swap3A_1216, %swap3A_1217, %swap3A_1218] {strides = array<i32>} : memref<5x128x128xf32, #tpu.memory_space<vmem>>, vector<1x1x16xf32>,
      %swap3A_1220 = vector.shape_cast %swap3A_1219 : vector<1x1x16xf32> to vector<16xf32>
      %swap3A_1221 = vector.shape_cast %broadcast_in_dim3A_1213 : vector<16xf32> to vector<1x1x16xf32>
      tpu.vector_store %arg9[%swap3A_1216, %swap3A_1217, %swap3A_1218], %swap3A_1221 {strides = array<i32>} : memref<5x128x128xf32, #tpu.memory_space<vmem>>, vector<1x1x16xf32>,
      %broadcast_in_dim3A_1222 = arith.constant 0.000000e+00 : f32
      %broadcast_in_dim3A_1223 = vector.broadcast %broadcast_in_dim3A_1222 : f32 to vector<16xf32>
      %swap3A_1224 = arith.constant 0 : i32
      %swap3A_1225 = arith.constant 14 : i32
      %swap3A_1226 = arith.index_cast %swap3A_1224 : i32 to index
      %swap3A_1227 = arith.index_cast %swap3A_1225 : i32 to index
      %swap3A_1228 = arith.constant 96 : index
      %swap3A_1229 = tpu.vector_load %arg9[%swap3A_1226, %swap3A_1227, %swap3A_1228] {strides = array<i32>} : memref<5x128x128xf32, #tpu.memory_space<vmem>>, vector<1x1x16xf32>,
      %swap3A_1230 = vector.shape_cast %swap3A_1229 : vector<1x1x16xf32> to vector<16xf32>
      %swap3A_1231 = vector.shape_cast %broadcast_in_dim3A_1223 : vector<16xf32> to vector<1x1x16xf32>
      tpu.vector_store %arg9[%swap3A_1226, %swap3A_1227, %swap3A_1228], %swap3A_1231 {strides = array<i32>} : memref<5x128x128xf32, #tpu.memory_space<vmem>>, vector<1x1x16xf32>,
      %broadcast_in_dim3A_1232 = arith.constant 0.000000e+00 : f32
      %broadcast_in_dim3A_1233 = vector.broadcast %broadcast_in_dim3A_1232 : f32 to vector<16xf32>
      %swap3A_1234 = arith.constant 0 : i32
      %swap3A_1235 = arith.constant 14 : i32
      %swap3A_1236 = arith.index_cast %swap3A_1234 : i32 to index
      %swap3A_1237 = arith.index_cast %swap3A_1235 : i32 to index
      %swap3A_1238 = arith.constant 112 : index
      %swap3A_1239 = tpu.vector_load %arg9[%swap3A_1236, %swap3A_1237, %swap3A_1238] {strides = array<i32>} : memref<5x128x128xf32, #tpu.memory_space<vmem>>, vector<1x1x16xf32>,
      %swap3A_1240 = vector.shape_cast %swap3A_1239 : vector<1x1x16xf32> to vector<16xf32>
      %swap3A_1241 = vector.shape_cast %broadcast_in_dim3A_1233 : vector<16xf32> to vector<1x1x16xf32>
      tpu.vector_store %arg9[%swap3A_1236, %swap3A_1237, %swap3A_1238], %swap3A_1241 {strides = array<i32>} : memref<5x128x128xf32, #tpu.memory_space<vmem>>, vector<1x1x16xf32>,
      %broadcast_in_dim3A_1242 = arith.constant 0.000000e+00 : f32
      %broadcast_in_dim3A_1243 = vector.broadcast %broadcast_in_dim3A_1242 : f32 to vector<16xf32>
      %swap3A_1244 = arith.constant 0 : i32
      %swap3A_1245 = arith.constant 15 : i32
      %swap3A_1246 = arith.index_cast %swap3A_1244 : i32 to index
      %swap3A_1247 = arith.index_cast %swap3A_1245 : i32 to index
      %swap3A_1248 = arith.constant 0 : index
      %swap3A_1249 = tpu.vector_load %arg9[%swap3A_1246, %swap3A_1247, %swap3A_1248] {strides = array<i32>} : memref<5x128x128xf32, #tpu.memory_space<vmem>>, vector<1x1x16xf32>,
      %swap3A_1250 = vector.shape_cast %swap3A_1249 : vector<1x1x16xf32> to vector<16xf32>
      %swap3A_1251 = vector.shape_cast %broadcast_in_dim3A_1243 : vector<16xf32> to vector<1x1x16xf32>
      tpu.vector_store %arg9[%swap3A_1246, %swap3A_1247, %swap3A_1248], %swap3A_1251 {strides = array<i32>} : memref<5x128x128xf32, #tpu.memory_space<vmem>>, vector<1x1x16xf32>,
      %broadcast_in_dim3A_1252 = arith.constant 0.000000e+00 : f32
      %broadcast_in_dim3A_1253 = vector.broadcast %broadcast_in_dim3A_1252 : f32 to vector<16xf32>
      %swap3A_1254 = arith.constant 0 : i32
      %swap3A_1255 = arith.constant 15 : i32
      %swap3A_1256 = arith.index_cast %swap3A_1254 : i32 to index
      %swap3A_1257 = arith.index_cast %swap3A_1255 : i32 to index
      %swap3A_1258 = arith.constant 16 : index
      %swap3A_1259 = tpu.vector_load %arg9[%swap3A_1256, %swap3A_1257, %swap3A_1258] {strides = array<i32>} : memref<5x128x128xf32, #tpu.memory_space<vmem>>, vector<1x1x16xf32>,
      %swap3A_1260 = vector.shape_cast %swap3A_1259 : vector<1x1x16xf32> to vector<16xf32>
      %swap3A_1261 = vector.shape_cast %broadcast_in_dim3A_1253 : vector<16xf32> to vector<1x1x16xf32>
      tpu.vector_store %arg9[%swap3A_1256, %swap3A_1257, %swap3A_1258], %swap3A_1261 {strides = array<i32>} : memref<5x128x128xf32, #tpu.memory_space<vmem>>, vector<1x1x16xf32>,
      %broadcast_in_dim3A_1262 = arith.constant 0.000000e+00 : f32
      %broadcast_in_dim3A_1263 = vector.broadcast %broadcast_in_dim3A_1262 : f32 to vector<16xf32>
      %swap3A_1264 = arith.constant 0 : i32
      %swap3A_1265 = arith.constant 15 : i32
      %swap3A_1266 = arith.index_cast %swap3A_1264 : i32 to index
      %swap3A_1267 = arith.index_cast %swap3A_1265 : i32 to index
      %swap3A_1268 = arith.constant 32 : index
      %swap3A_1269 = tpu.vector_load %arg9[%swap3A_1266, %swap3A_1267, %swap3A_1268] {strides = array<i32>} : memref<5x128x128xf32, #tpu.memory_space<vmem>>, vector<1x1x16xf32>,
      %swap3A_1270 = vector.shape_cast %swap3A_1269 : vector<1x1x16xf32> to vector<16xf32>
      %swap3A_1271 = vector.shape_cast %broadcast_in_dim3A_1263 : vector<16xf32> to vector<1x1x16xf32>
      tpu.vector_store %arg9[%swap3A_1266, %swap3A_1267, %swap3A_1268], %swap3A_1271 {strides = array<i32>} : memref<5x128x128xf32, #tpu.memory_space<vmem>>, vector<1x1x16xf32>,
      %broadcast_in_dim3A_1272 = arith.constant 0.000000e+00 : f32
      %broadcast_in_dim3A_1273 = vector.broadcast %broadcast_in_dim3A_1272 : f32 to vector<16xf32>
      %swap3A_1274 = arith.constant 0 : i32
      %swap3A_1275 = arith.constant 15 : i32
      %swap3A_1276 = arith.index_cast %swap3A_1274 : i32 to index
      %swap3A_1277 = arith.index_cast %swap3A_1275 : i32 to index
      %swap3A_1278 = arith.constant 48 : index
      %swap3A_1279 = tpu.vector_load %arg9[%swap3A_1276, %swap3A_1277, %swap3A_1278] {strides = array<i32>} : memref<5x128x128xf32, #tpu.memory_space<vmem>>, vector<1x1x16xf32>,
      %swap3A_1280 = vector.shape_cast %swap3A_1279 : vector<1x1x16xf32> to vector<16xf32>
      %swap3A_1281 = vector.shape_cast %broadcast_in_dim3A_1273 : vector<16xf32> to vector<1x1x16xf32>
      tpu.vector_store %arg9[%swap3A_1276, %swap3A_1277, %swap3A_1278], %swap3A_1281 {strides = array<i32>} : memref<5x128x128xf32, #tpu.memory_space<vmem>>, vector<1x1x16xf32>,
      %broadcast_in_dim3A_1282 = arith.constant 0.000000e+00 : f32
      %broadcast_in_dim3A_1283 = vector.broadcast %broadcast_in_dim3A_1282 : f32 to vector<16xf32>
      %swap3A_1284 = arith.constant 0 : i32
      %swap3A_1285 = arith.constant 15 : i32
      %swap3A_1286 = arith.index_cast %swap3A_1284 : i32 to index
      %swap3A_1287 = arith.index_cast %swap3A_1285 : i32 to index
      %swap3A_1288 = arith.constant 64 : index
      %swap3A_1289 = tpu.vector_load %arg9[%swap3A_1286, %swap3A_1287, %swap3A_1288] {strides = array<i32>} : memref<5x128x128xf32, #tpu.memory_space<vmem>>, vector<1x1x16xf32>,
      %swap3A_1290 = vector.shape_cast %swap3A_1289 : vector<1x1x16xf32> to vector<16xf32>
      %swap3A_1291 = vector.shape_cast %broadcast_in_dim3A_1283 : vector<16xf32> to vector<1x1x16xf32>
      tpu.vector_store %arg9[%swap3A_1286, %swap3A_1287, %swap3A_1288], %swap3A_1291 {strides = array<i32>} : memref<5x128x128xf32, #tpu.memory_space<vmem>>, vector<1x1x16xf32>,
      %broadcast_in_dim3A_1292 = arith.constant 0.000000e+00 : f32
      %broadcast_in_dim3A_1293 = vector.broadcast %broadcast_in_dim3A_1292 : f32 to vector<16xf32>
      %swap3A_1294 = arith.constant 0 : i32
      %swap3A_1295 = arith.constant 15 : i32
      %swap3A_1296 = arith.index_cast %swap3A_1294 : i32 to index
      %swap3A_1297 = arith.index_cast %swap3A_1295 : i32 to index
      %swap3A_1298 = arith.constant 80 : index
      %swap3A_1299 = tpu.vector_load %arg9[%swap3A_1296, %swap3A_1297, %swap3A_1298] {strides = array<i32>} : memref<5x128x128xf32, #tpu.memory_space<vmem>>, vector<1x1x16xf32>,
      %swap3A_1300 = vector.shape_cast %swap3A_1299 : vector<1x1x16xf32> to vector<16xf32>
      %swap3A_1301 = vector.shape_cast %broadcast_in_dim3A_1293 : vector<16xf32> to vector<1x1x16xf32>
      tpu.vector_store %arg9[%swap3A_1296, %swap3A_1297, %swap3A_1298], %swap3A_1301 {strides = array<i32>} : memref<5x128x128xf32, #tpu.memory_space<vmem>>, vector<1x1x16xf32>,
      %broadcast_in_dim3A_1302 = arith.constant 0.000000e+00 : f32
      %broadcast_in_dim3A_1303 = vector.broadcast %broadcast_in_dim3A_1302 : f32 to vector<16xf32>
      %swap3A_1304 = arith.constant 0 : i32
      %swap3A_1305 = arith.constant 15 : i32
      %swap3A_1306 = arith.index_cast %swap3A_1304 : i32 to index
      %swap3A_1307 = arith.index_cast %swap3A_1305 : i32 to index
      %swap3A_1308 = arith.constant 96 : index
      %swap3A_1309 = tpu.vector_load %arg9[%swap3A_1306, %swap3A_1307, %swap3A_1308] {strides = array<i32>} : memref<5x128x128xf32, #tpu.memory_space<vmem>>, vector<1x1x16xf32>,
      %swap3A_1310 = vector.shape_cast %swap3A_1309 : vector<1x1x16xf32> to vector<16xf32>
      %swap3A_1311 = vector.shape_cast %broadcast_in_dim3A_1303 : vector<16xf32> to vector<1x1x16xf32>
      tpu.vector_store %arg9[%swap3A_1306, %swap3A_1307, %swap3A_1308], %swap3A_1311 {strides = array<i32>} : memref<5x128x128xf32, #tpu.memory_space<vmem>>, vector<1x1x16xf32>,
      %broadcast_in_dim3A_1312 = arith.constant 0.000000e+00 : f32
      %broadcast_in_dim3A_1313 = vector.broadcast %broadcast_in_dim3A_1312 : f32 to vector<16xf32>
      %swap3A_1314 = arith.constant 0 : i32
      %swap3A_1315 = arith.constant 15 : i32
      %swap3A_1316 = arith.index_cast %swap3A_1314 : i32 to index
      %swap3A_1317 = arith.index_cast %swap3A_1315 : i32 to index
      %swap3A_1318 = arith.constant 112 : index
      %swap3A_1319 = tpu.vector_load %arg9[%swap3A_1316, %swap3A_1317, %swap3A_1318] {strides = array<i32>} : memref<5x128x128xf32, #tpu.memory_space<vmem>>, vector<1x1x16xf32>,
      %swap3A_1320 = vector.shape_cast %swap3A_1319 : vector<1x1x16xf32> to vector<16xf32>
      %swap3A_1321 = vector.shape_cast %broadcast_in_dim3A_1313 : vector<16xf32> to vector<1x1x16xf32>
      tpu.vector_store %arg9[%swap3A_1316, %swap3A_1317, %swap3A_1318], %swap3A_1321 {strides = array<i32>} : memref<5x128x128xf32, #tpu.memory_space<vmem>>, vector<1x1x16xf32>,
      %run_scoped3A = arith.constant 0 : i32
      "tpu.region"() ({
        %run_scoped3A_1324 = tpu.sem_alloc : memref<!tpu.dma_semaphore, #tpu.memory_space<semaphore_mem>>
        %dma_start3A = arith.constant 0 : i32
        %dma_start3A_1325 = arith.constant 0 : i32
        %dma_start3A_1326 = tpu.memref_slice %arg9[%run_scoped3A, %dma_start3A, %dma_start3A_1325] : memref<5x128x128xf32, #tpu.memory_space<vmem>> -> memref<1x16x128xf32, #tpu.memory_space<vmem>>
        %dma_start3A_1327 = tpu.memref_squeeze %dma_start3A_1326 : memref<1x16x128xf32, #tpu.memory_space<vmem>> -> memref<16x128xf32, #tpu.memory_space<vmem>>
        %dma_start3A_1328 = arith.constant 1000 : i32
        %dma_start3A_1329 = arith.constant 0 : i32
        %dma_start3A_1330 = tpu.memref_slice %arg10[%dma_start3A_1328, %dma_start3A_1329] : memref<1016x128xf32, #tpu.memory_space<vmem_shared>> -> memref<16x128xf32, #tpu.memory_space<vmem_shared>>
        %dma_start3A_1331 = arith.constant 1000 : i32
        %dma_start3A_1332 = arith.constant 0 : i32
        %dma_start3A_1333 = tpu.memref_slice %arg10[%dma_start3A_1331, %dma_start3A_1332] : memref<1016x128xf32, #tpu.memory_space<vmem_shared>> -> memref<16x128xf32, #tpu.memory_space<vmem_shared>>
        %dma_start3A_1334 = arith.constant 0 : i32
        %dma_start3A_1335 = arith.constant 0 : i32
        %dma_start3A_1336 = tpu.memref_slice %arg9[%run_scoped3A, %dma_start3A_1334, %dma_start3A_1335] : memref<5x128x128xf32, #tpu.memory_space<vmem>> -> memref<1x16x128xf32, #tpu.memory_space<vmem>>
        %dma_start3A_1337 = tpu.memref_squeeze %dma_start3A_1336 : memref<1x16x128xf32, #tpu.memory_space<vmem>> -> memref<16x128xf32, #tpu.memory_space<vmem>>
        tpu.enqueue_dma source(%dma_start3A_1337 : memref<16x128xf32, #tpu.memory_space<vmem>>) target(%dma_start3A_1333 : memref<16x128xf32, #tpu.memory_space<vmem_shared>>) target_semaphore(%run_scoped3A_1324 : memref<!tpu.dma_semaphore, #tpu.memory_space<semaphore_mem>>)
        %dma_wait3A_1338 = arith.constant 0 : i32
        %dma_wait3A_1339 = arith.constant 0 : i32
        %dma_wait3A_1340 = tpu.memref_slice %arg9[%run_scoped3A, %dma_wait3A_1338, %dma_wait3A_1339] : memref<5x128x128xf32, #tpu.memory_space<vmem>> -> memref<1x16x128xf32, #tpu.memory_space<vmem>>
        %dma_wait3A_1341 = tpu.memref_squeeze %dma_wait3A_1340 : memref<1x16x128xf32, #tpu.memory_space<vmem>> -> memref<16x128xf32, #tpu.memory_space<vmem>>
        %dma_wait3A_1342 = arith.constant 1000 : i32
        %dma_wait3A_1343 = arith.constant 0 : i32
        %dma_wait3A_1344 = tpu.memref_slice %arg10[%dma_wait3A_1342, %dma_wait3A_1343] : memref<1016x128xf32, #tpu.memory_space<vmem_shared>> -> memref<16x128xf32, #tpu.memory_space<vmem_shared>>
        %dma_wait3A_1345 = arith.constant 1000 : i32
        %dma_wait3A_1346 = arith.constant 0 : i32
        %dma_wait3A_1347 = tpu.memref_slice %arg10[%dma_wait3A_1345, %dma_wait3A_1346] : memref<1016x128xf32, #tpu.memory_space<vmem_shared>> -> memref<16x128xf32, #tpu.memory_space<vmem_shared>>
        %dma_wait3A_1348 = arith.constant 0 : i32
        %dma_wait3A_1349 = arith.constant 0 : i32
        %dma_wait3A_1350 = tpu.memref_slice %arg9[%run_scoped3A, %dma_wait3A_1348, %dma_wait3A_1349] : memref<5x128x128xf32, #tpu.memory_space<vmem>> -> memref<1x16x128xf32, #tpu.memory_space<vmem>>
        %dma_wait3A_1351 = tpu.memref_squeeze %dma_wait3A_1350 : memref<1x16x128xf32, #tpu.memory_space<vmem>> -> memref<16x128xf32, #tpu.memory_space<vmem>>
        tpu.wait_dma2 semaphore(%run_scoped3A_1324 : memref<!tpu.dma_semaphore, #tpu.memory_space<semaphore_mem>>) src(%dma_wait3A_1351 : memref<16x128xf32, #tpu.memory_space<vmem>>) dst(%dma_wait3A_1347 : memref<16x128xf32, #tpu.memory_space<vmem_shared>>)
        tpu.yield
      }) : () -> ()
      %dma_wait3A = arith.constant 0 : i32
      %dma_wait3A_1322 = arith.constant 0 : i32
      %dma_wait3A_1323 = tpu.memref_slice %arg10[%dma_wait3A, %dma_wait3A_1322] : memref<1016x128xf32, #tpu.memory_space<vmem_shared>> -> memref<1000x128xf32, #tpu.memory_space<vmem_shared>>
      tpu.wait_dma2 semaphore(%arg13 : memref<!tpu.dma_semaphore, #tpu.memory_space<semaphore_mem>>) src(%arg4 : memref<1000x128xf32, #tpu.memory_space<hbm>>) dst(%dma_wait3A_1323 : memref<1000x128xf32, #tpu.memory_space<vmem_shared>>)
    } else {
    }
    %barrier3A = arith.constant 0 : index
    tpu.barrier barrier_id(%barrier3A)
    %lt3A_34 = arith.constant 31 : i32
    %lt3A_35 = arith.cmpi slt, %add3A, %lt3A_34 : i32
    %convert_element_type3A_36 = arith.extui %lt3A_35 : i1 to i32
    %cond3A_37 = arith.constant 0 : i32
    %cond3A_38 = arith.cmpi ne, %convert_element_type3A_36, %cond3A_37 : i32
    scf.if %cond3A_38 {
      %dma_start3A = arith.constant 0 : i32
      %dma_start3A_44 = arith.constant 0 : i32
      %dma_start3A_45 = arith.constant 0 : i32
      %dma_start3A_46 = arith.constant 0 : i32
      %dma_start3A_47 = tpu.memref_slice %arg9[%dma_start3A, %dma_start3A_45, %dma_start3A_46] : memref<5x128x128xf32, #tpu.memory_space<vmem>> -> memref<1x128x128xf32, #tpu.memory_space<vmem>>
      %dma_start3A_48 = tpu.memref_squeeze %dma_start3A_47 : memref<1x128x128xf32, #tpu.memory_space<vmem>> -> memref<128x128xf32, #tpu.memory_space<vmem>>
      %dma_start3A_49 = arith.constant 0 : i32
      %dma_start3A_50 = tpu.memref_slice %arg8[%dma_start3A_49] : memref<3200xi32, #tpu.memory_space<vmem>> -> memref<128xi32, #tpu.memory_space<vmem>>
      %dma_start3A_51 = arith.constant 0 : i32
      %dma_start3A_52 = arith.constant 0 : i32
      %dma_start3A_53 = tpu.memref_slice %arg10[%dma_start3A_51, %dma_start3A_52] : memref<1016x128xf32, #tpu.memory_space<vmem_shared>> -> memref<1016x128xf32, #tpu.memory_space<vmem_shared>>
      %dma_start3A_54 = tpu.memref_slice %arg11[%dma_start3A_44] : memref<5x!tpu.dma_semaphore, #tpu.memory_space<semaphore_mem>> -> memref<1x!tpu.dma_semaphore, #tpu.memory_space<semaphore_mem>>
      %dma_start3A_55 = tpu.memref_squeeze %dma_start3A_54 : memref<1x!tpu.dma_semaphore, #tpu.memory_space<semaphore_mem>> -> memref<!tpu.dma_semaphore, #tpu.memory_space<semaphore_mem>>
      tpu.enqueue_indirect_dma source(%dma_start3A_53 : memref<1016x128xf32, #tpu.memory_space<vmem_shared>>) target(%dma_start3A_48 : memref<128x128xf32, #tpu.memory_space<vmem>>) offsets(%dma_start3A_50 : memref<128xi32, #tpu.memory_space<vmem>>) semaphore(%dma_start3A_55 : memref<!tpu.dma_semaphore, #tpu.memory_space<semaphore_mem>>)
      %dma_start3A_56 = arith.constant 1 : i32
      %dma_start3A_57 = arith.constant 1 : i32
      %dma_start3A_58 = arith.constant 0 : i32
      %dma_start3A_59 = arith.constant 0 : i32
      %dma_start3A_60 = tpu.memref_slice %arg9[%dma_start3A_56, %dma_start3A_58, %dma_start3A_59] : memref<5x128x128xf32, #tpu.memory_space<vmem>> -> memref<1x128x128xf32, #tpu.memory_space<vmem>>
      %dma_start3A_61 = tpu.memref_squeeze %dma_start3A_60 : memref<1x128x128xf32, #tpu.memory_space<vmem>> -> memref<128x128xf32, #tpu.memory_space<vmem>>
      %dma_start3A_62 = arith.constant 128 : i32
      %dma_start3A_63 = tpu.memref_slice %arg8[%dma_start3A_62] : memref<3200xi32, #tpu.memory_space<vmem>> -> memref<128xi32, #tpu.memory_space<vmem>>
      %dma_start3A_64 = arith.constant 0 : i32
      %dma_start3A_65 = arith.constant 0 : i32
      %dma_start3A_66 = tpu.memref_slice %arg10[%dma_start3A_64, %dma_start3A_65] : memref<1016x128xf32, #tpu.memory_space<vmem_shared>> -> memref<1016x128xf32, #tpu.memory_space<vmem_shared>>
      %dma_start3A_67 = tpu.memref_slice %arg11[%dma_start3A_57] : memref<5x!tpu.dma_semaphore, #tpu.memory_space<semaphore_mem>> -> memref<1x!tpu.dma_semaphore, #tpu.memory_space<semaphore_mem>>
      %dma_start3A_68 = tpu.memref_squeeze %dma_start3A_67 : memref<1x!tpu.dma_semaphore, #tpu.memory_space<semaphore_mem>> -> memref<!tpu.dma_semaphore, #tpu.memory_space<semaphore_mem>>
      tpu.enqueue_indirect_dma source(%dma_start3A_66 : memref<1016x128xf32, #tpu.memory_space<vmem_shared>>) target(%dma_start3A_61 : memref<128x128xf32, #tpu.memory_space<vmem>>) offsets(%dma_start3A_63 : memref<128xi32, #tpu.memory_space<vmem>>) semaphore(%dma_start3A_68 : memref<!tpu.dma_semaphore, #tpu.memory_space<semaphore_mem>>)
      %dma_start3A_69 = arith.constant 2 : i32
      %dma_start3A_70 = arith.constant 2 : i32
      %dma_start3A_71 = arith.constant 0 : i32
      %dma_start3A_72 = arith.constant 0 : i32
      %dma_start3A_73 = tpu.memref_slice %arg9[%dma_start3A_69, %dma_start3A_71, %dma_start3A_72] : memref<5x128x128xf32, #tpu.memory_space<vmem>> -> memref<1x128x128xf32, #tpu.memory_space<vmem>>
      %dma_start3A_74 = tpu.memref_squeeze %dma_start3A_73 : memref<1x128x128xf32, #tpu.memory_space<vmem>> -> memref<128x128xf32, #tpu.memory_space<vmem>>
      %dma_start3A_75 = arith.constant 256 : i32
      %dma_start3A_76 = tpu.memref_slice %arg8[%dma_start3A_75] : memref<3200xi32, #tpu.memory_space<vmem>> -> memref<128xi32, #tpu.memory_space<vmem>>
      %dma_start3A_77 = arith.constant 0 : i32
      %dma_start3A_78 = arith.constant 0 : i32
      %dma_start3A_79 = tpu.memref_slice %arg10[%dma_start3A_77, %dma_start3A_78] : memref<1016x128xf32, #tpu.memory_space<vmem_shared>> -> memref<1016x128xf32, #tpu.memory_space<vmem_shared>>
      %dma_start3A_80 = tpu.memref_slice %arg11[%dma_start3A_70] : memref<5x!tpu.dma_semaphore, #tpu.memory_space<semaphore_mem>> -> memref<1x!tpu.dma_semaphore, #tpu.memory_space<semaphore_mem>>
      %dma_start3A_81 = tpu.memref_squeeze %dma_start3A_80 : memref<1x!tpu.dma_semaphore, #tpu.memory_space<semaphore_mem>> -> memref<!tpu.dma_semaphore, #tpu.memory_space<semaphore_mem>>
      tpu.enqueue_indirect_dma source(%dma_start3A_79 : memref<1016x128xf32, #tpu.memory_space<vmem_shared>>) target(%dma_start3A_74 : memref<128x128xf32, #tpu.memory_space<vmem>>) offsets(%dma_start3A_76 : memref<128xi32, #tpu.memory_space<vmem>>) semaphore(%dma_start3A_81 : memref<!tpu.dma_semaphore, #tpu.memory_space<semaphore_mem>>)
      %dma_start3A_82 = arith.constant 3 : i32
      %dma_start3A_83 = arith.constant 3 : i32
      %dma_start3A_84 = arith.constant 0 : i32
      %dma_start3A_85 = arith.constant 0 : i32
      %dma_start3A_86 = tpu.memref_slice %arg9[%dma_start3A_82, %dma_start3A_84, %dma_start3A_85] : memref<5x128x128xf32, #tpu.memory_space<vmem>> -> memref<1x128x128xf32, #tpu.memory_space<vmem>>
      %dma_start3A_87 = tpu.memref_squeeze %dma_start3A_86 : memref<1x128x128xf32, #tpu.memory_space<vmem>> -> memref<128x128xf32, #tpu.memory_space<vmem>>
      %dma_start3A_88 = arith.constant 384 : i32
      %dma_start3A_89 = tpu.memref_slice %arg8[%dma_start3A_88] : memref<3200xi32, #tpu.memory_space<vmem>> -> memref<128xi32, #tpu.memory_space<vmem>>
      %dma_start3A_90 = arith.constant 0 : i32
      %dma_start3A_91 = arith.constant 0 : i32
      %dma_start3A_92 = tpu.memref_slice %arg10[%dma_start3A_90, %dma_start3A_91] : memref<1016x128xf32, #tpu.memory_space<vmem_shared>> -> memref<1016x128xf32, #tpu.memory_space<vmem_shared>>
      %dma_start3A_93 = tpu.memref_slice %arg11[%dma_start3A_83] : memref<5x!tpu.dma_semaphore, #tpu.memory_space<semaphore_mem>> -> memref<1x!tpu.dma_semaphore, #tpu.memory_space<semaphore_mem>>
      %dma_start3A_94 = tpu.memref_squeeze %dma_start3A_93 : memref<1x!tpu.dma_semaphore, #tpu.memory_space<semaphore_mem>> -> memref<!tpu.dma_semaphore, #tpu.memory_space<semaphore_mem>>
      tpu.enqueue_indirect_dma source(%dma_start3A_92 : memref<1016x128xf32, #tpu.memory_space<vmem_shared>>) target(%dma_start3A_87 : memref<128x128xf32, #tpu.memory_space<vmem>>) offsets(%dma_start3A_89 : memref<128xi32, #tpu.memory_space<vmem>>) semaphore(%dma_start3A_94 : memref<!tpu.dma_semaphore, #tpu.memory_space<semaphore_mem>>)
      %dma_start3A_95 = arith.constant 4 : i32
      %dma_start3A_96 = arith.constant 4 : i32
      %dma_start3A_97 = arith.constant 0 : i32
      %dma_start3A_98 = arith.constant 0 : i32
      %dma_start3A_99 = tpu.memref_slice %arg9[%dma_start3A_95, %dma_start3A_97, %dma_start3A_98] : memref<5x128x128xf32, #tpu.memory_space<vmem>> -> memref<1x128x128xf32, #tpu.memory_space<vmem>>
      %dma_start3A_100 = tpu.memref_squeeze %dma_start3A_99 : memref<1x128x128xf32, #tpu.memory_space<vmem>> -> memref<128x128xf32, #tpu.memory_space<vmem>>
      %dma_start3A_101 = arith.constant 512 : i32
      %dma_start3A_102 = tpu.memref_slice %arg8[%dma_start3A_101] : memref<3200xi32, #tpu.memory_space<vmem>> -> memref<128xi32, #tpu.memory_space<vmem>>
      %dma_start3A_103 = arith.constant 0 : i32
      %dma_start3A_104 = arith.constant 0 : i32
      %dma_start3A_105 = tpu.memref_slice %arg10[%dma_start3A_103, %dma_start3A_104] : memref<1016x128xf32, #tpu.memory_space<vmem_shared>> -> memref<1016x128xf32, #tpu.memory_space<vmem_shared>>
      %dma_start3A_106 = tpu.memref_slice %arg11[%dma_start3A_96] : memref<5x!tpu.dma_semaphore, #tpu.memory_space<semaphore_mem>> -> memref<1x!tpu.dma_semaphore, #tpu.memory_space<semaphore_mem>>
      %dma_start3A_107 = tpu.memref_squeeze %dma_start3A_106 : memref<1x!tpu.dma_semaphore, #tpu.memory_space<semaphore_mem>> -> memref<!tpu.dma_semaphore, #tpu.memory_space<semaphore_mem>>
      tpu.enqueue_indirect_dma source(%dma_start3A_105 : memref<1016x128xf32, #tpu.memory_space<vmem_shared>>) target(%dma_start3A_100 : memref<128x128xf32, #tpu.memory_space<vmem>>) offsets(%dma_start3A_102 : memref<128xi32, #tpu.memory_space<vmem>>) semaphore(%dma_start3A_107 : memref<!tpu.dma_semaphore, #tpu.memory_space<semaphore_mem>>)
      %scan3A = arith.constant 0 : i32
      %scan3A_108 = arith.constant 40 : i32
      %scan3A_109 = arith.constant 160 : i32
      %scan3A_110 = arith.addi %scan3A_108, %scan3A_109 : i32
      %scan3A_111 = arith.constant 1 : i32
      scf.for %scan3A_378 = %scan3A_108 to %scan3A_110 step %scan3A_111  : i32 {
        %mul3A_379 = arith.constant 16 : i32
        %mul3A_380 = arith.muli %scan3A_378, %mul3A_379 : i32
        %get3A = arith.index_cast %mul3A_380 : i32 to index
        %get3A_381 = tpu.vector_load %arg6[%get3A] {strides = array<i32>} : memref<3200xi32, #tpu.memory_space<vmem>>, vector<16xi32>,
        %get3A_382 = vector.shape_cast %get3A_381 : vector<16xi32> to vector<16xi32>
        %mul3A_383 = arith.constant 16 : i32
        %mul3A_384 = arith.muli %scan3A_378, %mul3A_383 : i32
        %get3A_385 = arith.index_cast %mul3A_384 : i32 to index
        %get3A_386 = tpu.vector_load %arg7[%get3A_385] {strides = array<i32>} : memref<3200xi32, #tpu.memory_space<vmem>>, vector<16xi32>,
        %get3A_387 = vector.shape_cast %get3A_386 : vector<16xi32> to vector<16xi32>
        %ne3A = arith.constant 0 : i32
        %ne3A_388 = vector.broadcast %ne3A : i32 to vector<16xi32>
        %ne3A_389 = arith.cmpi ne, %get3A_387, %ne3A_388 : vector<16xi32>
        %select_n3A_390 = arith.select %ne3A_389, %get3A_382, %add3A_16 : vector<16xi1>, vector<16xi32>
        %mul3A_391 = arith.constant 16 : i32
        %mul3A_392 = arith.muli %scan3A_378, %mul3A_391 : i32
        %swap3A = arith.index_cast %mul3A_392 : i32 to index
        %swap3A_393 = tpu.vector_load %arg8[%swap3A] {strides = array<i32>} : memref<3200xi32, #tpu.memory_space<vmem>>, vector<16xi32>,
        %swap3A_394 = vector.shape_cast %swap3A_393 : vector<16xi32> to vector<16xi32>
        %swap3A_395 = vector.shape_cast %select_n3A_390 : vector<16xi32> to vector<16xi32>
        tpu.vector_store %arg8[%swap3A], %swap3A_395 {strides = array<i32>} : memref<3200xi32, #tpu.memory_space<vmem>>, vector<16xi32>,
      }
      %scan3A_112 = arith.constant 160 : i32
      %dma_wait3A = arith.constant 0 : i32
      %dma_wait3A_113 = arith.constant 0 : i32
      %dma_wait3A_114 = arith.constant 0 : i32
      %dma_wait3A_115 = arith.constant 0 : i32
      %dma_wait3A_116 = tpu.memref_slice %arg9[%dma_wait3A, %dma_wait3A_114, %dma_wait3A_115] : memref<5x128x128xf32, #tpu.memory_space<vmem>> -> memref<1x128x128xf32, #tpu.memory_space<vmem>>
      %dma_wait3A_117 = tpu.memref_squeeze %dma_wait3A_116 : memref<1x128x128xf32, #tpu.memory_space<vmem>> -> memref<128x128xf32, #tpu.memory_space<vmem>>
      %dma_wait3A_118 = arith.constant 0 : i32
      %dma_wait3A_119 = arith.constant 0 : i32
      %dma_wait3A_120 = tpu.memref_slice %arg10[%dma_wait3A_118, %dma_wait3A_119] : memref<1016x128xf32, #tpu.memory_space<vmem_shared>> -> memref<128x128xf32, #tpu.memory_space<vmem_shared>>
      %dma_wait3A_121 = tpu.memref_slice %arg11[%dma_wait3A_113] : memref<5x!tpu.dma_semaphore, #tpu.memory_space<semaphore_mem>> -> memref<1x!tpu.dma_semaphore, #tpu.memory_space<semaphore_mem>>
      %dma_wait3A_122 = tpu.memref_squeeze %dma_wait3A_121 : memref<1x!tpu.dma_semaphore, #tpu.memory_space<semaphore_mem>> -> memref<!tpu.dma_semaphore, #tpu.memory_space<semaphore_mem>>
      %dma_wait3A_123 = arith.constant 0 : i32
      %dma_wait3A_124 = arith.constant 0 : i32
      %dma_wait3A_125 = tpu.memref_slice %arg9[%dma_wait3A, %dma_wait3A_123, %dma_wait3A_124] : memref<5x128x128xf32, #tpu.memory_space<vmem>> -> memref<1x128x128xf32, #tpu.memory_space<vmem>>
      %dma_wait3A_126 = tpu.memref_squeeze %dma_wait3A_125 : memref<1x128x128xf32, #tpu.memory_space<vmem>> -> memref<128x128xf32, #tpu.memory_space<vmem>>
      %dma_wait3A_127 = arith.constant 0 : i32
      %dma_wait3A_128 = arith.constant 0 : i32
      %dma_wait3A_129 = tpu.memref_slice %arg10[%dma_wait3A_127, %dma_wait3A_128] : memref<1016x128xf32, #tpu.memory_space<vmem_shared>> -> memref<128x128xf32, #tpu.memory_space<vmem_shared>>
      tpu.wait_dma2 semaphore(%dma_wait3A_122 : memref<!tpu.dma_semaphore, #tpu.memory_space<semaphore_mem>>) src(%dma_wait3A_129 : memref<128x128xf32, #tpu.memory_space<vmem_shared>>) dst(%dma_wait3A_126 : memref<128x128xf32, #tpu.memory_space<vmem>>)
      %add3A_130 = arith.constant 0 : i32
      %add3A_131 = arith.addi %mul3A_2, %add3A_130 : i32
      %dma_start3A_132 = arith.constant 0 : i32
      %dma_start3A_133 = arith.constant 0 : i32
      %dma_start3A_134 = arith.constant 0 : i32
      %dma_start3A_135 = arith.constant 0 : i32
      %dma_start3A_136 = tpu.memref_slice %arg9[%dma_start3A_132, %dma_start3A_134, %dma_start3A_135] : memref<5x128x128xf32, #tpu.memory_space<vmem>> -> memref<1x128x128xf32, #tpu.memory_space<vmem>>
      %dma_start3A_137 = tpu.memref_squeeze %dma_start3A_136 : memref<1x128x128xf32, #tpu.memory_space<vmem>> -> memref<128x128xf32, #tpu.memory_space<vmem>>
      %dma_start3A_138 = arith.constant 0 : i32
      %dma_start3A_139 = tpu.memref_slice %arg5[%add3A_131, %dma_start3A_138] : memref<100000x128xf32, #tpu.memory_space<hbm>> -> memref<128x128xf32, #tpu.memory_space<hbm>>
      %dma_start3A_140 = tpu.memref_slice %arg12[%dma_start3A_133] : memref<5x!tpu.dma_semaphore, #tpu.memory_space<semaphore_mem>> -> memref<1x!tpu.dma_semaphore, #tpu.memory_space<semaphore_mem>>
      %dma_start3A_141 = tpu.memref_squeeze %dma_start3A_140 : memref<1x!tpu.dma_semaphore, #tpu.memory_space<semaphore_mem>> -> memref<!tpu.dma_semaphore, #tpu.memory_space<semaphore_mem>>
      %dma_start3A_142 = arith.constant 0 : i32
      %dma_start3A_143 = tpu.memref_slice %arg5[%add3A_131, %dma_start3A_142] : memref<100000x128xf32, #tpu.memory_space<hbm>> -> memref<128x128xf32, #tpu.memory_space<hbm>>
      %dma_start3A_144 = arith.constant 0 : i32
      %dma_start3A_145 = arith.constant 0 : i32
      %dma_start3A_146 = tpu.memref_slice %arg9[%dma_start3A_132, %dma_start3A_144, %dma_start3A_145] : memref<5x128x128xf32, #tpu.memory_space<vmem>> -> memref<1x128x128xf32, #tpu.memory_space<vmem>>
      %dma_start3A_147 = tpu.memref_squeeze %dma_start3A_146 : memref<1x128x128xf32, #tpu.memory_space<vmem>> -> memref<128x128xf32, #tpu.memory_space<vmem>>
      tpu.enqueue_dma source(%dma_start3A_147 : memref<128x128xf32, #tpu.memory_space<vmem>>) target(%dma_start3A_143 : memref<128x128xf32, #tpu.memory_space<hbm>>) target_semaphore(%dma_start3A_141 : memref<!tpu.dma_semaphore, #tpu.memory_space<semaphore_mem>>)
      %dma_wait3A_148 = arith.constant 1 : i32
      %dma_wait3A_149 = arith.constant 1 : i32
      %dma_wait3A_150 = arith.constant 0 : i32
      %dma_wait3A_151 = arith.constant 0 : i32
      %dma_wait3A_152 = tpu.memref_slice %arg9[%dma_wait3A_148, %dma_wait3A_150, %dma_wait3A_151] : memref<5x128x128xf32, #tpu.memory_space<vmem>> -> memref<1x128x128xf32, #tpu.memory_space<vmem>>
      %dma_wait3A_153 = tpu.memref_squeeze %dma_wait3A_152 : memref<1x128x128xf32, #tpu.memory_space<vmem>> -> memref<128x128xf32, #tpu.memory_space<vmem>>
      %dma_wait3A_154 = arith.constant 0 : i32
      %dma_wait3A_155 = arith.constant 0 : i32
      %dma_wait3A_156 = tpu.memref_slice %arg10[%dma_wait3A_154, %dma_wait3A_155] : memref<1016x128xf32, #tpu.memory_space<vmem_shared>> -> memref<128x128xf32, #tpu.memory_space<vmem_shared>>
      %dma_wait3A_157 = tpu.memref_slice %arg11[%dma_wait3A_149] : memref<5x!tpu.dma_semaphore, #tpu.memory_space<semaphore_mem>> -> memref<1x!tpu.dma_semaphore, #tpu.memory_space<semaphore_mem>>
      %dma_wait3A_158 = tpu.memref_squeeze %dma_wait3A_157 : memref<1x!tpu.dma_semaphore, #tpu.memory_space<semaphore_mem>> -> memref<!tpu.dma_semaphore, #tpu.memory_space<semaphore_mem>>
      %dma_wait3A_159 = arith.constant 0 : i32
      %dma_wait3A_160 = arith.constant 0 : i32
      %dma_wait3A_161 = tpu.memref_slice %arg9[%dma_wait3A_148, %dma_wait3A_159, %dma_wait3A_160] : memref<5x128x128xf32, #tpu.memory_space<vmem>> -> memref<1x128x128xf32, #tpu.memory_space<vmem>>
      %dma_wait3A_162 = tpu.memref_squeeze %dma_wait3A_161 : memref<1x128x128xf32, #tpu.memory_space<vmem>> -> memref<128x128xf32, #tpu.memory_space<vmem>>
      %dma_wait3A_163 = arith.constant 0 : i32
      %dma_wait3A_164 = arith.constant 0 : i32
      %dma_wait3A_165 = tpu.memref_slice %arg10[%dma_wait3A_163, %dma_wait3A_164] : memref<1016x128xf32, #tpu.memory_space<vmem_shared>> -> memref<128x128xf32, #tpu.memory_space<vmem_shared>>
      tpu.wait_dma2 semaphore(%dma_wait3A_158 : memref<!tpu.dma_semaphore, #tpu.memory_space<semaphore_mem>>) src(%dma_wait3A_165 : memref<128x128xf32, #tpu.memory_space<vmem_shared>>) dst(%dma_wait3A_162 : memref<128x128xf32, #tpu.memory_space<vmem>>)
      %add3A_166 = arith.constant 128 : i32
      %add3A_167 = arith.addi %mul3A_2, %add3A_166 : i32
      %dma_start3A_168 = arith.constant 1 : i32
      %dma_start3A_169 = arith.constant 1 : i32
      %dma_start3A_170 = arith.constant 0 : i32
      %dma_start3A_171 = arith.constant 0 : i32
      %dma_start3A_172 = tpu.memref_slice %arg9[%dma_start3A_168, %dma_start3A_170, %dma_start3A_171] : memref<5x128x128xf32, #tpu.memory_space<vmem>> -> memref<1x128x128xf32, #tpu.memory_space<vmem>>
      %dma_start3A_173 = tpu.memref_squeeze %dma_start3A_172 : memref<1x128x128xf32, #tpu.memory_space<vmem>> -> memref<128x128xf32, #tpu.memory_space<vmem>>
      %dma_start3A_174 = arith.constant 0 : i32
      %dma_start3A_175 = tpu.memref_slice %arg5[%add3A_167, %dma_start3A_174] : memref<100000x128xf32, #tpu.memory_space<hbm>> -> memref<128x128xf32, #tpu.memory_space<hbm>>
      %dma_start3A_176 = tpu.memref_slice %arg12[%dma_start3A_169] : memref<5x!tpu.dma_semaphore, #tpu.memory_space<semaphore_mem>> -> memref<1x!tpu.dma_semaphore, #tpu.memory_space<semaphore_mem>>
      %dma_start3A_177 = tpu.memref_squeeze %dma_start3A_176 : memref<1x!tpu.dma_semaphore, #tpu.memory_space<semaphore_mem>> -> memref<!tpu.dma_semaphore, #tpu.memory_space<semaphore_mem>>
      %dma_start3A_178 = arith.constant 0 : i32
      %dma_start3A_179 = tpu.memref_slice %arg5[%add3A_167, %dma_start3A_178] : memref<100000x128xf32, #tpu.memory_space<hbm>> -> memref<128x128xf32, #tpu.memory_space<hbm>>
      %dma_start3A_180 = arith.constant 0 : i32
      %dma_start3A_181 = arith.constant 0 : i32
      %dma_start3A_182 = tpu.memref_slice %arg9[%dma_start3A_168, %dma_start3A_180, %dma_start3A_181] : memref<5x128x128xf32, #tpu.memory_space<vmem>> -> memref<1x128x128xf32, #tpu.memory_space<vmem>>
      %dma_start3A_183 = tpu.memref_squeeze %dma_start3A_182 : memref<1x128x128xf32, #tpu.memory_space<vmem>> -> memref<128x128xf32, #tpu.memory_space<vmem>>
      tpu.enqueue_dma source(%dma_start3A_183 : memref<128x128xf32, #tpu.memory_space<vmem>>) target(%dma_start3A_179 : memref<128x128xf32, #tpu.memory_space<hbm>>) target_semaphore(%dma_start3A_177 : memref<!tpu.dma_semaphore, #tpu.memory_space<semaphore_mem>>)
      %scan3A_184 = arith.constant 0 : i32
      %scan3A_185 = arith.constant 0 : i32
      %scan3A_186 = arith.constant 4 : i32
      %scan3A_187 = arith.addi %scan3A_185, %scan3A_186 : i32
      %scan3A_188 = arith.constant 1 : i32
      scf.for %scan3A_378 = %scan3A_185 to %scan3A_187 step %scan3A_188  : i32 {
        %mul3A_379 = arith.constant 5 : i32
        %mul3A_380 = arith.muli %scan3A_378, %mul3A_379 : i32
        %add3A_381 = arith.constant 0 : i32
        %add3A_382 = arith.addi %mul3A_380, %add3A_381 : i32
        %add3A_383 = arith.constant 2 : i32
        %add3A_384 = arith.addi %add3A_382, %add3A_383 : i32
        %dma_wait3A_385 = arith.constant 0 : i32
        %dma_wait3A_386 = arith.constant 0 : i32
        %dma_wait3A_387 = arith.constant 0 : i32
        %dma_wait3A_388 = arith.constant 0 : i32
        %dma_wait3A_389 = tpu.memref_slice %arg9[%dma_wait3A_385, %dma_wait3A_387, %dma_wait3A_388] : memref<5x128x128xf32, #tpu.memory_space<vmem>> -> memref<1x128x128xf32, #tpu.memory_space<vmem>>
        %dma_wait3A_390 = tpu.memref_squeeze %dma_wait3A_389 : memref<1x128x128xf32, #tpu.memory_space<vmem>> -> memref<128x128xf32, #tpu.memory_space<vmem>>
        %dma_wait3A_391 = arith.constant 0 : i32
        %dma_wait3A_392 = tpu.memref_slice %arg5[%mul3A_2, %dma_wait3A_391] : memref<100000x128xf32, #tpu.memory_space<hbm>> -> memref<128x128xf32, #tpu.memory_space<hbm>>
        %dma_wait3A_393 = tpu.memref_slice %arg12[%dma_wait3A_386] : memref<5x!tpu.dma_semaphore, #tpu.memory_space<semaphore_mem>> -> memref<1x!tpu.dma_semaphore, #tpu.memory_space<semaphore_mem>>
        %dma_wait3A_394 = tpu.memref_squeeze %dma_wait3A_393 : memref<1x!tpu.dma_semaphore, #tpu.memory_space<semaphore_mem>> -> memref<!tpu.dma_semaphore, #tpu.memory_space<semaphore_mem>>
        %dma_wait3A_395 = arith.constant 0 : i32
        %dma_wait3A_396 = tpu.memref_slice %arg5[%mul3A_2, %dma_wait3A_395] : memref<100000x128xf32, #tpu.memory_space<hbm>> -> memref<128x128xf32, #tpu.memory_space<hbm>>
        %dma_wait3A_397 = arith.constant 0 : i32
        %dma_wait3A_398 = arith.constant 0 : i32
        %dma_wait3A_399 = tpu.memref_slice %arg9[%dma_wait3A_385, %dma_wait3A_397, %dma_wait3A_398] : memref<5x128x128xf32, #tpu.memory_space<vmem>> -> memref<1x128x128xf32, #tpu.memory_space<vmem>>
        %dma_wait3A_400 = tpu.memref_squeeze %dma_wait3A_399 : memref<1x128x128xf32, #tpu.memory_space<vmem>> -> memref<128x128xf32, #tpu.memory_space<vmem>>
        tpu.wait_dma2 semaphore(%dma_wait3A_394 : memref<!tpu.dma_semaphore, #tpu.memory_space<semaphore_mem>>) src(%dma_wait3A_400 : memref<128x128xf32, #tpu.memory_space<vmem>>) dst(%dma_wait3A_396 : memref<128x128xf32, #tpu.memory_space<hbm>>)
        %add3A_401 = arith.constant 5 : i32
        %add3A_402 = arith.addi %add3A_384, %add3A_401 : i32
        %sub3A = arith.constant 2 : i32
        %sub3A_403 = arith.subi %add3A_402, %sub3A : i32
        %mul3A_404 = arith.constant 128 : i32
        %mul3A_405 = arith.muli %sub3A_403, %mul3A_404 : i32
        %dma_start3A_406 = arith.constant 0 : i32
        %dma_start3A_407 = arith.constant 0 : i32
        %dma_start3A_408 = arith.constant 0 : i32
        %dma_start3A_409 = arith.constant 0 : i32
        %dma_start3A_410 = tpu.memref_slice %arg9[%dma_start3A_406, %dma_start3A_408, %dma_start3A_409] : memref<5x128x128xf32, #tpu.memory_space<vmem>> -> memref<1x128x128xf32, #tpu.memory_space<vmem>>
        %dma_start3A_411 = tpu.memref_squeeze %dma_start3A_410 : memref<1x128x128xf32, #tpu.memory_space<vmem>> -> memref<128x128xf32, #tpu.memory_space<vmem>>
        %dma_start3A_412 = tpu.memref_slice %arg8[%mul3A_405] : memref<3200xi32, #tpu.memory_space<vmem>> -> memref<128xi32, #tpu.memory_space<vmem>>
        %dma_start3A_413 = arith.constant 0 : i32
        %dma_start3A_414 = arith.constant 0 : i32
        %dma_start3A_415 = tpu.memref_slice %arg10[%dma_start3A_413, %dma_start3A_414] : memref<1016x128xf32, #tpu.memory_space<vmem_shared>> -> memref<1016x128xf32, #tpu.memory_space<vmem_shared>>
        %dma_start3A_416 = tpu.memref_slice %arg11[%dma_start3A_407] : memref<5x!tpu.dma_semaphore, #tpu.memory_space<semaphore_mem>> -> memref<1x!tpu.dma_semaphore, #tpu.memory_space<semaphore_mem>>
        %dma_start3A_417 = tpu.memref_squeeze %dma_start3A_416 : memref<1x!tpu.dma_semaphore, #tpu.memory_space<semaphore_mem>> -> memref<!tpu.dma_semaphore, #tpu.memory_space<semaphore_mem>>
        tpu.enqueue_indirect_dma source(%dma_start3A_415 : memref<1016x128xf32, #tpu.memory_space<vmem_shared>>) target(%dma_start3A_411 : memref<128x128xf32, #tpu.memory_space<vmem>>) offsets(%dma_start3A_412 : memref<128xi32, #tpu.memory_space<vmem>>) semaphore(%dma_start3A_417 : memref<!tpu.dma_semaphore, #tpu.memory_space<semaphore_mem>>)
        %dma_wait3A_418 = arith.constant 2 : i32
        %dma_wait3A_419 = arith.constant 2 : i32
        %dma_wait3A_420 = arith.constant 0 : i32
        %dma_wait3A_421 = arith.constant 0 : i32
        %dma_wait3A_422 = tpu.memref_slice %arg9[%dma_wait3A_418, %dma_wait3A_420, %dma_wait3A_421] : memref<5x128x128xf32, #tpu.memory_space<vmem>> -> memref<1x128x128xf32, #tpu.memory_space<vmem>>
        %dma_wait3A_423 = tpu.memref_squeeze %dma_wait3A_422 : memref<1x128x128xf32, #tpu.memory_space<vmem>> -> memref<128x128xf32, #tpu.memory_space<vmem>>
        %dma_wait3A_424 = arith.constant 0 : i32
        %dma_wait3A_425 = arith.constant 0 : i32
        %dma_wait3A_426 = tpu.memref_slice %arg10[%dma_wait3A_424, %dma_wait3A_425] : memref<1016x128xf32, #tpu.memory_space<vmem_shared>> -> memref<128x128xf32, #tpu.memory_space<vmem_shared>>
        %dma_wait3A_427 = tpu.memref_slice %arg11[%dma_wait3A_419] : memref<5x!tpu.dma_semaphore, #tpu.memory_space<semaphore_mem>> -> memref<1x!tpu.dma_semaphore, #tpu.memory_space<semaphore_mem>>
        %dma_wait3A_428 = tpu.memref_squeeze %dma_wait3A_427 : memref<1x!tpu.dma_semaphore, #tpu.memory_space<semaphore_mem>> -> memref<!tpu.dma_semaphore, #tpu.memory_space<semaphore_mem>>
        %dma_wait3A_429 = arith.constant 0 : i32
        %dma_wait3A_430 = arith.constant 0 : i32
        %dma_wait3A_431 = tpu.memref_slice %arg9[%dma_wait3A_418, %dma_wait3A_429, %dma_wait3A_430] : memref<5x128x128xf32, #tpu.memory_space<vmem>> -> memref<1x128x128xf32, #tpu.memory_space<vmem>>
        %dma_wait3A_432 = tpu.memref_squeeze %dma_wait3A_431 : memref<1x128x128xf32, #tpu.memory_space<vmem>> -> memref<128x128xf32, #tpu.memory_space<vmem>>
        %dma_wait3A_433 = arith.constant 0 : i32
        %dma_wait3A_434 = arith.constant 0 : i32
        %dma_wait3A_435 = tpu.memref_slice %arg10[%dma_wait3A_433, %dma_wait3A_434] : memref<1016x128xf32, #tpu.memory_space<vmem_shared>> -> memref<128x128xf32, #tpu.memory_space<vmem_shared>>
        tpu.wait_dma2 semaphore(%dma_wait3A_428 : memref<!tpu.dma_semaphore, #tpu.memory_space<semaphore_mem>>) src(%dma_wait3A_435 : memref<128x128xf32, #tpu.memory_space<vmem_shared>>) dst(%dma_wait3A_432 : memref<128x128xf32, #tpu.memory_space<vmem>>)
        %mul3A_436 = arith.constant 128 : i32
        %mul3A_437 = arith.muli %add3A_384, %mul3A_436 : i32
        %add3A_438 = arith.addi %mul3A_2, %mul3A_437 : i32
        %dma_start3A_439 = arith.constant 2 : i32
        %dma_start3A_440 = arith.constant 2 : i32
        %dma_start3A_441 = arith.constant 0 : i32
        %dma_start3A_442 = arith.constant 0 : i32
        %dma_start3A_443 = tpu.memref_slice %arg9[%dma_start3A_439, %dma_start3A_441, %dma_start3A_442] : memref<5x128x128xf32, #tpu.memory_space<vmem>> -> memref<1x128x128xf32, #tpu.memory_space<vmem>>
        %dma_start3A_444 = tpu.memref_squeeze %dma_start3A_443 : memref<1x128x128xf32, #tpu.memory_space<vmem>> -> memref<128x128xf32, #tpu.memory_space<vmem>>
        %dma_start3A_445 = arith.constant 0 : i32
        %dma_start3A_446 = tpu.memref_slice %arg5[%add3A_438, %dma_start3A_445] : memref<100000x128xf32, #tpu.memory_space<hbm>> -> memref<128x128xf32, #tpu.memory_space<hbm>>
        %dma_start3A_447 = tpu.memref_slice %arg12[%dma_start3A_440] : memref<5x!tpu.dma_semaphore, #tpu.memory_space<semaphore_mem>> -> memref<1x!tpu.dma_semaphore, #tpu.memory_space<semaphore_mem>>
        %dma_start3A_448 = tpu.memref_squeeze %dma_start3A_447 : memref<1x!tpu.dma_semaphore, #tpu.memory_space<semaphore_mem>> -> memref<!tpu.dma_semaphore, #tpu.memory_space<semaphore_mem>>
        %dma_start3A_449 = arith.constant 0 : i32
        %dma_start3A_450 = tpu.memref_slice %arg5[%add3A_438, %dma_start3A_449] : memref<100000x128xf32, #tpu.memory_space<hbm>> -> memref<128x128xf32, #tpu.memory_space<hbm>>
        %dma_start3A_451 = arith.constant 0 : i32
        %dma_start3A_452 = arith.constant 0 : i32
        %dma_start3A_453 = tpu.memref_slice %arg9[%dma_start3A_439, %dma_start3A_451, %dma_start3A_452] : memref<5x128x128xf32, #tpu.memory_space<vmem>> -> memref<1x128x128xf32, #tpu.memory_space<vmem>>
        %dma_start3A_454 = tpu.memref_squeeze %dma_start3A_453 : memref<1x128x128xf32, #tpu.memory_space<vmem>> -> memref<128x128xf32, #tpu.memory_space<vmem>>
        tpu.enqueue_dma source(%dma_start3A_454 : memref<128x128xf32, #tpu.memory_space<vmem>>) target(%dma_start3A_450 : memref<128x128xf32, #tpu.memory_space<hbm>>) target_semaphore(%dma_start3A_448 : memref<!tpu.dma_semaphore, #tpu.memory_space<semaphore_mem>>)
        %mul3A_455 = arith.constant 5 : i32
        %mul3A_456 = arith.muli %scan3A_378, %mul3A_455 : i32
        %add3A_457 = arith.constant 1 : i32
        %add3A_458 = arith.addi %mul3A_456, %add3A_457 : i32
        %add3A_459 = arith.constant 2 : i32
        %add3A_460 = arith.addi %add3A_458, %add3A_459 : i32
        %dma_wait3A_461 = arith.constant 1 : i32
        %dma_wait3A_462 = arith.constant 1 : i32
        %dma_wait3A_463 = arith.constant 0 : i32
        %dma_wait3A_464 = arith.constant 0 : i32
        %dma_wait3A_465 = tpu.memref_slice %arg9[%dma_wait3A_461, %dma_wait3A_463, %dma_wait3A_464] : memref<5x128x128xf32, #tpu.memory_space<vmem>> -> memref<1x128x128xf32, #tpu.memory_space<vmem>>
        %dma_wait3A_466 = tpu.memref_squeeze %dma_wait3A_465 : memref<1x128x128xf32, #tpu.memory_space<vmem>> -> memref<128x128xf32, #tpu.memory_space<vmem>>
        %dma_wait3A_467 = arith.constant 0 : i32
        %dma_wait3A_468 = tpu.memref_slice %arg5[%mul3A_2, %dma_wait3A_467] : memref<100000x128xf32, #tpu.memory_space<hbm>> -> memref<128x128xf32, #tpu.memory_space<hbm>>
        %dma_wait3A_469 = tpu.memref_slice %arg12[%dma_wait3A_462] : memref<5x!tpu.dma_semaphore, #tpu.memory_space<semaphore_mem>> -> memref<1x!tpu.dma_semaphore, #tpu.memory_space<semaphore_mem>>
        %dma_wait3A_470 = tpu.memref_squeeze %dma_wait3A_469 : memref<1x!tpu.dma_semaphore, #tpu.memory_space<semaphore_mem>> -> memref<!tpu.dma_semaphore, #tpu.memory_space<semaphore_mem>>
        %dma_wait3A_471 = arith.constant 0 : i32
        %dma_wait3A_472 = tpu.memref_slice %arg5[%mul3A_2, %dma_wait3A_471] : memref<100000x128xf32, #tpu.memory_space<hbm>> -> memref<128x128xf32, #tpu.memory_space<hbm>>
        %dma_wait3A_473 = arith.constant 0 : i32
        %dma_wait3A_474 = arith.constant 0 : i32
        %dma_wait3A_475 = tpu.memref_slice %arg9[%dma_wait3A_461, %dma_wait3A_473, %dma_wait3A_474] : memref<5x128x128xf32, #tpu.memory_space<vmem>> -> memref<1x128x128xf32, #tpu.memory_space<vmem>>
        %dma_wait3A_476 = tpu.memref_squeeze %dma_wait3A_475 : memref<1x128x128xf32, #tpu.memory_space<vmem>> -> memref<128x128xf32, #tpu.memory_space<vmem>>
        tpu.wait_dma2 semaphore(%dma_wait3A_470 : memref<!tpu.dma_semaphore, #tpu.memory_space<semaphore_mem>>) src(%dma_wait3A_476 : memref<128x128xf32, #tpu.memory_space<vmem>>) dst(%dma_wait3A_472 : memref<128x128xf32, #tpu.memory_space<hbm>>)
        %add3A_477 = arith.constant 5 : i32
        %add3A_478 = arith.addi %add3A_460, %add3A_477 : i32
        %sub3A_479 = arith.constant 2 : i32
        %sub3A_480 = arith.subi %add3A_478, %sub3A_479 : i32
        %mul3A_481 = arith.constant 128 : i32
        %mul3A_482 = arith.muli %sub3A_480, %mul3A_481 : i32
        %dma_start3A_483 = arith.constant 1 : i32
        %dma_start3A_484 = arith.constant 1 : i32
        %dma_start3A_485 = arith.constant 0 : i32
        %dma_start3A_486 = arith.constant 0 : i32
        %dma_start3A_487 = tpu.memref_slice %arg9[%dma_start3A_483, %dma_start3A_485, %dma_start3A_486] : memref<5x128x128xf32, #tpu.memory_space<vmem>> -> memref<1x128x128xf32, #tpu.memory_space<vmem>>
        %dma_start3A_488 = tpu.memref_squeeze %dma_start3A_487 : memref<1x128x128xf32, #tpu.memory_space<vmem>> -> memref<128x128xf32, #tpu.memory_space<vmem>>
        %dma_start3A_489 = tpu.memref_slice %arg8[%mul3A_482] : memref<3200xi32, #tpu.memory_space<vmem>> -> memref<128xi32, #tpu.memory_space<vmem>>
        %dma_start3A_490 = arith.constant 0 : i32
        %dma_start3A_491 = arith.constant 0 : i32
        %dma_start3A_492 = tpu.memref_slice %arg10[%dma_start3A_490, %dma_start3A_491] : memref<1016x128xf32, #tpu.memory_space<vmem_shared>> -> memref<1016x128xf32, #tpu.memory_space<vmem_shared>>
        %dma_start3A_493 = tpu.memref_slice %arg11[%dma_start3A_484] : memref<5x!tpu.dma_semaphore, #tpu.memory_space<semaphore_mem>> -> memref<1x!tpu.dma_semaphore, #tpu.memory_space<semaphore_mem>>
        %dma_start3A_494 = tpu.memref_squeeze %dma_start3A_493 : memref<1x!tpu.dma_semaphore, #tpu.memory_space<semaphore_mem>> -> memref<!tpu.dma_semaphore, #tpu.memory_space<semaphore_mem>>
        tpu.enqueue_indirect_dma source(%dma_start3A_492 : memref<1016x128xf32, #tpu.memory_space<vmem_shared>>) target(%dma_start3A_488 : memref<128x128xf32, #tpu.memory_space<vmem>>) offsets(%dma_start3A_489 : memref<128xi32, #tpu.memory_space<vmem>>) semaphore(%dma_start3A_494 : memref<!tpu.dma_semaphore, #tpu.memory_space<semaphore_mem>>)
        %dma_wait3A_495 = arith.constant 3 : i32
        %dma_wait3A_496 = arith.constant 3 : i32
        %dma_wait3A_497 = arith.constant 0 : i32
        %dma_wait3A_498 = arith.constant 0 : i32
        %dma_wait3A_499 = tpu.memref_slice %arg9[%dma_wait3A_495, %dma_wait3A_497, %dma_wait3A_498] : memref<5x128x128xf32, #tpu.memory_space<vmem>> -> memref<1x128x128xf32, #tpu.memory_space<vmem>>
        %dma_wait3A_500 = tpu.memref_squeeze %dma_wait3A_499 : memref<1x128x128xf32, #tpu.memory_space<vmem>> -> memref<128x128xf32, #tpu.memory_space<vmem>>
        %dma_wait3A_501 = arith.constant 0 : i32
        %dma_wait3A_502 = arith.constant 0 : i32
        %dma_wait3A_503 = tpu.memref_slice %arg10[%dma_wait3A_501, %dma_wait3A_502] : memref<1016x128xf32, #tpu.memory_space<vmem_shared>> -> memref<128x128xf32, #tpu.memory_space<vmem_shared>>
        %dma_wait3A_504 = tpu.memref_slice %arg11[%dma_wait3A_496] : memref<5x!tpu.dma_semaphore, #tpu.memory_space<semaphore_mem>> -> memref<1x!tpu.dma_semaphore, #tpu.memory_space<semaphore_mem>>
        %dma_wait3A_505 = tpu.memref_squeeze %dma_wait3A_504 : memref<1x!tpu.dma_semaphore, #tpu.memory_space<semaphore_mem>> -> memref<!tpu.dma_semaphore, #tpu.memory_space<semaphore_mem>>
        %dma_wait3A_506 = arith.constant 0 : i32
        %dma_wait3A_507 = arith.constant 0 : i32
        %dma_wait3A_508 = tpu.memref_slice %arg9[%dma_wait3A_495, %dma_wait3A_506, %dma_wait3A_507] : memref<5x128x128xf32, #tpu.memory_space<vmem>> -> memref<1x128x128xf32, #tpu.memory_space<vmem>>
        %dma_wait3A_509 = tpu.memref_squeeze %dma_wait3A_508 : memref<1x128x128xf32, #tpu.memory_space<vmem>> -> memref<128x128xf32, #tpu.memory_space<vmem>>
        %dma_wait3A_510 = arith.constant 0 : i32
        %dma_wait3A_511 = arith.constant 0 : i32
        %dma_wait3A_512 = tpu.memref_slice %arg10[%dma_wait3A_510, %dma_wait3A_511] : memref<1016x128xf32, #tpu.memory_space<vmem_shared>> -> memref<128x128xf32, #tpu.memory_space<vmem_shared>>
        tpu.wait_dma2 semaphore(%dma_wait3A_505 : memref<!tpu.dma_semaphore, #tpu.memory_space<semaphore_mem>>) src(%dma_wait3A_512 : memref<128x128xf32, #tpu.memory_space<vmem_shared>>) dst(%dma_wait3A_509 : memref<128x128xf32, #tpu.memory_space<vmem>>)
        %mul3A_513 = arith.constant 128 : i32
        %mul3A_514 = arith.muli %add3A_460, %mul3A_513 : i32
        %add3A_515 = arith.addi %mul3A_2, %mul3A_514 : i32
        %dma_start3A_516 = arith.constant 3 : i32
        %dma_start3A_517 = arith.constant 3 : i32
        %dma_start3A_518 = arith.constant 0 : i32
        %dma_start3A_519 = arith.constant 0 : i32
        %dma_start3A_520 = tpu.memref_slice %arg9[%dma_start3A_516, %dma_start3A_518, %dma_start3A_519] : memref<5x128x128xf32, #tpu.memory_space<vmem>> -> memref<1x128x128xf32, #tpu.memory_space<vmem>>
        %dma_start3A_521 = tpu.memref_squeeze %dma_start3A_520 : memref<1x128x128xf32, #tpu.memory_space<vmem>> -> memref<128x128xf32, #tpu.memory_space<vmem>>
        %dma_start3A_522 = arith.constant 0 : i32
        %dma_start3A_523 = tpu.memref_slice %arg5[%add3A_515, %dma_start3A_522] : memref<100000x128xf32, #tpu.memory_space<hbm>> -> memref<128x128xf32, #tpu.memory_space<hbm>>
        %dma_start3A_524 = tpu.memref_slice %arg12[%dma_start3A_517] : memref<5x!tpu.dma_semaphore, #tpu.memory_space<semaphore_mem>> -> memref<1x!tpu.dma_semaphore, #tpu.memory_space<semaphore_mem>>
        %dma_start3A_525 = tpu.memref_squeeze %dma_start3A_524 : memref<1x!tpu.dma_semaphore, #tpu.memory_space<semaphore_mem>> -> memref<!tpu.dma_semaphore, #tpu.memory_space<semaphore_mem>>
        %dma_start3A_526 = arith.constant 0 : i32
        %dma_start3A_527 = tpu.memref_slice %arg5[%add3A_515, %dma_start3A_526] : memref<100000x128xf32, #tpu.memory_space<hbm>> -> memref<128x128xf32, #tpu.memory_space<hbm>>
        %dma_start3A_528 = arith.constant 0 : i32
        %dma_start3A_529 = arith.constant 0 : i32
        %dma_start3A_530 = tpu.memref_slice %arg9[%dma_start3A_516, %dma_start3A_528, %dma_start3A_529] : memref<5x128x128xf32, #tpu.memory_space<vmem>> -> memref<1x128x128xf32, #tpu.memory_space<vmem>>
        %dma_start3A_531 = tpu.memref_squeeze %dma_start3A_530 : memref<1x128x128xf32, #tpu.memory_space<vmem>> -> memref<128x128xf32, #tpu.memory_space<vmem>>
        tpu.enqueue_dma source(%dma_start3A_531 : memref<128x128xf32, #tpu.memory_space<vmem>>) target(%dma_start3A_527 : memref<128x128xf32, #tpu.memory_space<hbm>>) target_semaphore(%dma_start3A_525 : memref<!tpu.dma_semaphore, #tpu.memory_space<semaphore_mem>>)
        %mul3A_532 = arith.constant 5 : i32
        %mul3A_533 = arith.muli %scan3A_378, %mul3A_532 : i32
        %add3A_534 = arith.constant 2 : i32
        %add3A_535 = arith.addi %mul3A_533, %add3A_534 : i32
        %add3A_536 = arith.constant 2 : i32
        %add3A_537 = arith.addi %add3A_535, %add3A_536 : i32
        %dma_wait3A_538 = arith.constant 2 : i32
        %dma_wait3A_539 = arith.constant 2 : i32
        %dma_wait3A_540 = arith.constant 0 : i32
        %dma_wait3A_541 = arith.constant 0 : i32
        %dma_wait3A_542 = tpu.memref_slice %arg9[%dma_wait3A_538, %dma_wait3A_540, %dma_wait3A_541] : memref<5x128x128xf32, #tpu.memory_space<vmem>> -> memref<1x128x128xf32, #tpu.memory_space<vmem>>
        %dma_wait3A_543 = tpu.memref_squeeze %dma_wait3A_542 : memref<1x128x128xf32, #tpu.memory_space<vmem>> -> memref<128x128xf32, #tpu.memory_space<vmem>>
        %dma_wait3A_544 = arith.constant 0 : i32
        %dma_wait3A_545 = tpu.memref_slice %arg5[%mul3A_2, %dma_wait3A_544] : memref<100000x128xf32, #tpu.memory_space<hbm>> -> memref<128x128xf32, #tpu.memory_space<hbm>>
        %dma_wait3A_546 = tpu.memref_slice %arg12[%dma_wait3A_539] : memref<5x!tpu.dma_semaphore, #tpu.memory_space<semaphore_mem>> -> memref<1x!tpu.dma_semaphore, #tpu.memory_space<semaphore_mem>>
        %dma_wait3A_547 = tpu.memref_squeeze %dma_wait3A_546 : memref<1x!tpu.dma_semaphore, #tpu.memory_space<semaphore_mem>> -> memref<!tpu.dma_semaphore, #tpu.memory_space<semaphore_mem>>
        %dma_wait3A_548 = arith.constant 0 : i32
        %dma_wait3A_549 = tpu.memref_slice %arg5[%mul3A_2, %dma_wait3A_548] : memref<100000x128xf32, #tpu.memory_space<hbm>> -> memref<128x128xf32, #tpu.memory_space<hbm>>
        %dma_wait3A_550 = arith.constant 0 : i32
        %dma_wait3A_551 = arith.constant 0 : i32
        %dma_wait3A_552 = tpu.memref_slice %arg9[%dma_wait3A_538, %dma_wait3A_550, %dma_wait3A_551] : memref<5x128x128xf32, #tpu.memory_space<vmem>> -> memref<1x128x128xf32, #tpu.memory_space<vmem>>
        %dma_wait3A_553 = tpu.memref_squeeze %dma_wait3A_552 : memref<1x128x128xf32, #tpu.memory_space<vmem>> -> memref<128x128xf32, #tpu.memory_space<vmem>>
        tpu.wait_dma2 semaphore(%dma_wait3A_547 : memref<!tpu.dma_semaphore, #tpu.memory_space<semaphore_mem>>) src(%dma_wait3A_553 : memref<128x128xf32, #tpu.memory_space<vmem>>) dst(%dma_wait3A_549 : memref<128x128xf32, #tpu.memory_space<hbm>>)
        %add3A_554 = arith.constant 5 : i32
        %add3A_555 = arith.addi %add3A_537, %add3A_554 : i32
        %sub3A_556 = arith.constant 2 : i32
        %sub3A_557 = arith.subi %add3A_555, %sub3A_556 : i32
        %mul3A_558 = arith.constant 128 : i32
        %mul3A_559 = arith.muli %sub3A_557, %mul3A_558 : i32
        %dma_start3A_560 = arith.constant 2 : i32
        %dma_start3A_561 = arith.constant 2 : i32
        %dma_start3A_562 = arith.constant 0 : i32
        %dma_start3A_563 = arith.constant 0 : i32
        %dma_start3A_564 = tpu.memref_slice %arg9[%dma_start3A_560, %dma_start3A_562, %dma_start3A_563] : memref<5x128x128xf32, #tpu.memory_space<vmem>> -> memref<1x128x128xf32, #tpu.memory_space<vmem>>
        %dma_start3A_565 = tpu.memref_squeeze %dma_start3A_564 : memref<1x128x128xf32, #tpu.memory_space<vmem>> -> memref<128x128xf32, #tpu.memory_space<vmem>>
        %dma_start3A_566 = tpu.memref_slice %arg8[%mul3A_559] : memref<3200xi32, #tpu.memory_space<vmem>> -> memref<128xi32, #tpu.memory_space<vmem>>
        %dma_start3A_567 = arith.constant 0 : i32
        %dma_start3A_568 = arith.constant 0 : i32
        %dma_start3A_569 = tpu.memref_slice %arg10[%dma_start3A_567, %dma_start3A_568] : memref<1016x128xf32, #tpu.memory_space<vmem_shared>> -> memref<1016x128xf32, #tpu.memory_space<vmem_shared>>
        %dma_start3A_570 = tpu.memref_slice %arg11[%dma_start3A_561] : memref<5x!tpu.dma_semaphore, #tpu.memory_space<semaphore_mem>> -> memref<1x!tpu.dma_semaphore, #tpu.memory_space<semaphore_mem>>
        %dma_start3A_571 = tpu.memref_squeeze %dma_start3A_570 : memref<1x!tpu.dma_semaphore, #tpu.memory_space<semaphore_mem>> -> memref<!tpu.dma_semaphore, #tpu.memory_space<semaphore_mem>>
        tpu.enqueue_indirect_dma source(%dma_start3A_569 : memref<1016x128xf32, #tpu.memory_space<vmem_shared>>) target(%dma_start3A_565 : memref<128x128xf32, #tpu.memory_space<vmem>>) offsets(%dma_start3A_566 : memref<128xi32, #tpu.memory_space<vmem>>) semaphore(%dma_start3A_571 : memref<!tpu.dma_semaphore, #tpu.memory_space<semaphore_mem>>)
        %dma_wait3A_572 = arith.constant 4 : i32
        %dma_wait3A_573 = arith.constant 4 : i32
        %dma_wait3A_574 = arith.constant 0 : i32
        %dma_wait3A_575 = arith.constant 0 : i32
        %dma_wait3A_576 = tpu.memref_slice %arg9[%dma_wait3A_572, %dma_wait3A_574, %dma_wait3A_575] : memref<5x128x128xf32, #tpu.memory_space<vmem>> -> memref<1x128x128xf32, #tpu.memory_space<vmem>>
        %dma_wait3A_577 = tpu.memref_squeeze %dma_wait3A_576 : memref<1x128x128xf32, #tpu.memory_space<vmem>> -> memref<128x128xf32, #tpu.memory_space<vmem>>
        %dma_wait3A_578 = arith.constant 0 : i32
        %dma_wait3A_579 = arith.constant 0 : i32
        %dma_wait3A_580 = tpu.memref_slice %arg10[%dma_wait3A_578, %dma_wait3A_579] : memref<1016x128xf32, #tpu.memory_space<vmem_shared>> -> memref<128x128xf32, #tpu.memory_space<vmem_shared>>
        %dma_wait3A_581 = tpu.memref_slice %arg11[%dma_wait3A_573] : memref<5x!tpu.dma_semaphore, #tpu.memory_space<semaphore_mem>> -> memref<1x!tpu.dma_semaphore, #tpu.memory_space<semaphore_mem>>
        %dma_wait3A_582 = tpu.memref_squeeze %dma_wait3A_581 : memref<1x!tpu.dma_semaphore, #tpu.memory_space<semaphore_mem>> -> memref<!tpu.dma_semaphore, #tpu.memory_space<semaphore_mem>>
        %dma_wait3A_583 = arith.constant 0 : i32
        %dma_wait3A_584 = arith.constant 0 : i32
        %dma_wait3A_585 = tpu.memref_slice %arg9[%dma_wait3A_572, %dma_wait3A_583, %dma_wait3A_584] : memref<5x128x128xf32, #tpu.memory_space<vmem>> -> memref<1x128x128xf32, #tpu.memory_space<vmem>>
        %dma_wait3A_586 = tpu.memref_squeeze %dma_wait3A_585 : memref<1x128x128xf32, #tpu.memory_space<vmem>> -> memref<128x128xf32, #tpu.memory_space<vmem>>
        %dma_wait3A_587 = arith.constant 0 : i32
        %dma_wait3A_588 = arith.constant 0 : i32
        %dma_wait3A_589 = tpu.memref_slice %arg10[%dma_wait3A_587, %dma_wait3A_588] : memref<1016x128xf32, #tpu.memory_space<vmem_shared>> -> memref<128x128xf32, #tpu.memory_space<vmem_shared>>
        tpu.wait_dma2 semaphore(%dma_wait3A_582 : memref<!tpu.dma_semaphore, #tpu.memory_space<semaphore_mem>>) src(%dma_wait3A_589 : memref<128x128xf32, #tpu.memory_space<vmem_shared>>) dst(%dma_wait3A_586 : memref<128x128xf32, #tpu.memory_space<vmem>>)
        %mul3A_590 = arith.constant 128 : i32
        %mul3A_591 = arith.muli %add3A_537, %mul3A_590 : i32
        %add3A_592 = arith.addi %mul3A_2, %mul3A_591 : i32
        %dma_start3A_593 = arith.constant 4 : i32
        %dma_start3A_594 = arith.constant 4 : i32
        %dma_start3A_595 = arith.constant 0 : i32
        %dma_start3A_596 = arith.constant 0 : i32
        %dma_start3A_597 = tpu.memref_slice %arg9[%dma_start3A_593, %dma_start3A_595, %dma_start3A_596] : memref<5x128x128xf32, #tpu.memory_space<vmem>> -> memref<1x128x128xf32, #tpu.memory_space<vmem>>
        %dma_start3A_598 = tpu.memref_squeeze %dma_start3A_597 : memref<1x128x128xf32, #tpu.memory_space<vmem>> -> memref<128x128xf32, #tpu.memory_space<vmem>>
        %dma_start3A_599 = arith.constant 0 : i32
        %dma_start3A_600 = tpu.memref_slice %arg5[%add3A_592, %dma_start3A_599] : memref<100000x128xf32, #tpu.memory_space<hbm>> -> memref<128x128xf32, #tpu.memory_space<hbm>>
        %dma_start3A_601 = tpu.memref_slice %arg12[%dma_start3A_594] : memref<5x!tpu.dma_semaphore, #tpu.memory_space<semaphore_mem>> -> memref<1x!tpu.dma_semaphore, #tpu.memory_space<semaphore_mem>>
        %dma_start3A_602 = tpu.memref_squeeze %dma_start3A_601 : memref<1x!tpu.dma_semaphore, #tpu.memory_space<semaphore_mem>> -> memref<!tpu.dma_semaphore, #tpu.memory_space<semaphore_mem>>
        %dma_start3A_603 = arith.constant 0 : i32
        %dma_start3A_604 = tpu.memref_slice %arg5[%add3A_592, %dma_start3A_603] : memref<100000x128xf32, #tpu.memory_space<hbm>> -> memref<128x128xf32, #tpu.memory_space<hbm>>
        %dma_start3A_605 = arith.constant 0 : i32
        %dma_start3A_606 = arith.constant 0 : i32
        %dma_start3A_607 = tpu.memref_slice %arg9[%dma_start3A_593, %dma_start3A_605, %dma_start3A_606] : memref<5x128x128xf32, #tpu.memory_space<vmem>> -> memref<1x128x128xf32, #tpu.memory_space<vmem>>
        %dma_start3A_608 = tpu.memref_squeeze %dma_start3A_607 : memref<1x128x128xf32, #tpu.memory_space<vmem>> -> memref<128x128xf32, #tpu.memory_space<vmem>>
        tpu.enqueue_dma source(%dma_start3A_608 : memref<128x128xf32, #tpu.memory_space<vmem>>) target(%dma_start3A_604 : memref<128x128xf32, #tpu.memory_space<hbm>>) target_semaphore(%dma_start3A_602 : memref<!tpu.dma_semaphore, #tpu.memory_space<semaphore_mem>>)
        %mul3A_609 = arith.constant 5 : i32
        %mul3A_610 = arith.muli %scan3A_378, %mul3A_609 : i32
        %add3A_611 = arith.constant 3 : i32
        %add3A_612 = arith.addi %mul3A_610, %add3A_611 : i32
        %add3A_613 = arith.constant 2 : i32
        %add3A_614 = arith.addi %add3A_612, %add3A_613 : i32
        %dma_wait3A_615 = arith.constant 3 : i32
        %dma_wait3A_616 = arith.constant 3 : i32
        %dma_wait3A_617 = arith.constant 0 : i32
        %dma_wait3A_618 = arith.constant 0 : i32
        %dma_wait3A_619 = tpu.memref_slice %arg9[%dma_wait3A_615, %dma_wait3A_617, %dma_wait3A_618] : memref<5x128x128xf32, #tpu.memory_space<vmem>> -> memref<1x128x128xf32, #tpu.memory_space<vmem>>
        %dma_wait3A_620 = tpu.memref_squeeze %dma_wait3A_619 : memref<1x128x128xf32, #tpu.memory_space<vmem>> -> memref<128x128xf32, #tpu.memory_space<vmem>>
        %dma_wait3A_621 = arith.constant 0 : i32
        %dma_wait3A_622 = tpu.memref_slice %arg5[%mul3A_2, %dma_wait3A_621] : memref<100000x128xf32, #tpu.memory_space<hbm>> -> memref<128x128xf32, #tpu.memory_space<hbm>>
        %dma_wait3A_623 = tpu.memref_slice %arg12[%dma_wait3A_616] : memref<5x!tpu.dma_semaphore, #tpu.memory_space<semaphore_mem>> -> memref<1x!tpu.dma_semaphore, #tpu.memory_space<semaphore_mem>>
        %dma_wait3A_624 = tpu.memref_squeeze %dma_wait3A_623 : memref<1x!tpu.dma_semaphore, #tpu.memory_space<semaphore_mem>> -> memref<!tpu.dma_semaphore, #tpu.memory_space<semaphore_mem>>
        %dma_wait3A_625 = arith.constant 0 : i32
        %dma_wait3A_626 = tpu.memref_slice %arg5[%mul3A_2, %dma_wait3A_625] : memref<100000x128xf32, #tpu.memory_space<hbm>> -> memref<128x128xf32, #tpu.memory_space<hbm>>
        %dma_wait3A_627 = arith.constant 0 : i32
        %dma_wait3A_628 = arith.constant 0 : i32
        %dma_wait3A_629 = tpu.memref_slice %arg9[%dma_wait3A_615, %dma_wait3A_627, %dma_wait3A_628] : memref<5x128x128xf32, #tpu.memory_space<vmem>> -> memref<1x128x128xf32, #tpu.memory_space<vmem>>
        %dma_wait3A_630 = tpu.memref_squeeze %dma_wait3A_629 : memref<1x128x128xf32, #tpu.memory_space<vmem>> -> memref<128x128xf32, #tpu.memory_space<vmem>>
        tpu.wait_dma2 semaphore(%dma_wait3A_624 : memref<!tpu.dma_semaphore, #tpu.memory_space<semaphore_mem>>) src(%dma_wait3A_630 : memref<128x128xf32, #tpu.memory_space<vmem>>) dst(%dma_wait3A_626 : memref<128x128xf32, #tpu.memory_space<hbm>>)
        %add3A_631 = arith.constant 5 : i32
        %add3A_632 = arith.addi %add3A_614, %add3A_631 : i32
        %sub3A_633 = arith.constant 2 : i32
        %sub3A_634 = arith.subi %add3A_632, %sub3A_633 : i32
        %mul3A_635 = arith.constant 128 : i32
        %mul3A_636 = arith.muli %sub3A_634, %mul3A_635 : i32
        %dma_start3A_637 = arith.constant 3 : i32
        %dma_start3A_638 = arith.constant 3 : i32
        %dma_start3A_639 = arith.constant 0 : i32
        %dma_start3A_640 = arith.constant 0 : i32
        %dma_start3A_641 = tpu.memref_slice %arg9[%dma_start3A_637, %dma_start3A_639, %dma_start3A_640] : memref<5x128x128xf32, #tpu.memory_space<vmem>> -> memref<1x128x128xf32, #tpu.memory_space<vmem>>
        %dma_start3A_642 = tpu.memref_squeeze %dma_start3A_641 : memref<1x128x128xf32, #tpu.memory_space<vmem>> -> memref<128x128xf32, #tpu.memory_space<vmem>>
        %dma_start3A_643 = tpu.memref_slice %arg8[%mul3A_636] : memref<3200xi32, #tpu.memory_space<vmem>> -> memref<128xi32, #tpu.memory_space<vmem>>
        %dma_start3A_644 = arith.constant 0 : i32
        %dma_start3A_645 = arith.constant 0 : i32
        %dma_start3A_646 = tpu.memref_slice %arg10[%dma_start3A_644, %dma_start3A_645] : memref<1016x128xf32, #tpu.memory_space<vmem_shared>> -> memref<1016x128xf32, #tpu.memory_space<vmem_shared>>
        %dma_start3A_647 = tpu.memref_slice %arg11[%dma_start3A_638] : memref<5x!tpu.dma_semaphore, #tpu.memory_space<semaphore_mem>> -> memref<1x!tpu.dma_semaphore, #tpu.memory_space<semaphore_mem>>
        %dma_start3A_648 = tpu.memref_squeeze %dma_start3A_647 : memref<1x!tpu.dma_semaphore, #tpu.memory_space<semaphore_mem>> -> memref<!tpu.dma_semaphore, #tpu.memory_space<semaphore_mem>>
        tpu.enqueue_indirect_dma source(%dma_start3A_646 : memref<1016x128xf32, #tpu.memory_space<vmem_shared>>) target(%dma_start3A_642 : memref<128x128xf32, #tpu.memory_space<vmem>>) offsets(%dma_start3A_643 : memref<128xi32, #tpu.memory_space<vmem>>) semaphore(%dma_start3A_648 : memref<!tpu.dma_semaphore, #tpu.memory_space<semaphore_mem>>)
        %dma_wait3A_649 = arith.constant 0 : i32
        %dma_wait3A_650 = arith.constant 0 : i32
        %dma_wait3A_651 = arith.constant 0 : i32
        %dma_wait3A_652 = arith.constant 0 : i32
        %dma_wait3A_653 = tpu.memref_slice %arg9[%dma_wait3A_649, %dma_wait3A_651, %dma_wait3A_652] : memref<5x128x128xf32, #tpu.memory_space<vmem>> -> memref<1x128x128xf32, #tpu.memory_space<vmem>>
        %dma_wait3A_654 = tpu.memref_squeeze %dma_wait3A_653 : memref<1x128x128xf32, #tpu.memory_space<vmem>> -> memref<128x128xf32, #tpu.memory_space<vmem>>
        %dma_wait3A_655 = arith.constant 0 : i32
        %dma_wait3A_656 = arith.constant 0 : i32
        %dma_wait3A_657 = tpu.memref_slice %arg10[%dma_wait3A_655, %dma_wait3A_656] : memref<1016x128xf32, #tpu.memory_space<vmem_shared>> -> memref<128x128xf32, #tpu.memory_space<vmem_shared>>
        %dma_wait3A_658 = tpu.memref_slice %arg11[%dma_wait3A_650] : memref<5x!tpu.dma_semaphore, #tpu.memory_space<semaphore_mem>> -> memref<1x!tpu.dma_semaphore, #tpu.memory_space<semaphore_mem>>
        %dma_wait3A_659 = tpu.memref_squeeze %dma_wait3A_658 : memref<1x!tpu.dma_semaphore, #tpu.memory_space<semaphore_mem>> -> memref<!tpu.dma_semaphore, #tpu.memory_space<semaphore_mem>>
        %dma_wait3A_660 = arith.constant 0 : i32
        %dma_wait3A_661 = arith.constant 0 : i32
        %dma_wait3A_662 = tpu.memref_slice %arg9[%dma_wait3A_649, %dma_wait3A_660, %dma_wait3A_661] : memref<5x128x128xf32, #tpu.memory_space<vmem>> -> memref<1x128x128xf32, #tpu.memory_space<vmem>>
        %dma_wait3A_663 = tpu.memref_squeeze %dma_wait3A_662 : memref<1x128x128xf32, #tpu.memory_space<vmem>> -> memref<128x128xf32, #tpu.memory_space<vmem>>
        %dma_wait3A_664 = arith.constant 0 : i32
        %dma_wait3A_665 = arith.constant 0 : i32
        %dma_wait3A_666 = tpu.memref_slice %arg10[%dma_wait3A_664, %dma_wait3A_665] : memref<1016x128xf32, #tpu.memory_space<vmem_shared>> -> memref<128x128xf32, #tpu.memory_space<vmem_shared>>
        tpu.wait_dma2 semaphore(%dma_wait3A_659 : memref<!tpu.dma_semaphore, #tpu.memory_space<semaphore_mem>>) src(%dma_wait3A_666 : memref<128x128xf32, #tpu.memory_space<vmem_shared>>) dst(%dma_wait3A_663 : memref<128x128xf32, #tpu.memory_space<vmem>>)
        %mul3A_667 = arith.constant 128 : i32
        %mul3A_668 = arith.muli %add3A_614, %mul3A_667 : i32
        %add3A_669 = arith.addi %mul3A_2, %mul3A_668 : i32
        %dma_start3A_670 = arith.constant 0 : i32
        %dma_start3A_671 = arith.constant 0 : i32
        %dma_start3A_672 = arith.constant 0 : i32
        %dma_start3A_673 = arith.constant 0 : i32
        %dma_start3A_674 = tpu.memref_slice %arg9[%dma_start3A_670, %dma_start3A_672, %dma_start3A_673] : memref<5x128x128xf32, #tpu.memory_space<vmem>> -> memref<1x128x128xf32, #tpu.memory_space<vmem>>
        %dma_start3A_675 = tpu.memref_squeeze %dma_start3A_674 : memref<1x128x128xf32, #tpu.memory_space<vmem>> -> memref<128x128xf32, #tpu.memory_space<vmem>>
        %dma_start3A_676 = arith.constant 0 : i32
        %dma_start3A_677 = tpu.memref_slice %arg5[%add3A_669, %dma_start3A_676] : memref<100000x128xf32, #tpu.memory_space<hbm>> -> memref<128x128xf32, #tpu.memory_space<hbm>>
        %dma_start3A_678 = tpu.memref_slice %arg12[%dma_start3A_671] : memref<5x!tpu.dma_semaphore, #tpu.memory_space<semaphore_mem>> -> memref<1x!tpu.dma_semaphore, #tpu.memory_space<semaphore_mem>>
        %dma_start3A_679 = tpu.memref_squeeze %dma_start3A_678 : memref<1x!tpu.dma_semaphore, #tpu.memory_space<semaphore_mem>> -> memref<!tpu.dma_semaphore, #tpu.memory_space<semaphore_mem>>
        %dma_start3A_680 = arith.constant 0 : i32
        %dma_start3A_681 = tpu.memref_slice %arg5[%add3A_669, %dma_start3A_680] : memref<100000x128xf32, #tpu.memory_space<hbm>> -> memref<128x128xf32, #tpu.memory_space<hbm>>
        %dma_start3A_682 = arith.constant 0 : i32
        %dma_start3A_683 = arith.constant 0 : i32
        %dma_start3A_684 = tpu.memref_slice %arg9[%dma_start3A_670, %dma_start3A_682, %dma_start3A_683] : memref<5x128x128xf32, #tpu.memory_space<vmem>> -> memref<1x128x128xf32, #tpu.memory_space<vmem>>
        %dma_start3A_685 = tpu.memref_squeeze %dma_start3A_684 : memref<1x128x128xf32, #tpu.memory_space<vmem>> -> memref<128x128xf32, #tpu.memory_space<vmem>>
        tpu.enqueue_dma source(%dma_start3A_685 : memref<128x128xf32, #tpu.memory_space<vmem>>) target(%dma_start3A_681 : memref<128x128xf32, #tpu.memory_space<hbm>>) target_semaphore(%dma_start3A_679 : memref<!tpu.dma_semaphore, #tpu.memory_space<semaphore_mem>>)
        %mul3A_686 = arith.constant 5 : i32
        %mul3A_687 = arith.muli %scan3A_378, %mul3A_686 : i32
        %add3A_688 = arith.constant 4 : i32
        %add3A_689 = arith.addi %mul3A_687, %add3A_688 : i32
        %add3A_690 = arith.constant 2 : i32
        %add3A_691 = arith.addi %add3A_689, %add3A_690 : i32
        %dma_wait3A_692 = arith.constant 4 : i32
        %dma_wait3A_693 = arith.constant 4 : i32
        %dma_wait3A_694 = arith.constant 0 : i32
        %dma_wait3A_695 = arith.constant 0 : i32
        %dma_wait3A_696 = tpu.memref_slice %arg9[%dma_wait3A_692, %dma_wait3A_694, %dma_wait3A_695] : memref<5x128x128xf32, #tpu.memory_space<vmem>> -> memref<1x128x128xf32, #tpu.memory_space<vmem>>
        %dma_wait3A_697 = tpu.memref_squeeze %dma_wait3A_696 : memref<1x128x128xf32, #tpu.memory_space<vmem>> -> memref<128x128xf32, #tpu.memory_space<vmem>>
        %dma_wait3A_698 = arith.constant 0 : i32
        %dma_wait3A_699 = tpu.memref_slice %arg5[%mul3A_2, %dma_wait3A_698] : memref<100000x128xf32, #tpu.memory_space<hbm>> -> memref<128x128xf32, #tpu.memory_space<hbm>>
        %dma_wait3A_700 = tpu.memref_slice %arg12[%dma_wait3A_693] : memref<5x!tpu.dma_semaphore, #tpu.memory_space<semaphore_mem>> -> memref<1x!tpu.dma_semaphore, #tpu.memory_space<semaphore_mem>>
        %dma_wait3A_701 = tpu.memref_squeeze %dma_wait3A_700 : memref<1x!tpu.dma_semaphore, #tpu.memory_space<semaphore_mem>> -> memref<!tpu.dma_semaphore, #tpu.memory_space<semaphore_mem>>
        %dma_wait3A_702 = arith.constant 0 : i32
        %dma_wait3A_703 = tpu.memref_slice %arg5[%mul3A_2, %dma_wait3A_702] : memref<100000x128xf32, #tpu.memory_space<hbm>> -> memref<128x128xf32, #tpu.memory_space<hbm>>
        %dma_wait3A_704 = arith.constant 0 : i32
        %dma_wait3A_705 = arith.constant 0 : i32
        %dma_wait3A_706 = tpu.memref_slice %arg9[%dma_wait3A_692, %dma_wait3A_704, %dma_wait3A_705] : memref<5x128x128xf32, #tpu.memory_space<vmem>> -> memref<1x128x128xf32, #tpu.memory_space<vmem>>
        %dma_wait3A_707 = tpu.memref_squeeze %dma_wait3A_706 : memref<1x128x128xf32, #tpu.memory_space<vmem>> -> memref<128x128xf32, #tpu.memory_space<vmem>>
        tpu.wait_dma2 semaphore(%dma_wait3A_701 : memref<!tpu.dma_semaphore, #tpu.memory_space<semaphore_mem>>) src(%dma_wait3A_707 : memref<128x128xf32, #tpu.memory_space<vmem>>) dst(%dma_wait3A_703 : memref<128x128xf32, #tpu.memory_space<hbm>>)
        %add3A_708 = arith.constant 5 : i32
        %add3A_709 = arith.addi %add3A_691, %add3A_708 : i32
        %sub3A_710 = arith.constant 2 : i32
        %sub3A_711 = arith.subi %add3A_709, %sub3A_710 : i32
        %mul3A_712 = arith.constant 128 : i32
        %mul3A_713 = arith.muli %sub3A_711, %mul3A_712 : i32
        %dma_start3A_714 = arith.constant 4 : i32
        %dma_start3A_715 = arith.constant 4 : i32
        %dma_start3A_716 = arith.constant 0 : i32
        %dma_start3A_717 = arith.constant 0 : i32
        %dma_start3A_718 = tpu.memref_slice %arg9[%dma_start3A_714, %dma_start3A_716, %dma_start3A_717] : memref<5x128x128xf32, #tpu.memory_space<vmem>> -> memref<1x128x128xf32, #tpu.memory_space<vmem>>
        %dma_start3A_719 = tpu.memref_squeeze %dma_start3A_718 : memref<1x128x128xf32, #tpu.memory_space<vmem>> -> memref<128x128xf32, #tpu.memory_space<vmem>>
        %dma_start3A_720 = tpu.memref_slice %arg8[%mul3A_713] : memref<3200xi32, #tpu.memory_space<vmem>> -> memref<128xi32, #tpu.memory_space<vmem>>
        %dma_start3A_721 = arith.constant 0 : i32
        %dma_start3A_722 = arith.constant 0 : i32
        %dma_start3A_723 = tpu.memref_slice %arg10[%dma_start3A_721, %dma_start3A_722] : memref<1016x128xf32, #tpu.memory_space<vmem_shared>> -> memref<1016x128xf32, #tpu.memory_space<vmem_shared>>
        %dma_start3A_724 = tpu.memref_slice %arg11[%dma_start3A_715] : memref<5x!tpu.dma_semaphore, #tpu.memory_space<semaphore_mem>> -> memref<1x!tpu.dma_semaphore, #tpu.memory_space<semaphore_mem>>
        %dma_start3A_725 = tpu.memref_squeeze %dma_start3A_724 : memref<1x!tpu.dma_semaphore, #tpu.memory_space<semaphore_mem>> -> memref<!tpu.dma_semaphore, #tpu.memory_space<semaphore_mem>>
        tpu.enqueue_indirect_dma source(%dma_start3A_723 : memref<1016x128xf32, #tpu.memory_space<vmem_shared>>) target(%dma_start3A_719 : memref<128x128xf32, #tpu.memory_space<vmem>>) offsets(%dma_start3A_720 : memref<128xi32, #tpu.memory_space<vmem>>) semaphore(%dma_start3A_725 : memref<!tpu.dma_semaphore, #tpu.memory_space<semaphore_mem>>)
        %dma_wait3A_726 = arith.constant 1 : i32
        %dma_wait3A_727 = arith.constant 1 : i32
        %dma_wait3A_728 = arith.constant 0 : i32
        %dma_wait3A_729 = arith.constant 0 : i32
        %dma_wait3A_730 = tpu.memref_slice %arg9[%dma_wait3A_726, %dma_wait3A_728, %dma_wait3A_729] : memref<5x128x128xf32, #tpu.memory_space<vmem>> -> memref<1x128x128xf32, #tpu.memory_space<vmem>>
        %dma_wait3A_731 = tpu.memref_squeeze %dma_wait3A_730 : memref<1x128x128xf32, #tpu.memory_space<vmem>> -> memref<128x128xf32, #tpu.memory_space<vmem>>
        %dma_wait3A_732 = arith.constant 0 : i32
        %dma_wait3A_733 = arith.constant 0 : i32
        %dma_wait3A_734 = tpu.memref_slice %arg10[%dma_wait3A_732, %dma_wait3A_733] : memref<1016x128xf32, #tpu.memory_space<vmem_shared>> -> memref<128x128xf32, #tpu.memory_space<vmem_shared>>
        %dma_wait3A_735 = tpu.memref_slice %arg11[%dma_wait3A_727] : memref<5x!tpu.dma_semaphore, #tpu.memory_space<semaphore_mem>> -> memref<1x!tpu.dma_semaphore, #tpu.memory_space<semaphore_mem>>
        %dma_wait3A_736 = tpu.memref_squeeze %dma_wait3A_735 : memref<1x!tpu.dma_semaphore, #tpu.memory_space<semaphore_mem>> -> memref<!tpu.dma_semaphore, #tpu.memory_space<semaphore_mem>>
        %dma_wait3A_737 = arith.constant 0 : i32
        %dma_wait3A_738 = arith.constant 0 : i32
        %dma_wait3A_739 = tpu.memref_slice %arg9[%dma_wait3A_726, %dma_wait3A_737, %dma_wait3A_738] : memref<5x128x128xf32, #tpu.memory_space<vmem>> -> memref<1x128x128xf32, #tpu.memory_space<vmem>>
        %dma_wait3A_740 = tpu.memref_squeeze %dma_wait3A_739 : memref<1x128x128xf32, #tpu.memory_space<vmem>> -> memref<128x128xf32, #tpu.memory_space<vmem>>
        %dma_wait3A_741 = arith.constant 0 : i32
        %dma_wait3A_742 = arith.constant 0 : i32
        %dma_wait3A_743 = tpu.memref_slice %arg10[%dma_wait3A_741, %dma_wait3A_742] : memref<1016x128xf32, #tpu.memory_space<vmem_shared>> -> memref<128x128xf32, #tpu.memory_space<vmem_shared>>
        tpu.wait_dma2 semaphore(%dma_wait3A_736 : memref<!tpu.dma_semaphore, #tpu.memory_space<semaphore_mem>>) src(%dma_wait3A_743 : memref<128x128xf32, #tpu.memory_space<vmem_shared>>) dst(%dma_wait3A_740 : memref<128x128xf32, #tpu.memory_space<vmem>>)
        %mul3A_744 = arith.constant 128 : i32
        %mul3A_745 = arith.muli %add3A_691, %mul3A_744 : i32
        %add3A_746 = arith.addi %mul3A_2, %mul3A_745 : i32
        %dma_start3A_747 = arith.constant 1 : i32
        %dma_start3A_748 = arith.constant 1 : i32
        %dma_start3A_749 = arith.constant 0 : i32
        %dma_start3A_750 = arith.constant 0 : i32
        %dma_start3A_751 = tpu.memref_slice %arg9[%dma_start3A_747, %dma_start3A_749, %dma_start3A_750] : memref<5x128x128xf32, #tpu.memory_space<vmem>> -> memref<1x128x128xf32, #tpu.memory_space<vmem>>
        %dma_start3A_752 = tpu.memref_squeeze %dma_start3A_751 : memref<1x128x128xf32, #tpu.memory_space<vmem>> -> memref<128x128xf32, #tpu.memory_space<vmem>>
        %dma_start3A_753 = arith.constant 0 : i32
        %dma_start3A_754 = tpu.memref_slice %arg5[%add3A_746, %dma_start3A_753] : memref<100000x128xf32, #tpu.memory_space<hbm>> -> memref<128x128xf32, #tpu.memory_space<hbm>>
        %dma_start3A_755 = tpu.memref_slice %arg12[%dma_start3A_748] : memref<5x!tpu.dma_semaphore, #tpu.memory_space<semaphore_mem>> -> memref<1x!tpu.dma_semaphore, #tpu.memory_space<semaphore_mem>>
        %dma_start3A_756 = tpu.memref_squeeze %dma_start3A_755 : memref<1x!tpu.dma_semaphore, #tpu.memory_space<semaphore_mem>> -> memref<!tpu.dma_semaphore, #tpu.memory_space<semaphore_mem>>
        %dma_start3A_757 = arith.constant 0 : i32
        %dma_start3A_758 = tpu.memref_slice %arg5[%add3A_746, %dma_start3A_757] : memref<100000x128xf32, #tpu.memory_space<hbm>> -> memref<128x128xf32, #tpu.memory_space<hbm>>
        %dma_start3A_759 = arith.constant 0 : i32
        %dma_start3A_760 = arith.constant 0 : i32
        %dma_start3A_761 = tpu.memref_slice %arg9[%dma_start3A_747, %dma_start3A_759, %dma_start3A_760] : memref<5x128x128xf32, #tpu.memory_space<vmem>> -> memref<1x128x128xf32, #tpu.memory_space<vmem>>
        %dma_start3A_762 = tpu.memref_squeeze %dma_start3A_761 : memref<1x128x128xf32, #tpu.memory_space<vmem>> -> memref<128x128xf32, #tpu.memory_space<vmem>>
        tpu.enqueue_dma source(%dma_start3A_762 : memref<128x128xf32, #tpu.memory_space<vmem>>) target(%dma_start3A_758 : memref<128x128xf32, #tpu.memory_space<hbm>>) target_semaphore(%dma_start3A_756 : memref<!tpu.dma_semaphore, #tpu.memory_space<semaphore_mem>>)
      }
      %scan3A_189 = arith.constant 4 : i32
      %dma_wait3A_190 = arith.constant 2 : i32
      %dma_wait3A_191 = arith.constant 2 : i32
      %dma_wait3A_192 = arith.constant 0 : i32
      %dma_wait3A_193 = arith.constant 0 : i32
      %dma_wait3A_194 = tpu.memref_slice %arg9[%dma_wait3A_190, %dma_wait3A_192, %dma_wait3A_193] : memref<5x128x128xf32, #tpu.memory_space<vmem>> -> memref<1x128x128xf32, #tpu.memory_space<vmem>>
      %dma_wait3A_195 = tpu.memref_squeeze %dma_wait3A_194 : memref<1x128x128xf32, #tpu.memory_space<vmem>> -> memref<128x128xf32, #tpu.memory_space<vmem>>
      %dma_wait3A_196 = arith.constant 0 : i32
      %dma_wait3A_197 = arith.constant 0 : i32
      %dma_wait3A_198 = tpu.memref_slice %arg10[%dma_wait3A_196, %dma_wait3A_197] : memref<1016x128xf32, #tpu.memory_space<vmem_shared>> -> memref<128x128xf32, #tpu.memory_space<vmem_shared>>
      %dma_wait3A_199 = tpu.memref_slice %arg11[%dma_wait3A_191] : memref<5x!tpu.dma_semaphore, #tpu.memory_space<semaphore_mem>> -> memref<1x!tpu.dma_semaphore, #tpu.memory_space<semaphore_mem>>
      %dma_wait3A_200 = tpu.memref_squeeze %dma_wait3A_199 : memref<1x!tpu.dma_semaphore, #tpu.memory_space<semaphore_mem>> -> memref<!tpu.dma_semaphore, #tpu.memory_space<semaphore_mem>>
      %dma_wait3A_201 = arith.constant 0 : i32
      %dma_wait3A_202 = arith.constant 0 : i32
      %dma_wait3A_203 = tpu.memref_slice %arg9[%dma_wait3A_190, %dma_wait3A_201, %dma_wait3A_202] : memref<5x128x128xf32, #tpu.memory_space<vmem>> -> memref<1x128x128xf32, #tpu.memory_space<vmem>>
      %dma_wait3A_204 = tpu.memref_squeeze %dma_wait3A_203 : memref<1x128x128xf32, #tpu.memory_space<vmem>> -> memref<128x128xf32, #tpu.memory_space<vmem>>
      %dma_wait3A_205 = arith.constant 0 : i32
      %dma_wait3A_206 = arith.constant 0 : i32
      %dma_wait3A_207 = tpu.memref_slice %arg10[%dma_wait3A_205, %dma_wait3A_206] : memref<1016x128xf32, #tpu.memory_space<vmem_shared>> -> memref<128x128xf32, #tpu.memory_space<vmem_shared>>
      tpu.wait_dma2 semaphore(%dma_wait3A_200 : memref<!tpu.dma_semaphore, #tpu.memory_space<semaphore_mem>>) src(%dma_wait3A_207 : memref<128x128xf32, #tpu.memory_space<vmem_shared>>) dst(%dma_wait3A_204 : memref<128x128xf32, #tpu.memory_space<vmem>>)
      %add3A_208 = arith.constant 2816 : i32
      %add3A_209 = arith.addi %mul3A_2, %add3A_208 : i32
      %dma_start3A_210 = arith.constant 2 : i32
      %dma_start3A_211 = arith.constant 2 : i32
      %dma_start3A_212 = arith.constant 0 : i32
      %dma_start3A_213 = arith.constant 0 : i32
      %dma_start3A_214 = tpu.memref_slice %arg9[%dma_start3A_210, %dma_start3A_212, %dma_start3A_213] : memref<5x128x128xf32, #tpu.memory_space<vmem>> -> memref<1x128x128xf32, #tpu.memory_space<vmem>>
      %dma_start3A_215 = tpu.memref_squeeze %dma_start3A_214 : memref<1x128x128xf32, #tpu.memory_space<vmem>> -> memref<128x128xf32, #tpu.memory_space<vmem>>
      %dma_start3A_216 = arith.constant 0 : i32
      %dma_start3A_217 = tpu.memref_slice %arg5[%add3A_209, %dma_start3A_216] : memref<100000x128xf32, #tpu.memory_space<hbm>> -> memref<128x128xf32, #tpu.memory_space<hbm>>
      %dma_start3A_218 = tpu.memref_slice %arg12[%dma_start3A_211] : memref<5x!tpu.dma_semaphore, #tpu.memory_space<semaphore_mem>> -> memref<1x!tpu.dma_semaphore, #tpu.memory_space<semaphore_mem>>
      %dma_start3A_219 = tpu.memref_squeeze %dma_start3A_218 : memref<1x!tpu.dma_semaphore, #tpu.memory_space<semaphore_mem>> -> memref<!tpu.dma_semaphore, #tpu.memory_space<semaphore_mem>>
      %dma_start3A_220 = arith.constant 0 : i32
      %dma_start3A_221 = tpu.memref_slice %arg5[%add3A_209, %dma_start3A_220] : memref<100000x128xf32, #tpu.memory_space<hbm>> -> memref<128x128xf32, #tpu.memory_space<hbm>>
      %dma_start3A_222 = arith.constant 0 : i32
      %dma_start3A_223 = arith.constant 0 : i32
      %dma_start3A_224 = tpu.memref_slice %arg9[%dma_start3A_210, %dma_start3A_222, %dma_start3A_223] : memref<5x128x128xf32, #tpu.memory_space<vmem>> -> memref<1x128x128xf32, #tpu.memory_space<vmem>>
      %dma_start3A_225 = tpu.memref_squeeze %dma_start3A_224 : memref<1x128x128xf32, #tpu.memory_space<vmem>> -> memref<128x128xf32, #tpu.memory_space<vmem>>
      tpu.enqueue_dma source(%dma_start3A_225 : memref<128x128xf32, #tpu.memory_space<vmem>>) target(%dma_start3A_221 : memref<128x128xf32, #tpu.memory_space<hbm>>) target_semaphore(%dma_start3A_219 : memref<!tpu.dma_semaphore, #tpu.memory_space<semaphore_mem>>)
      %dma_wait3A_226 = arith.constant 3 : i32
      %dma_wait3A_227 = arith.constant 3 : i32
      %dma_wait3A_228 = arith.constant 0 : i32
      %dma_wait3A_229 = arith.constant 0 : i32
      %dma_wait3A_230 = tpu.memref_slice %arg9[%dma_wait3A_226, %dma_wait3A_228, %dma_wait3A_229] : memref<5x128x128xf32, #tpu.memory_space<vmem>> -> memref<1x128x128xf32, #tpu.memory_space<vmem>>
      %dma_wait3A_231 = tpu.memref_squeeze %dma_wait3A_230 : memref<1x128x128xf32, #tpu.memory_space<vmem>> -> memref<128x128xf32, #tpu.memory_space<vmem>>
      %dma_wait3A_232 = arith.constant 0 : i32
      %dma_wait3A_233 = arith.constant 0 : i32
      %dma_wait3A_234 = tpu.memref_slice %arg10[%dma_wait3A_232, %dma_wait3A_233] : memref<1016x128xf32, #tpu.memory_space<vmem_shared>> -> memref<128x128xf32, #tpu.memory_space<vmem_shared>>
      %dma_wait3A_235 = tpu.memref_slice %arg11[%dma_wait3A_227] : memref<5x!tpu.dma_semaphore, #tpu.memory_space<semaphore_mem>> -> memref<1x!tpu.dma_semaphore, #tpu.memory_space<semaphore_mem>>
      %dma_wait3A_236 = tpu.memref_squeeze %dma_wait3A_235 : memref<1x!tpu.dma_semaphore, #tpu.memory_space<semaphore_mem>> -> memref<!tpu.dma_semaphore, #tpu.memory_space<semaphore_mem>>
      %dma_wait3A_237 = arith.constant 0 : i32
      %dma_wait3A_238 = arith.constant 0 : i32
      %dma_wait3A_239 = tpu.memref_slice %arg9[%dma_wait3A_226, %dma_wait3A_237, %dma_wait3A_238] : memref<5x128x128xf32, #tpu.memory_space<vmem>> -> memref<1x128x128xf32, #tpu.memory_space<vmem>>
      %dma_wait3A_240 = tpu.memref_squeeze %dma_wait3A_239 : memref<1x128x128xf32, #tpu.memory_space<vmem>> -> memref<128x128xf32, #tpu.memory_space<vmem>>
      %dma_wait3A_241 = arith.constant 0 : i32
      %dma_wait3A_242 = arith.constant 0 : i32
      %dma_wait3A_243 = tpu.memref_slice %arg10[%dma_wait3A_241, %dma_wait3A_242] : memref<1016x128xf32, #tpu.memory_space<vmem_shared>> -> memref<128x128xf32, #tpu.memory_space<vmem_shared>>
      tpu.wait_dma2 semaphore(%dma_wait3A_236 : memref<!tpu.dma_semaphore, #tpu.memory_space<semaphore_mem>>) src(%dma_wait3A_243 : memref<128x128xf32, #tpu.memory_space<vmem_shared>>) dst(%dma_wait3A_240 : memref<128x128xf32, #tpu.memory_space<vmem>>)
      %add3A_244 = arith.constant 2944 : i32
      %add3A_245 = arith.addi %mul3A_2, %add3A_244 : i32
      %dma_start3A_246 = arith.constant 3 : i32
      %dma_start3A_247 = arith.constant 3 : i32
      %dma_start3A_248 = arith.constant 0 : i32
      %dma_start3A_249 = arith.constant 0 : i32
      %dma_start3A_250 = tpu.memref_slice %arg9[%dma_start3A_246, %dma_start3A_248, %dma_start3A_249] : memref<5x128x128xf32, #tpu.memory_space<vmem>> -> memref<1x128x128xf32, #tpu.memory_space<vmem>>
      %dma_start3A_251 = tpu.memref_squeeze %dma_start3A_250 : memref<1x128x128xf32, #tpu.memory_space<vmem>> -> memref<128x128xf32, #tpu.memory_space<vmem>>
      %dma_start3A_252 = arith.constant 0 : i32
      %dma_start3A_253 = tpu.memref_slice %arg5[%add3A_245, %dma_start3A_252] : memref<100000x128xf32, #tpu.memory_space<hbm>> -> memref<128x128xf32, #tpu.memory_space<hbm>>
      %dma_start3A_254 = tpu.memref_slice %arg12[%dma_start3A_247] : memref<5x!tpu.dma_semaphore, #tpu.memory_space<semaphore_mem>> -> memref<1x!tpu.dma_semaphore, #tpu.memory_space<semaphore_mem>>
      %dma_start3A_255 = tpu.memref_squeeze %dma_start3A_254 : memref<1x!tpu.dma_semaphore, #tpu.memory_space<semaphore_mem>> -> memref<!tpu.dma_semaphore, #tpu.memory_space<semaphore_mem>>
      %dma_start3A_256 = arith.constant 0 : i32
      %dma_start3A_257 = tpu.memref_slice %arg5[%add3A_245, %dma_start3A_256] : memref<100000x128xf32, #tpu.memory_space<hbm>> -> memref<128x128xf32, #tpu.memory_space<hbm>>
      %dma_start3A_258 = arith.constant 0 : i32
      %dma_start3A_259 = arith.constant 0 : i32
      %dma_start3A_260 = tpu.memref_slice %arg9[%dma_start3A_246, %dma_start3A_258, %dma_start3A_259] : memref<5x128x128xf32, #tpu.memory_space<vmem>> -> memref<1x128x128xf32, #tpu.memory_space<vmem>>
      %dma_start3A_261 = tpu.memref_squeeze %dma_start3A_260 : memref<1x128x128xf32, #tpu.memory_space<vmem>> -> memref<128x128xf32, #tpu.memory_space<vmem>>
      tpu.enqueue_dma source(%dma_start3A_261 : memref<128x128xf32, #tpu.memory_space<vmem>>) target(%dma_start3A_257 : memref<128x128xf32, #tpu.memory_space<hbm>>) target_semaphore(%dma_start3A_255 : memref<!tpu.dma_semaphore, #tpu.memory_space<semaphore_mem>>)
      %dma_wait3A_262 = arith.constant 4 : i32
      %dma_wait3A_263 = arith.constant 4 : i32
      %dma_wait3A_264 = arith.constant 0 : i32
      %dma_wait3A_265 = arith.constant 0 : i32
      %dma_wait3A_266 = tpu.memref_slice %arg9[%dma_wait3A_262, %dma_wait3A_264, %dma_wait3A_265] : memref<5x128x128xf32, #tpu.memory_space<vmem>> -> memref<1x128x128xf32, #tpu.memory_space<vmem>>
      %dma_wait3A_267 = tpu.memref_squeeze %dma_wait3A_266 : memref<1x128x128xf32, #tpu.memory_space<vmem>> -> memref<128x128xf32, #tpu.memory_space<vmem>>
      %dma_wait3A_268 = arith.constant 0 : i32
      %dma_wait3A_269 = arith.constant 0 : i32
      %dma_wait3A_270 = tpu.memref_slice %arg10[%dma_wait3A_268, %dma_wait3A_269] : memref<1016x128xf32, #tpu.memory_space<vmem_shared>> -> memref<128x128xf32, #tpu.memory_space<vmem_shared>>
      %dma_wait3A_271 = tpu.memref_slice %arg11[%dma_wait3A_263] : memref<5x!tpu.dma_semaphore, #tpu.memory_space<semaphore_mem>> -> memref<1x!tpu.dma_semaphore, #tpu.memory_space<semaphore_mem>>
      %dma_wait3A_272 = tpu.memref_squeeze %dma_wait3A_271 : memref<1x!tpu.dma_semaphore, #tpu.memory_space<semaphore_mem>> -> memref<!tpu.dma_semaphore, #tpu.memory_space<semaphore_mem>>
      %dma_wait3A_273 = arith.constant 0 : i32
      %dma_wait3A_274 = arith.constant 0 : i32
      %dma_wait3A_275 = tpu.memref_slice %arg9[%dma_wait3A_262, %dma_wait3A_273, %dma_wait3A_274] : memref<5x128x128xf32, #tpu.memory_space<vmem>> -> memref<1x128x128xf32, #tpu.memory_space<vmem>>
      %dma_wait3A_276 = tpu.memref_squeeze %dma_wait3A_275 : memref<1x128x128xf32, #tpu.memory_space<vmem>> -> memref<128x128xf32, #tpu.memory_space<vmem>>
      %dma_wait3A_277 = arith.constant 0 : i32
      %dma_wait3A_278 = arith.constant 0 : i32
      %dma_wait3A_279 = tpu.memref_slice %arg10[%dma_wait3A_277, %dma_wait3A_278] : memref<1016x128xf32, #tpu.memory_space<vmem_shared>> -> memref<128x128xf32, #tpu.memory_space<vmem_shared>>
      tpu.wait_dma2 semaphore(%dma_wait3A_272 : memref<!tpu.dma_semaphore, #tpu.memory_space<semaphore_mem>>) src(%dma_wait3A_279 : memref<128x128xf32, #tpu.memory_space<vmem_shared>>) dst(%dma_wait3A_276 : memref<128x128xf32, #tpu.memory_space<vmem>>)
      %add3A_280 = arith.constant 3072 : i32
      %add3A_281 = arith.addi %mul3A_2, %add3A_280 : i32
      %dma_start3A_282 = arith.constant 4 : i32
      %dma_start3A_283 = arith.constant 4 : i32
      %dma_start3A_284 = arith.constant 0 : i32
      %dma_start3A_285 = arith.constant 0 : i32
      %dma_start3A_286 = tpu.memref_slice %arg9[%dma_start3A_282, %dma_start3A_284, %dma_start3A_285] : memref<5x128x128xf32, #tpu.memory_space<vmem>> -> memref<1x128x128xf32, #tpu.memory_space<vmem>>
      %dma_start3A_287 = tpu.memref_squeeze %dma_start3A_286 : memref<1x128x128xf32, #tpu.memory_space<vmem>> -> memref<128x128xf32, #tpu.memory_space<vmem>>
      %dma_start3A_288 = arith.constant 0 : i32
      %dma_start3A_289 = tpu.memref_slice %arg5[%add3A_281, %dma_start3A_288] : memref<100000x128xf32, #tpu.memory_space<hbm>> -> memref<128x128xf32, #tpu.memory_space<hbm>>
      %dma_start3A_290 = tpu.memref_slice %arg12[%dma_start3A_283] : memref<5x!tpu.dma_semaphore, #tpu.memory_space<semaphore_mem>> -> memref<1x!tpu.dma_semaphore, #tpu.memory_space<semaphore_mem>>
      %dma_start3A_291 = tpu.memref_squeeze %dma_start3A_290 : memref<1x!tpu.dma_semaphore, #tpu.memory_space<semaphore_mem>> -> memref<!tpu.dma_semaphore, #tpu.memory_space<semaphore_mem>>
      %dma_start3A_292 = arith.constant 0 : i32
      %dma_start3A_293 = tpu.memref_slice %arg5[%add3A_281, %dma_start3A_292] : memref<100000x128xf32, #tpu.memory_space<hbm>> -> memref<128x128xf32, #tpu.memory_space<hbm>>
      %dma_start3A_294 = arith.constant 0 : i32
      %dma_start3A_295 = arith.constant 0 : i32
      %dma_start3A_296 = tpu.memref_slice %arg9[%dma_start3A_282, %dma_start3A_294, %dma_start3A_295] : memref<5x128x128xf32, #tpu.memory_space<vmem>> -> memref<1x128x128xf32, #tpu.memory_space<vmem>>
      %dma_start3A_297 = tpu.memref_squeeze %dma_start3A_296 : memref<1x128x128xf32, #tpu.memory_space<vmem>> -> memref<128x128xf32, #tpu.memory_space<vmem>>
      tpu.enqueue_dma source(%dma_start3A_297 : memref<128x128xf32, #tpu.memory_space<vmem>>) target(%dma_start3A_293 : memref<128x128xf32, #tpu.memory_space<hbm>>) target_semaphore(%dma_start3A_291 : memref<!tpu.dma_semaphore, #tpu.memory_space<semaphore_mem>>)
      %dma_wait3A_298 = arith.constant 0 : i32
      %dma_wait3A_299 = arith.constant 0 : i32
      %dma_wait3A_300 = arith.constant 0 : i32
      %dma_wait3A_301 = arith.constant 0 : i32
      %dma_wait3A_302 = tpu.memref_slice %arg9[%dma_wait3A_298, %dma_wait3A_300, %dma_wait3A_301] : memref<5x128x128xf32, #tpu.memory_space<vmem>> -> memref<1x128x128xf32, #tpu.memory_space<vmem>>
      %dma_wait3A_303 = tpu.memref_squeeze %dma_wait3A_302 : memref<1x128x128xf32, #tpu.memory_space<vmem>> -> memref<128x128xf32, #tpu.memory_space<vmem>>
      %dma_wait3A_304 = arith.constant 0 : i32
      %dma_wait3A_305 = tpu.memref_slice %arg5[%mul3A_2, %dma_wait3A_304] : memref<100000x128xf32, #tpu.memory_space<hbm>> -> memref<128x128xf32, #tpu.memory_space<hbm>>
      %dma_wait3A_306 = tpu.memref_slice %arg12[%dma_wait3A_299] : memref<5x!tpu.dma_semaphore, #tpu.memory_space<semaphore_mem>> -> memref<1x!tpu.dma_semaphore, #tpu.memory_space<semaphore_mem>>
      %dma_wait3A_307 = tpu.memref_squeeze %dma_wait3A_306 : memref<1x!tpu.dma_semaphore, #tpu.memory_space<semaphore_mem>> -> memref<!tpu.dma_semaphore, #tpu.memory_space<semaphore_mem>>
      %dma_wait3A_308 = arith.constant 0 : i32
      %dma_wait3A_309 = tpu.memref_slice %arg5[%mul3A_2, %dma_wait3A_308] : memref<100000x128xf32, #tpu.memory_space<hbm>> -> memref<128x128xf32, #tpu.memory_space<hbm>>
      %dma_wait3A_310 = arith.constant 0 : i32
      %dma_wait3A_311 = arith.constant 0 : i32
      %dma_wait3A_312 = tpu.memref_slice %arg9[%dma_wait3A_298, %dma_wait3A_310, %dma_wait3A_311] : memref<5x128x128xf32, #tpu.memory_space<vmem>> -> memref<1x128x128xf32, #tpu.memory_space<vmem>>
      %dma_wait3A_313 = tpu.memref_squeeze %dma_wait3A_312 : memref<1x128x128xf32, #tpu.memory_space<vmem>> -> memref<128x128xf32, #tpu.memory_space<vmem>>
      tpu.wait_dma2 semaphore(%dma_wait3A_307 : memref<!tpu.dma_semaphore, #tpu.memory_space<semaphore_mem>>) src(%dma_wait3A_313 : memref<128x128xf32, #tpu.memory_space<vmem>>) dst(%dma_wait3A_309 : memref<128x128xf32, #tpu.memory_space<hbm>>)
      %dma_wait3A_314 = arith.constant 1 : i32
      %dma_wait3A_315 = arith.constant 1 : i32
      %dma_wait3A_316 = arith.constant 0 : i32
      %dma_wait3A_317 = arith.constant 0 : i32
      %dma_wait3A_318 = tpu.memref_slice %arg9[%dma_wait3A_314, %dma_wait3A_316, %dma_wait3A_317] : memref<5x128x128xf32, #tpu.memory_space<vmem>> -> memref<1x128x128xf32, #tpu.memory_space<vmem>>
      %dma_wait3A_319 = tpu.memref_squeeze %dma_wait3A_318 : memref<1x128x128xf32, #tpu.memory_space<vmem>> -> memref<128x128xf32, #tpu.memory_space<vmem>>
      %dma_wait3A_320 = arith.constant 0 : i32
      %dma_wait3A_321 = tpu.memref_slice %arg5[%mul3A_2, %dma_wait3A_320] : memref<100000x128xf32, #tpu.memory_space<hbm>> -> memref<128x128xf32, #tpu.memory_space<hbm>>
      %dma_wait3A_322 = tpu.memref_slice %arg12[%dma_wait3A_315] : memref<5x!tpu.dma_semaphore, #tpu.memory_space<semaphore_mem>> -> memref<1x!tpu.dma_semaphore, #tpu.memory_space<semaphore_mem>>
      %dma_wait3A_323 = tpu.memref_squeeze %dma_wait3A_322 : memref<1x!tpu.dma_semaphore, #tpu.memory_space<semaphore_mem>> -> memref<!tpu.dma_semaphore, #tpu.memory_space<semaphore_mem>>
      %dma_wait3A_324 = arith.constant 0 : i32
      %dma_wait3A_325 = tpu.memref_slice %arg5[%mul3A_2, %dma_wait3A_324] : memref<100000x128xf32, #tpu.memory_space<hbm>> -> memref<128x128xf32, #tpu.memory_space<hbm>>
      %dma_wait3A_326 = arith.constant 0 : i32
      %dma_wait3A_327 = arith.constant 0 : i32
      %dma_wait3A_328 = tpu.memref_slice %arg9[%dma_wait3A_314, %dma_wait3A_326, %dma_wait3A_327] : memref<5x128x128xf32, #tpu.memory_space<vmem>> -> memref<1x128x128xf32, #tpu.memory_space<vmem>>
      %dma_wait3A_329 = tpu.memref_squeeze %dma_wait3A_328 : memref<1x128x128xf32, #tpu.memory_space<vmem>> -> memref<128x128xf32, #tpu.memory_space<vmem>>
      tpu.wait_dma2 semaphore(%dma_wait3A_323 : memref<!tpu.dma_semaphore, #tpu.memory_space<semaphore_mem>>) src(%dma_wait3A_329 : memref<128x128xf32, #tpu.memory_space<vmem>>) dst(%dma_wait3A_325 : memref<128x128xf32, #tpu.memory_space<hbm>>)
      %dma_wait3A_330 = arith.constant 2 : i32
      %dma_wait3A_331 = arith.constant 2 : i32
      %dma_wait3A_332 = arith.constant 0 : i32
      %dma_wait3A_333 = arith.constant 0 : i32
      %dma_wait3A_334 = tpu.memref_slice %arg9[%dma_wait3A_330, %dma_wait3A_332, %dma_wait3A_333] : memref<5x128x128xf32, #tpu.memory_space<vmem>> -> memref<1x128x128xf32, #tpu.memory_space<vmem>>
      %dma_wait3A_335 = tpu.memref_squeeze %dma_wait3A_334 : memref<1x128x128xf32, #tpu.memory_space<vmem>> -> memref<128x128xf32, #tpu.memory_space<vmem>>
      %dma_wait3A_336 = arith.constant 0 : i32
      %dma_wait3A_337 = tpu.memref_slice %arg5[%mul3A_2, %dma_wait3A_336] : memref<100000x128xf32, #tpu.memory_space<hbm>> -> memref<128x128xf32, #tpu.memory_space<hbm>>
      %dma_wait3A_338 = tpu.memref_slice %arg12[%dma_wait3A_331] : memref<5x!tpu.dma_semaphore, #tpu.memory_space<semaphore_mem>> -> memref<1x!tpu.dma_semaphore, #tpu.memory_space<semaphore_mem>>
      %dma_wait3A_339 = tpu.memref_squeeze %dma_wait3A_338 : memref<1x!tpu.dma_semaphore, #tpu.memory_space<semaphore_mem>> -> memref<!tpu.dma_semaphore, #tpu.memory_space<semaphore_mem>>
      %dma_wait3A_340 = arith.constant 0 : i32
      %dma_wait3A_341 = tpu.memref_slice %arg5[%mul3A_2, %dma_wait3A_340] : memref<100000x128xf32, #tpu.memory_space<hbm>> -> memref<128x128xf32, #tpu.memory_space<hbm>>
      %dma_wait3A_342 = arith.constant 0 : i32
      %dma_wait3A_343 = arith.constant 0 : i32
      %dma_wait3A_344 = tpu.memref_slice %arg9[%dma_wait3A_330, %dma_wait3A_342, %dma_wait3A_343] : memref<5x128x128xf32, #tpu.memory_space<vmem>> -> memref<1x128x128xf32, #tpu.memory_space<vmem>>
      %dma_wait3A_345 = tpu.memref_squeeze %dma_wait3A_344 : memref<1x128x128xf32, #tpu.memory_space<vmem>> -> memref<128x128xf32, #tpu.memory_space<vmem>>
      tpu.wait_dma2 semaphore(%dma_wait3A_339 : memref<!tpu.dma_semaphore, #tpu.memory_space<semaphore_mem>>) src(%dma_wait3A_345 : memref<128x128xf32, #tpu.memory_space<vmem>>) dst(%dma_wait3A_341 : memref<128x128xf32, #tpu.memory_space<hbm>>)
      %dma_wait3A_346 = arith.constant 3 : i32
      %dma_wait3A_347 = arith.constant 3 : i32
      %dma_wait3A_348 = arith.constant 0 : i32
      %dma_wait3A_349 = arith.constant 0 : i32
      %dma_wait3A_350 = tpu.memref_slice %arg9[%dma_wait3A_346, %dma_wait3A_348, %dma_wait3A_349] : memref<5x128x128xf32, #tpu.memory_space<vmem>> -> memref<1x128x128xf32, #tpu.memory_space<vmem>>
      %dma_wait3A_351 = tpu.memref_squeeze %dma_wait3A_350 : memref<1x128x128xf32, #tpu.memory_space<vmem>> -> memref<128x128xf32, #tpu.memory_space<vmem>>
      %dma_wait3A_352 = arith.constant 0 : i32
      %dma_wait3A_353 = tpu.memref_slice %arg5[%mul3A_2, %dma_wait3A_352] : memref<100000x128xf32, #tpu.memory_space<hbm>> -> memref<128x128xf32, #tpu.memory_space<hbm>>
      %dma_wait3A_354 = tpu.memref_slice %arg12[%dma_wait3A_347] : memref<5x!tpu.dma_semaphore, #tpu.memory_space<semaphore_mem>> -> memref<1x!tpu.dma_semaphore, #tpu.memory_space<semaphore_mem>>
      %dma_wait3A_355 = tpu.memref_squeeze %dma_wait3A_354 : memref<1x!tpu.dma_semaphore, #tpu.memory_space<semaphore_mem>> -> memref<!tpu.dma_semaphore, #tpu.memory_space<semaphore_mem>>
      %dma_wait3A_356 = arith.constant 0 : i32
      %dma_wait3A_357 = tpu.memref_slice %arg5[%mul3A_2, %dma_wait3A_356] : memref<100000x128xf32, #tpu.memory_space<hbm>> -> memref<128x128xf32, #tpu.memory_space<hbm>>
      %dma_wait3A_358 = arith.constant 0 : i32
      %dma_wait3A_359 = arith.constant 0 : i32
      %dma_wait3A_360 = tpu.memref_slice %arg9[%dma_wait3A_346, %dma_wait3A_358, %dma_wait3A_359] : memref<5x128x128xf32, #tpu.memory_space<vmem>> -> memref<1x128x128xf32, #tpu.memory_space<vmem>>
      %dma_wait3A_361 = tpu.memref_squeeze %dma_wait3A_360 : memref<1x128x128xf32, #tpu.memory_space<vmem>> -> memref<128x128xf32, #tpu.memory_space<vmem>>
      tpu.wait_dma2 semaphore(%dma_wait3A_355 : memref<!tpu.dma_semaphore, #tpu.memory_space<semaphore_mem>>) src(%dma_wait3A_361 : memref<128x128xf32, #tpu.memory_space<vmem>>) dst(%dma_wait3A_357 : memref<128x128xf32, #tpu.memory_space<hbm>>)
      %dma_wait3A_362 = arith.constant 4 : i32
      %dma_wait3A_363 = arith.constant 4 : i32
      %dma_wait3A_364 = arith.constant 0 : i32
      %dma_wait3A_365 = arith.constant 0 : i32
      %dma_wait3A_366 = tpu.memref_slice %arg9[%dma_wait3A_362, %dma_wait3A_364, %dma_wait3A_365] : memref<5x128x128xf32, #tpu.memory_space<vmem>> -> memref<1x128x128xf32, #tpu.memory_space<vmem>>
      %dma_wait3A_367 = tpu.memref_squeeze %dma_wait3A_366 : memref<1x128x128xf32, #tpu.memory_space<vmem>> -> memref<128x128xf32, #tpu.memory_space<vmem>>
      %dma_wait3A_368 = arith.constant 0 : i32
      %dma_wait3A_369 = tpu.memref_slice %arg5[%mul3A_2, %dma_wait3A_368] : memref<100000x128xf32, #tpu.memory_space<hbm>> -> memref<128x128xf32, #tpu.memory_space<hbm>>
      %dma_wait3A_370 = tpu.memref_slice %arg12[%dma_wait3A_363] : memref<5x!tpu.dma_semaphore, #tpu.memory_space<semaphore_mem>> -> memref<1x!tpu.dma_semaphore, #tpu.memory_space<semaphore_mem>>
      %dma_wait3A_371 = tpu.memref_squeeze %dma_wait3A_370 : memref<1x!tpu.dma_semaphore, #tpu.memory_space<semaphore_mem>> -> memref<!tpu.dma_semaphore, #tpu.memory_space<semaphore_mem>>
      %dma_wait3A_372 = arith.constant 0 : i32
      %dma_wait3A_373 = tpu.memref_slice %arg5[%mul3A_2, %dma_wait3A_372] : memref<100000x128xf32, #tpu.memory_space<hbm>> -> memref<128x128xf32, #tpu.memory_space<hbm>>
      %dma_wait3A_374 = arith.constant 0 : i32
      %dma_wait3A_375 = arith.constant 0 : i32
      %dma_wait3A_376 = tpu.memref_slice %arg9[%dma_wait3A_362, %dma_wait3A_374, %dma_wait3A_375] : memref<5x128x128xf32, #tpu.memory_space<vmem>> -> memref<1x128x128xf32, #tpu.memory_space<vmem>>
      %dma_wait3A_377 = tpu.memref_squeeze %dma_wait3A_376 : memref<1x128x128xf32, #tpu.memory_space<vmem>> -> memref<128x128xf32, #tpu.memory_space<vmem>>
      tpu.wait_dma2 semaphore(%dma_wait3A_371 : memref<!tpu.dma_semaphore, #tpu.memory_space<semaphore_mem>>) src(%dma_wait3A_377 : memref<128x128xf32, #tpu.memory_space<vmem>>) dst(%dma_wait3A_373 : memref<128x128xf32, #tpu.memory_space<hbm>>)
    } else {
    }
    %eq3A_39 = arith.constant 31 : i32
    %eq3A_40 = arith.cmpi eq, %add3A, %eq3A_39 : i32
    %convert_element_type3A_41 = arith.extui %eq3A_40 : i1 to i32
    %cond3A_42 = arith.constant 0 : i32
    %cond3A_43 = arith.cmpi ne, %convert_element_type3A_41, %cond3A_42 : i32
    scf.if %cond3A_43 {
      %dma_start3A = arith.constant 0 : i32
      %dma_start3A_44 = arith.constant 0 : i32
      %dma_start3A_45 = arith.constant 0 : i32
      %dma_start3A_46 = arith.constant 0 : i32
      %dma_start3A_47 = tpu.memref_slice %arg9[%dma_start3A, %dma_start3A_45, %dma_start3A_46] : memref<5x128x128xf32, #tpu.memory_space<vmem>> -> memref<1x128x128xf32, #tpu.memory_space<vmem>>
      %dma_start3A_48 = tpu.memref_squeeze %dma_start3A_47 : memref<1x128x128xf32, #tpu.memory_space<vmem>> -> memref<128x128xf32, #tpu.memory_space<vmem>>
      %dma_start3A_49 = arith.constant 0 : i32
      %dma_start3A_50 = tpu.memref_slice %arg8[%dma_start3A_49] : memref<3200xi32, #tpu.memory_space<vmem>> -> memref<128xi32, #tpu.memory_space<vmem>>
      %dma_start3A_51 = arith.constant 0 : i32
      %dma_start3A_52 = arith.constant 0 : i32
      %dma_start3A_53 = tpu.memref_slice %arg10[%dma_start3A_51, %dma_start3A_52] : memref<1016x128xf32, #tpu.memory_space<vmem_shared>> -> memref<1016x128xf32, #tpu.memory_space<vmem_shared>>
      %dma_start3A_54 = tpu.memref_slice %arg11[%dma_start3A_44] : memref<5x!tpu.dma_semaphore, #tpu.memory_space<semaphore_mem>> -> memref<1x!tpu.dma_semaphore, #tpu.memory_space<semaphore_mem>>
      %dma_start3A_55 = tpu.memref_squeeze %dma_start3A_54 : memref<1x!tpu.dma_semaphore, #tpu.memory_space<semaphore_mem>> -> memref<!tpu.dma_semaphore, #tpu.memory_space<semaphore_mem>>
      tpu.enqueue_indirect_dma source(%dma_start3A_53 : memref<1016x128xf32, #tpu.memory_space<vmem_shared>>) target(%dma_start3A_48 : memref<128x128xf32, #tpu.memory_space<vmem>>) offsets(%dma_start3A_50 : memref<128xi32, #tpu.memory_space<vmem>>) semaphore(%dma_start3A_55 : memref<!tpu.dma_semaphore, #tpu.memory_space<semaphore_mem>>)
      %dma_wait3A = arith.constant 0 : i32
      %dma_wait3A_56 = arith.constant 0 : i32
      %dma_wait3A_57 = arith.constant 0 : i32
      %dma_wait3A_58 = arith.constant 0 : i32
      %dma_wait3A_59 = tpu.memref_slice %arg9[%dma_wait3A, %dma_wait3A_57, %dma_wait3A_58] : memref<5x128x128xf32, #tpu.memory_space<vmem>> -> memref<1x128x128xf32, #tpu.memory_space<vmem>>
      %dma_wait3A_60 = tpu.memref_squeeze %dma_wait3A_59 : memref<1x128x128xf32, #tpu.memory_space<vmem>> -> memref<128x128xf32, #tpu.memory_space<vmem>>
      %dma_wait3A_61 = arith.constant 0 : i32
      %dma_wait3A_62 = arith.constant 0 : i32
      %dma_wait3A_63 = tpu.memref_slice %arg10[%dma_wait3A_61, %dma_wait3A_62] : memref<1016x128xf32, #tpu.memory_space<vmem_shared>> -> memref<128x128xf32, #tpu.memory_space<vmem_shared>>
      %dma_wait3A_64 = tpu.memref_slice %arg11[%dma_wait3A_56] : memref<5x!tpu.dma_semaphore, #tpu.memory_space<semaphore_mem>> -> memref<1x!tpu.dma_semaphore, #tpu.memory_space<semaphore_mem>>
      %dma_wait3A_65 = tpu.memref_squeeze %dma_wait3A_64 : memref<1x!tpu.dma_semaphore, #tpu.memory_space<semaphore_mem>> -> memref<!tpu.dma_semaphore, #tpu.memory_space<semaphore_mem>>
      %dma_wait3A_66 = arith.constant 0 : i32
      %dma_wait3A_67 = arith.constant 0 : i32
      %dma_wait3A_68 = tpu.memref_slice %arg9[%dma_wait3A, %dma_wait3A_66, %dma_wait3A_67] : memref<5x128x128xf32, #tpu.memory_space<vmem>> -> memref<1x128x128xf32, #tpu.memory_space<vmem>>
      %dma_wait3A_69 = tpu.memref_squeeze %dma_wait3A_68 : memref<1x128x128xf32, #tpu.memory_space<vmem>> -> memref<128x128xf32, #tpu.memory_space<vmem>>
      %dma_wait3A_70 = arith.constant 0 : i32
      %dma_wait3A_71 = arith.constant 0 : i32
      %dma_wait3A_72 = tpu.memref_slice %arg10[%dma_wait3A_70, %dma_wait3A_71] : memref<1016x128xf32, #tpu.memory_space<vmem_shared>> -> memref<128x128xf32, #tpu.memory_space<vmem_shared>>
      tpu.wait_dma2 semaphore(%dma_wait3A_65 : memref<!tpu.dma_semaphore, #tpu.memory_space<semaphore_mem>>) src(%dma_wait3A_72 : memref<128x128xf32, #tpu.memory_space<vmem_shared>>) dst(%dma_wait3A_69 : memref<128x128xf32, #tpu.memory_space<vmem>>)
      %add3A_73 = arith.constant 0 : i32
      %add3A_74 = arith.addi %mul3A_2, %add3A_73 : i32
      %dma_start3A_75 = arith.constant 0 : i32
      %dma_start3A_76 = arith.constant 0 : i32
      %dma_start3A_77 = arith.constant 0 : i32
      %dma_start3A_78 = arith.constant 0 : i32
      %dma_start3A_79 = tpu.memref_slice %arg9[%dma_start3A_75, %dma_start3A_77, %dma_start3A_78] : memref<5x128x128xf32, #tpu.memory_space<vmem>> -> memref<1x128x128xf32, #tpu.memory_space<vmem>>
      %dma_start3A_80 = tpu.memref_squeeze %dma_start3A_79 : memref<1x128x128xf32, #tpu.memory_space<vmem>> -> memref<128x128xf32, #tpu.memory_space<vmem>>
      %dma_start3A_81 = arith.constant 0 : i32
      %dma_start3A_82 = tpu.memref_slice %arg5[%add3A_74, %dma_start3A_81] : memref<100000x128xf32, #tpu.memory_space<hbm>> -> memref<128x128xf32, #tpu.memory_space<hbm>>
      %dma_start3A_83 = tpu.memref_slice %arg12[%dma_start3A_76] : memref<5x!tpu.dma_semaphore, #tpu.memory_space<semaphore_mem>> -> memref<1x!tpu.dma_semaphore, #tpu.memory_space<semaphore_mem>>
      %dma_start3A_84 = tpu.memref_squeeze %dma_start3A_83 : memref<1x!tpu.dma_semaphore, #tpu.memory_space<semaphore_mem>> -> memref<!tpu.dma_semaphore, #tpu.memory_space<semaphore_mem>>
      %dma_start3A_85 = arith.constant 0 : i32
      %dma_start3A_86 = tpu.memref_slice %arg5[%add3A_74, %dma_start3A_85] : memref<100000x128xf32, #tpu.memory_space<hbm>> -> memref<128x128xf32, #tpu.memory_space<hbm>>
      %dma_start3A_87 = arith.constant 0 : i32
      %dma_start3A_88 = arith.constant 0 : i32
      %dma_start3A_89 = tpu.memref_slice %arg9[%dma_start3A_75, %dma_start3A_87, %dma_start3A_88] : memref<5x128x128xf32, #tpu.memory_space<vmem>> -> memref<1x128x128xf32, #tpu.memory_space<vmem>>
      %dma_start3A_90 = tpu.memref_squeeze %dma_start3A_89 : memref<1x128x128xf32, #tpu.memory_space<vmem>> -> memref<128x128xf32, #tpu.memory_space<vmem>>
      tpu.enqueue_dma source(%dma_start3A_90 : memref<128x128xf32, #tpu.memory_space<vmem>>) target(%dma_start3A_86 : memref<128x128xf32, #tpu.memory_space<hbm>>) target_semaphore(%dma_start3A_84 : memref<!tpu.dma_semaphore, #tpu.memory_space<semaphore_mem>>)
      %dma_wait3A_91 = arith.constant 0 : i32
      %dma_wait3A_92 = arith.constant 0 : i32
      %dma_wait3A_93 = arith.constant 0 : i32
      %dma_wait3A_94 = arith.constant 0 : i32
      %dma_wait3A_95 = tpu.memref_slice %arg9[%dma_wait3A_91, %dma_wait3A_93, %dma_wait3A_94] : memref<5x128x128xf32, #tpu.memory_space<vmem>> -> memref<1x128x128xf32, #tpu.memory_space<vmem>>
      %dma_wait3A_96 = tpu.memref_squeeze %dma_wait3A_95 : memref<1x128x128xf32, #tpu.memory_space<vmem>> -> memref<128x128xf32, #tpu.memory_space<vmem>>
      %dma_wait3A_97 = arith.constant 0 : i32
      %dma_wait3A_98 = tpu.memref_slice %arg5[%mul3A_2, %dma_wait3A_97] : memref<100000x128xf32, #tpu.memory_space<hbm>> -> memref<128x128xf32, #tpu.memory_space<hbm>>
      %dma_wait3A_99 = tpu.memref_slice %arg12[%dma_wait3A_92] : memref<5x!tpu.dma_semaphore, #tpu.memory_space<semaphore_mem>> -> memref<1x!tpu.dma_semaphore, #tpu.memory_space<semaphore_mem>>
      %dma_wait3A_100 = tpu.memref_squeeze %dma_wait3A_99 : memref<1x!tpu.dma_semaphore, #tpu.memory_space<semaphore_mem>> -> memref<!tpu.dma_semaphore, #tpu.memory_space<semaphore_mem>>
      %dma_wait3A_101 = arith.constant 0 : i32
      %dma_wait3A_102 = tpu.memref_slice %arg5[%mul3A_2, %dma_wait3A_101] : memref<100000x128xf32, #tpu.memory_space<hbm>> -> memref<128x128xf32, #tpu.memory_space<hbm>>
      %dma_wait3A_103 = arith.constant 0 : i32
      %dma_wait3A_104 = arith.constant 0 : i32
      %dma_wait3A_105 = tpu.memref_slice %arg9[%dma_wait3A_91, %dma_wait3A_103, %dma_wait3A_104] : memref<5x128x128xf32, #tpu.memory_space<vmem>> -> memref<1x128x128xf32, #tpu.memory_space<vmem>>
      %dma_wait3A_106 = tpu.memref_squeeze %dma_wait3A_105 : memref<1x128x128xf32, #tpu.memory_space<vmem>> -> memref<128x128xf32, #tpu.memory_space<vmem>>
      tpu.wait_dma2 semaphore(%dma_wait3A_100 : memref<!tpu.dma_semaphore, #tpu.memory_space<semaphore_mem>>) src(%dma_wait3A_106 : memref<128x128xf32, #tpu.memory_space<vmem>>) dst(%dma_wait3A_102 : memref<128x128xf32, #tpu.memory_space<hbm>>)
      %dma_start3A_107 = arith.constant 1 : i32
      %dma_start3A_108 = arith.constant 1 : i32
      %dma_start3A_109 = arith.constant 0 : i32
      %dma_start3A_110 = arith.constant 0 : i32
      %dma_start3A_111 = tpu.memref_slice %arg9[%dma_start3A_107, %dma_start3A_109, %dma_start3A_110] : memref<5x128x128xf32, #tpu.memory_space<vmem>> -> memref<1x128x128xf32, #tpu.memory_space<vmem>>
      %dma_start3A_112 = tpu.memref_squeeze %dma_start3A_111 : memref<1x128x128xf32, #tpu.memory_space<vmem>> -> memref<128x128xf32, #tpu.memory_space<vmem>>
      %dma_start3A_113 = arith.constant 128 : i32
      %dma_start3A_114 = tpu.memref_slice %arg8[%dma_start3A_113] : memref<3200xi32, #tpu.memory_space<vmem>> -> memref<128xi32, #tpu.memory_space<vmem>>
      %dma_start3A_115 = arith.constant 0 : i32
      %dma_start3A_116 = arith.constant 0 : i32
      %dma_start3A_117 = tpu.memref_slice %arg10[%dma_start3A_115, %dma_start3A_116] : memref<1016x128xf32, #tpu.memory_space<vmem_shared>> -> memref<1016x128xf32, #tpu.memory_space<vmem_shared>>
      %dma_start3A_118 = tpu.memref_slice %arg11[%dma_start3A_108] : memref<5x!tpu.dma_semaphore, #tpu.memory_space<semaphore_mem>> -> memref<1x!tpu.dma_semaphore, #tpu.memory_space<semaphore_mem>>
      %dma_start3A_119 = tpu.memref_squeeze %dma_start3A_118 : memref<1x!tpu.dma_semaphore, #tpu.memory_space<semaphore_mem>> -> memref<!tpu.dma_semaphore, #tpu.memory_space<semaphore_mem>>
      tpu.enqueue_indirect_dma source(%dma_start3A_117 : memref<1016x128xf32, #tpu.memory_space<vmem_shared>>) target(%dma_start3A_112 : memref<128x128xf32, #tpu.memory_space<vmem>>) offsets(%dma_start3A_114 : memref<128xi32, #tpu.memory_space<vmem>>) semaphore(%dma_start3A_119 : memref<!tpu.dma_semaphore, #tpu.memory_space<semaphore_mem>>)
      %dma_wait3A_120 = arith.constant 1 : i32
      %dma_wait3A_121 = arith.constant 1 : i32
      %dma_wait3A_122 = arith.constant 0 : i32
      %dma_wait3A_123 = arith.constant 0 : i32
      %dma_wait3A_124 = tpu.memref_slice %arg9[%dma_wait3A_120, %dma_wait3A_122, %dma_wait3A_123] : memref<5x128x128xf32, #tpu.memory_space<vmem>> -> memref<1x128x128xf32, #tpu.memory_space<vmem>>
      %dma_wait3A_125 = tpu.memref_squeeze %dma_wait3A_124 : memref<1x128x128xf32, #tpu.memory_space<vmem>> -> memref<128x128xf32, #tpu.memory_space<vmem>>
      %dma_wait3A_126 = arith.constant 0 : i32
      %dma_wait3A_127 = arith.constant 0 : i32
      %dma_wait3A_128 = tpu.memref_slice %arg10[%dma_wait3A_126, %dma_wait3A_127] : memref<1016x128xf32, #tpu.memory_space<vmem_shared>> -> memref<128x128xf32, #tpu.memory_space<vmem_shared>>
      %dma_wait3A_129 = tpu.memref_slice %arg11[%dma_wait3A_121] : memref<5x!tpu.dma_semaphore, #tpu.memory_space<semaphore_mem>> -> memref<1x!tpu.dma_semaphore, #tpu.memory_space<semaphore_mem>>
      %dma_wait3A_130 = tpu.memref_squeeze %dma_wait3A_129 : memref<1x!tpu.dma_semaphore, #tpu.memory_space<semaphore_mem>> -> memref<!tpu.dma_semaphore, #tpu.memory_space<semaphore_mem>>
      %dma_wait3A_131 = arith.constant 0 : i32
      %dma_wait3A_132 = arith.constant 0 : i32
      %dma_wait3A_133 = tpu.memref_slice %arg9[%dma_wait3A_120, %dma_wait3A_131, %dma_wait3A_132] : memref<5x128x128xf32, #tpu.memory_space<vmem>> -> memref<1x128x128xf32, #tpu.memory_space<vmem>>
      %dma_wait3A_134 = tpu.memref_squeeze %dma_wait3A_133 : memref<1x128x128xf32, #tpu.memory_space<vmem>> -> memref<128x128xf32, #tpu.memory_space<vmem>>
      %dma_wait3A_135 = arith.constant 0 : i32
      %dma_wait3A_136 = arith.constant 0 : i32
      %dma_wait3A_137 = tpu.memref_slice %arg10[%dma_wait3A_135, %dma_wait3A_136] : memref<1016x128xf32, #tpu.memory_space<vmem_shared>> -> memref<128x128xf32, #tpu.memory_space<vmem_shared>>
      tpu.wait_dma2 semaphore(%dma_wait3A_130 : memref<!tpu.dma_semaphore, #tpu.memory_space<semaphore_mem>>) src(%dma_wait3A_137 : memref<128x128xf32, #tpu.memory_space<vmem_shared>>) dst(%dma_wait3A_134 : memref<128x128xf32, #tpu.memory_space<vmem>>)
      %add3A_138 = arith.constant 128 : i32
      %add3A_139 = arith.addi %mul3A_2, %add3A_138 : i32
      %dma_start3A_140 = arith.constant 1 : i32
      %dma_start3A_141 = arith.constant 1 : i32
      %dma_start3A_142 = arith.constant 0 : i32
      %dma_start3A_143 = arith.constant 0 : i32
      %dma_start3A_144 = tpu.memref_slice %arg9[%dma_start3A_140, %dma_start3A_142, %dma_start3A_143] : memref<5x128x128xf32, #tpu.memory_space<vmem>> -> memref<1x128x128xf32, #tpu.memory_space<vmem>>
      %dma_start3A_145 = tpu.memref_squeeze %dma_start3A_144 : memref<1x128x128xf32, #tpu.memory_space<vmem>> -> memref<128x128xf32, #tpu.memory_space<vmem>>
      %dma_start3A_146 = arith.constant 0 : i32
      %dma_start3A_147 = tpu.memref_slice %arg5[%add3A_139, %dma_start3A_146] : memref<100000x128xf32, #tpu.memory_space<hbm>> -> memref<128x128xf32, #tpu.memory_space<hbm>>
      %dma_start3A_148 = tpu.memref_slice %arg12[%dma_start3A_141] : memref<5x!tpu.dma_semaphore, #tpu.memory_space<semaphore_mem>> -> memref<1x!tpu.dma_semaphore, #tpu.memory_space<semaphore_mem>>
      %dma_start3A_149 = tpu.memref_squeeze %dma_start3A_148 : memref<1x!tpu.dma_semaphore, #tpu.memory_space<semaphore_mem>> -> memref<!tpu.dma_semaphore, #tpu.memory_space<semaphore_mem>>
      %dma_start3A_150 = arith.constant 0 : i32
      %dma_start3A_151 = tpu.memref_slice %arg5[%add3A_139, %dma_start3A_150] : memref<100000x128xf32, #tpu.memory_space<hbm>> -> memref<128x128xf32, #tpu.memory_space<hbm>>
      %dma_start3A_152 = arith.constant 0 : i32
      %dma_start3A_153 = arith.constant 0 : i32
      %dma_start3A_154 = tpu.memref_slice %arg9[%dma_start3A_140, %dma_start3A_152, %dma_start3A_153] : memref<5x128x128xf32, #tpu.memory_space<vmem>> -> memref<1x128x128xf32, #tpu.memory_space<vmem>>
      %dma_start3A_155 = tpu.memref_squeeze %dma_start3A_154 : memref<1x128x128xf32, #tpu.memory_space<vmem>> -> memref<128x128xf32, #tpu.memory_space<vmem>>
      tpu.enqueue_dma source(%dma_start3A_155 : memref<128x128xf32, #tpu.memory_space<vmem>>) target(%dma_start3A_151 : memref<128x128xf32, #tpu.memory_space<hbm>>) target_semaphore(%dma_start3A_149 : memref<!tpu.dma_semaphore, #tpu.memory_space<semaphore_mem>>)
      %dma_wait3A_156 = arith.constant 1 : i32
      %dma_wait3A_157 = arith.constant 1 : i32
      %dma_wait3A_158 = arith.constant 0 : i32
      %dma_wait3A_159 = arith.constant 0 : i32
      %dma_wait3A_160 = tpu.memref_slice %arg9[%dma_wait3A_156, %dma_wait3A_158, %dma_wait3A_159] : memref<5x128x128xf32, #tpu.memory_space<vmem>> -> memref<1x128x128xf32, #tpu.memory_space<vmem>>
      %dma_wait3A_161 = tpu.memref_squeeze %dma_wait3A_160 : memref<1x128x128xf32, #tpu.memory_space<vmem>> -> memref<128x128xf32, #tpu.memory_space<vmem>>
      %dma_wait3A_162 = arith.constant 0 : i32
      %dma_wait3A_163 = tpu.memref_slice %arg5[%mul3A_2, %dma_wait3A_162] : memref<100000x128xf32, #tpu.memory_space<hbm>> -> memref<128x128xf32, #tpu.memory_space<hbm>>
      %dma_wait3A_164 = tpu.memref_slice %arg12[%dma_wait3A_157] : memref<5x!tpu.dma_semaphore, #tpu.memory_space<semaphore_mem>> -> memref<1x!tpu.dma_semaphore, #tpu.memory_space<semaphore_mem>>
      %dma_wait3A_165 = tpu.memref_squeeze %dma_wait3A_164 : memref<1x!tpu.dma_semaphore, #tpu.memory_space<semaphore_mem>> -> memref<!tpu.dma_semaphore, #tpu.memory_space<semaphore_mem>>
      %dma_wait3A_166 = arith.constant 0 : i32
      %dma_wait3A_167 = tpu.memref_slice %arg5[%mul3A_2, %dma_wait3A_166] : memref<100000x128xf32, #tpu.memory_space<hbm>> -> memref<128x128xf32, #tpu.memory_space<hbm>>
      %dma_wait3A_168 = arith.constant 0 : i32
      %dma_wait3A_169 = arith.constant 0 : i32
      %dma_wait3A_170 = tpu.memref_slice %arg9[%dma_wait3A_156, %dma_wait3A_168, %dma_wait3A_169] : memref<5x128x128xf32, #tpu.memory_space<vmem>> -> memref<1x128x128xf32, #tpu.memory_space<vmem>>
      %dma_wait3A_171 = tpu.memref_squeeze %dma_wait3A_170 : memref<1x128x128xf32, #tpu.memory_space<vmem>> -> memref<128x128xf32, #tpu.memory_space<vmem>>
      tpu.wait_dma2 semaphore(%dma_wait3A_165 : memref<!tpu.dma_semaphore, #tpu.memory_space<semaphore_mem>>) src(%dma_wait3A_171 : memref<128x128xf32, #tpu.memory_space<vmem>>) dst(%dma_wait3A_167 : memref<128x128xf32, #tpu.memory_space<hbm>>)
      %dma_start3A_172 = arith.constant 2 : i32
      %dma_start3A_173 = arith.constant 2 : i32
      %dma_start3A_174 = arith.constant 0 : i32
      %dma_start3A_175 = arith.constant 0 : i32
      %dma_start3A_176 = tpu.memref_slice %arg9[%dma_start3A_172, %dma_start3A_174, %dma_start3A_175] : memref<5x128x128xf32, #tpu.memory_space<vmem>> -> memref<1x128x128xf32, #tpu.memory_space<vmem>>
      %dma_start3A_177 = tpu.memref_squeeze %dma_start3A_176 : memref<1x128x128xf32, #tpu.memory_space<vmem>> -> memref<128x128xf32, #tpu.memory_space<vmem>>
      %dma_start3A_178 = arith.constant 256 : i32
      %dma_start3A_179 = tpu.memref_slice %arg8[%dma_start3A_178] : memref<3200xi32, #tpu.memory_space<vmem>> -> memref<128xi32, #tpu.memory_space<vmem>>
      %dma_start3A_180 = arith.constant 0 : i32
      %dma_start3A_181 = arith.constant 0 : i32
      %dma_start3A_182 = tpu.memref_slice %arg10[%dma_start3A_180, %dma_start3A_181] : memref<1016x128xf32, #tpu.memory_space<vmem_shared>> -> memref<1016x128xf32, #tpu.memory_space<vmem_shared>>
      %dma_start3A_183 = tpu.memref_slice %arg11[%dma_start3A_173] : memref<5x!tpu.dma_semaphore, #tpu.memory_space<semaphore_mem>> -> memref<1x!tpu.dma_semaphore, #tpu.memory_space<semaphore_mem>>
      %dma_start3A_184 = tpu.memref_squeeze %dma_start3A_183 : memref<1x!tpu.dma_semaphore, #tpu.memory_space<semaphore_mem>> -> memref<!tpu.dma_semaphore, #tpu.memory_space<semaphore_mem>>
      tpu.enqueue_indirect_dma source(%dma_start3A_182 : memref<1016x128xf32, #tpu.memory_space<vmem_shared>>) target(%dma_start3A_177 : memref<128x128xf32, #tpu.memory_space<vmem>>) offsets(%dma_start3A_179 : memref<128xi32, #tpu.memory_space<vmem>>) semaphore(%dma_start3A_184 : memref<!tpu.dma_semaphore, #tpu.memory_space<semaphore_mem>>)
      %dma_wait3A_185 = arith.constant 2 : i32
      %dma_wait3A_186 = arith.constant 2 : i32
      %dma_wait3A_187 = arith.constant 0 : i32
      %dma_wait3A_188 = arith.constant 0 : i32
      %dma_wait3A_189 = tpu.memref_slice %arg9[%dma_wait3A_185, %dma_wait3A_187, %dma_wait3A_188] : memref<5x128x128xf32, #tpu.memory_space<vmem>> -> memref<1x128x128xf32, #tpu.memory_space<vmem>>
      %dma_wait3A_190 = tpu.memref_squeeze %dma_wait3A_189 : memref<1x128x128xf32, #tpu.memory_space<vmem>> -> memref<128x128xf32, #tpu.memory_space<vmem>>
      %dma_wait3A_191 = arith.constant 0 : i32
      %dma_wait3A_192 = arith.constant 0 : i32
      %dma_wait3A_193 = tpu.memref_slice %arg10[%dma_wait3A_191, %dma_wait3A_192] : memref<1016x128xf32, #tpu.memory_space<vmem_shared>> -> memref<128x128xf32, #tpu.memory_space<vmem_shared>>
      %dma_wait3A_194 = tpu.memref_slice %arg11[%dma_wait3A_186] : memref<5x!tpu.dma_semaphore, #tpu.memory_space<semaphore_mem>> -> memref<1x!tpu.dma_semaphore, #tpu.memory_space<semaphore_mem>>
      %dma_wait3A_195 = tpu.memref_squeeze %dma_wait3A_194 : memref<1x!tpu.dma_semaphore, #tpu.memory_space<semaphore_mem>> -> memref<!tpu.dma_semaphore, #tpu.memory_space<semaphore_mem>>
      %dma_wait3A_196 = arith.constant 0 : i32
      %dma_wait3A_197 = arith.constant 0 : i32
      %dma_wait3A_198 = tpu.memref_slice %arg9[%dma_wait3A_185, %dma_wait3A_196, %dma_wait3A_197] : memref<5x128x128xf32, #tpu.memory_space<vmem>> -> memref<1x128x128xf32, #tpu.memory_space<vmem>>
      %dma_wait3A_199 = tpu.memref_squeeze %dma_wait3A_198 : memref<1x128x128xf32, #tpu.memory_space<vmem>> -> memref<128x128xf32, #tpu.memory_space<vmem>>
      %dma_wait3A_200 = arith.constant 0 : i32
      %dma_wait3A_201 = arith.constant 0 : i32
      %dma_wait3A_202 = tpu.memref_slice %arg10[%dma_wait3A_200, %dma_wait3A_201] : memref<1016x128xf32, #tpu.memory_space<vmem_shared>> -> memref<128x128xf32, #tpu.memory_space<vmem_shared>>
      tpu.wait_dma2 semaphore(%dma_wait3A_195 : memref<!tpu.dma_semaphore, #tpu.memory_space<semaphore_mem>>) src(%dma_wait3A_202 : memref<128x128xf32, #tpu.memory_space<vmem_shared>>) dst(%dma_wait3A_199 : memref<128x128xf32, #tpu.memory_space<vmem>>)
      %add3A_203 = arith.constant 256 : i32
      %add3A_204 = arith.addi %mul3A_2, %add3A_203 : i32
      %dma_start3A_205 = arith.constant 2 : i32
      %dma_start3A_206 = arith.constant 2 : i32
      %dma_start3A_207 = arith.constant 0 : i32
      %dma_start3A_208 = arith.constant 0 : i32
      %dma_start3A_209 = tpu.memref_slice %arg9[%dma_start3A_205, %dma_start3A_207, %dma_start3A_208] : memref<5x128x128xf32, #tpu.memory_space<vmem>> -> memref<1x128x128xf32, #tpu.memory_space<vmem>>
      %dma_start3A_210 = tpu.memref_squeeze %dma_start3A_209 : memref<1x128x128xf32, #tpu.memory_space<vmem>> -> memref<128x128xf32, #tpu.memory_space<vmem>>
      %dma_start3A_211 = arith.constant 0 : i32
      %dma_start3A_212 = tpu.memref_slice %arg5[%add3A_204, %dma_start3A_211] : memref<100000x128xf32, #tpu.memory_space<hbm>> -> memref<128x128xf32, #tpu.memory_space<hbm>>
      %dma_start3A_213 = tpu.memref_slice %arg12[%dma_start3A_206] : memref<5x!tpu.dma_semaphore, #tpu.memory_space<semaphore_mem>> -> memref<1x!tpu.dma_semaphore, #tpu.memory_space<semaphore_mem>>
      %dma_start3A_214 = tpu.memref_squeeze %dma_start3A_213 : memref<1x!tpu.dma_semaphore, #tpu.memory_space<semaphore_mem>> -> memref<!tpu.dma_semaphore, #tpu.memory_space<semaphore_mem>>
      %dma_start3A_215 = arith.constant 0 : i32
      %dma_start3A_216 = tpu.memref_slice %arg5[%add3A_204, %dma_start3A_215] : memref<100000x128xf32, #tpu.memory_space<hbm>> -> memref<128x128xf32, #tpu.memory_space<hbm>>
      %dma_start3A_217 = arith.constant 0 : i32
      %dma_start3A_218 = arith.constant 0 : i32
      %dma_start3A_219 = tpu.memref_slice %arg9[%dma_start3A_205, %dma_start3A_217, %dma_start3A_218] : memref<5x128x128xf32, #tpu.memory_space<vmem>> -> memref<1x128x128xf32, #tpu.memory_space<vmem>>
      %dma_start3A_220 = tpu.memref_squeeze %dma_start3A_219 : memref<1x128x128xf32, #tpu.memory_space<vmem>> -> memref<128x128xf32, #tpu.memory_space<vmem>>
      tpu.enqueue_dma source(%dma_start3A_220 : memref<128x128xf32, #tpu.memory_space<vmem>>) target(%dma_start3A_216 : memref<128x128xf32, #tpu.memory_space<hbm>>) target_semaphore(%dma_start3A_214 : memref<!tpu.dma_semaphore, #tpu.memory_space<semaphore_mem>>)
      %dma_wait3A_221 = arith.constant 2 : i32
      %dma_wait3A_222 = arith.constant 2 : i32
      %dma_wait3A_223 = arith.constant 0 : i32
      %dma_wait3A_224 = arith.constant 0 : i32
      %dma_wait3A_225 = tpu.memref_slice %arg9[%dma_wait3A_221, %dma_wait3A_223, %dma_wait3A_224] : memref<5x128x128xf32, #tpu.memory_space<vmem>> -> memref<1x128x128xf32, #tpu.memory_space<vmem>>
      %dma_wait3A_226 = tpu.memref_squeeze %dma_wait3A_225 : memref<1x128x128xf32, #tpu.memory_space<vmem>> -> memref<128x128xf32, #tpu.memory_space<vmem>>
      %dma_wait3A_227 = arith.constant 0 : i32
      %dma_wait3A_228 = tpu.memref_slice %arg5[%mul3A_2, %dma_wait3A_227] : memref<100000x128xf32, #tpu.memory_space<hbm>> -> memref<128x128xf32, #tpu.memory_space<hbm>>
      %dma_wait3A_229 = tpu.memref_slice %arg12[%dma_wait3A_222] : memref<5x!tpu.dma_semaphore, #tpu.memory_space<semaphore_mem>> -> memref<1x!tpu.dma_semaphore, #tpu.memory_space<semaphore_mem>>
      %dma_wait3A_230 = tpu.memref_squeeze %dma_wait3A_229 : memref<1x!tpu.dma_semaphore, #tpu.memory_space<semaphore_mem>> -> memref<!tpu.dma_semaphore, #tpu.memory_space<semaphore_mem>>
      %dma_wait3A_231 = arith.constant 0 : i32
      %dma_wait3A_232 = tpu.memref_slice %arg5[%mul3A_2, %dma_wait3A_231] : memref<100000x128xf32, #tpu.memory_space<hbm>> -> memref<128x128xf32, #tpu.memory_space<hbm>>
      %dma_wait3A_233 = arith.constant 0 : i32
      %dma_wait3A_234 = arith.constant 0 : i32
      %dma_wait3A_235 = tpu.memref_slice %arg9[%dma_wait3A_221, %dma_wait3A_233, %dma_wait3A_234] : memref<5x128x128xf32, #tpu.memory_space<vmem>> -> memref<1x128x128xf32, #tpu.memory_space<vmem>>
      %dma_wait3A_236 = tpu.memref_squeeze %dma_wait3A_235 : memref<1x128x128xf32, #tpu.memory_space<vmem>> -> memref<128x128xf32, #tpu.memory_space<vmem>>
      tpu.wait_dma2 semaphore(%dma_wait3A_230 : memref<!tpu.dma_semaphore, #tpu.memory_space<semaphore_mem>>) src(%dma_wait3A_236 : memref<128x128xf32, #tpu.memory_space<vmem>>) dst(%dma_wait3A_232 : memref<128x128xf32, #tpu.memory_space<hbm>>)
      %dma_start3A_237 = arith.constant 3 : i32
      %dma_start3A_238 = arith.constant 3 : i32
      %dma_start3A_239 = arith.constant 0 : i32
      %dma_start3A_240 = arith.constant 0 : i32
      %dma_start3A_241 = tpu.memref_slice %arg9[%dma_start3A_237, %dma_start3A_239, %dma_start3A_240] : memref<5x128x128xf32, #tpu.memory_space<vmem>> -> memref<1x128x128xf32, #tpu.memory_space<vmem>>
      %dma_start3A_242 = tpu.memref_squeeze %dma_start3A_241 : memref<1x128x128xf32, #tpu.memory_space<vmem>> -> memref<128x128xf32, #tpu.memory_space<vmem>>
      %dma_start3A_243 = arith.constant 384 : i32
      %dma_start3A_244 = tpu.memref_slice %arg8[%dma_start3A_243] : memref<3200xi32, #tpu.memory_space<vmem>> -> memref<128xi32, #tpu.memory_space<vmem>>
      %dma_start3A_245 = arith.constant 0 : i32
      %dma_start3A_246 = arith.constant 0 : i32
      %dma_start3A_247 = tpu.memref_slice %arg10[%dma_start3A_245, %dma_start3A_246] : memref<1016x128xf32, #tpu.memory_space<vmem_shared>> -> memref<1016x128xf32, #tpu.memory_space<vmem_shared>>
      %dma_start3A_248 = tpu.memref_slice %arg11[%dma_start3A_238] : memref<5x!tpu.dma_semaphore, #tpu.memory_space<semaphore_mem>> -> memref<1x!tpu.dma_semaphore, #tpu.memory_space<semaphore_mem>>
      %dma_start3A_249 = tpu.memref_squeeze %dma_start3A_248 : memref<1x!tpu.dma_semaphore, #tpu.memory_space<semaphore_mem>> -> memref<!tpu.dma_semaphore, #tpu.memory_space<semaphore_mem>>
      tpu.enqueue_indirect_dma source(%dma_start3A_247 : memref<1016x128xf32, #tpu.memory_space<vmem_shared>>) target(%dma_start3A_242 : memref<128x128xf32, #tpu.memory_space<vmem>>) offsets(%dma_start3A_244 : memref<128xi32, #tpu.memory_space<vmem>>) semaphore(%dma_start3A_249 : memref<!tpu.dma_semaphore, #tpu.memory_space<semaphore_mem>>)
      %dma_wait3A_250 = arith.constant 3 : i32
      %dma_wait3A_251 = arith.constant 3 : i32
      %dma_wait3A_252 = arith.constant 0 : i32
      %dma_wait3A_253 = arith.constant 0 : i32
      %dma_wait3A_254 = tpu.memref_slice %arg9[%dma_wait3A_250, %dma_wait3A_252, %dma_wait3A_253] : memref<5x128x128xf32, #tpu.memory_space<vmem>> -> memref<1x128x128xf32, #tpu.memory_space<vmem>>
      %dma_wait3A_255 = tpu.memref_squeeze %dma_wait3A_254 : memref<1x128x128xf32, #tpu.memory_space<vmem>> -> memref<128x128xf32, #tpu.memory_space<vmem>>
      %dma_wait3A_256 = arith.constant 0 : i32
      %dma_wait3A_257 = arith.constant 0 : i32
      %dma_wait3A_258 = tpu.memref_slice %arg10[%dma_wait3A_256, %dma_wait3A_257] : memref<1016x128xf32, #tpu.memory_space<vmem_shared>> -> memref<128x128xf32, #tpu.memory_space<vmem_shared>>
      %dma_wait3A_259 = tpu.memref_slice %arg11[%dma_wait3A_251] : memref<5x!tpu.dma_semaphore, #tpu.memory_space<semaphore_mem>> -> memref<1x!tpu.dma_semaphore, #tpu.memory_space<semaphore_mem>>
      %dma_wait3A_260 = tpu.memref_squeeze %dma_wait3A_259 : memref<1x!tpu.dma_semaphore, #tpu.memory_space<semaphore_mem>> -> memref<!tpu.dma_semaphore, #tpu.memory_space<semaphore_mem>>
      %dma_wait3A_261 = arith.constant 0 : i32
      %dma_wait3A_262 = arith.constant 0 : i32
      %dma_wait3A_263 = tpu.memref_slice %arg9[%dma_wait3A_250, %dma_wait3A_261, %dma_wait3A_262] : memref<5x128x128xf32, #tpu.memory_space<vmem>> -> memref<1x128x128xf32, #tpu.memory_space<vmem>>
      %dma_wait3A_264 = tpu.memref_squeeze %dma_wait3A_263 : memref<1x128x128xf32, #tpu.memory_space<vmem>> -> memref<128x128xf32, #tpu.memory_space<vmem>>
      %dma_wait3A_265 = arith.constant 0 : i32
      %dma_wait3A_266 = arith.constant 0 : i32
      %dma_wait3A_267 = tpu.memref_slice %arg10[%dma_wait3A_265, %dma_wait3A_266] : memref<1016x128xf32, #tpu.memory_space<vmem_shared>> -> memref<128x128xf32, #tpu.memory_space<vmem_shared>>
      tpu.wait_dma2 semaphore(%dma_wait3A_260 : memref<!tpu.dma_semaphore, #tpu.memory_space<semaphore_mem>>) src(%dma_wait3A_267 : memref<128x128xf32, #tpu.memory_space<vmem_shared>>) dst(%dma_wait3A_264 : memref<128x128xf32, #tpu.memory_space<vmem>>)
      %add3A_268 = arith.constant 384 : i32
      %add3A_269 = arith.addi %mul3A_2, %add3A_268 : i32
      %dma_start3A_270 = arith.constant 3 : i32
      %dma_start3A_271 = arith.constant 3 : i32
      %dma_start3A_272 = arith.constant 0 : i32
      %dma_start3A_273 = arith.constant 0 : i32
      %dma_start3A_274 = tpu.memref_slice %arg9[%dma_start3A_270, %dma_start3A_272, %dma_start3A_273] : memref<5x128x128xf32, #tpu.memory_space<vmem>> -> memref<1x128x128xf32, #tpu.memory_space<vmem>>
      %dma_start3A_275 = tpu.memref_squeeze %dma_start3A_274 : memref<1x128x128xf32, #tpu.memory_space<vmem>> -> memref<128x128xf32, #tpu.memory_space<vmem>>
      %dma_start3A_276 = arith.constant 0 : i32
      %dma_start3A_277 = tpu.memref_slice %arg5[%add3A_269, %dma_start3A_276] : memref<100000x128xf32, #tpu.memory_space<hbm>> -> memref<128x128xf32, #tpu.memory_space<hbm>>
      %dma_start3A_278 = tpu.memref_slice %arg12[%dma_start3A_271] : memref<5x!tpu.dma_semaphore, #tpu.memory_space<semaphore_mem>> -> memref<1x!tpu.dma_semaphore, #tpu.memory_space<semaphore_mem>>
      %dma_start3A_279 = tpu.memref_squeeze %dma_start3A_278 : memref<1x!tpu.dma_semaphore, #tpu.memory_space<semaphore_mem>> -> memref<!tpu.dma_semaphore, #tpu.memory_space<semaphore_mem>>
      %dma_start3A_280 = arith.constant 0 : i32
      %dma_start3A_281 = tpu.memref_slice %arg5[%add3A_269, %dma_start3A_280] : memref<100000x128xf32, #tpu.memory_space<hbm>> -> memref<128x128xf32, #tpu.memory_space<hbm>>
      %dma_start3A_282 = arith.constant 0 : i32
      %dma_start3A_283 = arith.constant 0 : i32
      %dma_start3A_284 = tpu.memref_slice %arg9[%dma_start3A_270, %dma_start3A_282, %dma_start3A_283] : memref<5x128x128xf32, #tpu.memory_space<vmem>> -> memref<1x128x128xf32, #tpu.memory_space<vmem>>
      %dma_start3A_285 = tpu.memref_squeeze %dma_start3A_284 : memref<1x128x128xf32, #tpu.memory_space<vmem>> -> memref<128x128xf32, #tpu.memory_space<vmem>>
      tpu.enqueue_dma source(%dma_start3A_285 : memref<128x128xf32, #tpu.memory_space<vmem>>) target(%dma_start3A_281 : memref<128x128xf32, #tpu.memory_space<hbm>>) target_semaphore(%dma_start3A_279 : memref<!tpu.dma_semaphore, #tpu.memory_space<semaphore_mem>>)
      %dma_wait3A_286 = arith.constant 3 : i32
      %dma_wait3A_287 = arith.constant 3 : i32
      %dma_wait3A_288 = arith.constant 0 : i32
      %dma_wait3A_289 = arith.constant 0 : i32
      %dma_wait3A_290 = tpu.memref_slice %arg9[%dma_wait3A_286, %dma_wait3A_288, %dma_wait3A_289] : memref<5x128x128xf32, #tpu.memory_space<vmem>> -> memref<1x128x128xf32, #tpu.memory_space<vmem>>
      %dma_wait3A_291 = tpu.memref_squeeze %dma_wait3A_290 : memref<1x128x128xf32, #tpu.memory_space<vmem>> -> memref<128x128xf32, #tpu.memory_space<vmem>>
      %dma_wait3A_292 = arith.constant 0 : i32
      %dma_wait3A_293 = tpu.memref_slice %arg5[%mul3A_2, %dma_wait3A_292] : memref<100000x128xf32, #tpu.memory_space<hbm>> -> memref<128x128xf32, #tpu.memory_space<hbm>>
      %dma_wait3A_294 = tpu.memref_slice %arg12[%dma_wait3A_287] : memref<5x!tpu.dma_semaphore, #tpu.memory_space<semaphore_mem>> -> memref<1x!tpu.dma_semaphore, #tpu.memory_space<semaphore_mem>>
      %dma_wait3A_295 = tpu.memref_squeeze %dma_wait3A_294 : memref<1x!tpu.dma_semaphore, #tpu.memory_space<semaphore_mem>> -> memref<!tpu.dma_semaphore, #tpu.memory_space<semaphore_mem>>
      %dma_wait3A_296 = arith.constant 0 : i32
      %dma_wait3A_297 = tpu.memref_slice %arg5[%mul3A_2, %dma_wait3A_296] : memref<100000x128xf32, #tpu.memory_space<hbm>> -> memref<128x128xf32, #tpu.memory_space<hbm>>
      %dma_wait3A_298 = arith.constant 0 : i32
      %dma_wait3A_299 = arith.constant 0 : i32
      %dma_wait3A_300 = tpu.memref_slice %arg9[%dma_wait3A_286, %dma_wait3A_298, %dma_wait3A_299] : memref<5x128x128xf32, #tpu.memory_space<vmem>> -> memref<1x128x128xf32, #tpu.memory_space<vmem>>
      %dma_wait3A_301 = tpu.memref_squeeze %dma_wait3A_300 : memref<1x128x128xf32, #tpu.memory_space<vmem>> -> memref<128x128xf32, #tpu.memory_space<vmem>>
      tpu.wait_dma2 semaphore(%dma_wait3A_295 : memref<!tpu.dma_semaphore, #tpu.memory_space<semaphore_mem>>) src(%dma_wait3A_301 : memref<128x128xf32, #tpu.memory_space<vmem>>) dst(%dma_wait3A_297 : memref<128x128xf32, #tpu.memory_space<hbm>>)
      %dma_start3A_302 = arith.constant 4 : i32
      %dma_start3A_303 = arith.constant 4 : i32
      %dma_start3A_304 = arith.constant 0 : i32
      %dma_start3A_305 = arith.constant 0 : i32
      %dma_start3A_306 = tpu.memref_slice %arg9[%dma_start3A_302, %dma_start3A_304, %dma_start3A_305] : memref<5x128x128xf32, #tpu.memory_space<vmem>> -> memref<1x128x128xf32, #tpu.memory_space<vmem>>
      %dma_start3A_307 = tpu.memref_squeeze %dma_start3A_306 : memref<1x128x128xf32, #tpu.memory_space<vmem>> -> memref<128x128xf32, #tpu.memory_space<vmem>>
      %dma_start3A_308 = arith.constant 512 : i32
      %dma_start3A_309 = tpu.memref_slice %arg8[%dma_start3A_308] : memref<3200xi32, #tpu.memory_space<vmem>> -> memref<128xi32, #tpu.memory_space<vmem>>
      %dma_start3A_310 = arith.constant 0 : i32
      %dma_start3A_311 = arith.constant 0 : i32
      %dma_start3A_312 = tpu.memref_slice %arg10[%dma_start3A_310, %dma_start3A_311] : memref<1016x128xf32, #tpu.memory_space<vmem_shared>> -> memref<1016x128xf32, #tpu.memory_space<vmem_shared>>
      %dma_start3A_313 = tpu.memref_slice %arg11[%dma_start3A_303] : memref<5x!tpu.dma_semaphore, #tpu.memory_space<semaphore_mem>> -> memref<1x!tpu.dma_semaphore, #tpu.memory_space<semaphore_mem>>
      %dma_start3A_314 = tpu.memref_squeeze %dma_start3A_313 : memref<1x!tpu.dma_semaphore, #tpu.memory_space<semaphore_mem>> -> memref<!tpu.dma_semaphore, #tpu.memory_space<semaphore_mem>>
      tpu.enqueue_indirect_dma source(%dma_start3A_312 : memref<1016x128xf32, #tpu.memory_space<vmem_shared>>) target(%dma_start3A_307 : memref<128x128xf32, #tpu.memory_space<vmem>>) offsets(%dma_start3A_309 : memref<128xi32, #tpu.memory_space<vmem>>) semaphore(%dma_start3A_314 : memref<!tpu.dma_semaphore, #tpu.memory_space<semaphore_mem>>)
      %dma_wait3A_315 = arith.constant 4 : i32
      %dma_wait3A_316 = arith.constant 4 : i32
      %dma_wait3A_317 = arith.constant 0 : i32
      %dma_wait3A_318 = arith.constant 0 : i32
      %dma_wait3A_319 = tpu.memref_slice %arg9[%dma_wait3A_315, %dma_wait3A_317, %dma_wait3A_318] : memref<5x128x128xf32, #tpu.memory_space<vmem>> -> memref<1x128x128xf32, #tpu.memory_space<vmem>>
      %dma_wait3A_320 = tpu.memref_squeeze %dma_wait3A_319 : memref<1x128x128xf32, #tpu.memory_space<vmem>> -> memref<128x128xf32, #tpu.memory_space<vmem>>
      %dma_wait3A_321 = arith.constant 0 : i32
      %dma_wait3A_322 = arith.constant 0 : i32
      %dma_wait3A_323 = tpu.memref_slice %arg10[%dma_wait3A_321, %dma_wait3A_322] : memref<1016x128xf32, #tpu.memory_space<vmem_shared>> -> memref<128x128xf32, #tpu.memory_space<vmem_shared>>
      %dma_wait3A_324 = tpu.memref_slice %arg11[%dma_wait3A_316] : memref<5x!tpu.dma_semaphore, #tpu.memory_space<semaphore_mem>> -> memref<1x!tpu.dma_semaphore, #tpu.memory_space<semaphore_mem>>
      %dma_wait3A_325 = tpu.memref_squeeze %dma_wait3A_324 : memref<1x!tpu.dma_semaphore, #tpu.memory_space<semaphore_mem>> -> memref<!tpu.dma_semaphore, #tpu.memory_space<semaphore_mem>>
      %dma_wait3A_326 = arith.constant 0 : i32
      %dma_wait3A_327 = arith.constant 0 : i32
      %dma_wait3A_328 = tpu.memref_slice %arg9[%dma_wait3A_315, %dma_wait3A_326, %dma_wait3A_327] : memref<5x128x128xf32, #tpu.memory_space<vmem>> -> memref<1x128x128xf32, #tpu.memory_space<vmem>>
      %dma_wait3A_329 = tpu.memref_squeeze %dma_wait3A_328 : memref<1x128x128xf32, #tpu.memory_space<vmem>> -> memref<128x128xf32, #tpu.memory_space<vmem>>
      %dma_wait3A_330 = arith.constant 0 : i32
      %dma_wait3A_331 = arith.constant 0 : i32
      %dma_wait3A_332 = tpu.memref_slice %arg10[%dma_wait3A_330, %dma_wait3A_331] : memref<1016x128xf32, #tpu.memory_space<vmem_shared>> -> memref<128x128xf32, #tpu.memory_space<vmem_shared>>
      tpu.wait_dma2 semaphore(%dma_wait3A_325 : memref<!tpu.dma_semaphore, #tpu.memory_space<semaphore_mem>>) src(%dma_wait3A_332 : memref<128x128xf32, #tpu.memory_space<vmem_shared>>) dst(%dma_wait3A_329 : memref<128x128xf32, #tpu.memory_space<vmem>>)
      %add3A_333 = arith.constant 512 : i32
      %add3A_334 = arith.addi %mul3A_2, %add3A_333 : i32
      %dma_start3A_335 = arith.constant 4 : i32
      %dma_start3A_336 = arith.constant 4 : i32
      %dma_start3A_337 = arith.constant 0 : i32
      %dma_start3A_338 = arith.constant 0 : i32
      %dma_start3A_339 = tpu.memref_slice %arg9[%dma_start3A_335, %dma_start3A_337, %dma_start3A_338] : memref<5x128x128xf32, #tpu.memory_space<vmem>> -> memref<1x128x128xf32, #tpu.memory_space<vmem>>
      %dma_start3A_340 = tpu.memref_squeeze %dma_start3A_339 : memref<1x128x128xf32, #tpu.memory_space<vmem>> -> memref<128x128xf32, #tpu.memory_space<vmem>>
      %dma_start3A_341 = arith.constant 0 : i32
      %dma_start3A_342 = tpu.memref_slice %arg5[%add3A_334, %dma_start3A_341] : memref<100000x128xf32, #tpu.memory_space<hbm>> -> memref<128x128xf32, #tpu.memory_space<hbm>>
      %dma_start3A_343 = tpu.memref_slice %arg12[%dma_start3A_336] : memref<5x!tpu.dma_semaphore, #tpu.memory_space<semaphore_mem>> -> memref<1x!tpu.dma_semaphore, #tpu.memory_space<semaphore_mem>>
      %dma_start3A_344 = tpu.memref_squeeze %dma_start3A_343 : memref<1x!tpu.dma_semaphore, #tpu.memory_space<semaphore_mem>> -> memref<!tpu.dma_semaphore, #tpu.memory_space<semaphore_mem>>
      %dma_start3A_345 = arith.constant 0 : i32
      %dma_start3A_346 = tpu.memref_slice %arg5[%add3A_334, %dma_start3A_345] : memref<100000x128xf32, #tpu.memory_space<hbm>> -> memref<128x128xf32, #tpu.memory_space<hbm>>
      %dma_start3A_347 = arith.constant 0 : i32
      %dma_start3A_348 = arith.constant 0 : i32
      %dma_start3A_349 = tpu.memref_slice %arg9[%dma_start3A_335, %dma_start3A_347, %dma_start3A_348] : memref<5x128x128xf32, #tpu.memory_space<vmem>> -> memref<1x128x128xf32, #tpu.memory_space<vmem>>
      %dma_start3A_350 = tpu.memref_squeeze %dma_start3A_349 : memref<1x128x128xf32, #tpu.memory_space<vmem>> -> memref<128x128xf32, #tpu.memory_space<vmem>>
      tpu.enqueue_dma source(%dma_start3A_350 : memref<128x128xf32, #tpu.memory_space<vmem>>) target(%dma_start3A_346 : memref<128x128xf32, #tpu.memory_space<hbm>>) target_semaphore(%dma_start3A_344 : memref<!tpu.dma_semaphore, #tpu.memory_space<semaphore_mem>>)
      %dma_wait3A_351 = arith.constant 4 : i32
      %dma_wait3A_352 = arith.constant 4 : i32
      %dma_wait3A_353 = arith.constant 0 : i32
      %dma_wait3A_354 = arith.constant 0 : i32
      %dma_wait3A_355 = tpu.memref_slice %arg9[%dma_wait3A_351, %dma_wait3A_353, %dma_wait3A_354] : memref<5x128x128xf32, #tpu.memory_space<vmem>> -> memref<1x128x128xf32, #tpu.memory_space<vmem>>
      %dma_wait3A_356 = tpu.memref_squeeze %dma_wait3A_355 : memref<1x128x128xf32, #tpu.memory_space<vmem>> -> memref<128x128xf32, #tpu.memory_space<vmem>>
      %dma_wait3A_357 = arith.constant 0 : i32
      %dma_wait3A_358 = tpu.memref_slice %arg5[%mul3A_2, %dma_wait3A_357] : memref<100000x128xf32, #tpu.memory_space<hbm>> -> memref<128x128xf32, #tpu.memory_space<hbm>>
      %dma_wait3A_359 = tpu.memref_slice %arg12[%dma_wait3A_352] : memref<5x!tpu.dma_semaphore, #tpu.memory_space<semaphore_mem>> -> memref<1x!tpu.dma_semaphore, #tpu.memory_space<semaphore_mem>>
      %dma_wait3A_360 = tpu.memref_squeeze %dma_wait3A_359 : memref<1x!tpu.dma_semaphore, #tpu.memory_space<semaphore_mem>> -> memref<!tpu.dma_semaphore, #tpu.memory_space<semaphore_mem>>
      %dma_wait3A_361 = arith.constant 0 : i32
      %dma_wait3A_362 = tpu.memref_slice %arg5[%mul3A_2, %dma_wait3A_361] : memref<100000x128xf32, #tpu.memory_space<hbm>> -> memref<128x128xf32, #tpu.memory_space<hbm>>
      %dma_wait3A_363 = arith.constant 0 : i32
      %dma_wait3A_364 = arith.constant 0 : i32
      %dma_wait3A_365 = tpu.memref_slice %arg9[%dma_wait3A_351, %dma_wait3A_363, %dma_wait3A_364] : memref<5x128x128xf32, #tpu.memory_space<vmem>> -> memref<1x128x128xf32, #tpu.memory_space<vmem>>
      %dma_wait3A_366 = tpu.memref_squeeze %dma_wait3A_365 : memref<1x128x128xf32, #tpu.memory_space<vmem>> -> memref<128x128xf32, #tpu.memory_space<vmem>>
      tpu.wait_dma2 semaphore(%dma_wait3A_360 : memref<!tpu.dma_semaphore, #tpu.memory_space<semaphore_mem>>) src(%dma_wait3A_366 : memref<128x128xf32, #tpu.memory_space<vmem>>) dst(%dma_wait3A_362 : memref<128x128xf32, #tpu.memory_space<hbm>>)
      %dma_start3A_367 = arith.constant 0 : i32
      %dma_start3A_368 = arith.constant 0 : i32
      %dma_start3A_369 = arith.constant 0 : i32
      %dma_start3A_370 = arith.constant 0 : i32
      %dma_start3A_371 = tpu.memref_slice %arg9[%dma_start3A_367, %dma_start3A_369, %dma_start3A_370] : memref<5x128x128xf32, #tpu.memory_space<vmem>> -> memref<1x128x128xf32, #tpu.memory_space<vmem>>
      %dma_start3A_372 = tpu.memref_squeeze %dma_start3A_371 : memref<1x128x128xf32, #tpu.memory_space<vmem>> -> memref<128x128xf32, #tpu.memory_space<vmem>>
      %dma_start3A_373 = arith.constant 640 : i32
      %dma_start3A_374 = tpu.memref_slice %arg8[%dma_start3A_373] : memref<3200xi32, #tpu.memory_space<vmem>> -> memref<128xi32, #tpu.memory_space<vmem>>
      %dma_start3A_375 = arith.constant 0 : i32
      %dma_start3A_376 = arith.constant 0 : i32
      %dma_start3A_377 = tpu.memref_slice %arg10[%dma_start3A_375, %dma_start3A_376] : memref<1016x128xf32, #tpu.memory_space<vmem_shared>> -> memref<1016x128xf32, #tpu.memory_space<vmem_shared>>
      %dma_start3A_378 = tpu.memref_slice %arg11[%dma_start3A_368] : memref<5x!tpu.dma_semaphore, #tpu.memory_space<semaphore_mem>> -> memref<1x!tpu.dma_semaphore, #tpu.memory_space<semaphore_mem>>
      %dma_start3A_379 = tpu.memref_squeeze %dma_start3A_378 : memref<1x!tpu.dma_semaphore, #tpu.memory_space<semaphore_mem>> -> memref<!tpu.dma_semaphore, #tpu.memory_space<semaphore_mem>>
      tpu.enqueue_indirect_dma source(%dma_start3A_377 : memref<1016x128xf32, #tpu.memory_space<vmem_shared>>) target(%dma_start3A_372 : memref<128x128xf32, #tpu.memory_space<vmem>>) offsets(%dma_start3A_374 : memref<128xi32, #tpu.memory_space<vmem>>) semaphore(%dma_start3A_379 : memref<!tpu.dma_semaphore, #tpu.memory_space<semaphore_mem>>)
      %dma_wait3A_380 = arith.constant 0 : i32
      %dma_wait3A_381 = arith.constant 0 : i32
      %dma_wait3A_382 = arith.constant 0 : i32
      %dma_wait3A_383 = arith.constant 0 : i32
      %dma_wait3A_384 = tpu.memref_slice %arg9[%dma_wait3A_380, %dma_wait3A_382, %dma_wait3A_383] : memref<5x128x128xf32, #tpu.memory_space<vmem>> -> memref<1x128x128xf32, #tpu.memory_space<vmem>>
      %dma_wait3A_385 = tpu.memref_squeeze %dma_wait3A_384 : memref<1x128x128xf32, #tpu.memory_space<vmem>> -> memref<128x128xf32, #tpu.memory_space<vmem>>
      %dma_wait3A_386 = arith.constant 0 : i32
      %dma_wait3A_387 = arith.constant 0 : i32
      %dma_wait3A_388 = tpu.memref_slice %arg10[%dma_wait3A_386, %dma_wait3A_387] : memref<1016x128xf32, #tpu.memory_space<vmem_shared>> -> memref<128x128xf32, #tpu.memory_space<vmem_shared>>
      %dma_wait3A_389 = tpu.memref_slice %arg11[%dma_wait3A_381] : memref<5x!tpu.dma_semaphore, #tpu.memory_space<semaphore_mem>> -> memref<1x!tpu.dma_semaphore, #tpu.memory_space<semaphore_mem>>
      %dma_wait3A_390 = tpu.memref_squeeze %dma_wait3A_389 : memref<1x!tpu.dma_semaphore, #tpu.memory_space<semaphore_mem>> -> memref<!tpu.dma_semaphore, #tpu.memory_space<semaphore_mem>>
      %dma_wait3A_391 = arith.constant 0 : i32
      %dma_wait3A_392 = arith.constant 0 : i32
      %dma_wait3A_393 = tpu.memref_slice %arg9[%dma_wait3A_380, %dma_wait3A_391, %dma_wait3A_392] : memref<5x128x128xf32, #tpu.memory_space<vmem>> -> memref<1x128x128xf32, #tpu.memory_space<vmem>>
      %dma_wait3A_394 = tpu.memref_squeeze %dma_wait3A_393 : memref<1x128x128xf32, #tpu.memory_space<vmem>> -> memref<128x128xf32, #tpu.memory_space<vmem>>
      %dma_wait3A_395 = arith.constant 0 : i32
      %dma_wait3A_396 = arith.constant 0 : i32
      %dma_wait3A_397 = tpu.memref_slice %arg10[%dma_wait3A_395, %dma_wait3A_396] : memref<1016x128xf32, #tpu.memory_space<vmem_shared>> -> memref<128x128xf32, #tpu.memory_space<vmem_shared>>
      tpu.wait_dma2 semaphore(%dma_wait3A_390 : memref<!tpu.dma_semaphore, #tpu.memory_space<semaphore_mem>>) src(%dma_wait3A_397 : memref<128x128xf32, #tpu.memory_space<vmem_shared>>) dst(%dma_wait3A_394 : memref<128x128xf32, #tpu.memory_space<vmem>>)
      %add3A_398 = arith.constant 640 : i32
      %add3A_399 = arith.addi %mul3A_2, %add3A_398 : i32
      %dma_start3A_400 = arith.constant 0 : i32
      %dma_start3A_401 = arith.constant 0 : i32
      %dma_start3A_402 = arith.constant 0 : i32
      %dma_start3A_403 = arith.constant 0 : i32
      %dma_start3A_404 = tpu.memref_slice %arg9[%dma_start3A_400, %dma_start3A_402, %dma_start3A_403] : memref<5x128x128xf32, #tpu.memory_space<vmem>> -> memref<1x128x128xf32, #tpu.memory_space<vmem>>
      %dma_start3A_405 = tpu.memref_squeeze %dma_start3A_404 : memref<1x128x128xf32, #tpu.memory_space<vmem>> -> memref<128x128xf32, #tpu.memory_space<vmem>>
      %dma_start3A_406 = arith.constant 0 : i32
      %dma_start3A_407 = tpu.memref_slice %arg5[%add3A_399, %dma_start3A_406] : memref<100000x128xf32, #tpu.memory_space<hbm>> -> memref<128x128xf32, #tpu.memory_space<hbm>>
      %dma_start3A_408 = tpu.memref_slice %arg12[%dma_start3A_401] : memref<5x!tpu.dma_semaphore, #tpu.memory_space<semaphore_mem>> -> memref<1x!tpu.dma_semaphore, #tpu.memory_space<semaphore_mem>>
      %dma_start3A_409 = tpu.memref_squeeze %dma_start3A_408 : memref<1x!tpu.dma_semaphore, #tpu.memory_space<semaphore_mem>> -> memref<!tpu.dma_semaphore, #tpu.memory_space<semaphore_mem>>
      %dma_start3A_410 = arith.constant 0 : i32
      %dma_start3A_411 = tpu.memref_slice %arg5[%add3A_399, %dma_start3A_410] : memref<100000x128xf32, #tpu.memory_space<hbm>> -> memref<128x128xf32, #tpu.memory_space<hbm>>
      %dma_start3A_412 = arith.constant 0 : i32
      %dma_start3A_413 = arith.constant 0 : i32
      %dma_start3A_414 = tpu.memref_slice %arg9[%dma_start3A_400, %dma_start3A_412, %dma_start3A_413] : memref<5x128x128xf32, #tpu.memory_space<vmem>> -> memref<1x128x128xf32, #tpu.memory_space<vmem>>
      %dma_start3A_415 = tpu.memref_squeeze %dma_start3A_414 : memref<1x128x128xf32, #tpu.memory_space<vmem>> -> memref<128x128xf32, #tpu.memory_space<vmem>>
      tpu.enqueue_dma source(%dma_start3A_415 : memref<128x128xf32, #tpu.memory_space<vmem>>) target(%dma_start3A_411 : memref<128x128xf32, #tpu.memory_space<hbm>>) target_semaphore(%dma_start3A_409 : memref<!tpu.dma_semaphore, #tpu.memory_space<semaphore_mem>>)
      %dma_wait3A_416 = arith.constant 0 : i32
      %dma_wait3A_417 = arith.constant 0 : i32
      %dma_wait3A_418 = arith.constant 0 : i32
      %dma_wait3A_419 = arith.constant 0 : i32
      %dma_wait3A_420 = tpu.memref_slice %arg9[%dma_wait3A_416, %dma_wait3A_418, %dma_wait3A_419] : memref<5x128x128xf32, #tpu.memory_space<vmem>> -> memref<1x128x128xf32, #tpu.memory_space<vmem>>
      %dma_wait3A_421 = tpu.memref_squeeze %dma_wait3A_420 : memref<1x128x128xf32, #tpu.memory_space<vmem>> -> memref<128x128xf32, #tpu.memory_space<vmem>>
      %dma_wait3A_422 = arith.constant 0 : i32
      %dma_wait3A_423 = tpu.memref_slice %arg5[%mul3A_2, %dma_wait3A_422] : memref<100000x128xf32, #tpu.memory_space<hbm>> -> memref<128x128xf32, #tpu.memory_space<hbm>>
      %dma_wait3A_424 = tpu.memref_slice %arg12[%dma_wait3A_417] : memref<5x!tpu.dma_semaphore, #tpu.memory_space<semaphore_mem>> -> memref<1x!tpu.dma_semaphore, #tpu.memory_space<semaphore_mem>>
      %dma_wait3A_425 = tpu.memref_squeeze %dma_wait3A_424 : memref<1x!tpu.dma_semaphore, #tpu.memory_space<semaphore_mem>> -> memref<!tpu.dma_semaphore, #tpu.memory_space<semaphore_mem>>
      %dma_wait3A_426 = arith.constant 0 : i32
      %dma_wait3A_427 = tpu.memref_slice %arg5[%mul3A_2, %dma_wait3A_426] : memref<100000x128xf32, #tpu.memory_space<hbm>> -> memref<128x128xf32, #tpu.memory_space<hbm>>
      %dma_wait3A_428 = arith.constant 0 : i32
      %dma_wait3A_429 = arith.constant 0 : i32
      %dma_wait3A_430 = tpu.memref_slice %arg9[%dma_wait3A_416, %dma_wait3A_428, %dma_wait3A_429] : memref<5x128x128xf32, #tpu.memory_space<vmem>> -> memref<1x128x128xf32, #tpu.memory_space<vmem>>
      %dma_wait3A_431 = tpu.memref_squeeze %dma_wait3A_430 : memref<1x128x128xf32, #tpu.memory_space<vmem>> -> memref<128x128xf32, #tpu.memory_space<vmem>>
      tpu.wait_dma2 semaphore(%dma_wait3A_425 : memref<!tpu.dma_semaphore, #tpu.memory_space<semaphore_mem>>) src(%dma_wait3A_431 : memref<128x128xf32, #tpu.memory_space<vmem>>) dst(%dma_wait3A_427 : memref<128x128xf32, #tpu.memory_space<hbm>>)
      %dma_start3A_432 = arith.constant 0 : i32
      %dma_start3A_433 = arith.constant 0 : i32
      %dma_start3A_434 = arith.constant 0 : i32
      %dma_start3A_435 = arith.constant 0 : i32
      %dma_start3A_436 = tpu.memref_slice %arg9[%dma_start3A_432, %dma_start3A_434, %dma_start3A_435] : memref<5x128x128xf32, #tpu.memory_space<vmem>> -> memref<1x32x128xf32, #tpu.memory_space<vmem>>
      %dma_start3A_437 = tpu.memref_squeeze %dma_start3A_436 : memref<1x32x128xf32, #tpu.memory_space<vmem>> -> memref<32x128xf32, #tpu.memory_space<vmem>>
      %dma_start3A_438 = arith.constant 768 : i32
      %dma_start3A_439 = tpu.memref_slice %arg8[%dma_start3A_438] : memref<3200xi32, #tpu.memory_space<vmem>> -> memref<32xi32, #tpu.memory_space<vmem>>
      %dma_start3A_440 = arith.constant 0 : i32
      %dma_start3A_441 = arith.constant 0 : i32
      %dma_start3A_442 = tpu.memref_slice %arg10[%dma_start3A_440, %dma_start3A_441] : memref<1016x128xf32, #tpu.memory_space<vmem_shared>> -> memref<1016x128xf32, #tpu.memory_space<vmem_shared>>
      %dma_start3A_443 = tpu.memref_slice %arg11[%dma_start3A_433] : memref<5x!tpu.dma_semaphore, #tpu.memory_space<semaphore_mem>> -> memref<1x!tpu.dma_semaphore, #tpu.memory_space<semaphore_mem>>
      %dma_start3A_444 = tpu.memref_squeeze %dma_start3A_443 : memref<1x!tpu.dma_semaphore, #tpu.memory_space<semaphore_mem>> -> memref<!tpu.dma_semaphore, #tpu.memory_space<semaphore_mem>>
      tpu.enqueue_indirect_dma source(%dma_start3A_442 : memref<1016x128xf32, #tpu.memory_space<vmem_shared>>) target(%dma_start3A_437 : memref<32x128xf32, #tpu.memory_space<vmem>>) offsets(%dma_start3A_439 : memref<32xi32, #tpu.memory_space<vmem>>) semaphore(%dma_start3A_444 : memref<!tpu.dma_semaphore, #tpu.memory_space<semaphore_mem>>)
      %dma_wait3A_445 = arith.constant 0 : i32
      %dma_wait3A_446 = arith.constant 0 : i32
      %dma_wait3A_447 = arith.constant 0 : i32
      %dma_wait3A_448 = arith.constant 0 : i32
      %dma_wait3A_449 = tpu.memref_slice %arg9[%dma_wait3A_445, %dma_wait3A_447, %dma_wait3A_448] : memref<5x128x128xf32, #tpu.memory_space<vmem>> -> memref<1x32x128xf32, #tpu.memory_space<vmem>>
      %dma_wait3A_450 = tpu.memref_squeeze %dma_wait3A_449 : memref<1x32x128xf32, #tpu.memory_space<vmem>> -> memref<32x128xf32, #tpu.memory_space<vmem>>
      %dma_wait3A_451 = arith.constant 0 : i32
      %dma_wait3A_452 = arith.constant 0 : i32
      %dma_wait3A_453 = tpu.memref_slice %arg10[%dma_wait3A_451, %dma_wait3A_452] : memref<1016x128xf32, #tpu.memory_space<vmem_shared>> -> memref<32x128xf32, #tpu.memory_space<vmem_shared>>
      %dma_wait3A_454 = tpu.memref_slice %arg11[%dma_wait3A_446] : memref<5x!tpu.dma_semaphore, #tpu.memory_space<semaphore_mem>> -> memref<1x!tpu.dma_semaphore, #tpu.memory_space<semaphore_mem>>
      %dma_wait3A_455 = tpu.memref_squeeze %dma_wait3A_454 : memref<1x!tpu.dma_semaphore, #tpu.memory_space<semaphore_mem>> -> memref<!tpu.dma_semaphore, #tpu.memory_space<semaphore_mem>>
      %dma_wait3A_456 = arith.constant 0 : i32
      %dma_wait3A_457 = arith.constant 0 : i32
      %dma_wait3A_458 = tpu.memref_slice %arg9[%dma_wait3A_445, %dma_wait3A_456, %dma_wait3A_457] : memref<5x128x128xf32, #tpu.memory_space<vmem>> -> memref<1x32x128xf32, #tpu.memory_space<vmem>>
      %dma_wait3A_459 = tpu.memref_squeeze %dma_wait3A_458 : memref<1x32x128xf32, #tpu.memory_space<vmem>> -> memref<32x128xf32, #tpu.memory_space<vmem>>
      %dma_wait3A_460 = arith.constant 0 : i32
      %dma_wait3A_461 = arith.constant 0 : i32
      %dma_wait3A_462 = tpu.memref_slice %arg10[%dma_wait3A_460, %dma_wait3A_461] : memref<1016x128xf32, #tpu.memory_space<vmem_shared>> -> memref<32x128xf32, #tpu.memory_space<vmem_shared>>
      tpu.wait_dma2 semaphore(%dma_wait3A_455 : memref<!tpu.dma_semaphore, #tpu.memory_space<semaphore_mem>>) src(%dma_wait3A_462 : memref<32x128xf32, #tpu.memory_space<vmem_shared>>) dst(%dma_wait3A_459 : memref<32x128xf32, #tpu.memory_space<vmem>>)
      %add3A_463 = arith.constant 768 : i32
      %add3A_464 = arith.addi %mul3A_2, %add3A_463 : i32
      %dma_start3A_465 = arith.constant 0 : i32
      %dma_start3A_466 = arith.constant 0 : i32
      %dma_start3A_467 = arith.constant 0 : i32
      %dma_start3A_468 = arith.constant 0 : i32
      %dma_start3A_469 = tpu.memref_slice %arg9[%dma_start3A_465, %dma_start3A_467, %dma_start3A_468] : memref<5x128x128xf32, #tpu.memory_space<vmem>> -> memref<1x32x128xf32, #tpu.memory_space<vmem>>
      %dma_start3A_470 = tpu.memref_squeeze %dma_start3A_469 : memref<1x32x128xf32, #tpu.memory_space<vmem>> -> memref<32x128xf32, #tpu.memory_space<vmem>>
      %dma_start3A_471 = arith.constant 0 : i32
      %dma_start3A_472 = tpu.memref_slice %arg5[%add3A_464, %dma_start3A_471] : memref<100000x128xf32, #tpu.memory_space<hbm>> -> memref<32x128xf32, #tpu.memory_space<hbm>>
      %dma_start3A_473 = tpu.memref_slice %arg12[%dma_start3A_466] : memref<5x!tpu.dma_semaphore, #tpu.memory_space<semaphore_mem>> -> memref<1x!tpu.dma_semaphore, #tpu.memory_space<semaphore_mem>>
      %dma_start3A_474 = tpu.memref_squeeze %dma_start3A_473 : memref<1x!tpu.dma_semaphore, #tpu.memory_space<semaphore_mem>> -> memref<!tpu.dma_semaphore, #tpu.memory_space<semaphore_mem>>
      %dma_start3A_475 = arith.constant 0 : i32
      %dma_start3A_476 = tpu.memref_slice %arg5[%add3A_464, %dma_start3A_475] : memref<100000x128xf32, #tpu.memory_space<hbm>> -> memref<32x128xf32, #tpu.memory_space<hbm>>
      %dma_start3A_477 = arith.constant 0 : i32
      %dma_start3A_478 = arith.constant 0 : i32
      %dma_start3A_479 = tpu.memref_slice %arg9[%dma_start3A_465, %dma_start3A_477, %dma_start3A_478] : memref<5x128x128xf32, #tpu.memory_space<vmem>> -> memref<1x32x128xf32, #tpu.memory_space<vmem>>
      %dma_start3A_480 = tpu.memref_squeeze %dma_start3A_479 : memref<1x32x128xf32, #tpu.memory_space<vmem>> -> memref<32x128xf32, #tpu.memory_space<vmem>>
      tpu.enqueue_dma source(%dma_start3A_480 : memref<32x128xf32, #tpu.memory_space<vmem>>) target(%dma_start3A_476 : memref<32x128xf32, #tpu.memory_space<hbm>>) target_semaphore(%dma_start3A_474 : memref<!tpu.dma_semaphore, #tpu.memory_space<semaphore_mem>>)
      %dma_wait3A_481 = arith.constant 0 : i32
      %dma_wait3A_482 = arith.constant 0 : i32
      %dma_wait3A_483 = arith.constant 0 : i32
      %dma_wait3A_484 = arith.constant 0 : i32
      %dma_wait3A_485 = tpu.memref_slice %arg9[%dma_wait3A_481, %dma_wait3A_483, %dma_wait3A_484] : memref<5x128x128xf32, #tpu.memory_space<vmem>> -> memref<1x32x128xf32, #tpu.memory_space<vmem>>
      %dma_wait3A_486 = tpu.memref_squeeze %dma_wait3A_485 : memref<1x32x128xf32, #tpu.memory_space<vmem>> -> memref<32x128xf32, #tpu.memory_space<vmem>>
      %dma_wait3A_487 = arith.constant 0 : i32
      %dma_wait3A_488 = tpu.memref_slice %arg5[%mul3A_2, %dma_wait3A_487] : memref<100000x128xf32, #tpu.memory_space<hbm>> -> memref<32x128xf32, #tpu.memory_space<hbm>>
      %dma_wait3A_489 = tpu.memref_slice %arg12[%dma_wait3A_482] : memref<5x!tpu.dma_semaphore, #tpu.memory_space<semaphore_mem>> -> memref<1x!tpu.dma_semaphore, #tpu.memory_space<semaphore_mem>>
      %dma_wait3A_490 = tpu.memref_squeeze %dma_wait3A_489 : memref<1x!tpu.dma_semaphore, #tpu.memory_space<semaphore_mem>> -> memref<!tpu.dma_semaphore, #tpu.memory_space<semaphore_mem>>
      %dma_wait3A_491 = arith.constant 0 : i32
      %dma_wait3A_492 = tpu.memref_slice %arg5[%mul3A_2, %dma_wait3A_491] : memref<100000x128xf32, #tpu.memory_space<hbm>> -> memref<32x128xf32, #tpu.memory_space<hbm>>
      %dma_wait3A_493 = arith.constant 0 : i32
      %dma_wait3A_494 = arith.constant 0 : i32
      %dma_wait3A_495 = tpu.memref_slice %arg9[%dma_wait3A_481, %dma_wait3A_493, %dma_wait3A_494] : memref<5x128x128xf32, #tpu.memory_space<vmem>> -> memref<1x32x128xf32, #tpu.memory_space<vmem>>
      %dma_wait3A_496 = tpu.memref_squeeze %dma_wait3A_495 : memref<1x32x128xf32, #tpu.memory_space<vmem>> -> memref<32x128xf32, #tpu.memory_space<vmem>>
      tpu.wait_dma2 semaphore(%dma_wait3A_490 : memref<!tpu.dma_semaphore, #tpu.memory_space<semaphore_mem>>) src(%dma_wait3A_496 : memref<32x128xf32, #tpu.memory_space<vmem>>) dst(%dma_wait3A_492 : memref<32x128xf32, #tpu.memory_space<hbm>>)
    } else {
    }
    return
  }
}

</mosaic_0001>

<sc_bundles>
// kernel: kernel.3.cloned.1.call-start
scs
__scs_entry_jumppad:
0x0: {  	(pc) =	sbr.rel $0x88, $3  }
0x1: {  	(tag) =	ssettag $0x0;
	lr =	simm.s32 $0x1  }
0x2: {  	[smem:$0x3F9E] =	sst lr;
	_ =	strace $0xD0000000  }
0x3: {  	_ = 	snop  }
0x4: {  	_ = 	snop  }
0x5: {  	_ = 	snop  }
0x6: {  	_ = 	snop  }
0x7: {  	_ = 	snop  }
__scs_overlays_trampoline_lowered:
0x8: {  	[smem:$0x3FAD] =	sst s0  }
0x9: {  	[smem:$0x3FAE] =	sst s1  }
0xa: {  	[smem:$0x3FAF] =	sst s2  }
0xb: {  	[smem:$0x3FB0] =	sst s3  }
0xc: {  	[smem:$0x3FB1] =	sst s4  }
0xd: {  	[smem:$0x3FB2] =	sst s5  }
0xe: {  	[smem:$0x3FB3] =	sst s6  }
0xf: {  	[smem:$0x3FB4] =	sst s7  }
0x10: {  	[smem:$0x3FB5] =	sst s8  }
0x11: {  	[smem:$0x3FB6] =	sst s9;
	s0 =	simm.s32 @!p0 $0x0  }
0x12: {  	s1 =	sld [smem:$0x3F9C];
	s0 =	simm.s32 @p0 $0x1  }
0x13: {  	[smem:$0x3FB7] =	sst s0;
	s0 =	simm.s32 @!p1 $0x0  }
0x14: {  	s2 =	sld [smem:$0x3F9B];
	s0 =	simm.s32 @p1 $0x1  }
0x15: {  	[smem:$0x3FB8] =	sst s0;
	s0 =	simm.s32 @!p2 $0x0  }
0x16: {  	s3 =	sld [smem:$0x3FDB];
	s0 =	simm.s32 @p2 $0x1  }
0x17: {  	s4 =	simm.s32 $0x1BF5;
	[smem:$0x3FBA] =	sst s0  }
0x18: {  	s0 =	sld [smem:$0x3F9D];
	_ =	swait.ge [sflag:s4], $0x0  }
0x19: {  	s7 =	sld [smem:$0x3F9E]  }
0x1a: {  	s8 =	sadd.s32 $0xFFFFE003, lr  }
0x1b: {  	s9 =	sadd.s32 $0xFFFFFEF7, lr;
	s5 =	simm.s32 $0xFFFFFFFF;
	p2 =	slt.u32 s8, $0xFFFFF086  }
0x1c: {  	p1 =	slt.u32 s9, $0xF7A;
	s5 =	simm.s32 @!p2 $0x0  }
0x1d: {  	s5 =	simm.s32 @p1 $0x1;
	p0 =	seq.s32 s7, s2  }
0x1e: {  	s7 =	smul.u32 @!p0 $0xF7A, s2;
	p2 =	seq.s32 @!p0 s5, $0x0  }
0x1f: {  	s9 =	smul.u32 $0xF7A, s1;
	s8 =	simm.s32 @!p0 $0x1BF5;
	p2 =	por !p2, p0  }
0x20: {  	[sflag:s8] =	ssyncset.s32 @!p0 $0xFFFFF086;
	s6 =	sadd.s32 @!p0 s3, s7;
	s7 =	simm.s32 @!p0 $0x108  }
0x21: {  	s3 =	sadd.s32 s3, s9;
	s6 =	sadd.s32 @!p0 $0x88, s6;
	s7 =	simm.s32 @p2 $0x1082  }
0x22: {  	[simem:s7], [sflag:s8] =	dma.local @!p0 [hbm:s6], $0xF7A  }
0x23: {  	s9 =	sor.u32 $0xD0000000, s2;
	s6 =	simm.s32 $0x108;
	_ =	swait.ge @!p0 [sflag:s8], $0x0  }
0x24: {  	s3 =	sadd.s32 $0x88, s3;
	s6 =	simm.s32 @!p1 $0x1082;
	[sflag:s4] =	ssyncset.s32 $0xFFFFF086  }
0x25: {  	[simem:s6], [sflag:s4] =	dma.local [hbm:s3], $0xF7A  }
0x26: {  	[smem:$0x3F9E] =	sst s1;
	(tag) =	ssettag s2;
	_ =	strace s9  }
0x27: {  	s1 =	sld [smem:$0x3FAE]  }
0x28: {  	s2 =	sld [smem:$0x3FAF]  }
0x29: {  	s4 =	sld [smem:$0x3FB1]  }
0x2a: {  	p0 =	seq.s32 s5, $0x0;
	s5 =	sld [smem:$0x3FB2]  }
0x2b: {  	s6 =	sld [smem:$0x3FB3]  }
0x2c: {  	s7 =	sld [smem:$0x3FB4]  }
0x2d: {  	s3 =	simm.s32 $0x108;
	s8 =	sld [smem:$0x3FB5]  }
0x2e: {  	s3 =	simm.s32 @!p0 $0x1082;
	s9 =	sld [smem:$0x3FB6]  }
0x2f: {  	lr =	sadd.s32 s0, s3;
	s0 =	sld [smem:$0x3FAD]  }
0x30: {  	s3 =	sld [smem:$0x3FB0]  }
0x31: {  	[smem:$0x3FB9] =	sst s10  }
0x32: {  	s10 =	sld [smem:$0x3FB7];
	_ =	sdelay $0x3  }
0x33: {  	p0 =	seq.s32 s10, $0x1;
	s10 =	sld [smem:$0x3FB9];
	_ =	sdelay $0x3  }
0x34: {  	[smem:$0x3FB9] =	sst s10  }
0x35: {  	s10 =	sld [smem:$0x3FB8];
	_ =	sdelay $0x3  }
0x36: {  	p1 =	seq.s32 s10, $0x1;
	s10 =	sld [smem:$0x3FB9];
	_ =	sdelay $0x3  }
0x37: {  	[smem:$0x3FB9] =	sst s10  }
0x38: {  	s10 =	sld [smem:$0x3FBA]  }
0x39: {  	_ = 	snop;
	(pc) =	sbr.ind lr, $3  }
0x3a: {  	_ = 	snop  }
0x3b: {  	_ = 	snop  }
0x3c: {  	p2 =	seq.s32 s10, $0x1;
	s10 =	sld [smem:$0x3FB9]  }
0x3d: {  	_ =	shalt  }
0x3e: {  	_ =	shalt  }
0x3f: {  	_ =	shalt  }
0x40: {  	_ =	shalt  }
0x41: {  	_ =	shalt  }
0x42: {  	_ =	shalt  }
0x43: {  	_ =	shalt  }
0x44: {  	_ =	shalt  }
0x45: {  	_ =	shalt  }
0x46: {  	_ =	shalt  }
0x47: {  	_ =	shalt  }
0x48: {  	_ =	shalt  }
0x49: {  	_ =	shalt  }
0x4a: {  	_ =	shalt  }
0x4b: {  	_ =	shalt  }
0x4c: {  	_ =	shalt  }
0x4d: {  	_ =	shalt  }
0x4e: {  	_ =	shalt  }
0x4f: {  	_ =	shalt  }
0x50: {  	_ =	shalt  }
0x51: {  	_ =	shalt  }
0x52: {  	_ =	shalt  }
0x53: {  	_ =	shalt  }
0x54: {  	_ =	shalt  }
0x55: {  	_ =	shalt  }
0x56: {  	_ =	shalt  }
0x57: {  	_ =	shalt  }
0x58: {  	_ =	shalt  }
0x59: {  	_ =	shalt  }
0x5a: {  	_ =	shalt  }
0x5b: {  	_ =	shalt  }
0x5c: {  	_ =	shalt  }
0x5d: {  	_ =	shalt  }
0x5e: {  	_ =	shalt  }
0x5f: {  	_ =	shalt  }
0x60: {  	_ =	shalt  }
0x61: {  	_ =	shalt  }
0x62: {  	_ =	shalt  }
0x63: {  	_ =	shalt  }
0x64: {  	_ =	shalt  }
0x65: {  	_ =	shalt  }
0x66: {  	_ =	shalt  }
0x67: {  	_ =	shalt  }
0x68: {  	_ =	shalt  }
0x69: {  	_ =	shalt  }
0x6a: {  	_ =	shalt  }
0x6b: {  	_ =	shalt  }
0x6c: {  	_ =	shalt  }
0x6d: {  	_ =	shalt  }
0x6e: {  	_ =	shalt  }
0x6f: {  	_ =	shalt  }
0x70: {  	_ =	shalt  }
0x71: {  	_ =	shalt  }
0x72: {  	_ =	shalt  }
0x73: {  	_ =	shalt  }
0x74: {  	_ =	shalt  }
0x75: {  	_ =	shalt  }
0x76: {  	_ =	shalt  }
0x77: {  	_ =	shalt  }
0x78: {  	_ =	shalt  }
0x79: {  	_ =	shalt  }
0x7a: {  	_ =	shalt  }
0x7b: {  	_ =	shalt  }
0x7c: {  	_ =	shalt  }
0x7d: {  	_ =	shalt  }
0x7e: {  	_ =	shalt  }
0x7f: {  	_ =	shalt  }
0x80: {  	_ =	shalt  }
0x81: {  	_ =	shalt  }
0x82: {  	_ =	shalt  }
0x83: {  	_ =	shalt  }
0x84: {  	_ =	shalt  }
0x85: {  	_ =	shalt  }
0x86: {  	_ =	shalt  }
0x87: {  	_ =	shalt  }
.Lfunc_end0:
.L_simem_size_0:
called_computation_lowered:
.L_overlay_start_0:
0x88: {  	s2 =	sld [smem:$0x3FD9]  }
0x89: {  	s3 =	sld [smem:$0x3FFE];
	_ =	sdelay $0x1  }
0x8a: {  	s1 =	srdreg.scid  }
0x8b: {  	s0 =	sand.u32 $0x1, s1  }
0x8c: {  	s17 =	sshll.u32 s0, $0xA;
	s2 =	sadd.s32 s3, s2  }
0x8d: {  	s2 =	sadd.s32 s2, s17  }
0x8e: {  	[smem:$0x3FC5] =	sst s2  }
0x8f: {  	_ = 	snop  }
0x90: {  	s2 =	sld [smem:$0x3FC9]  }
0x91: {  	s18 =	sld [smem:$0x3FC7]  }
0x92: {  	s4 =	sld [smem:$0x3FD0];
	(tm) =	ssettm $0x1  }
0x93: {  	s5 =	sld [smem:$0x3FFB];
	_ =	sdelay $0x3  }
0x94: {  	_ =	strace s5  }
0x95: {  	s5 =	sld [smem:$0x3FFC];
	_ =	sdelay $0x3  }
0x96: {  	_ =	strace s5  }
0x97: {  	s5 =	sld [smem:$0x3FFD];
	_ =	sdelay $0x3  }
0x98: {  	_ =	strace s5  }
0x99: {  	_ =	strace $0x8FFFFFFF  }
0x9a: {  	s19 =	sld [smem:$0x3FDB];
	_ =	sdelay $0x1  }
0x9b: {  	s6 =	simm.s32 $_scs_section_size  }
0x9c: {  	s7 =	simm.s32 $_size__tile_overlayer_lowered;
	s8 =	simm.s32 $_tile_overlayer_lowered  }
0x9d: {  	s22 =	simm.s32 $0x1BFF;
	s21 =	sshll.u32 s8, $0x1;
	s5 =	sadd.s32 s6, s19  }
0x9e: {  	s9 =	simm.s32 $0x0;
	s20 =	sshll.u32 s7, $0x1;
	s7 =	sadd.s32 s21, s5  }
0x9f: {  	[timem:s9], [sflag:s22] =	dma.local [hbm:s7], s20  }
0xa0: {  	_ =	swait.ge [sflag:s22], s20  }
0xa1: {  	s6 =	ssub.s32 $0x0, s20;
	[sflag:s22] =	ssyncset.done $0x0  }
0xa2: {  	[sflag:s22] =	ssyncadd.s32 s6;
	_ =	sdelay $0x1  }
0xa3: {  	s23 =	simm.s32 $0x1B8B  }
0xa4: {  	_ =	swait.ge [sflag:s23], $0x1  }
0xa5: {  	[sflag:s23] =	ssyncset.done $0x0  }
0xa6: {  	s25 =	simm.s32 $0x1B8E;
	s24 =	sld [smem:$0x3FFE];
	[sflag:s23] =	ssyncadd.s32 $0xFFFFFFFF  }
0xa7: {  	s26 =	simm.s32 $execute0_lowered;
	[smem:$0x3FD2] =	sst s25  }
0xa8: {  	s7 =	sshll.u32 s26, $0x1;
	_ =	strace $0x80000046;
	[dreg:$0x1] =	wrdreg $0xFFFFFFFF  }
0xa9: {  	s28 =	simm.s32 $_size_execute0_lowered;
	s5 =	sadd.s32 s5, s7;
	[dreg:$0x0] =	wrdreg $0x0  }
0xaa: {  	s7 =	sshll.u32 s28, $0x1;
	[dreg:$0x2] =	wrdreg s5  }
0xab: {  	[dreg:$0x3] =	wrdreg s7  }
0xac: {  	[dreg:$0x4] =	wrdreg $0xC0  }
0xad: {  	_ =	task [dreg:s9], $0x5FFFF  }
0xae: {  	[dreg:$0x1] =	wrdreg $0xFFFFFFFF  }
0xaf: {  	[dreg:$0x0] =	wrdreg $0x60  }
0xb0: {  	[dreg:$0x2] =	wrdreg s2  }
0xb1: {  	[dreg:$0x3] =	wrdreg s24  }
0xb2: {  	[dreg:$0x4] =	wrdreg s18  }
0xb3: {  	[dreg:$0x5] =	wrdreg s4  }
0xb4: {  	[dreg:$0x6] =	wrdreg $0x165800  }
0xb5: {  	[dreg:$0x7] =	wrdreg $0x9  }
0xb6: {  	_ =	task.clear_ibuf [dreg:s9], $0x8FFFF;
	_ =	strace $0x90000046  }
0xb7: {  	s29 =	simm.s32 $0x9;
	_ =	strace $0x80000048  }
0xb8: {  	_ =	swait.ge [sflag:s29], $0x1  }
0xb9: {  	[sflag:s29] =	ssyncadd.s32 $0xFFFFFFFF  }
0xba: {  	_ =	strace $0x90000048  }
0xbb: {  	_ =	sfence  }
0xbc: {  	s30 =	sld [smem:$0x0];
	_ =	sdelay $0x2  }
0xbd: {  	s31 =	sshll.u32 s1, $0xD;
	s1 =	sshrl.u32 s1, $0x2  }
0xbe: {  	s3 =	sand.u32 $0x4000, s31;
	s1 =	sadd.s32 s1, s30  }
0xbf: {  	s0 =	sor.u32 s3, s0;
	s1 =	sshll.u32 s1, $0x11  }
0xc0: {  	s0 =	sor.u32 s1, s0  }
0xc1: {  	s0 =	sadd.s32 $0x8F2B, s0  }
0xc2: {  	[sflag:s0] =	ssyncadd.remote.s32 $0x1  }
0xc3: {  	_ =	sfence.sel $0xFFFF  }
0xc4: {  	[dreg:$0x0] =	wrdreg $0xFFFFFFFF;
	(pc) =	sbr.abs _section_cstart, $3  }
0xc5: {  	[dreg:$0x1] =	wrdreg $0xFFFFFFFF  }
0xc6: {  	_ =	task.clear_ibuf [dreg:s9], $0x2FFFF;
	_ =	strace $0x9FFFFFFF  }
0xc7: {  	(tm) =	ssettm $0x7FFFFFFF  }
tec
execute0_lowered:
.L_overlay_start_1:
0x0: {  	(tag) =	ssettag $0x1  }
0x1: {  	s0 =	rddreg [dreg:$0x0]  }
0x2: {  	s1 =	rddreg [dreg:$0x1]  }
0x3: {  	s8 =	rddreg [dreg:$0x3]  }
0x4: {  	s3 =	srdreg.scid;
	s9 =	stileid.u32  }
0x5: {  	s2 =	rddreg [dreg:$0x4];
	s28 =	simm.s32 $0x1900;
	s29 =	simm.s32 $0x1  }
0x6: {  	s30 =	simm.s32 $0x6;
	s31 =	simm.s32 $0x12580;
	s10 =	sand.u32 $0x1, s3  }
0x7: {  	s4 =	sshll.u32 s9, $0x1;
	s3 =	simm.s32 $0x0;
	s19 =	sadd.s32 $0x183800, s8  }
0x8: {  	s20 =	sadd.s32 $0x184000, s8;
	s21 =	smul.u32 $0x19000, s9;
	s22 =	sadd.s32 $0x184800, s8  }
0x9: {  	s23 =	sadd.s32 $0x185000, s8;
	p0 =	sne.s32 s9, $0x0;
	s11 =	sor.u32 s10, s4  }
0xa: {  	[smem:$0x7FF] =	sst s3;
	s5 =	ssub.s32 $0x2, s10;
	s24 =	smul.u32 $0xC800, s10  }
0xb: {  	s4 =	smul.u32 $0xC80, s11;
	_ =	strace $0x80000047;
	[dreg:$0xc] =	wrdreg s19  }
0xc: {  	s10 =	simm.s32 $0xA580;
	s7 =	smul.u32 $0x64000, s11;
	[dreg:$0xd] =	wrdreg s20  }
0xd: {  	s6 =	sshrl.u32 s5, $0x1;
	s25 =	smul.u32 $0xC800, s11;
	[dreg:$0xe] =	wrdreg s22  }
0xe: {  	[dreg:$0xf] =	wrdreg s23;
	p1 =	seq.s32 s11, $0x1F;
	s23 =	simm.s32 $0x2580  }
0xf: {  	s11 =	simm.s32 $0x3;
	s19 =	simm.s32 $0xA;
	s20 =	simm.s32 $0x0  }
0x10: {  	s13 =	ssub.s32 s5, s6;
	s6 =	sadd.s32 $0x3070, s0;
	s4 =	sshrl.u32 s4, $0x3  }
0x11: {  	s14 =	sshrl.u32 s7, $0x3;
	s7 =	sadd.s32 $0x3470, s1;
	s15 =	sadd.s32 s8, s25  }
0x12: {  	s25 =	sadd.s32 $0x185800, s8;
	s12 =	sadd.s32 s4, s1;
	s4 =	sadd.s32 s0, s4  }
0x13: {  	s26 =	sadd.s32 s8, s14;
	s14 =	sadd.s32 $0x1F400, s2;
	[dreg:$0x7] =	wrdreg s15  }
0x14: {  	[dreg:$0x10] =	wrdreg s25;
	s25 =	simm.s32 $0xB;
	s1 =	simm.s32 $0x6580  }
0x15: {  	s15 =	simm.s32 $0x4;
	[dreg:$0x6] =	wrdreg s14;
	s16 =	sadd.s32 $0x800, s26  }
0x16: {  	s5 =	sadd.s32 $0x400, s12;
	s17 =	sadd.s32 $0xB000, s26;
	[dreg:$0x8] =	wrdreg s16  }
0x17: {  	s18 =	sadd.s32 $0xB800, s26;
	s0 =	sadd.s32 $0xC000, s26;
	[dreg:$0x9] =	wrdreg s17  }
0x18: {  	s26 =	sadd.s32 $0x186000, s8;
	s12 =	simm.s32 $0x8;
	[dreg:$0xa] =	wrdreg s18  }
.Ltmp0:
0x19: {  	s14 =	simm.s32 $0xE580;
	[dreg:$0xb] =	wrdreg s0;
	(pc) =	sbr.rel .LBB2_1-.Ltmp0, $4  }
0x1a: {  	[dreg:$0x11] =	wrdreg s26;
	s0 =	sadd.s32 s21, s8;
	s8 =	sadd.s32 $0x186800, s8  }
0x1b: {  	s21 =	smax.u32 s13, $0x1;
	s26 =	simm.s32 $0x80;
	s16 =	simm.s32 $0x9  }
0x1c: {  	v0 =	vlaneseq.u32;
	s18 =	simm.s32 $0x5;
	[dreg:$0x12] =	wrdreg s8;
	s0 =	sadd.s32 s24, s0  }
0x1d: {  	v1 =	vimm.f32 $0.0e+00;
	v0 =	vadd.s32 $0x3E8, v0;
	s8 =	simm.s32 $0x2;
	s22 =	sadd.s32 $0x1800, s0;
	s0 =	simm.s32 $0x7  }
.LBB2_14:
0x1e: {  	_ =	swait.ge [sflag:s29], $0x4000  }
0x1f: {  	[sflag:s29] =	ssyncset.done $0x0  }
0x20: {  	s9 =	rddreg [dreg:$0xc];
	[sflag:s29] =	ssyncadd.s32 $0xFFFFC000  }
0x21: {  	[hbm4b:s9+s3] =	stream.linear.scatter [tilespmem:s23], [sflag:$0x6], $0x4000, $0x38;
	[tilespmem:$0x18540] =	vst v63  }
0x22: {  	_ =	swait.ge [sflag:s30], $0x4000  }
0x23: {  	[sflag:s30] =	ssyncset.done $0x0  }
0x24: {  	s13 =	simm.s32 $0x1980;
	[sflag:s30] =	ssyncadd.s32 $0xFFFFC000  }
0x25: {  	[tilespmem:s1], [sflag:$0x2] =	stream.indirect.gather [spmem:s2], $0x80, s13, s26, $0xb8;
	[tilespmem:$0x18540] =	vst v63  }
0x26: {  	_ =	swait.ge [sflag:s8], $0x4000  }
0x27: {  	[sflag:s8] =	ssyncset.done $0x0  }
0x28: {  	s17 =	rddreg [dreg:$0xd];
	[sflag:s8] =	ssyncadd.s32 $0xFFFFC000  }
0x29: {  	[hbm4b:s17+s3] =	stream.linear.scatter [tilespmem:s1], [sflag:$0x7], $0x4000, $0x38;
	[tilespmem:$0x18540] =	vst v63  }
0x2a: {  	_ =	swait.ge [sflag:s0], $0x4000  }
0x2b: {  	[sflag:s0] =	ssyncset.done $0x0  }
0x2c: {  	s24 =	simm.s32 $0x1A00;
	[sflag:s0] =	ssyncadd.s32 $0xFFFFC000  }
0x2d: {  	[tilespmem:s10], [sflag:$0x3] =	stream.indirect.gather [spmem:s2], $0x80, s24, s26, $0xb8;
	[tilespmem:$0x18540] =	vst v63  }
0x2e: {  	_ =	swait.ge [sflag:s11], $0x4000  }
0x2f: {  	[sflag:s11] =	ssyncset.done $0x0  }
0x30: {  	s13 =	rddreg [dreg:$0xe];
	[sflag:s11] =	ssyncadd.s32 $0xFFFFC000  }
0x31: {  	[hbm4b:s13+s3] =	stream.linear.scatter [tilespmem:s10], [sflag:$0x8], $0x4000, $0x38;
	[tilespmem:$0x18540] =	vst v63  }
0x32: {  	_ =	swait.ge [sflag:s12], $0x4000  }
0x33: {  	[sflag:s12] =	ssyncset.done $0x0  }
0x34: {  	s17 =	simm.s32 $0x1A80;
	[sflag:s12] =	ssyncadd.s32 $0xFFFFC000  }
0x35: {  	[tilespmem:s14], [sflag:$0x4] =	stream.indirect.gather [spmem:s2], $0x80, s17, s26, $0xb8;
	[tilespmem:$0x18540] =	vst v63  }
0x36: {  	_ =	swait.ge [sflag:s15], $0x4000  }
0x37: {  	[sflag:s15] =	ssyncset.done $0x0  }
0x38: {  	s24 =	rddreg [dreg:$0xf];
	[sflag:s15] =	ssyncadd.s32 $0xFFFFC000  }
0x39: {  	[hbm4b:s24+s3] =	stream.linear.scatter [tilespmem:s14], [sflag:$0x9], $0x4000, $0x38;
	[tilespmem:$0x18540] =	vst v63  }
0x3a: {  	_ =	swait.ge [sflag:s16], $0x4000  }
0x3b: {  	[sflag:s16] =	ssyncset.done $0x0  }
0x3c: {  	s13 =	simm.s32 $0x1B00;
	[sflag:s16] =	ssyncadd.s32 $0xFFFFC000  }
0x3d: {  	[tilespmem:s31], [sflag:$0x5] =	stream.indirect.gather [spmem:s2], $0x80, s13, s26, $0xb8;
	[tilespmem:$0x18540] =	vst v63  }
0x3e: {  	_ =	swait.ge [sflag:s18], $0x4000  }
0x3f: {  	[sflag:s18] =	ssyncset.done $0x0  }
0x40: {  	s17 =	rddreg [dreg:$0x10];
	[sflag:s18] =	ssyncadd.s32 $0xFFFFC000  }
0x41: {  	[hbm4b:s17+s3] =	stream.linear.scatter [tilespmem:s31], [sflag:$0xA], $0x4000, $0x38;
	[tilespmem:$0x18540] =	vst v63  }
0x42: {  	_ =	swait.ge [sflag:s19], $0x4000  }
0x43: {  	[sflag:s19] =	ssyncset.done $0x0  }
0x44: {  	s24 =	simm.s32 $0x1B80;
	[sflag:s19] =	ssyncadd.s32 $0xFFFFC000  }
0x45: {  	[tilespmem:s23], [sflag:$0x1] =	stream.indirect.gather [spmem:s2], $0x80, s24, s26, $0xb8;
	[tilespmem:$0x18540] =	vst v63  }
0x46: {  	_ =	swait.ge [sflag:s29], $0x4000  }
0x47: {  	[sflag:s29] =	ssyncset.done $0x0  }
0x48: {  	s13 =	rddreg [dreg:$0x11];
	[sflag:s29] =	ssyncadd.s32 $0xFFFFC000  }
0x49: {  	[hbm4b:s13+s3] =	stream.linear.scatter [tilespmem:s23], [sflag:$0x6], $0x4000, $0x38;
	[tilespmem:$0x18540] =	vst v63  }
0x4a: {  	_ =	swait.ge [sflag:s30], $0x4000  }
0x4b: {  	[sflag:s30] =	ssyncset.done $0x0  }
0x4c: {  	s17 =	simm.s32 $0x20;
	s13 =	simm.s32 $0x1C00;
	[sflag:s30] =	ssyncadd.s32 $0xFFFFC000  }
0x4d: {  	[tilespmem:s23], [sflag:$0x1] =	stream.indirect.gather [spmem:s2], $0x80, s13, s17, $0xb8;
	[tilespmem:$0x18540] =	vst v63  }
0x4e: {  	_ =	swait.ge [sflag:s29], $0x1000  }
0x4f: {  	[sflag:s29] =	ssyncset.done $0x0  }
0x50: {  	s24 =	rddreg [dreg:$0x12];
	[sflag:s29] =	ssyncadd.s32 $0xFFFFF000  }
0x51: {  	[hbm4b:s24+s3] =	stream.linear.scatter [tilespmem:s23], [sflag:$0x6], $0x1000, $0x38;
	[tilespmem:$0x18540] =	vst v63  }
0x52: {  	_ =	swait.ge [sflag:s30], $0x1000  }
0x53: {  	[sflag:s30] =	ssyncset.done $0x0  }
0x54: {  	[sflag:s30] =	ssyncadd.s32 $0xFFFFF000  }
.LBB2_15:
0x55: {  	s20 =	sadd.s32 $0x1, s20  }
0x56: {  	p2 =	sne.s32 s20, s21  }
.Ltmp1:
0x57: {  	_ = 	snop;
	(pc) =	sbr.rel @!p2 .LBB2_16-.Ltmp1, $1  }
0x58: {  	_ =	sdelay $0x3  }
.LBB2_1:
0x59: {  	s9 =	sshrl.u32 @!p0 s2, $0x3;
	s13 =	simm.s32 @!p0 $0x1C0B;
	s17 =	rddreg [dreg:$0x2]  }
0x5a: {  	[spmem:s9], [sflag:s13] =	dma.local @!p0 [hbm:s17], $0x3E80  }
0x5b: {  	s9 =	simm.s32 @p1 $0x0;
	s13 =	simm.s32 @p1 $0xC  }
0x5c: {  	[tilespmem:s9], [sflag:$0xC] =	stream.linear.gather @p1 [hbm4b:s6+s9], $0x320, $0x38;
	[tilespmem:$0x18540] =	vst v63  }
0x5d: {  	_ =	swait.ge @p1 [sflag:s13], $0x320  }
0x5e: {  	[sflag:s13] =	ssyncset.done @p1 $0x0  }
0x5f: {  	s17 =	simm.s32 @p1 $0xC80;
	[sflag:s13] =	ssyncadd.s32 @p1 $0xFFFFFCE0  }
0x60: {  	[tilespmem:s17], [sflag:$0xC] =	stream.linear.gather @p1 [hbm4b:s7+s9], $0x320, $0x38;
	[tilespmem:$0x18540] =	vst v63  }
0x61: {  	_ =	swait.ge @p1 [sflag:s13], $0x320  }
0x62: {  	[sflag:s13] =	ssyncset.done @p1 $0x0  }
0x63: {  	s9 =	simm.s32 @!p1 $0x0;
	[sflag:s13] =	ssyncadd.s32 @p1 $0xFFFFFCE0;
	s13 =	simm.s32 @!p1 $0xC  }
0x64: {  	[tilespmem:s9], [sflag:$0xC] =	stream.linear.gather @!p1 [hbm4b:s4+s9], $0xC80, $0x38;
	[tilespmem:$0x18540] =	vst v63  }
0x65: {  	_ =	swait.ge @!p1 [sflag:s13], $0xC80  }
0x66: {  	[sflag:s13] =	ssyncset.done @!p1 $0x0  }
0x67: {  	s17 =	simm.s32 @!p1 $0xC80;
	[sflag:s13] =	ssyncadd.s32 @!p1 $0xFFFFF380  }
0x68: {  	[tilespmem:s17], [sflag:$0xC] =	stream.linear.gather @!p1 [hbm4b:s5+s9], $0xC80, $0x38;
	[tilespmem:$0x18540] =	vst v63  }
0x69: {  	s9 =	simm.s32 @!p1 $0x28  }
0x6a: {  	s9 =	simm.s32 @p1 $0x32  }
0x6b: {  	p3 =	sne.s32 s9, $0x1  }
.Ltmp2:
0x6c: {  	_ = 	snop;
	(pc) =	sbr.rel @!p3 .LBB2_2-.Ltmp2, $4  }
0x6d: {  	_ =	swait.ge @!p1 [sflag:s13], $0xC80  }
0x6e: {  	[sflag:s13] =	ssyncset.done @!p1 $0x0  }
0x6f: {  	s24 =	simm.s32 $0xC80;
	[sflag:s13] =	ssyncadd.s32 @!p1 $0xFFFFF380  }
0x70: {  	p2 =	por $0x0, $0x0;
	s9 =	sadd.s32 $0xFFFFFFFF, s9;
	v2 =	vld [tilespmem:s24+$0x0]  }
0x71: {  	v3 =	vld [tilespmem:s3+$0x0];
	_ =	sdelay $0x1  }
0x72: {  	p3 =	sne.s32 s9, $0x1  }
.Ltmp3:
0x73: {  	_ = 	snop;
	(pc) =	sbr.rel @!p3 .LBB2_4-.Ltmp3, $4  }
0x74: {  	vm0 =	veq.s32 v2, $0x0  }
0x75: {  	v2 =	vsel vm0, v0, v3  }
0x76: {  	s17 =	simm.s32 $0xC90;
	s24 =	sadd.s32 $0xFFFFFFFF, s9;
	[tilespmem:s28+$0x0] =	vst v2  }
0x77: {  	s9 =	simm.s32 $0x10;
	p2 =	por $0x1, $0x1;
	s13 =	simm.s32 $0x1900;
	v2 =	vld [tilespmem:s17+$0x0]  }
.LBB2_5:
0x78: {  	p3 =	sne.s32 s24, $0x1;
	v3 =	vld [tilespmem:s9+$0x0];
	_ =	sdelay $0x2  }
.Ltmp4:
0x79: {  	(pc) =	sbr.rel @p3 .LBB2_5-.Ltmp4, $4  }
0x7a: {  	vm0 =	veq.s32 v2, $0x0  }
0x7b: {  	s13 =	sadd.s32 $0x10, s13;
	v2 =	vsel vm0, v0, v3  }
0x7c: {  	s17 =	sadd.s32 $0x10, s17;
	[tilespmem:s13+$0x0] =	vst v2  }
0x7d: {  	s24 =	sadd.s32 $0xFFFFFFFF, s24;
	s9 =	sadd.s32 $0x10, s9;
	v2 =	vld [tilespmem:s17+$0x0]  }
.LBB2_6:
0x7e: {  	v3 =	vld [tilespmem:s9+$0x0];
	_ =	sdelay $0x1  }
.Ltmp5:
0x7f: {  	_ = 	snop;
	(pc) =	sbr.rel @p0 .LBB2_8-.Ltmp5, $4  }
0x80: {  	_ = 	snop  }
0x81: {  	s9 =	sadd.s32 @p2 $0x10, s13;
	s13 =	simm.s32 $0x1900;
	vm0 =	veq.s32 v2, $0x0  }
0x82: {  	s13 =	smov.u32 @p2 s9;
	v2 =	vsel vm0, v0, v3  }
0x83: {  	[tilespmem:s13+$0x0] =	vst v2  }
0x84: {  	[tilespmem:$0x2580] =	vst v1  }
0x85: {  	[tilespmem:$0x2590] =	vst v1  }
0x86: {  	[tilespmem:$0x25A0] =	vst v1  }
0x87: {  	[tilespmem:$0x25B0] =	vst v1  }
0x88: {  	[tilespmem:$0x25C0] =	vst v1  }
0x89: {  	[tilespmem:$0x25D0] =	vst v1  }
0x8a: {  	[tilespmem:$0x25E0] =	vst v1  }
0x8b: {  	[tilespmem:$0x25F0] =	vst v1  }
0x8c: {  	[tilespmem:$0x2600] =	vst v1  }
0x8d: {  	[tilespmem:$0x2610] =	vst v1  }
0x8e: {  	[tilespmem:$0x2620] =	vst v1  }
0x8f: {  	[tilespmem:$0x2630] =	vst v1  }
0x90: {  	[tilespmem:$0x2640] =	vst v1  }
0x91: {  	[tilespmem:$0x2650] =	vst v1  }
0x92: {  	[tilespmem:$0x2660] =	vst v1  }
0x93: {  	[tilespmem:$0x2670] =	vst v1  }
0x94: {  	[tilespmem:$0x2680] =	vst v1  }
0x95: {  	[tilespmem:$0x2690] =	vst v1  }
0x96: {  	[tilespmem:$0x26A0] =	vst v1  }
0x97: {  	[tilespmem:$0x26B0] =	vst v1  }
0x98: {  	[tilespmem:$0x26C0] =	vst v1  }
0x99: {  	[tilespmem:$0x26D0] =	vst v1  }
0x9a: {  	[tilespmem:$0x26E0] =	vst v1  }
0x9b: {  	[tilespmem:$0x26F0] =	vst v1  }
0x9c: {  	[tilespmem:$0x2700] =	vst v1  }
0x9d: {  	[tilespmem:$0x2710] =	vst v1  }
0x9e: {  	[tilespmem:$0x2720] =	vst v1  }
0x9f: {  	[tilespmem:$0x2730] =	vst v1  }
0xa0: {  	[tilespmem:$0x2740] =	vst v1  }
0xa1: {  	[tilespmem:$0x2750] =	vst v1  }
0xa2: {  	[tilespmem:$0x2760] =	vst v1  }
0xa3: {  	[tilespmem:$0x2770] =	vst v1  }
0xa4: {  	[tilespmem:$0x2780] =	vst v1  }
0xa5: {  	[tilespmem:$0x2790] =	vst v1  }
0xa6: {  	[tilespmem:$0x27A0] =	vst v1  }
0xa7: {  	[tilespmem:$0x27B0] =	vst v1  }
0xa8: {  	[tilespmem:$0x27C0] =	vst v1  }
0xa9: {  	[tilespmem:$0x27D0] =	vst v1  }
0xaa: {  	[tilespmem:$0x27E0] =	vst v1  }
0xab: {  	[tilespmem:$0x27F0] =	vst v1  }
0xac: {  	[tilespmem:$0x2800] =	vst v1  }
0xad: {  	[tilespmem:$0x2810] =	vst v1  }
0xae: {  	[tilespmem:$0x2820] =	vst v1  }
0xaf: {  	[tilespmem:$0x2830] =	vst v1  }
0xb0: {  	[tilespmem:$0x2840] =	vst v1  }
0xb1: {  	[tilespmem:$0x2850] =	vst v1  }
0xb2: {  	[tilespmem:$0x2860] =	vst v1  }
0xb3: {  	[tilespmem:$0x2870] =	vst v1  }
0xb4: {  	[tilespmem:$0x2880] =	vst v1  }
0xb5: {  	[tilespmem:$0x2890] =	vst v1  }
0xb6: {  	[tilespmem:$0x28A0] =	vst v1  }
0xb7: {  	[tilespmem:$0x28B0] =	vst v1  }
0xb8: {  	[tilespmem:$0x28C0] =	vst v1  }
0xb9: {  	[tilespmem:$0x28D0] =	vst v1  }
0xba: {  	[tilespmem:$0x28E0] =	vst v1  }
0xbb: {  	[tilespmem:$0x28F0] =	vst v1  }
0xbc: {  	[tilespmem:$0x2900] =	vst v1  }
0xbd: {  	[tilespmem:$0x2910] =	vst v1  }
0xbe: {  	[tilespmem:$0x2920] =	vst v1  }
0xbf: {  	[tilespmem:$0x2930] =	vst v1  }
0xc0: {  	[tilespmem:$0x2940] =	vst v1  }
0xc1: {  	[tilespmem:$0x2950] =	vst v1  }
0xc2: {  	[tilespmem:$0x2960] =	vst v1  }
0xc3: {  	[tilespmem:$0x2970] =	vst v1  }
0xc4: {  	[tilespmem:$0x2980] =	vst v1  }
0xc5: {  	[tilespmem:$0x2990] =	vst v1  }
0xc6: {  	[tilespmem:$0x29A0] =	vst v1  }
0xc7: {  	[tilespmem:$0x29B0] =	vst v1  }
0xc8: {  	[tilespmem:$0x29C0] =	vst v1  }
0xc9: {  	[tilespmem:$0x29D0] =	vst v1  }
0xca: {  	[tilespmem:$0x29E0] =	vst v1  }
0xcb: {  	[tilespmem:$0x29F0] =	vst v1  }
0xcc: {  	[tilespmem:$0x2A00] =	vst v1  }
0xcd: {  	[tilespmem:$0x2A10] =	vst v1  }
0xce: {  	[tilespmem:$0x2A20] =	vst v1  }
0xcf: {  	[tilespmem:$0x2A30] =	vst v1  }
0xd0: {  	[tilespmem:$0x2A40] =	vst v1  }
0xd1: {  	[tilespmem:$0x2A50] =	vst v1  }
0xd2: {  	[tilespmem:$0x2A60] =	vst v1  }
0xd3: {  	[tilespmem:$0x2A70] =	vst v1  }
0xd4: {  	[tilespmem:$0x2A80] =	vst v1  }
0xd5: {  	[tilespmem:$0x2A90] =	vst v1  }
0xd6: {  	[tilespmem:$0x2AA0] =	vst v1  }
0xd7: {  	[tilespmem:$0x2AB0] =	vst v1  }
0xd8: {  	[tilespmem:$0x2AC0] =	vst v1  }
0xd9: {  	[tilespmem:$0x2AD0] =	vst v1  }
0xda: {  	[tilespmem:$0x2AE0] =	vst v1  }
0xdb: {  	[tilespmem:$0x2AF0] =	vst v1  }
0xdc: {  	[tilespmem:$0x2B00] =	vst v1  }
0xdd: {  	[tilespmem:$0x2B10] =	vst v1  }
0xde: {  	[tilespmem:$0x2B20] =	vst v1  }
0xdf: {  	[tilespmem:$0x2B30] =	vst v1  }
0xe0: {  	[tilespmem:$0x2B40] =	vst v1  }
0xe1: {  	[tilespmem:$0x2B50] =	vst v1  }
0xe2: {  	[tilespmem:$0x2B60] =	vst v1  }
0xe3: {  	[tilespmem:$0x2B70] =	vst v1  }
0xe4: {  	[tilespmem:$0x2B80] =	vst v1  }
0xe5: {  	[tilespmem:$0x2B90] =	vst v1  }
0xe6: {  	[tilespmem:$0x2BA0] =	vst v1  }
0xe7: {  	[tilespmem:$0x2BB0] =	vst v1  }
0xe8: {  	[tilespmem:$0x2BC0] =	vst v1  }
0xe9: {  	[tilespmem:$0x2BD0] =	vst v1  }
0xea: {  	[tilespmem:$0x2BE0] =	vst v1  }
0xeb: {  	[tilespmem:$0x2BF0] =	vst v1  }
0xec: {  	[tilespmem:$0x2C00] =	vst v1  }
0xed: {  	[tilespmem:$0x2C10] =	vst v1  }
0xee: {  	[tilespmem:$0x2C20] =	vst v1  }
0xef: {  	[tilespmem:$0x2C30] =	vst v1  }
0xf0: {  	[tilespmem:$0x2C40] =	vst v1  }
0xf1: {  	[tilespmem:$0x2C50] =	vst v1  }
0xf2: {  	[tilespmem:$0x2C60] =	vst v1  }
0xf3: {  	[tilespmem:$0x2C70] =	vst v1  }
0xf4: {  	[tilespmem:$0x2C80] =	vst v1  }
0xf5: {  	[tilespmem:$0x2C90] =	vst v1  }
0xf6: {  	[tilespmem:$0x2CA0] =	vst v1  }
0xf7: {  	[tilespmem:$0x2CB0] =	vst v1  }
0xf8: {  	[tilespmem:$0x2CC0] =	vst v1  }
0xf9: {  	[tilespmem:$0x2CD0] =	vst v1  }
0xfa: {  	[tilespmem:$0x2CE0] =	vst v1  }
0xfb: {  	[tilespmem:$0x2CF0] =	vst v1  }
0xfc: {  	[tilespmem:$0x2D00] =	vst v1  }
0xfd: {  	[tilespmem:$0x2D10] =	vst v1  }
0xfe: {  	[tilespmem:$0x2D20] =	vst v1  }
0xff: {  	[tilespmem:$0x2D30] =	vst v1  }
0x100: {  	[tilespmem:$0x2D40] =	vst v1  }
0x101: {  	[tilespmem:$0x2D50] =	vst v1  }
0x102: {  	[tilespmem:$0x2D60] =	vst v1  }
0x103: {  	[tilespmem:$0x2D70] =	vst v1;
	s9 =	rddreg [dreg:$0x6];
	s24 =	simm.s32 $0xC  }
0x104: {  	[spmem:s9] =	stream.linear.scatter [tilespmem:s23], [sflag:$0xC], $0x800, $0x38;
	[tilespmem:$0x18540] =	vst v63  }
0x105: {  	_ =	swait.ge [sflag:s24], $0x800  }
0x106: {  	[sflag:s24] =	ssyncset.done $0x0  }
0x107: {  	[sflag:s24] =	ssyncadd.s32 $0xFFFFF800  }
0x108: {  	_ =	swait.ge [sflag:s25], $0x3E80  }
0x109: {  	[sflag:s25] =	ssyncset.done $0x0  }
0x10a: {  	[sflag:s25] =	ssyncadd.s32 $0xFFFFC180  }
.LBB2_8:
.Ltmp6:
0x10b: {  	(pc) =	sbr.rel @p1 .LBB2_14-.Ltmp6, $3  }
0x10c: {  	_ =	sdelay $0x1  }
0x10d: {  	[bflag:$0x0] =	sbarrier.arrive $0xFFFF  }
0x10e: {  	[tilespmem:s23], [sflag:$0x1] =	stream.indirect.gather [spmem:s2], $0x80, s28, s26, $0xb8;
	[tilespmem:$0x18540] =	vst v63  }
0x10f: {  	s9 =	simm.s32 $0x1980  }
0x110: {  	[tilespmem:s1], [sflag:$0x2] =	stream.indirect.gather [spmem:s2], $0x80, s9, s26, $0xb8;
	[tilespmem:$0x18540] =	vst v63  }
0x111: {  	s13 =	simm.s32 $0x1A00  }
0x112: {  	[tilespmem:s10], [sflag:$0x3] =	stream.indirect.gather [spmem:s2], $0x80, s13, s26, $0xb8;
	[tilespmem:$0x18540] =	vst v63  }
0x113: {  	s17 =	simm.s32 $0x1A80  }
0x114: {  	[tilespmem:s14], [sflag:$0x4] =	stream.indirect.gather [spmem:s2], $0x80, s17, s26, $0xb8;
	[tilespmem:$0x18540] =	vst v63  }
0x115: {  	s24 =	simm.s32 $0x1B00;
	s9 =	simm.s32 $0x280  }
0x116: {  	[tilespmem:s31], [sflag:$0x5] =	stream.indirect.gather [spmem:s2], $0x80, s24, s26, $0xb8;
	[tilespmem:$0x18540] =	vst v63  }
0x117: {  	v2 =	vld [tilespmem:s9+$0xC80]  }
0x118: {  	s13 =	simm.s32 $0xA40;
	v3 =	vld [tilespmem:s9+$0x0]  }
.LBB2_10:
0x119: {  	p2 =	sne.s32 s13, $0x31C0  }
.Ltmp7:
0x11a: {  	_ = 	snop;
	(pc) =	sbr.rel @p2 .LBB2_10-.Ltmp7, $4  }
0x11b: {  	_ = 	snop  }
0x11c: {  	s17 =	sshra.s32 s13, $0x2;
	s13 =	sadd.s32 $0x40, s13;
	vm0 =	veq.s32 v2, $0x0  }
0x11d: {  	v2 =	vld [tilespmem:s17+$0xC80];
	v4 =	vsel vm0, v0, v3  }
0x11e: {  	v3 =	vld [tilespmem:s17+$0x0];
	[tilespmem:s9+$0x1900] =	vst v4;
	s9 =	smov.u32 s17  }
0x11f: {  	_ =	sdelay $0x2  }
0x120: {  	vm0 =	veq.s32 v2, $0x0  }
0x121: {  	v2 =	vsel vm0, v0, v3  }
0x122: {  	[tilespmem:s9+$0x1900] =	vst v2  }
0x123: {  	_ =	swait.ge [sflag:s29], $0x4000  }
0x124: {  	[sflag:s29] =	ssyncset.done $0x0  }
0x125: {  	s17 =	simm.s32 $0x0;
	s13 =	rddreg [dreg:$0x7];
	[sflag:s29] =	ssyncadd.s32 $0xFFFFC000  }
0x126: {  	[hbm4b:s13+s17] =	stream.linear.scatter [tilespmem:s23], [sflag:$0x6], $0x4000, $0x38;
	[tilespmem:$0x18540] =	vst v63  }
0x127: {  	_ =	swait.ge [sflag:s8], $0x4000  }
0x128: {  	[sflag:s8] =	ssyncset.done $0x0  }
0x129: {  	s24 =	rddreg [dreg:$0x8];
	[sflag:s8] =	ssyncadd.s32 $0xFFFFC000  }
0x12a: {  	[hbm4b:s24+s17] =	stream.linear.scatter [tilespmem:s1], [sflag:$0x7], $0x4000, $0x38;
	[tilespmem:$0x18540] =	vst v63  }
0x12b: {  	_ =	swait.ge [sflag:s30], $0x4000  }
0x12c: {  	[sflag:s30] =	ssyncset.done $0x0  }
0x12d: {  	s17 =	simm.s32 $0x1B80;
	[sflag:s30] =	ssyncadd.s32 $0xFFFFC000  }
0x12e: {  	[tilespmem:s23], [sflag:$0x1] =	stream.indirect.gather [spmem:s2], $0x80, s17, s26, $0xb8;
	[tilespmem:$0x18540] =	vst v63  }
0x12f: {  	_ =	swait.ge [sflag:s11], $0x4000  }
0x130: {  	[sflag:s11] =	ssyncset.done $0x0  }
0x131: {  	s24 =	sadd.s32 $0xFFFFF800, s22;
	[sflag:s11] =	ssyncadd.s32 $0xFFFFC000  }
0x132: {  	[hbm4b:s24+s3] =	stream.linear.scatter [tilespmem:s10], [sflag:$0x8], $0x4000, $0x38;
	[tilespmem:$0x18540] =	vst v63  }
0x133: {  	_ =	swait.ge [sflag:s0], $0x4000  }
0x134: {  	[sflag:s0] =	ssyncset.done $0x0  }
0x135: {  	s13 =	simm.s32 $0x1C00;
	[sflag:s0] =	ssyncadd.s32 $0xFFFFC000  }
0x136: {  	[tilespmem:s1], [sflag:$0x2] =	stream.indirect.gather [spmem:s2], $0x80, s13, s26, $0xb8;
	[tilespmem:$0x18540] =	vst v63  }
0x137: {  	_ =	swait.ge [sflag:s15], $0x4000  }
0x138: {  	[sflag:s15] =	ssyncset.done $0x0  }
0x139: {  	[sflag:s15] =	ssyncadd.s32 $0xFFFFC000  }
0x13a: {  	[hbm4b:s22+s3] =	stream.linear.scatter [tilespmem:s14], [sflag:$0x9], $0x4000, $0x38;
	[tilespmem:$0x18540] =	vst v63  }
0x13b: {  	_ =	swait.ge [sflag:s12], $0x4000  }
0x13c: {  	[sflag:s12] =	ssyncset.done $0x0  }
0x13d: {  	s17 =	simm.s32 $0x1C80;
	[sflag:s12] =	ssyncadd.s32 $0xFFFFC000  }
0x13e: {  	[tilespmem:s10], [sflag:$0x3] =	stream.indirect.gather [spmem:s2], $0x80, s17, s26, $0xb8;
	[tilespmem:$0x18540] =	vst v63  }
0x13f: {  	_ =	swait.ge [sflag:s18], $0x4000  }
0x140: {  	[sflag:s18] =	ssyncset.done $0x0  }
0x141: {  	s24 =	sadd.s32 $0x800, s22;
	[sflag:s18] =	ssyncadd.s32 $0xFFFFC000  }
0x142: {  	[hbm4b:s24+s3] =	stream.linear.scatter [tilespmem:s31], [sflag:$0xA], $0x4000, $0x38;
	[tilespmem:$0x18540] =	vst v63  }
0x143: {  	_ =	swait.ge [sflag:s16], $0x4000  }
0x144: {  	[sflag:s16] =	ssyncset.done $0x0  }
0x145: {  	s13 =	simm.s32 $0x1D00;
	[sflag:s16] =	ssyncadd.s32 $0xFFFFC000  }
0x146: {  	[tilespmem:s14], [sflag:$0x4] =	stream.indirect.gather [spmem:s2], $0x80, s13, s26, $0xb8;
	[tilespmem:$0x18540] =	vst v63  }
0x147: {  	_ =	swait.ge [sflag:s29], $0x4000  }
0x148: {  	[sflag:s29] =	ssyncset.done $0x0  }
0x149: {  	s17 =	sadd.s32 $0x1000, s22;
	[sflag:s29] =	ssyncadd.s32 $0xFFFFC000  }
0x14a: {  	[hbm4b:s17+s3] =	stream.linear.scatter [tilespmem:s23], [sflag:$0x6], $0x4000, $0x38;
	[tilespmem:$0x18540] =	vst v63  }
0x14b: {  	_ =	swait.ge [sflag:s19], $0x4000  }
0x14c: {  	[sflag:s19] =	ssyncset.done $0x0  }
0x14d: {  	s24 =	simm.s32 $0x1D80;
	[sflag:s19] =	ssyncadd.s32 $0xFFFFC000  }
0x14e: {  	[tilespmem:s31], [sflag:$0x5] =	stream.indirect.gather [spmem:s2], $0x80, s24, s26, $0xb8;
	[tilespmem:$0x18540] =	vst v63  }
0x14f: {  	_ =	swait.ge [sflag:s8], $0x4000  }
0x150: {  	s9 =	simm.s32 $0xA00;
	[sflag:s8] =	ssyncset.done $0x0  }
0x151: {  	s13 =	sadd.s32 $0x2800, s22;
	s17 =	sadd.s32 $0x1800, s22;
	[sflag:s8] =	ssyncadd.s32 $0xFFFFC000  }
.LBB2_12:
0x152: {  	[hbm4b:s17+s3] =	stream.linear.scatter [tilespmem:s1], [sflag:$0x7], $0x4000, $0x38;
	[tilespmem:$0x18540] =	vst v63  }
0x153: {  	s17 =	smov.u32 s9  }
0x154: {  	p2 =	sne.s32 s9, $0x1E00;
	s9 =	sadd.s32 $0xA00, s9;
	_ =	swait.ge [sflag:s30], $0x4000  }
0x155: {  	s17 =	sshra.s32 s17, $0x2;
	[sflag:s30] =	ssyncset.done $0x0  }
0x156: {  	s24 =	sadd.s32 $0x1B80, s17;
	[sflag:s30] =	ssyncadd.s32 $0xFFFFC000  }
0x157: {  	[tilespmem:s23], [sflag:$0x1] =	stream.indirect.gather [spmem:s2], $0x80, s24, s26, $0xb8;
	[tilespmem:$0x18540] =	vst v63  }
0x158: {  	_ =	swait.ge [sflag:s11], $0x4000  }
0x159: {  	[sflag:s11] =	ssyncset.done $0x0  }
0x15a: {  	s24 =	sadd.s32 $0xFFFFF800, s13;
	[sflag:s11] =	ssyncadd.s32 $0xFFFFC000  }
0x15b: {  	[hbm4b:s24+s3] =	stream.linear.scatter [tilespmem:s10], [sflag:$0x8], $0x4000, $0x38;
	[tilespmem:$0x18540] =	vst v63  }
0x15c: {  	_ =	swait.ge [sflag:s0], $0x4000  }
0x15d: {  	[sflag:s0] =	ssyncset.done $0x0  }
0x15e: {  	s24 =	sadd.s32 $0x1C00, s17;
	[sflag:s0] =	ssyncadd.s32 $0xFFFFC000  }
0x15f: {  	[tilespmem:s1], [sflag:$0x2] =	stream.indirect.gather [spmem:s2], $0x80, s24, s26, $0xb8;
	[tilespmem:$0x18540] =	vst v63  }
0x160: {  	_ =	swait.ge [sflag:s15], $0x4000  }
0x161: {  	[sflag:s15] =	ssyncset.done $0x0  }
0x162: {  	[sflag:s15] =	ssyncadd.s32 $0xFFFFC000  }
0x163: {  	[hbm4b:s13+s3] =	stream.linear.scatter [tilespmem:s14], [sflag:$0x9], $0x4000, $0x38;
	[tilespmem:$0x18540] =	vst v63  }
0x164: {  	_ =	swait.ge [sflag:s12], $0x4000  }
0x165: {  	[sflag:s12] =	ssyncset.done $0x0  }
0x166: {  	s24 =	sadd.s32 $0x1C80, s17;
	[sflag:s12] =	ssyncadd.s32 $0xFFFFC000  }
0x167: {  	[tilespmem:s10], [sflag:$0x3] =	stream.indirect.gather [spmem:s2], $0x80, s24, s26, $0xb8;
	[tilespmem:$0x18540] =	vst v63  }
0x168: {  	_ =	swait.ge [sflag:s18], $0x4000  }
0x169: {  	[sflag:s18] =	ssyncset.done $0x0  }
0x16a: {  	s24 =	sadd.s32 $0x800, s13;
	[sflag:s18] =	ssyncadd.s32 $0xFFFFC000  }
0x16b: {  	[hbm4b:s24+s3] =	stream.linear.scatter [tilespmem:s31], [sflag:$0xA], $0x4000, $0x38;
	[tilespmem:$0x18540] =	vst v63  }
0x16c: {  	_ =	swait.ge [sflag:s16], $0x4000  }
0x16d: {  	[sflag:s16] =	ssyncset.done $0x0  }
0x16e: {  	s24 =	sadd.s32 $0x1D00, s17;
	[sflag:s16] =	ssyncadd.s32 $0xFFFFC000  }
0x16f: {  	[tilespmem:s14], [sflag:$0x4] =	stream.indirect.gather [spmem:s2], $0x80, s24, s26, $0xb8;
	[tilespmem:$0x18540] =	vst v63  }
0x170: {  	_ =	swait.ge [sflag:s29], $0x4000  }
0x171: {  	[sflag:s29] =	ssyncset.done $0x0  }
0x172: {  	s24 =	sadd.s32 $0x1000, s13;
	[sflag:s29] =	ssyncadd.s32 $0xFFFFC000  }
0x173: {  	[hbm4b:s24+s3] =	stream.linear.scatter [tilespmem:s23], [sflag:$0x6], $0x4000, $0x38;
	[tilespmem:$0x18540] =	vst v63  }
0x174: {  	_ =	swait.ge [sflag:s19], $0x4000  }
0x175: {  	[sflag:s19] =	ssyncset.done $0x0  }
.Ltmp8:
0x176: {  	s17 =	sadd.s32 $0x1D80, s17;
	[sflag:s19] =	ssyncadd.s32 $0xFFFFC000;
	(pc) =	sbr.rel @p2 .LBB2_12-.Ltmp8, $4  }
0x177: {  	[tilespmem:s31], [sflag:$0x5] =	stream.indirect.gather [spmem:s2], $0x80, s17, s26, $0xb8;
	[tilespmem:$0x18540] =	vst v63  }
0x178: {  	_ =	swait.ge [sflag:s8], $0x4000  }
0x179: {  	[sflag:s8] =	ssyncset.done $0x0  }
0x17a: {  	s17 =	sadd.s32 $0x1800, s13;
	s13 =	sadd.s32 $0x2800, s13;
	[sflag:s8] =	ssyncadd.s32 $0xFFFFC000  }
0x17b: {  	[hbm4b:s17+s3] =	stream.linear.scatter [tilespmem:s1], [sflag:$0x7], $0x4000, $0x38;
	[tilespmem:$0x18540] =	vst v63  }
0x17c: {  	_ =	swait.ge [sflag:s11], $0x4000  }
0x17d: {  	[sflag:s11] =	ssyncset.done $0x0  }
0x17e: {  	s9 =	rddreg [dreg:$0x9];
	[sflag:s11] =	ssyncadd.s32 $0xFFFFC000  }
0x17f: {  	[hbm4b:s9+s3] =	stream.linear.scatter [tilespmem:s10], [sflag:$0x8], $0x4000, $0x38;
	[tilespmem:$0x18540] =	vst v63  }
0x180: {  	_ =	swait.ge [sflag:s15], $0x4000  }
0x181: {  	[sflag:s15] =	ssyncset.done $0x0  }
0x182: {  	s17 =	rddreg [dreg:$0xa];
	[sflag:s15] =	ssyncadd.s32 $0xFFFFC000  }
0x183: {  	[hbm4b:s17+s3] =	stream.linear.scatter [tilespmem:s14], [sflag:$0x9], $0x4000, $0x38;
	[tilespmem:$0x18540] =	vst v63  }
0x184: {  	_ =	swait.ge [sflag:s18], $0x4000  }
0x185: {  	[sflag:s18] =	ssyncset.done $0x0  }
0x186: {  	s24 =	rddreg [dreg:$0xb];
	[sflag:s18] =	ssyncadd.s32 $0xFFFFC000  }
0x187: {  	[hbm4b:s24+s3] =	stream.linear.scatter [tilespmem:s31], [sflag:$0xA], $0x4000, $0x38;
	[tilespmem:$0x18540] =	vst v63  }
0x188: {  	_ =	swait.ge [sflag:s30], $0x4000  }
0x189: {  	[sflag:s30] =	ssyncset.done $0x0  }
0x18a: {  	[sflag:s30] =	ssyncadd.s32 $0xFFFFC000  }
0x18b: {  	_ =	swait.ge [sflag:s0], $0x4000  }
0x18c: {  	[sflag:s0] =	ssyncset.done $0x0  }
0x18d: {  	[sflag:s0] =	ssyncadd.s32 $0xFFFFC000  }
0x18e: {  	_ =	swait.ge [sflag:s12], $0x4000  }
0x18f: {  	[sflag:s12] =	ssyncset.done $0x0  }
0x190: {  	[sflag:s12] =	ssyncadd.s32 $0xFFFFC000  }
0x191: {  	_ =	swait.ge [sflag:s16], $0x4000  }
.Ltmp9:
0x192: {  	[sflag:s16] =	ssyncset.done $0x0;
	(pc) =	sbr.rel .LBB2_15-.Ltmp9, $4  }
0x193: {  	[sflag:s16] =	ssyncadd.s32 $0xFFFFC000  }
0x194: {  	_ =	swait.ge [sflag:s19], $0x4000  }
0x195: {  	[sflag:s19] =	ssyncset.done $0x0  }
0x196: {  	[sflag:s19] =	ssyncadd.s32 $0xFFFFC000  }
.LBB2_2:
.Ltmp10:
0x197: {  	(pc) =	sbr.rel .LBB2_6-.Ltmp10, $2  }
0x198: {  	_ =	sdelay $0x2  }
0x199: {  	s9 =	simm.s32 $0x0;
	s13 =	simm.s32 $0x1900  }
.LBB2_4:
.Ltmp11:
0x19a: {  	(pc) =	sbr.rel .LBB2_6-.Ltmp11, $2  }
0x19b: {  	_ =	sdelay $0x2  }
0x19c: {  	s13 =	simm.s32 $0x1900  }
.LBB2_16:
0x19d: {  	_ =	sfence.sel $0x180000  }
0x19e: {  	[bflag:$0x0] =	sbarrier.arrive $0xFFFF  }
0x19f: {  	_ =	strace $0x90000047  }
0x1a0: {  	[bflag:$0x2] =	sbarrier.arrive $0xFFFF  }
0x1a1: {  	s0 =	rddreg [dreg:$0x5]  }
0x1a2: {  	s0 =	sadd.s32 @!p0 $0x100000, s0  }
0x1a3: {  	[sflag:s0] =	ssyncadd.tile.s32 @!p0 $0x1;
	_ =	shalt  }
.Lfunc_end2:
_tile_overlayer_lowered:
.L_overlay_start_2:
0x1a4: {  	(tag) =	ssettag $0x2  }
0x1a5: {  	s0 =	rddreg [dreg:$0x0];
	s2 =	stileid.u32  }
0x1a6: {  	s1 =	rddreg [dreg:$0x1];
	p0 =	sne.s32 s2, $0x0  }
0x1a7: {  	s3 =	rddreg [dreg:$0x2];
	[bflag:$0x3] =	sbarrier.arrive $0xFFFF;
	s2 =	simm.s32 @!p0 $0x1C0C  }
0x1a8: {  	[timem:s3], [sflag:s2] =	dma.local @!p0 [hbm:s0], s1  }
0x1a9: {  	s0 =	simm.s32 @!p0 $0xC  }
0x1aa: {  	_ =	swait.ge @!p0 [sflag:s0], s1  }
0x1ab: {  	s1 =	ssub.s32 @!p0 $0x0, s1;
	[sflag:s0] =	ssyncset.done @!p0 $0x0  }
0x1ac: {  	[sflag:s0] =	ssyncadd.s32 @!p0 s1  }
0x1ad: {  	[bflag:$0x3] =	sbarrier.arrive $0xFFFF  }
0x1ae: {  	_ =	shalt  }

</sc_bundles>
